<compile_context>
chip_gen: v7x
topology: tpu7x:2x2x1
jax: 0.10.2.dev20260603
libtpu: 0.0.44.dev20260713+nightly
codegen_flags: <defaults>
</compile_context>

<pallas_src>
import functools

import jax
import jax.numpy as jnp
from jax import lax
from jax.experimental import pallas as pl
from jax.experimental.pallas import tpu as pltpu
from jax.experimental.pallas import tpu_sc as plsc

B = 16384
H = 16
D = 128
CH = 128
U = 100000
RP_COLS = 8192
RP_CW = RP_COLS // 8
RP_GRID = (U + RP_COLS - 1) // RP_COLS
U_PAD = RP_GRID * RP_COLS


def _repack_body(xu_ref, xi_ref, ou_ref, oi_ref):
    for ref, o in ((xu_ref, ou_ref), (xi_ref, oi_ref)):
        x = ref[...]
        xs = jnp.concatenate(
            [x[:, c * RP_CW:(c + 1) * RP_CW] for c in range(8)], axis=0)
        o[...] = xs.T


def _repack_call(gt_u, gt_i):
    out = pl.pallas_call(
        _repack_body,
        grid=(RP_GRID,),
        in_specs=[
            pl.BlockSpec((H, RP_COLS), lambda i: (0, i)),
            pl.BlockSpec((H, RP_COLS), lambda i: (0, i)),
        ],
        out_specs=[
            pl.BlockSpec((RP_CW, 128), lambda i: (i, 0)),
            pl.BlockSpec((RP_CW, 128), lambda i: (i, 0)),
        ],
        out_shape=[
            jax.ShapeDtypeStruct((U_PAD // 8, 128), jnp.float32),
            jax.ShapeDtypeStruct((U_PAD // 8, 128), jnp.float32),
        ],
    )(gt_u, gt_i)
    return out


def _make_sc_mlp_gather(nc, ns):
    nw = nc * ns
    bpw = B // nw
    nchunk = bpw // CH
    mesh = plsc.VectorSubcoreMesh(core_axis_name="c", subcore_axis_name="s")

    @functools.partial(
        pl.kernel,
        mesh=mesh,
        compiler_params=pltpu.CompilerParams(use_tc_tiling_on_sc=False, needs_layout_passes=False),
        cost_estimate=pl.CostEstimate(
            flops=0, bytes_accessed=4 * B * D * 4, transcendentals=0),
        out_type=[
            jax.ShapeDtypeStruct((B, D), jnp.float32),
            jax.ShapeDtypeStruct((B, D), jnp.float32),
        ],
        scratch_types=[
            pltpu.VMEM((nchunk, CH), jnp.int32),
            pltpu.VMEM((nchunk, CH), jnp.int32),
            pltpu.VMEM((CH, D), jnp.float32),
            pltpu.VMEM((CH, D), jnp.float32),
            pltpu.VMEM((CH, D), jnp.float32),
            pltpu.VMEM((CH, D), jnp.float32),
            pltpu.SemaphoreType.DMA,
            pltpu.SemaphoreType.DMA,
            pltpu.SemaphoreType.DMA,
            pltpu.SemaphoreType.DMA,
        ],
    )
    def gather_k(uidx_hbm, iidx_hbm, mu_hbm, mi_hbm,
                 um_out, im_out,
                 uidx_v, iidx_v, u0, u1, i0, i1, su0, su1, si0, si1):
        wid = lax.axis_index("s") * nc + lax.axis_index("c")
        base = wid * bpw
        pltpu.sync_copy(uidx_hbm.at[wid], uidx_v)
        pltpu.sync_copy(iidx_hbm.at[wid], iidx_v)
        ubuf, ibuf = (u0, u1), (i0, i1)
        usem, isem = (su0, su1), (si0, si1)
        cps = {}
        for c in range(2):
            cps[("u", c)] = pltpu.async_copy(
                mu_hbm.at[uidx_v.at[c]], ubuf[c % 2], usem[c % 2])
            cps[("i", c)] = pltpu.async_copy(
                mi_hbm.at[iidx_v.at[c]], ibuf[c % 2], isem[c % 2])
        for c in range(nchunk):
            row = base + c * CH
            cps[("u", c)].wait()
            pltpu.sync_copy(ubuf[c % 2], um_out.at[pl.ds(row, CH)])
            if c + 2 < nchunk:
                cps[("u", c + 2)] = pltpu.async_copy(
                    mu_hbm.at[uidx_v.at[c + 2]], ubuf[c % 2], usem[c % 2])
            cps[("i", c)].wait()
            pltpu.sync_copy(ibuf[c % 2], im_out.at[pl.ds(row, CH)])
            if c + 2 < nchunk:
                cps[("i", c + 2)] = pltpu.async_copy(
                    mi_hbm.at[iidx_v.at[c + 2]], ibuf[c % 2], isem[c % 2])

    return gather_k


def _make_sc_gmf(nc, ns):
    nw = nc * ns
    bpw = B // nw
    nchunk = bpw // CH
    ngrp = bpw // 16
    mesh = plsc.VectorSubcoreMesh(core_axis_name="c", subcore_axis_name="s")

    @functools.partial(
        pl.kernel,
        mesh=mesh,
        compiler_params=pltpu.CompilerParams(use_tc_tiling_on_sc=False, needs_layout_passes=False),
        cost_estimate=pl.CostEstimate(
            flops=3 * B * H, bytes_accessed=2 * B * H * 4, transcendentals=0),
        out_type=jax.ShapeDtypeStruct((B,), jnp.float32),
        scratch_types=[
            pltpu.VMEM((nchunk, CH), jnp.int32),
            pltpu.VMEM((nchunk, CH), jnp.int32),
            pltpu.VMEM((nchunk, CH), jnp.int32),
            pltpu.VMEM((nchunk, CH), jnp.int32),
            pltpu.VMEM((bpw, H), jnp.float32),
            pltpu.VMEM((bpw, H), jnp.float32),
            pltpu.VMEM((1, 2 * H), jnp.float32),
            pltpu.VMEM((bpw,), jnp.float32),
            pltpu.SemaphoreType.DMA,
        ],
    )
    def gmf_k(uidx_hbm, iidx_hbm, gu_hbm, gi_hbm, wt_hbm,
              zg_out,
              uidx_v, iidx_v, tu_v, ti_v, gu_v, gi_v, wt_v, zg_v, sem):
        wid = lax.axis_index("s") * nc + lax.axis_index("c")
        base = wid * bpw
        pltpu.sync_copy(uidx_hbm.at[wid], uidx_v)
        pltpu.sync_copy(iidx_hbm.at[wid], iidx_v)
        pltpu.sync_copy(wt_hbm, wt_v)
        for c in range(nchunk):
            for o in range(CH // 16):
                for src, dst in ((uidx_v, tu_v), (iidx_v, ti_v)):
                    v = src[c, pl.ds(o * 16, 16)]
                    w = ((v >> 13) * 8192 + (v & 1023) * 8 + ((v >> 10) & 7))
                    dst[c, pl.ds(o * 16, 16)] = w
        cps = []
        for c in range(nchunk):
            cps.append(pltpu.async_copy(
                gu_hbm.at[tu_v.at[c]], gu_v.at[pl.ds(c * CH, CH)], sem))
            cps.append(pltpu.async_copy(
                gi_hbm.at[ti_v.at[c]], gi_v.at[pl.ds(c * CH, CH)], sem))
        zero16 = jnp.full((16,), 0, jnp.int32)
        wg_cols = [plsc.load_gather(wt_v, [zero16, jnp.full((16,), k, jnp.int32)])
                   for k in range(H)]
        iota16 = lax.iota(jnp.int32, 16)
        gpc = CH // 16

        def grp(g, _):
            ridx = g * 16 + iota16
            acc = jnp.zeros((16,), jnp.float32)
            for k in range(H):
                cidx = jnp.full((16,), k, jnp.int32)
                ucol = plsc.load_gather(gu_v, [ridx, cidx])
                icol = plsc.load_gather(gi_v, [ridx, cidx])
                acc = acc + ucol * icol * wg_cols[k]
            zg_v[pl.ds(g * 16, 16)] = acc
            return ()

        for c in range(nchunk):
            cps[2 * c].wait()
            cps[2 * c + 1].wait()
            lax.fori_loop(c * gpc, (c + 1) * gpc, grp, (), unroll=False)
        pltpu.sync_copy(zg_v, zg_out.at[pl.ds(base, bpw)])

    return gmf_k


def _bf(x):
    return x.astype(jnp.bfloat16)


def _mlp_body(um_ref, im_ref, w0_ref, b0_ref, w1t_ref, b1t_ref,
              w2t_ref, b2t_ref, w3t_ref, b3t_ref, wxt_ref, out_ref):
    w0 = _bf(w0_ref[...])
    h = jnp.dot(_bf(um_ref[...]), w0[:D, :],
                preferred_element_type=jnp.float32)
    h = h + jnp.dot(_bf(im_ref[...]), w0[D:, :],
                    preferred_element_type=jnp.float32)
    h = jax.nn.relu(h + b0_ref[...])
    ht = jnp.transpose(h)
    for wt_ref, bt_ref in ((w1t_ref, b1t_ref), (w2t_ref, b2t_ref),
                           (w3t_ref, b3t_ref)):
        ht = jax.nn.relu(jnp.dot(_bf(wt_ref[...]), _bf(ht),
                                 preferred_element_type=jnp.float32)
                         + bt_ref[...])
    zmt = jnp.dot(_bf(wxt_ref[...][:, H:]), _bf(ht),
                  preferred_element_type=jnp.float32)
    out_ref[...] = zmt[jnp.newaxis]


def _head_body(zm_ref, zg_ref, bo_ref, out_ref):
    out_ref[...] = jax.nn.sigmoid(zm_ref[...] + zg_ref[...] + bo_ref[0])


def _mlp_call(um, im, w0, b0, w1t, b1t, w2t, b2t, w3t, b3t, wxt):
    bm = 2048
    grid = (B // bm,)

    def full_block(a):
        return pl.BlockSpec(a.shape, lambda i: (0,) * a.ndim)

    return pl.pallas_call(
        _mlp_body,
        grid=grid,
        in_specs=[
            pl.BlockSpec((bm, D), lambda i: (i, 0)),
            pl.BlockSpec((bm, D), lambda i: (i, 0)),
            full_block(w0), full_block(b0), full_block(w1t), full_block(b1t),
            full_block(w2t), full_block(b2t), full_block(w3t), full_block(b3t),
            full_block(wxt),
        ],
        out_specs=pl.BlockSpec((1, 1, bm), lambda i: (i, 0, 0)),
        out_shape=jax.ShapeDtypeStruct((B // bm, 1, bm), jnp.float32),
    )(um, im, w0, b0, w1t, b1t, w2t, b2t, w3t, b3t, wxt)


def _head_call(zm, zg, bout):
    return pl.pallas_call(
        _head_body,
        grid=(1,),
        in_specs=[
            pl.BlockSpec((B,), lambda i: (0,)),
            pl.BlockSpec((B,), lambda i: (0,)),
            pl.BlockSpec(memory_space=pltpu.SMEM),
        ],
        out_specs=pl.BlockSpec((B,), lambda i: (0,)),
        out_shape=jax.ShapeDtypeStruct((B,), jnp.float32),
    )(zm, zg, bout)


def kernel(user, item, gmf_user_emb, gmf_item_emb, mlp_user_emb, mlp_item_emb,
           W0, b0, W1, b1, W2, b2, W3, b3, Wout, bout):
    info = plsc.get_sparse_core_info()
    nc, ns = info.num_cores, info.num_subcores
    nw = nc * ns
    nchunk = B // nw // CH
    uidx = user.astype(jnp.int32).reshape(nw, nchunk, CH)
    iidx = item.astype(jnp.int32).reshape(nw, nchunk, CH)

    ru, ri = _repack_call(gmf_user_emb.T, gmf_item_emb.T)
    gu = ru.reshape(U_PAD, H)
    gi = ri.reshape(U_PAD, H)

    zg = _make_sc_gmf(nc, ns)(uidx, iidx, gu, gi, Wout.T)

    um, im = _make_sc_mlp_gather(nc, ns)(uidx, iidx, mlp_user_emb, mlp_item_emb)

    zm = _mlp_call(um, im,
                   W0, b0.reshape(1, -1),
                   W1.T, b1.reshape(-1, 1),
                   W2.T, b2.reshape(-1, 1),
                   W3.T, b3.reshape(-1, 1),
                   Wout.T)
    return _head_call(zm.reshape(B), zg, bout)

# --- scband reference (transcript-rebuilt; emitter-appended) ---
"""Pipeline reference for scband-ncfmodel-4535485464954 (READ-ONLY COPY).

The authoritative reference and input builder live on the scoring server;
editing this copy changes nothing except your own understanding.
"""

import jax, jax.numpy as jnp
import numpy as np

B = 16384
U = 100000
I = 100000
H = 16
MLP_LAYERS = 4
D = H * 2 ** (MLP_LAYERS - 1)  # 128


def setup_inputs(seed: int = 0) -> dict:
    key = jax.random.key(seed)
    ks = jax.random.split(key, 20)
    user = jax.random.randint(ks[0], (B,), 0, U)
    item = jax.random.randint(ks[1], (B,), 0, I)
    gmf_user_emb = jax.random.normal(ks[2], (U, H), dtype=jnp.float32) * 0.05
    gmf_item_emb = jax.random.normal(ks[3], (I, H), dtype=jnp.float32) * 0.05
    mlp_user_emb = jax.random.normal(ks[4], (U, D), dtype=jnp.float32) * 0.05
    mlp_item_emb = jax.random.normal(ks[5], (I, D), dtype=jnp.float32) * 0.05
    # MLP: input 2*D=256 -> 128 -> 64 -> 32 -> 16
    sizes = [2 * D]
    for _ in range(MLP_LAYERS):
        sizes.append(sizes[-1] // 2)
    Ws, bs = [], []
    for li in range(MLP_LAYERS):
        fan_in = sizes[li]
        Ws.append(jax.random.normal(ks[6 + li], (sizes[li], sizes[li + 1]), dtype=jnp.float32) * (1.0 / np.sqrt(fan_in)))
        bs.append(jnp.zeros((sizes[li + 1],), dtype=jnp.float32))
    Wout = jax.random.normal(ks[12], (2 * H, 1), dtype=jnp.float32) * (1.0 / np.sqrt(2 * H))
    bout = jnp.zeros((1,), dtype=jnp.float32)
    return {
        "user": user, "item": item,
        "gmf_user_emb": gmf_user_emb, "gmf_item_emb": gmf_item_emb,
        "mlp_user_emb": mlp_user_emb, "mlp_item_emb": mlp_item_emb,
        "W0": Ws[0], "b0": bs[0], "W1": Ws[1], "b1": bs[1],
        "W2": Ws[2], "b2": bs[2], "W3": Ws[3], "b3": bs[3],
        "Wout": Wout, "bout": bout,
    }


def reference(user, item, gmf_user_emb, gmf_item_emb, mlp_user_emb, mlp_item_emb,
              W0, b0, W1, b1, W2, b2, W3, b3, Wout, bout):
    user_gmf = jnp.take(gmf_user_emb, user, axis=0)
    item_gmf = jnp.take(gmf_item_emb, item, axis=0)
    user_mlp = jnp.take(mlp_user_emb, user, axis=0)
    item_mlp = jnp.take(mlp_item_emb, item, axis=0)
    gmf_output = user_gmf * item_gmf
    x = jnp.concatenate([user_mlp, item_mlp], axis=-1)
    # torch order: Linear -> Dropout (identity in eval) -> ReLU
    x = jax.nn.relu(x @ W0 + b0)
    x = jax.nn.relu(x @ W1 + b1)
    x = jax.nn.relu(x @ W2 + b2)
    x = jax.nn.relu(x @ W3 + b3)
    out = jax.nn.sigmoid(jnp.concatenate([gmf_output, x], axis=-1) @ Wout + bout)
    return jnp.squeeze(out, axis=-1)

if __name__ == "__main__":
    import jax
    _d = setup_inputs()
    print(jax.jit(kernel)(*tuple(_d.values())))

</pallas_src>

<mosaic_0001>
#map = affine_map<(d0, d1) -> (0, 0, 0)>
#map1 = affine_map<(d0, d1) -> (0, 0)>
#map2 = affine_map<(d0, d1) -> (0)>
module attributes {stable_mosaic.version = 14 : i64} {
  func.func @gmf_k(%arg0: i32, %arg1: i32, %arg2: memref<32x4x128xi32, #tpu.memory_space<hbm>>, %arg3: memref<32x4x128xi32, #tpu.memory_space<hbm>>, %arg4: memref<106496x16xf32, #tpu.memory_space<hbm>>, %arg5: memref<106496x16xf32, #tpu.memory_space<hbm>>, %arg6: memref<1x32xf32, #tpu.memory_space<hbm>>, %arg7: memref<16384xf32, #tpu.memory_space<hbm>>, %arg8: memref<4x128xi32, #tpu.memory_space<vmem>>, %arg9: memref<4x128xi32, #tpu.memory_space<vmem>>, %arg10: memref<4x128xi32, #tpu.memory_space<vmem>>, %arg11: memref<4x128xi32, #tpu.memory_space<vmem>>, %arg12: memref<512x16xf32, #tpu.memory_space<vmem>>, %arg13: memref<512x16xf32, #tpu.memory_space<vmem>>, %arg14: memref<1x32xf32, #tpu.memory_space<vmem>>, %arg15: memref<512xf32, #tpu.memory_space<vmem>>, %arg16: memref<!tpu.dma_semaphore, #tpu.memory_space<semaphore_mem>>) attributes {dimension_semantics = [#tpu.dimension_semantics<core_parallel>, #tpu.dimension_semantics<subcore_parallel>], iteration_bounds = array<i64: 2, 16>, scalar_prefetch = 0 : i64, scratch_operands = 9 : i64, tpu.core_type = #tpu.core_type<sc_vector_subcore>, window_params = [{transform_indices = #map}, {transform_indices = #map}, {transform_indices = #map1}, {transform_indices = #map1}, {transform_indices = #map1}, {transform_indices = #map2}]} {
    %mul3A = arith.constant 2 : i32
    %mul3A_0 = arith.muli %arg1, %mul3A : i32
    %add3A = arith.addi %mul3A_0, %arg0 : i32
    %mul3A_1 = arith.constant 512 : i32
    %mul3A_2 = arith.muli %add3A, %mul3A_1 : i32
    "tpu.region"() ({
      %run_scoped3A = tpu.sem_alloc : memref<!tpu.dma_semaphore, #tpu.memory_space<semaphore_mem>>
      %dma_start3A_2016 = arith.constant 0 : i32
      %dma_start3A_2017 = arith.constant 0 : i32
      %dma_start3A_2018 = tpu.memref_slice %arg2[%add3A, %dma_start3A_2016, %dma_start3A_2017] : memref<32x4x128xi32, #tpu.memory_space<hbm>> -> memref<1x4x128xi32, #tpu.memory_space<hbm>>
      %dma_start3A_2019 = tpu.memref_squeeze %dma_start3A_2018 : memref<1x4x128xi32, #tpu.memory_space<hbm>> -> memref<4x128xi32, #tpu.memory_space<hbm>>
      %dma_start3A_2020 = arith.constant 0 : i32
      %dma_start3A_2021 = arith.constant 0 : i32
      %dma_start3A_2022 = tpu.memref_slice %arg2[%add3A, %dma_start3A_2020, %dma_start3A_2021] : memref<32x4x128xi32, #tpu.memory_space<hbm>> -> memref<1x4x128xi32, #tpu.memory_space<hbm>>
      %dma_start3A_2023 = tpu.memref_squeeze %dma_start3A_2022 : memref<1x4x128xi32, #tpu.memory_space<hbm>> -> memref<4x128xi32, #tpu.memory_space<hbm>>
      tpu.enqueue_dma source(%dma_start3A_2023 : memref<4x128xi32, #tpu.memory_space<hbm>>) target(%arg8 : memref<4x128xi32, #tpu.memory_space<vmem>>) target_semaphore(%run_scoped3A : memref<!tpu.dma_semaphore, #tpu.memory_space<semaphore_mem>>)
      %dma_wait3A_2024 = arith.constant 0 : i32
      %dma_wait3A_2025 = arith.constant 0 : i32
      %dma_wait3A_2026 = tpu.memref_slice %arg2[%add3A, %dma_wait3A_2024, %dma_wait3A_2025] : memref<32x4x128xi32, #tpu.memory_space<hbm>> -> memref<1x4x128xi32, #tpu.memory_space<hbm>>
      %dma_wait3A_2027 = tpu.memref_squeeze %dma_wait3A_2026 : memref<1x4x128xi32, #tpu.memory_space<hbm>> -> memref<4x128xi32, #tpu.memory_space<hbm>>
      %dma_wait3A_2028 = arith.constant 0 : i32
      %dma_wait3A_2029 = arith.constant 0 : i32
      %dma_wait3A_2030 = tpu.memref_slice %arg2[%add3A, %dma_wait3A_2028, %dma_wait3A_2029] : memref<32x4x128xi32, #tpu.memory_space<hbm>> -> memref<1x4x128xi32, #tpu.memory_space<hbm>>
      %dma_wait3A_2031 = tpu.memref_squeeze %dma_wait3A_2030 : memref<1x4x128xi32, #tpu.memory_space<hbm>> -> memref<4x128xi32, #tpu.memory_space<hbm>>
      tpu.wait_dma2 semaphore(%run_scoped3A : memref<!tpu.dma_semaphore, #tpu.memory_space<semaphore_mem>>) src(%dma_wait3A_2031 : memref<4x128xi32, #tpu.memory_space<hbm>>) dst(%arg8 : memref<4x128xi32, #tpu.memory_space<vmem>>)
      tpu.yield
    }) : () -> ()
    "tpu.region"() ({
      %run_scoped3A = tpu.sem_alloc : memref<!tpu.dma_semaphore, #tpu.memory_space<semaphore_mem>>
      %dma_start3A_2016 = arith.constant 0 : i32
      %dma_start3A_2017 = arith.constant 0 : i32
      %dma_start3A_2018 = tpu.memref_slice %arg3[%add3A, %dma_start3A_2016, %dma_start3A_2017] : memref<32x4x128xi32, #tpu.memory_space<hbm>> -> memref<1x4x128xi32, #tpu.memory_space<hbm>>
      %dma_start3A_2019 = tpu.memref_squeeze %dma_start3A_2018 : memref<1x4x128xi32, #tpu.memory_space<hbm>> -> memref<4x128xi32, #tpu.memory_space<hbm>>
      %dma_start3A_2020 = arith.constant 0 : i32
      %dma_start3A_2021 = arith.constant 0 : i32
      %dma_start3A_2022 = tpu.memref_slice %arg3[%add3A, %dma_start3A_2020, %dma_start3A_2021] : memref<32x4x128xi32, #tpu.memory_space<hbm>> -> memref<1x4x128xi32, #tpu.memory_space<hbm>>
      %dma_start3A_2023 = tpu.memref_squeeze %dma_start3A_2022 : memref<1x4x128xi32, #tpu.memory_space<hbm>> -> memref<4x128xi32, #tpu.memory_space<hbm>>
      tpu.enqueue_dma source(%dma_start3A_2023 : memref<4x128xi32, #tpu.memory_space<hbm>>) target(%arg9 : memref<4x128xi32, #tpu.memory_space<vmem>>) target_semaphore(%run_scoped3A : memref<!tpu.dma_semaphore, #tpu.memory_space<semaphore_mem>>)
      %dma_wait3A_2024 = arith.constant 0 : i32
      %dma_wait3A_2025 = arith.constant 0 : i32
      %dma_wait3A_2026 = tpu.memref_slice %arg3[%add3A, %dma_wait3A_2024, %dma_wait3A_2025] : memref<32x4x128xi32, #tpu.memory_space<hbm>> -> memref<1x4x128xi32, #tpu.memory_space<hbm>>
      %dma_wait3A_2027 = tpu.memref_squeeze %dma_wait3A_2026 : memref<1x4x128xi32, #tpu.memory_space<hbm>> -> memref<4x128xi32, #tpu.memory_space<hbm>>
      %dma_wait3A_2028 = arith.constant 0 : i32
      %dma_wait3A_2029 = arith.constant 0 : i32
      %dma_wait3A_2030 = tpu.memref_slice %arg3[%add3A, %dma_wait3A_2028, %dma_wait3A_2029] : memref<32x4x128xi32, #tpu.memory_space<hbm>> -> memref<1x4x128xi32, #tpu.memory_space<hbm>>
      %dma_wait3A_2031 = tpu.memref_squeeze %dma_wait3A_2030 : memref<1x4x128xi32, #tpu.memory_space<hbm>> -> memref<4x128xi32, #tpu.memory_space<hbm>>
      tpu.wait_dma2 semaphore(%run_scoped3A : memref<!tpu.dma_semaphore, #tpu.memory_space<semaphore_mem>>) src(%dma_wait3A_2031 : memref<4x128xi32, #tpu.memory_space<hbm>>) dst(%arg9 : memref<4x128xi32, #tpu.memory_space<vmem>>)
      tpu.yield
    }) : () -> ()
    "tpu.region"() ({
      %run_scoped3A = tpu.sem_alloc : memref<!tpu.dma_semaphore, #tpu.memory_space<semaphore_mem>>
      tpu.enqueue_dma source(%arg6 : memref<1x32xf32, #tpu.memory_space<hbm>>) target(%arg14 : memref<1x32xf32, #tpu.memory_space<vmem>>) target_semaphore(%run_scoped3A : memref<!tpu.dma_semaphore, #tpu.memory_space<semaphore_mem>>)
      tpu.wait_dma2 semaphore(%run_scoped3A : memref<!tpu.dma_semaphore, #tpu.memory_space<semaphore_mem>>) src(%arg6 : memref<1x32xf32, #tpu.memory_space<hbm>>) dst(%arg14 : memref<1x32xf32, #tpu.memory_space<vmem>>)
      tpu.yield
    }) : () -> ()
    %get3A = arith.constant 0 : i32
    %get3A_3 = arith.index_cast %get3A : i32 to index
    %get3A_4 = arith.constant 0 : index
    %get3A_5 = tpu.vector_load %arg8[%get3A_3, %get3A_4] {strides = array<i32>} : memref<4x128xi32, #tpu.memory_space<vmem>>, vector<16xi32>,
    %shift_right_arithmetic3A = arith.constant 13 : i32
    %shift_right_arithmetic3A_6 = vector.broadcast %shift_right_arithmetic3A : i32 to vector<16xi32>
    %shift_right_arithmetic3A_7 = arith.shrsi %get3A_5, %shift_right_arithmetic3A_6 : vector<16xi32>
    %mul3A_8 = arith.constant 8192 : i32
    %mul3A_9 = vector.broadcast %mul3A_8 : i32 to vector<16xi32>
    %mul3A_10 = arith.muli %shift_right_arithmetic3A_7, %mul3A_9 : vector<16xi32>
    %and3A = arith.constant 1023 : i32
    %and3A_11 = vector.broadcast %and3A : i32 to vector<16xi32>
    %and3A_12 = arith.andi %get3A_5, %and3A_11 : vector<16xi32>
    %mul3A_13 = arith.constant 8 : i32
    %mul3A_14 = vector.broadcast %mul3A_13 : i32 to vector<16xi32>
    %mul3A_15 = arith.muli %and3A_12, %mul3A_14 : vector<16xi32>
    %add3A_16 = arith.addi %mul3A_10, %mul3A_15 : vector<16xi32>
    %shift_right_arithmetic3A_17 = arith.constant 10 : i32
    %shift_right_arithmetic3A_18 = vector.broadcast %shift_right_arithmetic3A_17 : i32 to vector<16xi32>
    %shift_right_arithmetic3A_19 = arith.shrsi %get3A_5, %shift_right_arithmetic3A_18 : vector<16xi32>
    %and3A_20 = arith.constant 7 : i32
    %and3A_21 = vector.broadcast %and3A_20 : i32 to vector<16xi32>
    %and3A_22 = arith.andi %shift_right_arithmetic3A_19, %and3A_21 : vector<16xi32>
    %add3A_23 = arith.addi %add3A_16, %and3A_22 : vector<16xi32>
    %swap3A = arith.constant 0 : i32
    %swap3A_24 = arith.index_cast %swap3A : i32 to index
    %swap3A_25 = arith.constant 0 : index
    %swap3A_26 = tpu.vector_load %arg10[%swap3A_24, %swap3A_25] {strides = array<i32>} : memref<4x128xi32, #tpu.memory_space<vmem>>, vector<16xi32>,
    tpu.vector_store %arg10[%swap3A_24, %swap3A_25], %add3A_23 {strides = array<i32>} : memref<4x128xi32, #tpu.memory_space<vmem>>, vector<16xi32>,
    %get3A_27 = arith.constant 0 : i32
    %get3A_28 = arith.index_cast %get3A_27 : i32 to index
    %get3A_29 = arith.constant 0 : index
    %get3A_30 = tpu.vector_load %arg9[%get3A_28, %get3A_29] {strides = array<i32>} : memref<4x128xi32, #tpu.memory_space<vmem>>, vector<16xi32>,
    %shift_right_arithmetic3A_31 = arith.constant 13 : i32
    %shift_right_arithmetic3A_32 = vector.broadcast %shift_right_arithmetic3A_31 : i32 to vector<16xi32>
    %shift_right_arithmetic3A_33 = arith.shrsi %get3A_30, %shift_right_arithmetic3A_32 : vector<16xi32>
    %mul3A_34 = arith.constant 8192 : i32
    %mul3A_35 = vector.broadcast %mul3A_34 : i32 to vector<16xi32>
    %mul3A_36 = arith.muli %shift_right_arithmetic3A_33, %mul3A_35 : vector<16xi32>
    %and3A_37 = arith.constant 1023 : i32
    %and3A_38 = vector.broadcast %and3A_37 : i32 to vector<16xi32>
    %and3A_39 = arith.andi %get3A_30, %and3A_38 : vector<16xi32>
    %mul3A_40 = arith.constant 8 : i32
    %mul3A_41 = vector.broadcast %mul3A_40 : i32 to vector<16xi32>
    %mul3A_42 = arith.muli %and3A_39, %mul3A_41 : vector<16xi32>
    %add3A_43 = arith.addi %mul3A_36, %mul3A_42 : vector<16xi32>
    %shift_right_arithmetic3A_44 = arith.constant 10 : i32
    %shift_right_arithmetic3A_45 = vector.broadcast %shift_right_arithmetic3A_44 : i32 to vector<16xi32>
    %shift_right_arithmetic3A_46 = arith.shrsi %get3A_30, %shift_right_arithmetic3A_45 : vector<16xi32>
    %and3A_47 = arith.constant 7 : i32
    %and3A_48 = vector.broadcast %and3A_47 : i32 to vector<16xi32>
    %and3A_49 = arith.andi %shift_right_arithmetic3A_46, %and3A_48 : vector<16xi32>
    %add3A_50 = arith.addi %add3A_43, %and3A_49 : vector<16xi32>
    %swap3A_51 = arith.constant 0 : i32
    %swap3A_52 = arith.index_cast %swap3A_51 : i32 to index
    %swap3A_53 = arith.constant 0 : index
    %swap3A_54 = tpu.vector_load %arg11[%swap3A_52, %swap3A_53] {strides = array<i32>} : memref<4x128xi32, #tpu.memory_space<vmem>>, vector<16xi32>,
    tpu.vector_store %arg11[%swap3A_52, %swap3A_53], %add3A_50 {strides = array<i32>} : memref<4x128xi32, #tpu.memory_space<vmem>>, vector<16xi32>,
    %get3A_55 = arith.constant 0 : i32
    %get3A_56 = arith.index_cast %get3A_55 : i32 to index
    %get3A_57 = arith.constant 16 : index
    %get3A_58 = tpu.vector_load %arg8[%get3A_56, %get3A_57] {strides = array<i32>} : memref<4x128xi32, #tpu.memory_space<vmem>>, vector<16xi32>,
    %shift_right_arithmetic3A_59 = arith.constant 13 : i32
    %shift_right_arithmetic3A_60 = vector.broadcast %shift_right_arithmetic3A_59 : i32 to vector<16xi32>
    %shift_right_arithmetic3A_61 = arith.shrsi %get3A_58, %shift_right_arithmetic3A_60 : vector<16xi32>
    %mul3A_62 = arith.constant 8192 : i32
    %mul3A_63 = vector.broadcast %mul3A_62 : i32 to vector<16xi32>
    %mul3A_64 = arith.muli %shift_right_arithmetic3A_61, %mul3A_63 : vector<16xi32>
    %and3A_65 = arith.constant 1023 : i32
    %and3A_66 = vector.broadcast %and3A_65 : i32 to vector<16xi32>
    %and3A_67 = arith.andi %get3A_58, %and3A_66 : vector<16xi32>
    %mul3A_68 = arith.constant 8 : i32
    %mul3A_69 = vector.broadcast %mul3A_68 : i32 to vector<16xi32>
    %mul3A_70 = arith.muli %and3A_67, %mul3A_69 : vector<16xi32>
    %add3A_71 = arith.addi %mul3A_64, %mul3A_70 : vector<16xi32>
    %shift_right_arithmetic3A_72 = arith.constant 10 : i32
    %shift_right_arithmetic3A_73 = vector.broadcast %shift_right_arithmetic3A_72 : i32 to vector<16xi32>
    %shift_right_arithmetic3A_74 = arith.shrsi %get3A_58, %shift_right_arithmetic3A_73 : vector<16xi32>
    %and3A_75 = arith.constant 7 : i32
    %and3A_76 = vector.broadcast %and3A_75 : i32 to vector<16xi32>
    %and3A_77 = arith.andi %shift_right_arithmetic3A_74, %and3A_76 : vector<16xi32>
    %add3A_78 = arith.addi %add3A_71, %and3A_77 : vector<16xi32>
    %swap3A_79 = arith.constant 0 : i32
    %swap3A_80 = arith.index_cast %swap3A_79 : i32 to index
    %swap3A_81 = arith.constant 16 : index
    %swap3A_82 = tpu.vector_load %arg10[%swap3A_80, %swap3A_81] {strides = array<i32>} : memref<4x128xi32, #tpu.memory_space<vmem>>, vector<16xi32>,
    tpu.vector_store %arg10[%swap3A_80, %swap3A_81], %add3A_78 {strides = array<i32>} : memref<4x128xi32, #tpu.memory_space<vmem>>, vector<16xi32>,
    %get3A_83 = arith.constant 0 : i32
    %get3A_84 = arith.index_cast %get3A_83 : i32 to index
    %get3A_85 = arith.constant 16 : index
    %get3A_86 = tpu.vector_load %arg9[%get3A_84, %get3A_85] {strides = array<i32>} : memref<4x128xi32, #tpu.memory_space<vmem>>, vector<16xi32>,
    %shift_right_arithmetic3A_87 = arith.constant 13 : i32
    %shift_right_arithmetic3A_88 = vector.broadcast %shift_right_arithmetic3A_87 : i32 to vector<16xi32>
    %shift_right_arithmetic3A_89 = arith.shrsi %get3A_86, %shift_right_arithmetic3A_88 : vector<16xi32>
    %mul3A_90 = arith.constant 8192 : i32
    %mul3A_91 = vector.broadcast %mul3A_90 : i32 to vector<16xi32>
    %mul3A_92 = arith.muli %shift_right_arithmetic3A_89, %mul3A_91 : vector<16xi32>
    %and3A_93 = arith.constant 1023 : i32
    %and3A_94 = vector.broadcast %and3A_93 : i32 to vector<16xi32>
    %and3A_95 = arith.andi %get3A_86, %and3A_94 : vector<16xi32>
    %mul3A_96 = arith.constant 8 : i32
    %mul3A_97 = vector.broadcast %mul3A_96 : i32 to vector<16xi32>
    %mul3A_98 = arith.muli %and3A_95, %mul3A_97 : vector<16xi32>
    %add3A_99 = arith.addi %mul3A_92, %mul3A_98 : vector<16xi32>
    %shift_right_arithmetic3A_100 = arith.constant 10 : i32
    %shift_right_arithmetic3A_101 = vector.broadcast %shift_right_arithmetic3A_100 : i32 to vector<16xi32>
    %shift_right_arithmetic3A_102 = arith.shrsi %get3A_86, %shift_right_arithmetic3A_101 : vector<16xi32>
    %and3A_103 = arith.constant 7 : i32
    %and3A_104 = vector.broadcast %and3A_103 : i32 to vector<16xi32>
    %and3A_105 = arith.andi %shift_right_arithmetic3A_102, %and3A_104 : vector<16xi32>
    %add3A_106 = arith.addi %add3A_99, %and3A_105 : vector<16xi32>
    %swap3A_107 = arith.constant 0 : i32
    %swap3A_108 = arith.index_cast %swap3A_107 : i32 to index
    %swap3A_109 = arith.constant 16 : index
    %swap3A_110 = tpu.vector_load %arg11[%swap3A_108, %swap3A_109] {strides = array<i32>} : memref<4x128xi32, #tpu.memory_space<vmem>>, vector<16xi32>,
    tpu.vector_store %arg11[%swap3A_108, %swap3A_109], %add3A_106 {strides = array<i32>} : memref<4x128xi32, #tpu.memory_space<vmem>>, vector<16xi32>,
    %get3A_111 = arith.constant 0 : i32
    %get3A_112 = arith.index_cast %get3A_111 : i32 to index
    %get3A_113 = arith.constant 32 : index
    %get3A_114 = tpu.vector_load %arg8[%get3A_112, %get3A_113] {strides = array<i32>} : memref<4x128xi32, #tpu.memory_space<vmem>>, vector<16xi32>,
    %shift_right_arithmetic3A_115 = arith.constant 13 : i32
    %shift_right_arithmetic3A_116 = vector.broadcast %shift_right_arithmetic3A_115 : i32 to vector<16xi32>
    %shift_right_arithmetic3A_117 = arith.shrsi %get3A_114, %shift_right_arithmetic3A_116 : vector<16xi32>
    %mul3A_118 = arith.constant 8192 : i32
    %mul3A_119 = vector.broadcast %mul3A_118 : i32 to vector<16xi32>
    %mul3A_120 = arith.muli %shift_right_arithmetic3A_117, %mul3A_119 : vector<16xi32>
    %and3A_121 = arith.constant 1023 : i32
    %and3A_122 = vector.broadcast %and3A_121 : i32 to vector<16xi32>
    %and3A_123 = arith.andi %get3A_114, %and3A_122 : vector<16xi32>
    %mul3A_124 = arith.constant 8 : i32
    %mul3A_125 = vector.broadcast %mul3A_124 : i32 to vector<16xi32>
    %mul3A_126 = arith.muli %and3A_123, %mul3A_125 : vector<16xi32>
    %add3A_127 = arith.addi %mul3A_120, %mul3A_126 : vector<16xi32>
    %shift_right_arithmetic3A_128 = arith.constant 10 : i32
    %shift_right_arithmetic3A_129 = vector.broadcast %shift_right_arithmetic3A_128 : i32 to vector<16xi32>
    %shift_right_arithmetic3A_130 = arith.shrsi %get3A_114, %shift_right_arithmetic3A_129 : vector<16xi32>
    %and3A_131 = arith.constant 7 : i32
    %and3A_132 = vector.broadcast %and3A_131 : i32 to vector<16xi32>
    %and3A_133 = arith.andi %shift_right_arithmetic3A_130, %and3A_132 : vector<16xi32>
    %add3A_134 = arith.addi %add3A_127, %and3A_133 : vector<16xi32>
    %swap3A_135 = arith.constant 0 : i32
    %swap3A_136 = arith.index_cast %swap3A_135 : i32 to index
    %swap3A_137 = arith.constant 32 : index
    %swap3A_138 = tpu.vector_load %arg10[%swap3A_136, %swap3A_137] {strides = array<i32>} : memref<4x128xi32, #tpu.memory_space<vmem>>, vector<16xi32>,
    tpu.vector_store %arg10[%swap3A_136, %swap3A_137], %add3A_134 {strides = array<i32>} : memref<4x128xi32, #tpu.memory_space<vmem>>, vector<16xi32>,
    %get3A_139 = arith.constant 0 : i32
    %get3A_140 = arith.index_cast %get3A_139 : i32 to index
    %get3A_141 = arith.constant 32 : index
    %get3A_142 = tpu.vector_load %arg9[%get3A_140, %get3A_141] {strides = array<i32>} : memref<4x128xi32, #tpu.memory_space<vmem>>, vector<16xi32>,
    %shift_right_arithmetic3A_143 = arith.constant 13 : i32
    %shift_right_arithmetic3A_144 = vector.broadcast %shift_right_arithmetic3A_143 : i32 to vector<16xi32>
    %shift_right_arithmetic3A_145 = arith.shrsi %get3A_142, %shift_right_arithmetic3A_144 : vector<16xi32>
    %mul3A_146 = arith.constant 8192 : i32
    %mul3A_147 = vector.broadcast %mul3A_146 : i32 to vector<16xi32>
    %mul3A_148 = arith.muli %shift_right_arithmetic3A_145, %mul3A_147 : vector<16xi32>
    %and3A_149 = arith.constant 1023 : i32
    %and3A_150 = vector.broadcast %and3A_149 : i32 to vector<16xi32>
    %and3A_151 = arith.andi %get3A_142, %and3A_150 : vector<16xi32>
    %mul3A_152 = arith.constant 8 : i32
    %mul3A_153 = vector.broadcast %mul3A_152 : i32 to vector<16xi32>
    %mul3A_154 = arith.muli %and3A_151, %mul3A_153 : vector<16xi32>
    %add3A_155 = arith.addi %mul3A_148, %mul3A_154 : vector<16xi32>
    %shift_right_arithmetic3A_156 = arith.constant 10 : i32
    %shift_right_arithmetic3A_157 = vector.broadcast %shift_right_arithmetic3A_156 : i32 to vector<16xi32>
    %shift_right_arithmetic3A_158 = arith.shrsi %get3A_142, %shift_right_arithmetic3A_157 : vector<16xi32>
    %and3A_159 = arith.constant 7 : i32
    %and3A_160 = vector.broadcast %and3A_159 : i32 to vector<16xi32>
    %and3A_161 = arith.andi %shift_right_arithmetic3A_158, %and3A_160 : vector<16xi32>
    %add3A_162 = arith.addi %add3A_155, %and3A_161 : vector<16xi32>
    %swap3A_163 = arith.constant 0 : i32
    %swap3A_164 = arith.index_cast %swap3A_163 : i32 to index
    %swap3A_165 = arith.constant 32 : index
    %swap3A_166 = tpu.vector_load %arg11[%swap3A_164, %swap3A_165] {strides = array<i32>} : memref<4x128xi32, #tpu.memory_space<vmem>>, vector<16xi32>,
    tpu.vector_store %arg11[%swap3A_164, %swap3A_165], %add3A_162 {strides = array<i32>} : memref<4x128xi32, #tpu.memory_space<vmem>>, vector<16xi32>,
    %get3A_167 = arith.constant 0 : i32
    %get3A_168 = arith.index_cast %get3A_167 : i32 to index
    %get3A_169 = arith.constant 48 : index
    %get3A_170 = tpu.vector_load %arg8[%get3A_168, %get3A_169] {strides = array<i32>} : memref<4x128xi32, #tpu.memory_space<vmem>>, vector<16xi32>,
    %shift_right_arithmetic3A_171 = arith.constant 13 : i32
    %shift_right_arithmetic3A_172 = vector.broadcast %shift_right_arithmetic3A_171 : i32 to vector<16xi32>
    %shift_right_arithmetic3A_173 = arith.shrsi %get3A_170, %shift_right_arithmetic3A_172 : vector<16xi32>
    %mul3A_174 = arith.constant 8192 : i32
    %mul3A_175 = vector.broadcast %mul3A_174 : i32 to vector<16xi32>
    %mul3A_176 = arith.muli %shift_right_arithmetic3A_173, %mul3A_175 : vector<16xi32>
    %and3A_177 = arith.constant 1023 : i32
    %and3A_178 = vector.broadcast %and3A_177 : i32 to vector<16xi32>
    %and3A_179 = arith.andi %get3A_170, %and3A_178 : vector<16xi32>
    %mul3A_180 = arith.constant 8 : i32
    %mul3A_181 = vector.broadcast %mul3A_180 : i32 to vector<16xi32>
    %mul3A_182 = arith.muli %and3A_179, %mul3A_181 : vector<16xi32>
    %add3A_183 = arith.addi %mul3A_176, %mul3A_182 : vector<16xi32>
    %shift_right_arithmetic3A_184 = arith.constant 10 : i32
    %shift_right_arithmetic3A_185 = vector.broadcast %shift_right_arithmetic3A_184 : i32 to vector<16xi32>
    %shift_right_arithmetic3A_186 = arith.shrsi %get3A_170, %shift_right_arithmetic3A_185 : vector<16xi32>
    %and3A_187 = arith.constant 7 : i32
    %and3A_188 = vector.broadcast %and3A_187 : i32 to vector<16xi32>
    %and3A_189 = arith.andi %shift_right_arithmetic3A_186, %and3A_188 : vector<16xi32>
    %add3A_190 = arith.addi %add3A_183, %and3A_189 : vector<16xi32>
    %swap3A_191 = arith.constant 0 : i32
    %swap3A_192 = arith.index_cast %swap3A_191 : i32 to index
    %swap3A_193 = arith.constant 48 : index
    %swap3A_194 = tpu.vector_load %arg10[%swap3A_192, %swap3A_193] {strides = array<i32>} : memref<4x128xi32, #tpu.memory_space<vmem>>, vector<16xi32>,
    tpu.vector_store %arg10[%swap3A_192, %swap3A_193], %add3A_190 {strides = array<i32>} : memref<4x128xi32, #tpu.memory_space<vmem>>, vector<16xi32>,
    %get3A_195 = arith.constant 0 : i32
    %get3A_196 = arith.index_cast %get3A_195 : i32 to index
    %get3A_197 = arith.constant 48 : index
    %get3A_198 = tpu.vector_load %arg9[%get3A_196, %get3A_197] {strides = array<i32>} : memref<4x128xi32, #tpu.memory_space<vmem>>, vector<16xi32>,
    %shift_right_arithmetic3A_199 = arith.constant 13 : i32
    %shift_right_arithmetic3A_200 = vector.broadcast %shift_right_arithmetic3A_199 : i32 to vector<16xi32>
    %shift_right_arithmetic3A_201 = arith.shrsi %get3A_198, %shift_right_arithmetic3A_200 : vector<16xi32>
    %mul3A_202 = arith.constant 8192 : i32
    %mul3A_203 = vector.broadcast %mul3A_202 : i32 to vector<16xi32>
    %mul3A_204 = arith.muli %shift_right_arithmetic3A_201, %mul3A_203 : vector<16xi32>
    %and3A_205 = arith.constant 1023 : i32
    %and3A_206 = vector.broadcast %and3A_205 : i32 to vector<16xi32>
    %and3A_207 = arith.andi %get3A_198, %and3A_206 : vector<16xi32>
    %mul3A_208 = arith.constant 8 : i32
    %mul3A_209 = vector.broadcast %mul3A_208 : i32 to vector<16xi32>
    %mul3A_210 = arith.muli %and3A_207, %mul3A_209 : vector<16xi32>
    %add3A_211 = arith.addi %mul3A_204, %mul3A_210 : vector<16xi32>
    %shift_right_arithmetic3A_212 = arith.constant 10 : i32
    %shift_right_arithmetic3A_213 = vector.broadcast %shift_right_arithmetic3A_212 : i32 to vector<16xi32>
    %shift_right_arithmetic3A_214 = arith.shrsi %get3A_198, %shift_right_arithmetic3A_213 : vector<16xi32>
    %and3A_215 = arith.constant 7 : i32
    %and3A_216 = vector.broadcast %and3A_215 : i32 to vector<16xi32>
    %and3A_217 = arith.andi %shift_right_arithmetic3A_214, %and3A_216 : vector<16xi32>
    %add3A_218 = arith.addi %add3A_211, %and3A_217 : vector<16xi32>
    %swap3A_219 = arith.constant 0 : i32
    %swap3A_220 = arith.index_cast %swap3A_219 : i32 to index
    %swap3A_221 = arith.constant 48 : index
    %swap3A_222 = tpu.vector_load %arg11[%swap3A_220, %swap3A_221] {strides = array<i32>} : memref<4x128xi32, #tpu.memory_space<vmem>>, vector<16xi32>,
    tpu.vector_store %arg11[%swap3A_220, %swap3A_221], %add3A_218 {strides = array<i32>} : memref<4x128xi32, #tpu.memory_space<vmem>>, vector<16xi32>,
    %get3A_223 = arith.constant 0 : i32
    %get3A_224 = arith.index_cast %get3A_223 : i32 to index
    %get3A_225 = arith.constant 64 : index
    %get3A_226 = tpu.vector_load %arg8[%get3A_224, %get3A_225] {strides = array<i32>} : memref<4x128xi32, #tpu.memory_space<vmem>>, vector<16xi32>,
    %shift_right_arithmetic3A_227 = arith.constant 13 : i32
    %shift_right_arithmetic3A_228 = vector.broadcast %shift_right_arithmetic3A_227 : i32 to vector<16xi32>
    %shift_right_arithmetic3A_229 = arith.shrsi %get3A_226, %shift_right_arithmetic3A_228 : vector<16xi32>
    %mul3A_230 = arith.constant 8192 : i32
    %mul3A_231 = vector.broadcast %mul3A_230 : i32 to vector<16xi32>
    %mul3A_232 = arith.muli %shift_right_arithmetic3A_229, %mul3A_231 : vector<16xi32>
    %and3A_233 = arith.constant 1023 : i32
    %and3A_234 = vector.broadcast %and3A_233 : i32 to vector<16xi32>
    %and3A_235 = arith.andi %get3A_226, %and3A_234 : vector<16xi32>
    %mul3A_236 = arith.constant 8 : i32
    %mul3A_237 = vector.broadcast %mul3A_236 : i32 to vector<16xi32>
    %mul3A_238 = arith.muli %and3A_235, %mul3A_237 : vector<16xi32>
    %add3A_239 = arith.addi %mul3A_232, %mul3A_238 : vector<16xi32>
    %shift_right_arithmetic3A_240 = arith.constant 10 : i32
    %shift_right_arithmetic3A_241 = vector.broadcast %shift_right_arithmetic3A_240 : i32 to vector<16xi32>
    %shift_right_arithmetic3A_242 = arith.shrsi %get3A_226, %shift_right_arithmetic3A_241 : vector<16xi32>
    %and3A_243 = arith.constant 7 : i32
    %and3A_244 = vector.broadcast %and3A_243 : i32 to vector<16xi32>
    %and3A_245 = arith.andi %shift_right_arithmetic3A_242, %and3A_244 : vector<16xi32>
    %add3A_246 = arith.addi %add3A_239, %and3A_245 : vector<16xi32>
    %swap3A_247 = arith.constant 0 : i32
    %swap3A_248 = arith.index_cast %swap3A_247 : i32 to index
    %swap3A_249 = arith.constant 64 : index
    %swap3A_250 = tpu.vector_load %arg10[%swap3A_248, %swap3A_249] {strides = array<i32>} : memref<4x128xi32, #tpu.memory_space<vmem>>, vector<16xi32>,
    tpu.vector_store %arg10[%swap3A_248, %swap3A_249], %add3A_246 {strides = array<i32>} : memref<4x128xi32, #tpu.memory_space<vmem>>, vector<16xi32>,
    %get3A_251 = arith.constant 0 : i32
    %get3A_252 = arith.index_cast %get3A_251 : i32 to index
    %get3A_253 = arith.constant 64 : index
    %get3A_254 = tpu.vector_load %arg9[%get3A_252, %get3A_253] {strides = array<i32>} : memref<4x128xi32, #tpu.memory_space<vmem>>, vector<16xi32>,
    %shift_right_arithmetic3A_255 = arith.constant 13 : i32
    %shift_right_arithmetic3A_256 = vector.broadcast %shift_right_arithmetic3A_255 : i32 to vector<16xi32>
    %shift_right_arithmetic3A_257 = arith.shrsi %get3A_254, %shift_right_arithmetic3A_256 : vector<16xi32>
    %mul3A_258 = arith.constant 8192 : i32
    %mul3A_259 = vector.broadcast %mul3A_258 : i32 to vector<16xi32>
    %mul3A_260 = arith.muli %shift_right_arithmetic3A_257, %mul3A_259 : vector<16xi32>
    %and3A_261 = arith.constant 1023 : i32
    %and3A_262 = vector.broadcast %and3A_261 : i32 to vector<16xi32>
    %and3A_263 = arith.andi %get3A_254, %and3A_262 : vector<16xi32>
    %mul3A_264 = arith.constant 8 : i32
    %mul3A_265 = vector.broadcast %mul3A_264 : i32 to vector<16xi32>
    %mul3A_266 = arith.muli %and3A_263, %mul3A_265 : vector<16xi32>
    %add3A_267 = arith.addi %mul3A_260, %mul3A_266 : vector<16xi32>
    %shift_right_arithmetic3A_268 = arith.constant 10 : i32
    %shift_right_arithmetic3A_269 = vector.broadcast %shift_right_arithmetic3A_268 : i32 to vector<16xi32>
    %shift_right_arithmetic3A_270 = arith.shrsi %get3A_254, %shift_right_arithmetic3A_269 : vector<16xi32>
    %and3A_271 = arith.constant 7 : i32
    %and3A_272 = vector.broadcast %and3A_271 : i32 to vector<16xi32>
    %and3A_273 = arith.andi %shift_right_arithmetic3A_270, %and3A_272 : vector<16xi32>
    %add3A_274 = arith.addi %add3A_267, %and3A_273 : vector<16xi32>
    %swap3A_275 = arith.constant 0 : i32
    %swap3A_276 = arith.index_cast %swap3A_275 : i32 to index
    %swap3A_277 = arith.constant 64 : index
    %swap3A_278 = tpu.vector_load %arg11[%swap3A_276, %swap3A_277] {strides = array<i32>} : memref<4x128xi32, #tpu.memory_space<vmem>>, vector<16xi32>,
    tpu.vector_store %arg11[%swap3A_276, %swap3A_277], %add3A_274 {strides = array<i32>} : memref<4x128xi32, #tpu.memory_space<vmem>>, vector<16xi32>,
    %get3A_279 = arith.constant 0 : i32
    %get3A_280 = arith.index_cast %get3A_279 : i32 to index
    %get3A_281 = arith.constant 80 : index
    %get3A_282 = tpu.vector_load %arg8[%get3A_280, %get3A_281] {strides = array<i32>} : memref<4x128xi32, #tpu.memory_space<vmem>>, vector<16xi32>,
    %shift_right_arithmetic3A_283 = arith.constant 13 : i32
    %shift_right_arithmetic3A_284 = vector.broadcast %shift_right_arithmetic3A_283 : i32 to vector<16xi32>
    %shift_right_arithmetic3A_285 = arith.shrsi %get3A_282, %shift_right_arithmetic3A_284 : vector<16xi32>
    %mul3A_286 = arith.constant 8192 : i32
    %mul3A_287 = vector.broadcast %mul3A_286 : i32 to vector<16xi32>
    %mul3A_288 = arith.muli %shift_right_arithmetic3A_285, %mul3A_287 : vector<16xi32>
    %and3A_289 = arith.constant 1023 : i32
    %and3A_290 = vector.broadcast %and3A_289 : i32 to vector<16xi32>
    %and3A_291 = arith.andi %get3A_282, %and3A_290 : vector<16xi32>
    %mul3A_292 = arith.constant 8 : i32
    %mul3A_293 = vector.broadcast %mul3A_292 : i32 to vector<16xi32>
    %mul3A_294 = arith.muli %and3A_291, %mul3A_293 : vector<16xi32>
    %add3A_295 = arith.addi %mul3A_288, %mul3A_294 : vector<16xi32>
    %shift_right_arithmetic3A_296 = arith.constant 10 : i32
    %shift_right_arithmetic3A_297 = vector.broadcast %shift_right_arithmetic3A_296 : i32 to vector<16xi32>
    %shift_right_arithmetic3A_298 = arith.shrsi %get3A_282, %shift_right_arithmetic3A_297 : vector<16xi32>
    %and3A_299 = arith.constant 7 : i32
    %and3A_300 = vector.broadcast %and3A_299 : i32 to vector<16xi32>
    %and3A_301 = arith.andi %shift_right_arithmetic3A_298, %and3A_300 : vector<16xi32>
    %add3A_302 = arith.addi %add3A_295, %and3A_301 : vector<16xi32>
    %swap3A_303 = arith.constant 0 : i32
    %swap3A_304 = arith.index_cast %swap3A_303 : i32 to index
    %swap3A_305 = arith.constant 80 : index
    %swap3A_306 = tpu.vector_load %arg10[%swap3A_304, %swap3A_305] {strides = array<i32>} : memref<4x128xi32, #tpu.memory_space<vmem>>, vector<16xi32>,
    tpu.vector_store %arg10[%swap3A_304, %swap3A_305], %add3A_302 {strides = array<i32>} : memref<4x128xi32, #tpu.memory_space<vmem>>, vector<16xi32>,
    %get3A_307 = arith.constant 0 : i32
    %get3A_308 = arith.index_cast %get3A_307 : i32 to index
    %get3A_309 = arith.constant 80 : index
    %get3A_310 = tpu.vector_load %arg9[%get3A_308, %get3A_309] {strides = array<i32>} : memref<4x128xi32, #tpu.memory_space<vmem>>, vector<16xi32>,
    %shift_right_arithmetic3A_311 = arith.constant 13 : i32
    %shift_right_arithmetic3A_312 = vector.broadcast %shift_right_arithmetic3A_311 : i32 to vector<16xi32>
    %shift_right_arithmetic3A_313 = arith.shrsi %get3A_310, %shift_right_arithmetic3A_312 : vector<16xi32>
    %mul3A_314 = arith.constant 8192 : i32
    %mul3A_315 = vector.broadcast %mul3A_314 : i32 to vector<16xi32>
    %mul3A_316 = arith.muli %shift_right_arithmetic3A_313, %mul3A_315 : vector<16xi32>
    %and3A_317 = arith.constant 1023 : i32
    %and3A_318 = vector.broadcast %and3A_317 : i32 to vector<16xi32>
    %and3A_319 = arith.andi %get3A_310, %and3A_318 : vector<16xi32>
    %mul3A_320 = arith.constant 8 : i32
    %mul3A_321 = vector.broadcast %mul3A_320 : i32 to vector<16xi32>
    %mul3A_322 = arith.muli %and3A_319, %mul3A_321 : vector<16xi32>
    %add3A_323 = arith.addi %mul3A_316, %mul3A_322 : vector<16xi32>
    %shift_right_arithmetic3A_324 = arith.constant 10 : i32
    %shift_right_arithmetic3A_325 = vector.broadcast %shift_right_arithmetic3A_324 : i32 to vector<16xi32>
    %shift_right_arithmetic3A_326 = arith.shrsi %get3A_310, %shift_right_arithmetic3A_325 : vector<16xi32>
    %and3A_327 = arith.constant 7 : i32
    %and3A_328 = vector.broadcast %and3A_327 : i32 to vector<16xi32>
    %and3A_329 = arith.andi %shift_right_arithmetic3A_326, %and3A_328 : vector<16xi32>
    %add3A_330 = arith.addi %add3A_323, %and3A_329 : vector<16xi32>
    %swap3A_331 = arith.constant 0 : i32
    %swap3A_332 = arith.index_cast %swap3A_331 : i32 to index
    %swap3A_333 = arith.constant 80 : index
    %swap3A_334 = tpu.vector_load %arg11[%swap3A_332, %swap3A_333] {strides = array<i32>} : memref<4x128xi32, #tpu.memory_space<vmem>>, vector<16xi32>,
    tpu.vector_store %arg11[%swap3A_332, %swap3A_333], %add3A_330 {strides = array<i32>} : memref<4x128xi32, #tpu.memory_space<vmem>>, vector<16xi32>,
    %get3A_335 = arith.constant 0 : i32
    %get3A_336 = arith.index_cast %get3A_335 : i32 to index
    %get3A_337 = arith.constant 96 : index
    %get3A_338 = tpu.vector_load %arg8[%get3A_336, %get3A_337] {strides = array<i32>} : memref<4x128xi32, #tpu.memory_space<vmem>>, vector<16xi32>,
    %shift_right_arithmetic3A_339 = arith.constant 13 : i32
    %shift_right_arithmetic3A_340 = vector.broadcast %shift_right_arithmetic3A_339 : i32 to vector<16xi32>
    %shift_right_arithmetic3A_341 = arith.shrsi %get3A_338, %shift_right_arithmetic3A_340 : vector<16xi32>
    %mul3A_342 = arith.constant 8192 : i32
    %mul3A_343 = vector.broadcast %mul3A_342 : i32 to vector<16xi32>
    %mul3A_344 = arith.muli %shift_right_arithmetic3A_341, %mul3A_343 : vector<16xi32>
    %and3A_345 = arith.constant 1023 : i32
    %and3A_346 = vector.broadcast %and3A_345 : i32 to vector<16xi32>
    %and3A_347 = arith.andi %get3A_338, %and3A_346 : vector<16xi32>
    %mul3A_348 = arith.constant 8 : i32
    %mul3A_349 = vector.broadcast %mul3A_348 : i32 to vector<16xi32>
    %mul3A_350 = arith.muli %and3A_347, %mul3A_349 : vector<16xi32>
    %add3A_351 = arith.addi %mul3A_344, %mul3A_350 : vector<16xi32>
    %shift_right_arithmetic3A_352 = arith.constant 10 : i32
    %shift_right_arithmetic3A_353 = vector.broadcast %shift_right_arithmetic3A_352 : i32 to vector<16xi32>
    %shift_right_arithmetic3A_354 = arith.shrsi %get3A_338, %shift_right_arithmetic3A_353 : vector<16xi32>
    %and3A_355 = arith.constant 7 : i32
    %and3A_356 = vector.broadcast %and3A_355 : i32 to vector<16xi32>
    %and3A_357 = arith.andi %shift_right_arithmetic3A_354, %and3A_356 : vector<16xi32>
    %add3A_358 = arith.addi %add3A_351, %and3A_357 : vector<16xi32>
    %swap3A_359 = arith.constant 0 : i32
    %swap3A_360 = arith.index_cast %swap3A_359 : i32 to index
    %swap3A_361 = arith.constant 96 : index
    %swap3A_362 = tpu.vector_load %arg10[%swap3A_360, %swap3A_361] {strides = array<i32>} : memref<4x128xi32, #tpu.memory_space<vmem>>, vector<16xi32>,
    tpu.vector_store %arg10[%swap3A_360, %swap3A_361], %add3A_358 {strides = array<i32>} : memref<4x128xi32, #tpu.memory_space<vmem>>, vector<16xi32>,
    %get3A_363 = arith.constant 0 : i32
    %get3A_364 = arith.index_cast %get3A_363 : i32 to index
    %get3A_365 = arith.constant 96 : index
    %get3A_366 = tpu.vector_load %arg9[%get3A_364, %get3A_365] {strides = array<i32>} : memref<4x128xi32, #tpu.memory_space<vmem>>, vector<16xi32>,
    %shift_right_arithmetic3A_367 = arith.constant 13 : i32
    %shift_right_arithmetic3A_368 = vector.broadcast %shift_right_arithmetic3A_367 : i32 to vector<16xi32>
    %shift_right_arithmetic3A_369 = arith.shrsi %get3A_366, %shift_right_arithmetic3A_368 : vector<16xi32>
    %mul3A_370 = arith.constant 8192 : i32
    %mul3A_371 = vector.broadcast %mul3A_370 : i32 to vector<16xi32>
    %mul3A_372 = arith.muli %shift_right_arithmetic3A_369, %mul3A_371 : vector<16xi32>
    %and3A_373 = arith.constant 1023 : i32
    %and3A_374 = vector.broadcast %and3A_373 : i32 to vector<16xi32>
    %and3A_375 = arith.andi %get3A_366, %and3A_374 : vector<16xi32>
    %mul3A_376 = arith.constant 8 : i32
    %mul3A_377 = vector.broadcast %mul3A_376 : i32 to vector<16xi32>
    %mul3A_378 = arith.muli %and3A_375, %mul3A_377 : vector<16xi32>
    %add3A_379 = arith.addi %mul3A_372, %mul3A_378 : vector<16xi32>
    %shift_right_arithmetic3A_380 = arith.constant 10 : i32
    %shift_right_arithmetic3A_381 = vector.broadcast %shift_right_arithmetic3A_380 : i32 to vector<16xi32>
    %shift_right_arithmetic3A_382 = arith.shrsi %get3A_366, %shift_right_arithmetic3A_381 : vector<16xi32>
    %and3A_383 = arith.constant 7 : i32
    %and3A_384 = vector.broadcast %and3A_383 : i32 to vector<16xi32>
    %and3A_385 = arith.andi %shift_right_arithmetic3A_382, %and3A_384 : vector<16xi32>
    %add3A_386 = arith.addi %add3A_379, %and3A_385 : vector<16xi32>
    %swap3A_387 = arith.constant 0 : i32
    %swap3A_388 = arith.index_cast %swap3A_387 : i32 to index
    %swap3A_389 = arith.constant 96 : index
    %swap3A_390 = tpu.vector_load %arg11[%swap3A_388, %swap3A_389] {strides = array<i32>} : memref<4x128xi32, #tpu.memory_space<vmem>>, vector<16xi32>,
    tpu.vector_store %arg11[%swap3A_388, %swap3A_389], %add3A_386 {strides = array<i32>} : memref<4x128xi32, #tpu.memory_space<vmem>>, vector<16xi32>,
    %get3A_391 = arith.constant 0 : i32
    %get3A_392 = arith.index_cast %get3A_391 : i32 to index
    %get3A_393 = arith.constant 112 : index
    %get3A_394 = tpu.vector_load %arg8[%get3A_392, %get3A_393] {strides = array<i32>} : memref<4x128xi32, #tpu.memory_space<vmem>>, vector<16xi32>,
    %shift_right_arithmetic3A_395 = arith.constant 13 : i32
    %shift_right_arithmetic3A_396 = vector.broadcast %shift_right_arithmetic3A_395 : i32 to vector<16xi32>
    %shift_right_arithmetic3A_397 = arith.shrsi %get3A_394, %shift_right_arithmetic3A_396 : vector<16xi32>
    %mul3A_398 = arith.constant 8192 : i32
    %mul3A_399 = vector.broadcast %mul3A_398 : i32 to vector<16xi32>
    %mul3A_400 = arith.muli %shift_right_arithmetic3A_397, %mul3A_399 : vector<16xi32>
    %and3A_401 = arith.constant 1023 : i32
    %and3A_402 = vector.broadcast %and3A_401 : i32 to vector<16xi32>
    %and3A_403 = arith.andi %get3A_394, %and3A_402 : vector<16xi32>
    %mul3A_404 = arith.constant 8 : i32
    %mul3A_405 = vector.broadcast %mul3A_404 : i32 to vector<16xi32>
    %mul3A_406 = arith.muli %and3A_403, %mul3A_405 : vector<16xi32>
    %add3A_407 = arith.addi %mul3A_400, %mul3A_406 : vector<16xi32>
    %shift_right_arithmetic3A_408 = arith.constant 10 : i32
    %shift_right_arithmetic3A_409 = vector.broadcast %shift_right_arithmetic3A_408 : i32 to vector<16xi32>
    %shift_right_arithmetic3A_410 = arith.shrsi %get3A_394, %shift_right_arithmetic3A_409 : vector<16xi32>
    %and3A_411 = arith.constant 7 : i32
    %and3A_412 = vector.broadcast %and3A_411 : i32 to vector<16xi32>
    %and3A_413 = arith.andi %shift_right_arithmetic3A_410, %and3A_412 : vector<16xi32>
    %add3A_414 = arith.addi %add3A_407, %and3A_413 : vector<16xi32>
    %swap3A_415 = arith.constant 0 : i32
    %swap3A_416 = arith.index_cast %swap3A_415 : i32 to index
    %swap3A_417 = arith.constant 112 : index
    %swap3A_418 = tpu.vector_load %arg10[%swap3A_416, %swap3A_417] {strides = array<i32>} : memref<4x128xi32, #tpu.memory_space<vmem>>, vector<16xi32>,
    tpu.vector_store %arg10[%swap3A_416, %swap3A_417], %add3A_414 {strides = array<i32>} : memref<4x128xi32, #tpu.memory_space<vmem>>, vector<16xi32>,
    %get3A_419 = arith.constant 0 : i32
    %get3A_420 = arith.index_cast %get3A_419 : i32 to index
    %get3A_421 = arith.constant 112 : index
    %get3A_422 = tpu.vector_load %arg9[%get3A_420, %get3A_421] {strides = array<i32>} : memref<4x128xi32, #tpu.memory_space<vmem>>, vector<16xi32>,
    %shift_right_arithmetic3A_423 = arith.constant 13 : i32
    %shift_right_arithmetic3A_424 = vector.broadcast %shift_right_arithmetic3A_423 : i32 to vector<16xi32>
    %shift_right_arithmetic3A_425 = arith.shrsi %get3A_422, %shift_right_arithmetic3A_424 : vector<16xi32>
    %mul3A_426 = arith.constant 8192 : i32
    %mul3A_427 = vector.broadcast %mul3A_426 : i32 to vector<16xi32>
    %mul3A_428 = arith.muli %shift_right_arithmetic3A_425, %mul3A_427 : vector<16xi32>
    %and3A_429 = arith.constant 1023 : i32
    %and3A_430 = vector.broadcast %and3A_429 : i32 to vector<16xi32>
    %and3A_431 = arith.andi %get3A_422, %and3A_430 : vector<16xi32>
    %mul3A_432 = arith.constant 8 : i32
    %mul3A_433 = vector.broadcast %mul3A_432 : i32 to vector<16xi32>
    %mul3A_434 = arith.muli %and3A_431, %mul3A_433 : vector<16xi32>
    %add3A_435 = arith.addi %mul3A_428, %mul3A_434 : vector<16xi32>
    %shift_right_arithmetic3A_436 = arith.constant 10 : i32
    %shift_right_arithmetic3A_437 = vector.broadcast %shift_right_arithmetic3A_436 : i32 to vector<16xi32>
    %shift_right_arithmetic3A_438 = arith.shrsi %get3A_422, %shift_right_arithmetic3A_437 : vector<16xi32>
    %and3A_439 = arith.constant 7 : i32
    %and3A_440 = vector.broadcast %and3A_439 : i32 to vector<16xi32>
    %and3A_441 = arith.andi %shift_right_arithmetic3A_438, %and3A_440 : vector<16xi32>
    %add3A_442 = arith.addi %add3A_435, %and3A_441 : vector<16xi32>
    %swap3A_443 = arith.constant 0 : i32
    %swap3A_444 = arith.index_cast %swap3A_443 : i32 to index
    %swap3A_445 = arith.constant 112 : index
    %swap3A_446 = tpu.vector_load %arg11[%swap3A_444, %swap3A_445] {strides = array<i32>} : memref<4x128xi32, #tpu.memory_space<vmem>>, vector<16xi32>,
    tpu.vector_store %arg11[%swap3A_444, %swap3A_445], %add3A_442 {strides = array<i32>} : memref<4x128xi32, #tpu.memory_space<vmem>>, vector<16xi32>,
    %get3A_447 = arith.constant 1 : i32
    %get3A_448 = arith.index_cast %get3A_447 : i32 to index
    %get3A_449 = arith.constant 0 : index
    %get3A_450 = tpu.vector_load %arg8[%get3A_448, %get3A_449] {strides = array<i32>} : memref<4x128xi32, #tpu.memory_space<vmem>>, vector<16xi32>,
    %shift_right_arithmetic3A_451 = arith.constant 13 : i32
    %shift_right_arithmetic3A_452 = vector.broadcast %shift_right_arithmetic3A_451 : i32 to vector<16xi32>
    %shift_right_arithmetic3A_453 = arith.shrsi %get3A_450, %shift_right_arithmetic3A_452 : vector<16xi32>
    %mul3A_454 = arith.constant 8192 : i32
    %mul3A_455 = vector.broadcast %mul3A_454 : i32 to vector<16xi32>
    %mul3A_456 = arith.muli %shift_right_arithmetic3A_453, %mul3A_455 : vector<16xi32>
    %and3A_457 = arith.constant 1023 : i32
    %and3A_458 = vector.broadcast %and3A_457 : i32 to vector<16xi32>
    %and3A_459 = arith.andi %get3A_450, %and3A_458 : vector<16xi32>
    %mul3A_460 = arith.constant 8 : i32
    %mul3A_461 = vector.broadcast %mul3A_460 : i32 to vector<16xi32>
    %mul3A_462 = arith.muli %and3A_459, %mul3A_461 : vector<16xi32>
    %add3A_463 = arith.addi %mul3A_456, %mul3A_462 : vector<16xi32>
    %shift_right_arithmetic3A_464 = arith.constant 10 : i32
    %shift_right_arithmetic3A_465 = vector.broadcast %shift_right_arithmetic3A_464 : i32 to vector<16xi32>
    %shift_right_arithmetic3A_466 = arith.shrsi %get3A_450, %shift_right_arithmetic3A_465 : vector<16xi32>
    %and3A_467 = arith.constant 7 : i32
    %and3A_468 = vector.broadcast %and3A_467 : i32 to vector<16xi32>
    %and3A_469 = arith.andi %shift_right_arithmetic3A_466, %and3A_468 : vector<16xi32>
    %add3A_470 = arith.addi %add3A_463, %and3A_469 : vector<16xi32>
    %swap3A_471 = arith.constant 1 : i32
    %swap3A_472 = arith.index_cast %swap3A_471 : i32 to index
    %swap3A_473 = arith.constant 0 : index
    %swap3A_474 = tpu.vector_load %arg10[%swap3A_472, %swap3A_473] {strides = array<i32>} : memref<4x128xi32, #tpu.memory_space<vmem>>, vector<16xi32>,
    tpu.vector_store %arg10[%swap3A_472, %swap3A_473], %add3A_470 {strides = array<i32>} : memref<4x128xi32, #tpu.memory_space<vmem>>, vector<16xi32>,
    %get3A_475 = arith.constant 1 : i32
    %get3A_476 = arith.index_cast %get3A_475 : i32 to index
    %get3A_477 = arith.constant 0 : index
    %get3A_478 = tpu.vector_load %arg9[%get3A_476, %get3A_477] {strides = array<i32>} : memref<4x128xi32, #tpu.memory_space<vmem>>, vector<16xi32>,
    %shift_right_arithmetic3A_479 = arith.constant 13 : i32
    %shift_right_arithmetic3A_480 = vector.broadcast %shift_right_arithmetic3A_479 : i32 to vector<16xi32>
    %shift_right_arithmetic3A_481 = arith.shrsi %get3A_478, %shift_right_arithmetic3A_480 : vector<16xi32>
    %mul3A_482 = arith.constant 8192 : i32
    %mul3A_483 = vector.broadcast %mul3A_482 : i32 to vector<16xi32>
    %mul3A_484 = arith.muli %shift_right_arithmetic3A_481, %mul3A_483 : vector<16xi32>
    %and3A_485 = arith.constant 1023 : i32
    %and3A_486 = vector.broadcast %and3A_485 : i32 to vector<16xi32>
    %and3A_487 = arith.andi %get3A_478, %and3A_486 : vector<16xi32>
    %mul3A_488 = arith.constant 8 : i32
    %mul3A_489 = vector.broadcast %mul3A_488 : i32 to vector<16xi32>
    %mul3A_490 = arith.muli %and3A_487, %mul3A_489 : vector<16xi32>
    %add3A_491 = arith.addi %mul3A_484, %mul3A_490 : vector<16xi32>
    %shift_right_arithmetic3A_492 = arith.constant 10 : i32
    %shift_right_arithmetic3A_493 = vector.broadcast %shift_right_arithmetic3A_492 : i32 to vector<16xi32>
    %shift_right_arithmetic3A_494 = arith.shrsi %get3A_478, %shift_right_arithmetic3A_493 : vector<16xi32>
    %and3A_495 = arith.constant 7 : i32
    %and3A_496 = vector.broadcast %and3A_495 : i32 to vector<16xi32>
    %and3A_497 = arith.andi %shift_right_arithmetic3A_494, %and3A_496 : vector<16xi32>
    %add3A_498 = arith.addi %add3A_491, %and3A_497 : vector<16xi32>
    %swap3A_499 = arith.constant 1 : i32
    %swap3A_500 = arith.index_cast %swap3A_499 : i32 to index
    %swap3A_501 = arith.constant 0 : index
    %swap3A_502 = tpu.vector_load %arg11[%swap3A_500, %swap3A_501] {strides = array<i32>} : memref<4x128xi32, #tpu.memory_space<vmem>>, vector<16xi32>,
    tpu.vector_store %arg11[%swap3A_500, %swap3A_501], %add3A_498 {strides = array<i32>} : memref<4x128xi32, #tpu.memory_space<vmem>>, vector<16xi32>,
    %get3A_503 = arith.constant 1 : i32
    %get3A_504 = arith.index_cast %get3A_503 : i32 to index
    %get3A_505 = arith.constant 16 : index
    %get3A_506 = tpu.vector_load %arg8[%get3A_504, %get3A_505] {strides = array<i32>} : memref<4x128xi32, #tpu.memory_space<vmem>>, vector<16xi32>,
    %shift_right_arithmetic3A_507 = arith.constant 13 : i32
    %shift_right_arithmetic3A_508 = vector.broadcast %shift_right_arithmetic3A_507 : i32 to vector<16xi32>
    %shift_right_arithmetic3A_509 = arith.shrsi %get3A_506, %shift_right_arithmetic3A_508 : vector<16xi32>
    %mul3A_510 = arith.constant 8192 : i32
    %mul3A_511 = vector.broadcast %mul3A_510 : i32 to vector<16xi32>
    %mul3A_512 = arith.muli %shift_right_arithmetic3A_509, %mul3A_511 : vector<16xi32>
    %and3A_513 = arith.constant 1023 : i32
    %and3A_514 = vector.broadcast %and3A_513 : i32 to vector<16xi32>
    %and3A_515 = arith.andi %get3A_506, %and3A_514 : vector<16xi32>
    %mul3A_516 = arith.constant 8 : i32
    %mul3A_517 = vector.broadcast %mul3A_516 : i32 to vector<16xi32>
    %mul3A_518 = arith.muli %and3A_515, %mul3A_517 : vector<16xi32>
    %add3A_519 = arith.addi %mul3A_512, %mul3A_518 : vector<16xi32>
    %shift_right_arithmetic3A_520 = arith.constant 10 : i32
    %shift_right_arithmetic3A_521 = vector.broadcast %shift_right_arithmetic3A_520 : i32 to vector<16xi32>
    %shift_right_arithmetic3A_522 = arith.shrsi %get3A_506, %shift_right_arithmetic3A_521 : vector<16xi32>
    %and3A_523 = arith.constant 7 : i32
    %and3A_524 = vector.broadcast %and3A_523 : i32 to vector<16xi32>
    %and3A_525 = arith.andi %shift_right_arithmetic3A_522, %and3A_524 : vector<16xi32>
    %add3A_526 = arith.addi %add3A_519, %and3A_525 : vector<16xi32>
    %swap3A_527 = arith.constant 1 : i32
    %swap3A_528 = arith.index_cast %swap3A_527 : i32 to index
    %swap3A_529 = arith.constant 16 : index
    %swap3A_530 = tpu.vector_load %arg10[%swap3A_528, %swap3A_529] {strides = array<i32>} : memref<4x128xi32, #tpu.memory_space<vmem>>, vector<16xi32>,
    tpu.vector_store %arg10[%swap3A_528, %swap3A_529], %add3A_526 {strides = array<i32>} : memref<4x128xi32, #tpu.memory_space<vmem>>, vector<16xi32>,
    %get3A_531 = arith.constant 1 : i32
    %get3A_532 = arith.index_cast %get3A_531 : i32 to index
    %get3A_533 = arith.constant 16 : index
    %get3A_534 = tpu.vector_load %arg9[%get3A_532, %get3A_533] {strides = array<i32>} : memref<4x128xi32, #tpu.memory_space<vmem>>, vector<16xi32>,
    %shift_right_arithmetic3A_535 = arith.constant 13 : i32
    %shift_right_arithmetic3A_536 = vector.broadcast %shift_right_arithmetic3A_535 : i32 to vector<16xi32>
    %shift_right_arithmetic3A_537 = arith.shrsi %get3A_534, %shift_right_arithmetic3A_536 : vector<16xi32>
    %mul3A_538 = arith.constant 8192 : i32
    %mul3A_539 = vector.broadcast %mul3A_538 : i32 to vector<16xi32>
    %mul3A_540 = arith.muli %shift_right_arithmetic3A_537, %mul3A_539 : vector<16xi32>
    %and3A_541 = arith.constant 1023 : i32
    %and3A_542 = vector.broadcast %and3A_541 : i32 to vector<16xi32>
    %and3A_543 = arith.andi %get3A_534, %and3A_542 : vector<16xi32>
    %mul3A_544 = arith.constant 8 : i32
    %mul3A_545 = vector.broadcast %mul3A_544 : i32 to vector<16xi32>
    %mul3A_546 = arith.muli %and3A_543, %mul3A_545 : vector<16xi32>
    %add3A_547 = arith.addi %mul3A_540, %mul3A_546 : vector<16xi32>
    %shift_right_arithmetic3A_548 = arith.constant 10 : i32
    %shift_right_arithmetic3A_549 = vector.broadcast %shift_right_arithmetic3A_548 : i32 to vector<16xi32>
    %shift_right_arithmetic3A_550 = arith.shrsi %get3A_534, %shift_right_arithmetic3A_549 : vector<16xi32>
    %and3A_551 = arith.constant 7 : i32
    %and3A_552 = vector.broadcast %and3A_551 : i32 to vector<16xi32>
    %and3A_553 = arith.andi %shift_right_arithmetic3A_550, %and3A_552 : vector<16xi32>
    %add3A_554 = arith.addi %add3A_547, %and3A_553 : vector<16xi32>
    %swap3A_555 = arith.constant 1 : i32
    %swap3A_556 = arith.index_cast %swap3A_555 : i32 to index
    %swap3A_557 = arith.constant 16 : index
    %swap3A_558 = tpu.vector_load %arg11[%swap3A_556, %swap3A_557] {strides = array<i32>} : memref<4x128xi32, #tpu.memory_space<vmem>>, vector<16xi32>,
    tpu.vector_store %arg11[%swap3A_556, %swap3A_557], %add3A_554 {strides = array<i32>} : memref<4x128xi32, #tpu.memory_space<vmem>>, vector<16xi32>,
    %get3A_559 = arith.constant 1 : i32
    %get3A_560 = arith.index_cast %get3A_559 : i32 to index
    %get3A_561 = arith.constant 32 : index
    %get3A_562 = tpu.vector_load %arg8[%get3A_560, %get3A_561] {strides = array<i32>} : memref<4x128xi32, #tpu.memory_space<vmem>>, vector<16xi32>,
    %shift_right_arithmetic3A_563 = arith.constant 13 : i32
    %shift_right_arithmetic3A_564 = vector.broadcast %shift_right_arithmetic3A_563 : i32 to vector<16xi32>
    %shift_right_arithmetic3A_565 = arith.shrsi %get3A_562, %shift_right_arithmetic3A_564 : vector<16xi32>
    %mul3A_566 = arith.constant 8192 : i32
    %mul3A_567 = vector.broadcast %mul3A_566 : i32 to vector<16xi32>
    %mul3A_568 = arith.muli %shift_right_arithmetic3A_565, %mul3A_567 : vector<16xi32>
    %and3A_569 = arith.constant 1023 : i32
    %and3A_570 = vector.broadcast %and3A_569 : i32 to vector<16xi32>
    %and3A_571 = arith.andi %get3A_562, %and3A_570 : vector<16xi32>
    %mul3A_572 = arith.constant 8 : i32
    %mul3A_573 = vector.broadcast %mul3A_572 : i32 to vector<16xi32>
    %mul3A_574 = arith.muli %and3A_571, %mul3A_573 : vector<16xi32>
    %add3A_575 = arith.addi %mul3A_568, %mul3A_574 : vector<16xi32>
    %shift_right_arithmetic3A_576 = arith.constant 10 : i32
    %shift_right_arithmetic3A_577 = vector.broadcast %shift_right_arithmetic3A_576 : i32 to vector<16xi32>
    %shift_right_arithmetic3A_578 = arith.shrsi %get3A_562, %shift_right_arithmetic3A_577 : vector<16xi32>
    %and3A_579 = arith.constant 7 : i32
    %and3A_580 = vector.broadcast %and3A_579 : i32 to vector<16xi32>
    %and3A_581 = arith.andi %shift_right_arithmetic3A_578, %and3A_580 : vector<16xi32>
    %add3A_582 = arith.addi %add3A_575, %and3A_581 : vector<16xi32>
    %swap3A_583 = arith.constant 1 : i32
    %swap3A_584 = arith.index_cast %swap3A_583 : i32 to index
    %swap3A_585 = arith.constant 32 : index
    %swap3A_586 = tpu.vector_load %arg10[%swap3A_584, %swap3A_585] {strides = array<i32>} : memref<4x128xi32, #tpu.memory_space<vmem>>, vector<16xi32>,
    tpu.vector_store %arg10[%swap3A_584, %swap3A_585], %add3A_582 {strides = array<i32>} : memref<4x128xi32, #tpu.memory_space<vmem>>, vector<16xi32>,
    %get3A_587 = arith.constant 1 : i32
    %get3A_588 = arith.index_cast %get3A_587 : i32 to index
    %get3A_589 = arith.constant 32 : index
    %get3A_590 = tpu.vector_load %arg9[%get3A_588, %get3A_589] {strides = array<i32>} : memref<4x128xi32, #tpu.memory_space<vmem>>, vector<16xi32>,
    %shift_right_arithmetic3A_591 = arith.constant 13 : i32
    %shift_right_arithmetic3A_592 = vector.broadcast %shift_right_arithmetic3A_591 : i32 to vector<16xi32>
    %shift_right_arithmetic3A_593 = arith.shrsi %get3A_590, %shift_right_arithmetic3A_592 : vector<16xi32>
    %mul3A_594 = arith.constant 8192 : i32
    %mul3A_595 = vector.broadcast %mul3A_594 : i32 to vector<16xi32>
    %mul3A_596 = arith.muli %shift_right_arithmetic3A_593, %mul3A_595 : vector<16xi32>
    %and3A_597 = arith.constant 1023 : i32
    %and3A_598 = vector.broadcast %and3A_597 : i32 to vector<16xi32>
    %and3A_599 = arith.andi %get3A_590, %and3A_598 : vector<16xi32>
    %mul3A_600 = arith.constant 8 : i32
    %mul3A_601 = vector.broadcast %mul3A_600 : i32 to vector<16xi32>
    %mul3A_602 = arith.muli %and3A_599, %mul3A_601 : vector<16xi32>
    %add3A_603 = arith.addi %mul3A_596, %mul3A_602 : vector<16xi32>
    %shift_right_arithmetic3A_604 = arith.constant 10 : i32
    %shift_right_arithmetic3A_605 = vector.broadcast %shift_right_arithmetic3A_604 : i32 to vector<16xi32>
    %shift_right_arithmetic3A_606 = arith.shrsi %get3A_590, %shift_right_arithmetic3A_605 : vector<16xi32>
    %and3A_607 = arith.constant 7 : i32
    %and3A_608 = vector.broadcast %and3A_607 : i32 to vector<16xi32>
    %and3A_609 = arith.andi %shift_right_arithmetic3A_606, %and3A_608 : vector<16xi32>
    %add3A_610 = arith.addi %add3A_603, %and3A_609 : vector<16xi32>
    %swap3A_611 = arith.constant 1 : i32
    %swap3A_612 = arith.index_cast %swap3A_611 : i32 to index
    %swap3A_613 = arith.constant 32 : index
    %swap3A_614 = tpu.vector_load %arg11[%swap3A_612, %swap3A_613] {strides = array<i32>} : memref<4x128xi32, #tpu.memory_space<vmem>>, vector<16xi32>,
    tpu.vector_store %arg11[%swap3A_612, %swap3A_613], %add3A_610 {strides = array<i32>} : memref<4x128xi32, #tpu.memory_space<vmem>>, vector<16xi32>,
    %get3A_615 = arith.constant 1 : i32
    %get3A_616 = arith.index_cast %get3A_615 : i32 to index
    %get3A_617 = arith.constant 48 : index
    %get3A_618 = tpu.vector_load %arg8[%get3A_616, %get3A_617] {strides = array<i32>} : memref<4x128xi32, #tpu.memory_space<vmem>>, vector<16xi32>,
    %shift_right_arithmetic3A_619 = arith.constant 13 : i32
    %shift_right_arithmetic3A_620 = vector.broadcast %shift_right_arithmetic3A_619 : i32 to vector<16xi32>
    %shift_right_arithmetic3A_621 = arith.shrsi %get3A_618, %shift_right_arithmetic3A_620 : vector<16xi32>
    %mul3A_622 = arith.constant 8192 : i32
    %mul3A_623 = vector.broadcast %mul3A_622 : i32 to vector<16xi32>
    %mul3A_624 = arith.muli %shift_right_arithmetic3A_621, %mul3A_623 : vector<16xi32>
    %and3A_625 = arith.constant 1023 : i32
    %and3A_626 = vector.broadcast %and3A_625 : i32 to vector<16xi32>
    %and3A_627 = arith.andi %get3A_618, %and3A_626 : vector<16xi32>
    %mul3A_628 = arith.constant 8 : i32
    %mul3A_629 = vector.broadcast %mul3A_628 : i32 to vector<16xi32>
    %mul3A_630 = arith.muli %and3A_627, %mul3A_629 : vector<16xi32>
    %add3A_631 = arith.addi %mul3A_624, %mul3A_630 : vector<16xi32>
    %shift_right_arithmetic3A_632 = arith.constant 10 : i32
    %shift_right_arithmetic3A_633 = vector.broadcast %shift_right_arithmetic3A_632 : i32 to vector<16xi32>
    %shift_right_arithmetic3A_634 = arith.shrsi %get3A_618, %shift_right_arithmetic3A_633 : vector<16xi32>
    %and3A_635 = arith.constant 7 : i32
    %and3A_636 = vector.broadcast %and3A_635 : i32 to vector<16xi32>
    %and3A_637 = arith.andi %shift_right_arithmetic3A_634, %and3A_636 : vector<16xi32>
    %add3A_638 = arith.addi %add3A_631, %and3A_637 : vector<16xi32>
    %swap3A_639 = arith.constant 1 : i32
    %swap3A_640 = arith.index_cast %swap3A_639 : i32 to index
    %swap3A_641 = arith.constant 48 : index
    %swap3A_642 = tpu.vector_load %arg10[%swap3A_640, %swap3A_641] {strides = array<i32>} : memref<4x128xi32, #tpu.memory_space<vmem>>, vector<16xi32>,
    tpu.vector_store %arg10[%swap3A_640, %swap3A_641], %add3A_638 {strides = array<i32>} : memref<4x128xi32, #tpu.memory_space<vmem>>, vector<16xi32>,
    %get3A_643 = arith.constant 1 : i32
    %get3A_644 = arith.index_cast %get3A_643 : i32 to index
    %get3A_645 = arith.constant 48 : index
    %get3A_646 = tpu.vector_load %arg9[%get3A_644, %get3A_645] {strides = array<i32>} : memref<4x128xi32, #tpu.memory_space<vmem>>, vector<16xi32>,
    %shift_right_arithmetic3A_647 = arith.constant 13 : i32
    %shift_right_arithmetic3A_648 = vector.broadcast %shift_right_arithmetic3A_647 : i32 to vector<16xi32>
    %shift_right_arithmetic3A_649 = arith.shrsi %get3A_646, %shift_right_arithmetic3A_648 : vector<16xi32>
    %mul3A_650 = arith.constant 8192 : i32
    %mul3A_651 = vector.broadcast %mul3A_650 : i32 to vector<16xi32>
    %mul3A_652 = arith.muli %shift_right_arithmetic3A_649, %mul3A_651 : vector<16xi32>
    %and3A_653 = arith.constant 1023 : i32
    %and3A_654 = vector.broadcast %and3A_653 : i32 to vector<16xi32>
    %and3A_655 = arith.andi %get3A_646, %and3A_654 : vector<16xi32>
    %mul3A_656 = arith.constant 8 : i32
    %mul3A_657 = vector.broadcast %mul3A_656 : i32 to vector<16xi32>
    %mul3A_658 = arith.muli %and3A_655, %mul3A_657 : vector<16xi32>
    %add3A_659 = arith.addi %mul3A_652, %mul3A_658 : vector<16xi32>
    %shift_right_arithmetic3A_660 = arith.constant 10 : i32
    %shift_right_arithmetic3A_661 = vector.broadcast %shift_right_arithmetic3A_660 : i32 to vector<16xi32>
    %shift_right_arithmetic3A_662 = arith.shrsi %get3A_646, %shift_right_arithmetic3A_661 : vector<16xi32>
    %and3A_663 = arith.constant 7 : i32
    %and3A_664 = vector.broadcast %and3A_663 : i32 to vector<16xi32>
    %and3A_665 = arith.andi %shift_right_arithmetic3A_662, %and3A_664 : vector<16xi32>
    %add3A_666 = arith.addi %add3A_659, %and3A_665 : vector<16xi32>
    %swap3A_667 = arith.constant 1 : i32
    %swap3A_668 = arith.index_cast %swap3A_667 : i32 to index
    %swap3A_669 = arith.constant 48 : index
    %swap3A_670 = tpu.vector_load %arg11[%swap3A_668, %swap3A_669] {strides = array<i32>} : memref<4x128xi32, #tpu.memory_space<vmem>>, vector<16xi32>,
    tpu.vector_store %arg11[%swap3A_668, %swap3A_669], %add3A_666 {strides = array<i32>} : memref<4x128xi32, #tpu.memory_space<vmem>>, vector<16xi32>,
    %get3A_671 = arith.constant 1 : i32
    %get3A_672 = arith.index_cast %get3A_671 : i32 to index
    %get3A_673 = arith.constant 64 : index
    %get3A_674 = tpu.vector_load %arg8[%get3A_672, %get3A_673] {strides = array<i32>} : memref<4x128xi32, #tpu.memory_space<vmem>>, vector<16xi32>,
    %shift_right_arithmetic3A_675 = arith.constant 13 : i32
    %shift_right_arithmetic3A_676 = vector.broadcast %shift_right_arithmetic3A_675 : i32 to vector<16xi32>
    %shift_right_arithmetic3A_677 = arith.shrsi %get3A_674, %shift_right_arithmetic3A_676 : vector<16xi32>
    %mul3A_678 = arith.constant 8192 : i32
    %mul3A_679 = vector.broadcast %mul3A_678 : i32 to vector<16xi32>
    %mul3A_680 = arith.muli %shift_right_arithmetic3A_677, %mul3A_679 : vector<16xi32>
    %and3A_681 = arith.constant 1023 : i32
    %and3A_682 = vector.broadcast %and3A_681 : i32 to vector<16xi32>
    %and3A_683 = arith.andi %get3A_674, %and3A_682 : vector<16xi32>
    %mul3A_684 = arith.constant 8 : i32
    %mul3A_685 = vector.broadcast %mul3A_684 : i32 to vector<16xi32>
    %mul3A_686 = arith.muli %and3A_683, %mul3A_685 : vector<16xi32>
    %add3A_687 = arith.addi %mul3A_680, %mul3A_686 : vector<16xi32>
    %shift_right_arithmetic3A_688 = arith.constant 10 : i32
    %shift_right_arithmetic3A_689 = vector.broadcast %shift_right_arithmetic3A_688 : i32 to vector<16xi32>
    %shift_right_arithmetic3A_690 = arith.shrsi %get3A_674, %shift_right_arithmetic3A_689 : vector<16xi32>
    %and3A_691 = arith.constant 7 : i32
    %and3A_692 = vector.broadcast %and3A_691 : i32 to vector<16xi32>
    %and3A_693 = arith.andi %shift_right_arithmetic3A_690, %and3A_692 : vector<16xi32>
    %add3A_694 = arith.addi %add3A_687, %and3A_693 : vector<16xi32>
    %swap3A_695 = arith.constant 1 : i32
    %swap3A_696 = arith.index_cast %swap3A_695 : i32 to index
    %swap3A_697 = arith.constant 64 : index
    %swap3A_698 = tpu.vector_load %arg10[%swap3A_696, %swap3A_697] {strides = array<i32>} : memref<4x128xi32, #tpu.memory_space<vmem>>, vector<16xi32>,
    tpu.vector_store %arg10[%swap3A_696, %swap3A_697], %add3A_694 {strides = array<i32>} : memref<4x128xi32, #tpu.memory_space<vmem>>, vector<16xi32>,
    %get3A_699 = arith.constant 1 : i32
    %get3A_700 = arith.index_cast %get3A_699 : i32 to index
    %get3A_701 = arith.constant 64 : index
    %get3A_702 = tpu.vector_load %arg9[%get3A_700, %get3A_701] {strides = array<i32>} : memref<4x128xi32, #tpu.memory_space<vmem>>, vector<16xi32>,
    %shift_right_arithmetic3A_703 = arith.constant 13 : i32
    %shift_right_arithmetic3A_704 = vector.broadcast %shift_right_arithmetic3A_703 : i32 to vector<16xi32>
    %shift_right_arithmetic3A_705 = arith.shrsi %get3A_702, %shift_right_arithmetic3A_704 : vector<16xi32>
    %mul3A_706 = arith.constant 8192 : i32
    %mul3A_707 = vector.broadcast %mul3A_706 : i32 to vector<16xi32>
    %mul3A_708 = arith.muli %shift_right_arithmetic3A_705, %mul3A_707 : vector<16xi32>
    %and3A_709 = arith.constant 1023 : i32
    %and3A_710 = vector.broadcast %and3A_709 : i32 to vector<16xi32>
    %and3A_711 = arith.andi %get3A_702, %and3A_710 : vector<16xi32>
    %mul3A_712 = arith.constant 8 : i32
    %mul3A_713 = vector.broadcast %mul3A_712 : i32 to vector<16xi32>
    %mul3A_714 = arith.muli %and3A_711, %mul3A_713 : vector<16xi32>
    %add3A_715 = arith.addi %mul3A_708, %mul3A_714 : vector<16xi32>
    %shift_right_arithmetic3A_716 = arith.constant 10 : i32
    %shift_right_arithmetic3A_717 = vector.broadcast %shift_right_arithmetic3A_716 : i32 to vector<16xi32>
    %shift_right_arithmetic3A_718 = arith.shrsi %get3A_702, %shift_right_arithmetic3A_717 : vector<16xi32>
    %and3A_719 = arith.constant 7 : i32
    %and3A_720 = vector.broadcast %and3A_719 : i32 to vector<16xi32>
    %and3A_721 = arith.andi %shift_right_arithmetic3A_718, %and3A_720 : vector<16xi32>
    %add3A_722 = arith.addi %add3A_715, %and3A_721 : vector<16xi32>
    %swap3A_723 = arith.constant 1 : i32
    %swap3A_724 = arith.index_cast %swap3A_723 : i32 to index
    %swap3A_725 = arith.constant 64 : index
    %swap3A_726 = tpu.vector_load %arg11[%swap3A_724, %swap3A_725] {strides = array<i32>} : memref<4x128xi32, #tpu.memory_space<vmem>>, vector<16xi32>,
    tpu.vector_store %arg11[%swap3A_724, %swap3A_725], %add3A_722 {strides = array<i32>} : memref<4x128xi32, #tpu.memory_space<vmem>>, vector<16xi32>,
    %get3A_727 = arith.constant 1 : i32
    %get3A_728 = arith.index_cast %get3A_727 : i32 to index
    %get3A_729 = arith.constant 80 : index
    %get3A_730 = tpu.vector_load %arg8[%get3A_728, %get3A_729] {strides = array<i32>} : memref<4x128xi32, #tpu.memory_space<vmem>>, vector<16xi32>,
    %shift_right_arithmetic3A_731 = arith.constant 13 : i32
    %shift_right_arithmetic3A_732 = vector.broadcast %shift_right_arithmetic3A_731 : i32 to vector<16xi32>
    %shift_right_arithmetic3A_733 = arith.shrsi %get3A_730, %shift_right_arithmetic3A_732 : vector<16xi32>
    %mul3A_734 = arith.constant 8192 : i32
    %mul3A_735 = vector.broadcast %mul3A_734 : i32 to vector<16xi32>
    %mul3A_736 = arith.muli %shift_right_arithmetic3A_733, %mul3A_735 : vector<16xi32>
    %and3A_737 = arith.constant 1023 : i32
    %and3A_738 = vector.broadcast %and3A_737 : i32 to vector<16xi32>
    %and3A_739 = arith.andi %get3A_730, %and3A_738 : vector<16xi32>
    %mul3A_740 = arith.constant 8 : i32
    %mul3A_741 = vector.broadcast %mul3A_740 : i32 to vector<16xi32>
    %mul3A_742 = arith.muli %and3A_739, %mul3A_741 : vector<16xi32>
    %add3A_743 = arith.addi %mul3A_736, %mul3A_742 : vector<16xi32>
    %shift_right_arithmetic3A_744 = arith.constant 10 : i32
    %shift_right_arithmetic3A_745 = vector.broadcast %shift_right_arithmetic3A_744 : i32 to vector<16xi32>
    %shift_right_arithmetic3A_746 = arith.shrsi %get3A_730, %shift_right_arithmetic3A_745 : vector<16xi32>
    %and3A_747 = arith.constant 7 : i32
    %and3A_748 = vector.broadcast %and3A_747 : i32 to vector<16xi32>
    %and3A_749 = arith.andi %shift_right_arithmetic3A_746, %and3A_748 : vector<16xi32>
    %add3A_750 = arith.addi %add3A_743, %and3A_749 : vector<16xi32>
    %swap3A_751 = arith.constant 1 : i32
    %swap3A_752 = arith.index_cast %swap3A_751 : i32 to index
    %swap3A_753 = arith.constant 80 : index
    %swap3A_754 = tpu.vector_load %arg10[%swap3A_752, %swap3A_753] {strides = array<i32>} : memref<4x128xi32, #tpu.memory_space<vmem>>, vector<16xi32>,
    tpu.vector_store %arg10[%swap3A_752, %swap3A_753], %add3A_750 {strides = array<i32>} : memref<4x128xi32, #tpu.memory_space<vmem>>, vector<16xi32>,
    %get3A_755 = arith.constant 1 : i32
    %get3A_756 = arith.index_cast %get3A_755 : i32 to index
    %get3A_757 = arith.constant 80 : index
    %get3A_758 = tpu.vector_load %arg9[%get3A_756, %get3A_757] {strides = array<i32>} : memref<4x128xi32, #tpu.memory_space<vmem>>, vector<16xi32>,
    %shift_right_arithmetic3A_759 = arith.constant 13 : i32
    %shift_right_arithmetic3A_760 = vector.broadcast %shift_right_arithmetic3A_759 : i32 to vector<16xi32>
    %shift_right_arithmetic3A_761 = arith.shrsi %get3A_758, %shift_right_arithmetic3A_760 : vector<16xi32>
    %mul3A_762 = arith.constant 8192 : i32
    %mul3A_763 = vector.broadcast %mul3A_762 : i32 to vector<16xi32>
    %mul3A_764 = arith.muli %shift_right_arithmetic3A_761, %mul3A_763 : vector<16xi32>
    %and3A_765 = arith.constant 1023 : i32
    %and3A_766 = vector.broadcast %and3A_765 : i32 to vector<16xi32>
    %and3A_767 = arith.andi %get3A_758, %and3A_766 : vector<16xi32>
    %mul3A_768 = arith.constant 8 : i32
    %mul3A_769 = vector.broadcast %mul3A_768 : i32 to vector<16xi32>
    %mul3A_770 = arith.muli %and3A_767, %mul3A_769 : vector<16xi32>
    %add3A_771 = arith.addi %mul3A_764, %mul3A_770 : vector<16xi32>
    %shift_right_arithmetic3A_772 = arith.constant 10 : i32
    %shift_right_arithmetic3A_773 = vector.broadcast %shift_right_arithmetic3A_772 : i32 to vector<16xi32>
    %shift_right_arithmetic3A_774 = arith.shrsi %get3A_758, %shift_right_arithmetic3A_773 : vector<16xi32>
    %and3A_775 = arith.constant 7 : i32
    %and3A_776 = vector.broadcast %and3A_775 : i32 to vector<16xi32>
    %and3A_777 = arith.andi %shift_right_arithmetic3A_774, %and3A_776 : vector<16xi32>
    %add3A_778 = arith.addi %add3A_771, %and3A_777 : vector<16xi32>
    %swap3A_779 = arith.constant 1 : i32
    %swap3A_780 = arith.index_cast %swap3A_779 : i32 to index
    %swap3A_781 = arith.constant 80 : index
    %swap3A_782 = tpu.vector_load %arg11[%swap3A_780, %swap3A_781] {strides = array<i32>} : memref<4x128xi32, #tpu.memory_space<vmem>>, vector<16xi32>,
    tpu.vector_store %arg11[%swap3A_780, %swap3A_781], %add3A_778 {strides = array<i32>} : memref<4x128xi32, #tpu.memory_space<vmem>>, vector<16xi32>,
    %get3A_783 = arith.constant 1 : i32
    %get3A_784 = arith.index_cast %get3A_783 : i32 to index
    %get3A_785 = arith.constant 96 : index
    %get3A_786 = tpu.vector_load %arg8[%get3A_784, %get3A_785] {strides = array<i32>} : memref<4x128xi32, #tpu.memory_space<vmem>>, vector<16xi32>,
    %shift_right_arithmetic3A_787 = arith.constant 13 : i32
    %shift_right_arithmetic3A_788 = vector.broadcast %shift_right_arithmetic3A_787 : i32 to vector<16xi32>
    %shift_right_arithmetic3A_789 = arith.shrsi %get3A_786, %shift_right_arithmetic3A_788 : vector<16xi32>
    %mul3A_790 = arith.constant 8192 : i32
    %mul3A_791 = vector.broadcast %mul3A_790 : i32 to vector<16xi32>
    %mul3A_792 = arith.muli %shift_right_arithmetic3A_789, %mul3A_791 : vector<16xi32>
    %and3A_793 = arith.constant 1023 : i32
    %and3A_794 = vector.broadcast %and3A_793 : i32 to vector<16xi32>
    %and3A_795 = arith.andi %get3A_786, %and3A_794 : vector<16xi32>
    %mul3A_796 = arith.constant 8 : i32
    %mul3A_797 = vector.broadcast %mul3A_796 : i32 to vector<16xi32>
    %mul3A_798 = arith.muli %and3A_795, %mul3A_797 : vector<16xi32>
    %add3A_799 = arith.addi %mul3A_792, %mul3A_798 : vector<16xi32>
    %shift_right_arithmetic3A_800 = arith.constant 10 : i32
    %shift_right_arithmetic3A_801 = vector.broadcast %shift_right_arithmetic3A_800 : i32 to vector<16xi32>
    %shift_right_arithmetic3A_802 = arith.shrsi %get3A_786, %shift_right_arithmetic3A_801 : vector<16xi32>
    %and3A_803 = arith.constant 7 : i32
    %and3A_804 = vector.broadcast %and3A_803 : i32 to vector<16xi32>
    %and3A_805 = arith.andi %shift_right_arithmetic3A_802, %and3A_804 : vector<16xi32>
    %add3A_806 = arith.addi %add3A_799, %and3A_805 : vector<16xi32>
    %swap3A_807 = arith.constant 1 : i32
    %swap3A_808 = arith.index_cast %swap3A_807 : i32 to index
    %swap3A_809 = arith.constant 96 : index
    %swap3A_810 = tpu.vector_load %arg10[%swap3A_808, %swap3A_809] {strides = array<i32>} : memref<4x128xi32, #tpu.memory_space<vmem>>, vector<16xi32>,
    tpu.vector_store %arg10[%swap3A_808, %swap3A_809], %add3A_806 {strides = array<i32>} : memref<4x128xi32, #tpu.memory_space<vmem>>, vector<16xi32>,
    %get3A_811 = arith.constant 1 : i32
    %get3A_812 = arith.index_cast %get3A_811 : i32 to index
    %get3A_813 = arith.constant 96 : index
    %get3A_814 = tpu.vector_load %arg9[%get3A_812, %get3A_813] {strides = array<i32>} : memref<4x128xi32, #tpu.memory_space<vmem>>, vector<16xi32>,
    %shift_right_arithmetic3A_815 = arith.constant 13 : i32
    %shift_right_arithmetic3A_816 = vector.broadcast %shift_right_arithmetic3A_815 : i32 to vector<16xi32>
    %shift_right_arithmetic3A_817 = arith.shrsi %get3A_814, %shift_right_arithmetic3A_816 : vector<16xi32>
    %mul3A_818 = arith.constant 8192 : i32
    %mul3A_819 = vector.broadcast %mul3A_818 : i32 to vector<16xi32>
    %mul3A_820 = arith.muli %shift_right_arithmetic3A_817, %mul3A_819 : vector<16xi32>
    %and3A_821 = arith.constant 1023 : i32
    %and3A_822 = vector.broadcast %and3A_821 : i32 to vector<16xi32>
    %and3A_823 = arith.andi %get3A_814, %and3A_822 : vector<16xi32>
    %mul3A_824 = arith.constant 8 : i32
    %mul3A_825 = vector.broadcast %mul3A_824 : i32 to vector<16xi32>
    %mul3A_826 = arith.muli %and3A_823, %mul3A_825 : vector<16xi32>
    %add3A_827 = arith.addi %mul3A_820, %mul3A_826 : vector<16xi32>
    %shift_right_arithmetic3A_828 = arith.constant 10 : i32
    %shift_right_arithmetic3A_829 = vector.broadcast %shift_right_arithmetic3A_828 : i32 to vector<16xi32>
    %shift_right_arithmetic3A_830 = arith.shrsi %get3A_814, %shift_right_arithmetic3A_829 : vector<16xi32>
    %and3A_831 = arith.constant 7 : i32
    %and3A_832 = vector.broadcast %and3A_831 : i32 to vector<16xi32>
    %and3A_833 = arith.andi %shift_right_arithmetic3A_830, %and3A_832 : vector<16xi32>
    %add3A_834 = arith.addi %add3A_827, %and3A_833 : vector<16xi32>
    %swap3A_835 = arith.constant 1 : i32
    %swap3A_836 = arith.index_cast %swap3A_835 : i32 to index
    %swap3A_837 = arith.constant 96 : index
    %swap3A_838 = tpu.vector_load %arg11[%swap3A_836, %swap3A_837] {strides = array<i32>} : memref<4x128xi32, #tpu.memory_space<vmem>>, vector<16xi32>,
    tpu.vector_store %arg11[%swap3A_836, %swap3A_837], %add3A_834 {strides = array<i32>} : memref<4x128xi32, #tpu.memory_space<vmem>>, vector<16xi32>,
    %get3A_839 = arith.constant 1 : i32
    %get3A_840 = arith.index_cast %get3A_839 : i32 to index
    %get3A_841 = arith.constant 112 : index
    %get3A_842 = tpu.vector_load %arg8[%get3A_840, %get3A_841] {strides = array<i32>} : memref<4x128xi32, #tpu.memory_space<vmem>>, vector<16xi32>,
    %shift_right_arithmetic3A_843 = arith.constant 13 : i32
    %shift_right_arithmetic3A_844 = vector.broadcast %shift_right_arithmetic3A_843 : i32 to vector<16xi32>
    %shift_right_arithmetic3A_845 = arith.shrsi %get3A_842, %shift_right_arithmetic3A_844 : vector<16xi32>
    %mul3A_846 = arith.constant 8192 : i32
    %mul3A_847 = vector.broadcast %mul3A_846 : i32 to vector<16xi32>
    %mul3A_848 = arith.muli %shift_right_arithmetic3A_845, %mul3A_847 : vector<16xi32>
    %and3A_849 = arith.constant 1023 : i32
    %and3A_850 = vector.broadcast %and3A_849 : i32 to vector<16xi32>
    %and3A_851 = arith.andi %get3A_842, %and3A_850 : vector<16xi32>
    %mul3A_852 = arith.constant 8 : i32
    %mul3A_853 = vector.broadcast %mul3A_852 : i32 to vector<16xi32>
    %mul3A_854 = arith.muli %and3A_851, %mul3A_853 : vector<16xi32>
    %add3A_855 = arith.addi %mul3A_848, %mul3A_854 : vector<16xi32>
    %shift_right_arithmetic3A_856 = arith.constant 10 : i32
    %shift_right_arithmetic3A_857 = vector.broadcast %shift_right_arithmetic3A_856 : i32 to vector<16xi32>
    %shift_right_arithmetic3A_858 = arith.shrsi %get3A_842, %shift_right_arithmetic3A_857 : vector<16xi32>
    %and3A_859 = arith.constant 7 : i32
    %and3A_860 = vector.broadcast %and3A_859 : i32 to vector<16xi32>
    %and3A_861 = arith.andi %shift_right_arithmetic3A_858, %and3A_860 : vector<16xi32>
    %add3A_862 = arith.addi %add3A_855, %and3A_861 : vector<16xi32>
    %swap3A_863 = arith.constant 1 : i32
    %swap3A_864 = arith.index_cast %swap3A_863 : i32 to index
    %swap3A_865 = arith.constant 112 : index
    %swap3A_866 = tpu.vector_load %arg10[%swap3A_864, %swap3A_865] {strides = array<i32>} : memref<4x128xi32, #tpu.memory_space<vmem>>, vector<16xi32>,
    tpu.vector_store %arg10[%swap3A_864, %swap3A_865], %add3A_862 {strides = array<i32>} : memref<4x128xi32, #tpu.memory_space<vmem>>, vector<16xi32>,
    %get3A_867 = arith.constant 1 : i32
    %get3A_868 = arith.index_cast %get3A_867 : i32 to index
    %get3A_869 = arith.constant 112 : index
    %get3A_870 = tpu.vector_load %arg9[%get3A_868, %get3A_869] {strides = array<i32>} : memref<4x128xi32, #tpu.memory_space<vmem>>, vector<16xi32>,
    %shift_right_arithmetic3A_871 = arith.constant 13 : i32
    %shift_right_arithmetic3A_872 = vector.broadcast %shift_right_arithmetic3A_871 : i32 to vector<16xi32>
    %shift_right_arithmetic3A_873 = arith.shrsi %get3A_870, %shift_right_arithmetic3A_872 : vector<16xi32>
    %mul3A_874 = arith.constant 8192 : i32
    %mul3A_875 = vector.broadcast %mul3A_874 : i32 to vector<16xi32>
    %mul3A_876 = arith.muli %shift_right_arithmetic3A_873, %mul3A_875 : vector<16xi32>
    %and3A_877 = arith.constant 1023 : i32
    %and3A_878 = vector.broadcast %and3A_877 : i32 to vector<16xi32>
    %and3A_879 = arith.andi %get3A_870, %and3A_878 : vector<16xi32>
    %mul3A_880 = arith.constant 8 : i32
    %mul3A_881 = vector.broadcast %mul3A_880 : i32 to vector<16xi32>
    %mul3A_882 = arith.muli %and3A_879, %mul3A_881 : vector<16xi32>
    %add3A_883 = arith.addi %mul3A_876, %mul3A_882 : vector<16xi32>
    %shift_right_arithmetic3A_884 = arith.constant 10 : i32
    %shift_right_arithmetic3A_885 = vector.broadcast %shift_right_arithmetic3A_884 : i32 to vector<16xi32>
    %shift_right_arithmetic3A_886 = arith.shrsi %get3A_870, %shift_right_arithmetic3A_885 : vector<16xi32>
    %and3A_887 = arith.constant 7 : i32
    %and3A_888 = vector.broadcast %and3A_887 : i32 to vector<16xi32>
    %and3A_889 = arith.andi %shift_right_arithmetic3A_886, %and3A_888 : vector<16xi32>
    %add3A_890 = arith.addi %add3A_883, %and3A_889 : vector<16xi32>
    %swap3A_891 = arith.constant 1 : i32
    %swap3A_892 = arith.index_cast %swap3A_891 : i32 to index
    %swap3A_893 = arith.constant 112 : index
    %swap3A_894 = tpu.vector_load %arg11[%swap3A_892, %swap3A_893] {strides = array<i32>} : memref<4x128xi32, #tpu.memory_space<vmem>>, vector<16xi32>,
    tpu.vector_store %arg11[%swap3A_892, %swap3A_893], %add3A_890 {strides = array<i32>} : memref<4x128xi32, #tpu.memory_space<vmem>>, vector<16xi32>,
    %get3A_895 = arith.constant 2 : i32
    %get3A_896 = arith.index_cast %get3A_895 : i32 to index
    %get3A_897 = arith.constant 0 : index
    %get3A_898 = tpu.vector_load %arg8[%get3A_896, %get3A_897] {strides = array<i32>} : memref<4x128xi32, #tpu.memory_space<vmem>>, vector<16xi32>,
    %shift_right_arithmetic3A_899 = arith.constant 13 : i32
    %shift_right_arithmetic3A_900 = vector.broadcast %shift_right_arithmetic3A_899 : i32 to vector<16xi32>
    %shift_right_arithmetic3A_901 = arith.shrsi %get3A_898, %shift_right_arithmetic3A_900 : vector<16xi32>
    %mul3A_902 = arith.constant 8192 : i32
    %mul3A_903 = vector.broadcast %mul3A_902 : i32 to vector<16xi32>
    %mul3A_904 = arith.muli %shift_right_arithmetic3A_901, %mul3A_903 : vector<16xi32>
    %and3A_905 = arith.constant 1023 : i32
    %and3A_906 = vector.broadcast %and3A_905 : i32 to vector<16xi32>
    %and3A_907 = arith.andi %get3A_898, %and3A_906 : vector<16xi32>
    %mul3A_908 = arith.constant 8 : i32
    %mul3A_909 = vector.broadcast %mul3A_908 : i32 to vector<16xi32>
    %mul3A_910 = arith.muli %and3A_907, %mul3A_909 : vector<16xi32>
    %add3A_911 = arith.addi %mul3A_904, %mul3A_910 : vector<16xi32>
    %shift_right_arithmetic3A_912 = arith.constant 10 : i32
    %shift_right_arithmetic3A_913 = vector.broadcast %shift_right_arithmetic3A_912 : i32 to vector<16xi32>
    %shift_right_arithmetic3A_914 = arith.shrsi %get3A_898, %shift_right_arithmetic3A_913 : vector<16xi32>
    %and3A_915 = arith.constant 7 : i32
    %and3A_916 = vector.broadcast %and3A_915 : i32 to vector<16xi32>
    %and3A_917 = arith.andi %shift_right_arithmetic3A_914, %and3A_916 : vector<16xi32>
    %add3A_918 = arith.addi %add3A_911, %and3A_917 : vector<16xi32>
    %swap3A_919 = arith.constant 2 : i32
    %swap3A_920 = arith.index_cast %swap3A_919 : i32 to index
    %swap3A_921 = arith.constant 0 : index
    %swap3A_922 = tpu.vector_load %arg10[%swap3A_920, %swap3A_921] {strides = array<i32>} : memref<4x128xi32, #tpu.memory_space<vmem>>, vector<16xi32>,
    tpu.vector_store %arg10[%swap3A_920, %swap3A_921], %add3A_918 {strides = array<i32>} : memref<4x128xi32, #tpu.memory_space<vmem>>, vector<16xi32>,
    %get3A_923 = arith.constant 2 : i32
    %get3A_924 = arith.index_cast %get3A_923 : i32 to index
    %get3A_925 = arith.constant 0 : index
    %get3A_926 = tpu.vector_load %arg9[%get3A_924, %get3A_925] {strides = array<i32>} : memref<4x128xi32, #tpu.memory_space<vmem>>, vector<16xi32>,
    %shift_right_arithmetic3A_927 = arith.constant 13 : i32
    %shift_right_arithmetic3A_928 = vector.broadcast %shift_right_arithmetic3A_927 : i32 to vector<16xi32>
    %shift_right_arithmetic3A_929 = arith.shrsi %get3A_926, %shift_right_arithmetic3A_928 : vector<16xi32>
    %mul3A_930 = arith.constant 8192 : i32
    %mul3A_931 = vector.broadcast %mul3A_930 : i32 to vector<16xi32>
    %mul3A_932 = arith.muli %shift_right_arithmetic3A_929, %mul3A_931 : vector<16xi32>
    %and3A_933 = arith.constant 1023 : i32
    %and3A_934 = vector.broadcast %and3A_933 : i32 to vector<16xi32>
    %and3A_935 = arith.andi %get3A_926, %and3A_934 : vector<16xi32>
    %mul3A_936 = arith.constant 8 : i32
    %mul3A_937 = vector.broadcast %mul3A_936 : i32 to vector<16xi32>
    %mul3A_938 = arith.muli %and3A_935, %mul3A_937 : vector<16xi32>
    %add3A_939 = arith.addi %mul3A_932, %mul3A_938 : vector<16xi32>
    %shift_right_arithmetic3A_940 = arith.constant 10 : i32
    %shift_right_arithmetic3A_941 = vector.broadcast %shift_right_arithmetic3A_940 : i32 to vector<16xi32>
    %shift_right_arithmetic3A_942 = arith.shrsi %get3A_926, %shift_right_arithmetic3A_941 : vector<16xi32>
    %and3A_943 = arith.constant 7 : i32
    %and3A_944 = vector.broadcast %and3A_943 : i32 to vector<16xi32>
    %and3A_945 = arith.andi %shift_right_arithmetic3A_942, %and3A_944 : vector<16xi32>
    %add3A_946 = arith.addi %add3A_939, %and3A_945 : vector<16xi32>
    %swap3A_947 = arith.constant 2 : i32
    %swap3A_948 = arith.index_cast %swap3A_947 : i32 to index
    %swap3A_949 = arith.constant 0 : index
    %swap3A_950 = tpu.vector_load %arg11[%swap3A_948, %swap3A_949] {strides = array<i32>} : memref<4x128xi32, #tpu.memory_space<vmem>>, vector<16xi32>,
    tpu.vector_store %arg11[%swap3A_948, %swap3A_949], %add3A_946 {strides = array<i32>} : memref<4x128xi32, #tpu.memory_space<vmem>>, vector<16xi32>,
    %get3A_951 = arith.constant 2 : i32
    %get3A_952 = arith.index_cast %get3A_951 : i32 to index
    %get3A_953 = arith.constant 16 : index
    %get3A_954 = tpu.vector_load %arg8[%get3A_952, %get3A_953] {strides = array<i32>} : memref<4x128xi32, #tpu.memory_space<vmem>>, vector<16xi32>,
    %shift_right_arithmetic3A_955 = arith.constant 13 : i32
    %shift_right_arithmetic3A_956 = vector.broadcast %shift_right_arithmetic3A_955 : i32 to vector<16xi32>
    %shift_right_arithmetic3A_957 = arith.shrsi %get3A_954, %shift_right_arithmetic3A_956 : vector<16xi32>
    %mul3A_958 = arith.constant 8192 : i32
    %mul3A_959 = vector.broadcast %mul3A_958 : i32 to vector<16xi32>
    %mul3A_960 = arith.muli %shift_right_arithmetic3A_957, %mul3A_959 : vector<16xi32>
    %and3A_961 = arith.constant 1023 : i32
    %and3A_962 = vector.broadcast %and3A_961 : i32 to vector<16xi32>
    %and3A_963 = arith.andi %get3A_954, %and3A_962 : vector<16xi32>
    %mul3A_964 = arith.constant 8 : i32
    %mul3A_965 = vector.broadcast %mul3A_964 : i32 to vector<16xi32>
    %mul3A_966 = arith.muli %and3A_963, %mul3A_965 : vector<16xi32>
    %add3A_967 = arith.addi %mul3A_960, %mul3A_966 : vector<16xi32>
    %shift_right_arithmetic3A_968 = arith.constant 10 : i32
    %shift_right_arithmetic3A_969 = vector.broadcast %shift_right_arithmetic3A_968 : i32 to vector<16xi32>
    %shift_right_arithmetic3A_970 = arith.shrsi %get3A_954, %shift_right_arithmetic3A_969 : vector<16xi32>
    %and3A_971 = arith.constant 7 : i32
    %and3A_972 = vector.broadcast %and3A_971 : i32 to vector<16xi32>
    %and3A_973 = arith.andi %shift_right_arithmetic3A_970, %and3A_972 : vector<16xi32>
    %add3A_974 = arith.addi %add3A_967, %and3A_973 : vector<16xi32>
    %swap3A_975 = arith.constant 2 : i32
    %swap3A_976 = arith.index_cast %swap3A_975 : i32 to index
    %swap3A_977 = arith.constant 16 : index
    %swap3A_978 = tpu.vector_load %arg10[%swap3A_976, %swap3A_977] {strides = array<i32>} : memref<4x128xi32, #tpu.memory_space<vmem>>, vector<16xi32>,
    tpu.vector_store %arg10[%swap3A_976, %swap3A_977], %add3A_974 {strides = array<i32>} : memref<4x128xi32, #tpu.memory_space<vmem>>, vector<16xi32>,
    %get3A_979 = arith.constant 2 : i32
    %get3A_980 = arith.index_cast %get3A_979 : i32 to index
    %get3A_981 = arith.constant 16 : index
    %get3A_982 = tpu.vector_load %arg9[%get3A_980, %get3A_981] {strides = array<i32>} : memref<4x128xi32, #tpu.memory_space<vmem>>, vector<16xi32>,
    %shift_right_arithmetic3A_983 = arith.constant 13 : i32
    %shift_right_arithmetic3A_984 = vector.broadcast %shift_right_arithmetic3A_983 : i32 to vector<16xi32>
    %shift_right_arithmetic3A_985 = arith.shrsi %get3A_982, %shift_right_arithmetic3A_984 : vector<16xi32>
    %mul3A_986 = arith.constant 8192 : i32
    %mul3A_987 = vector.broadcast %mul3A_986 : i32 to vector<16xi32>
    %mul3A_988 = arith.muli %shift_right_arithmetic3A_985, %mul3A_987 : vector<16xi32>
    %and3A_989 = arith.constant 1023 : i32
    %and3A_990 = vector.broadcast %and3A_989 : i32 to vector<16xi32>
    %and3A_991 = arith.andi %get3A_982, %and3A_990 : vector<16xi32>
    %mul3A_992 = arith.constant 8 : i32
    %mul3A_993 = vector.broadcast %mul3A_992 : i32 to vector<16xi32>
    %mul3A_994 = arith.muli %and3A_991, %mul3A_993 : vector<16xi32>
    %add3A_995 = arith.addi %mul3A_988, %mul3A_994 : vector<16xi32>
    %shift_right_arithmetic3A_996 = arith.constant 10 : i32
    %shift_right_arithmetic3A_997 = vector.broadcast %shift_right_arithmetic3A_996 : i32 to vector<16xi32>
    %shift_right_arithmetic3A_998 = arith.shrsi %get3A_982, %shift_right_arithmetic3A_997 : vector<16xi32>
    %and3A_999 = arith.constant 7 : i32
    %and3A_1000 = vector.broadcast %and3A_999 : i32 to vector<16xi32>
    %and3A_1001 = arith.andi %shift_right_arithmetic3A_998, %and3A_1000 : vector<16xi32>
    %add3A_1002 = arith.addi %add3A_995, %and3A_1001 : vector<16xi32>
    %swap3A_1003 = arith.constant 2 : i32
    %swap3A_1004 = arith.index_cast %swap3A_1003 : i32 to index
    %swap3A_1005 = arith.constant 16 : index
    %swap3A_1006 = tpu.vector_load %arg11[%swap3A_1004, %swap3A_1005] {strides = array<i32>} : memref<4x128xi32, #tpu.memory_space<vmem>>, vector<16xi32>,
    tpu.vector_store %arg11[%swap3A_1004, %swap3A_1005], %add3A_1002 {strides = array<i32>} : memref<4x128xi32, #tpu.memory_space<vmem>>, vector<16xi32>,
    %get3A_1007 = arith.constant 2 : i32
    %get3A_1008 = arith.index_cast %get3A_1007 : i32 to index
    %get3A_1009 = arith.constant 32 : index
    %get3A_1010 = tpu.vector_load %arg8[%get3A_1008, %get3A_1009] {strides = array<i32>} : memref<4x128xi32, #tpu.memory_space<vmem>>, vector<16xi32>,
    %shift_right_arithmetic3A_1011 = arith.constant 13 : i32
    %shift_right_arithmetic3A_1012 = vector.broadcast %shift_right_arithmetic3A_1011 : i32 to vector<16xi32>
    %shift_right_arithmetic3A_1013 = arith.shrsi %get3A_1010, %shift_right_arithmetic3A_1012 : vector<16xi32>
    %mul3A_1014 = arith.constant 8192 : i32
    %mul3A_1015 = vector.broadcast %mul3A_1014 : i32 to vector<16xi32>
    %mul3A_1016 = arith.muli %shift_right_arithmetic3A_1013, %mul3A_1015 : vector<16xi32>
    %and3A_1017 = arith.constant 1023 : i32
    %and3A_1018 = vector.broadcast %and3A_1017 : i32 to vector<16xi32>
    %and3A_1019 = arith.andi %get3A_1010, %and3A_1018 : vector<16xi32>
    %mul3A_1020 = arith.constant 8 : i32
    %mul3A_1021 = vector.broadcast %mul3A_1020 : i32 to vector<16xi32>
    %mul3A_1022 = arith.muli %and3A_1019, %mul3A_1021 : vector<16xi32>
    %add3A_1023 = arith.addi %mul3A_1016, %mul3A_1022 : vector<16xi32>
    %shift_right_arithmetic3A_1024 = arith.constant 10 : i32
    %shift_right_arithmetic3A_1025 = vector.broadcast %shift_right_arithmetic3A_1024 : i32 to vector<16xi32>
    %shift_right_arithmetic3A_1026 = arith.shrsi %get3A_1010, %shift_right_arithmetic3A_1025 : vector<16xi32>
    %and3A_1027 = arith.constant 7 : i32
    %and3A_1028 = vector.broadcast %and3A_1027 : i32 to vector<16xi32>
    %and3A_1029 = arith.andi %shift_right_arithmetic3A_1026, %and3A_1028 : vector<16xi32>
    %add3A_1030 = arith.addi %add3A_1023, %and3A_1029 : vector<16xi32>
    %swap3A_1031 = arith.constant 2 : i32
    %swap3A_1032 = arith.index_cast %swap3A_1031 : i32 to index
    %swap3A_1033 = arith.constant 32 : index
    %swap3A_1034 = tpu.vector_load %arg10[%swap3A_1032, %swap3A_1033] {strides = array<i32>} : memref<4x128xi32, #tpu.memory_space<vmem>>, vector<16xi32>,
    tpu.vector_store %arg10[%swap3A_1032, %swap3A_1033], %add3A_1030 {strides = array<i32>} : memref<4x128xi32, #tpu.memory_space<vmem>>, vector<16xi32>,
    %get3A_1035 = arith.constant 2 : i32
    %get3A_1036 = arith.index_cast %get3A_1035 : i32 to index
    %get3A_1037 = arith.constant 32 : index
    %get3A_1038 = tpu.vector_load %arg9[%get3A_1036, %get3A_1037] {strides = array<i32>} : memref<4x128xi32, #tpu.memory_space<vmem>>, vector<16xi32>,
    %shift_right_arithmetic3A_1039 = arith.constant 13 : i32
    %shift_right_arithmetic3A_1040 = vector.broadcast %shift_right_arithmetic3A_1039 : i32 to vector<16xi32>
    %shift_right_arithmetic3A_1041 = arith.shrsi %get3A_1038, %shift_right_arithmetic3A_1040 : vector<16xi32>
    %mul3A_1042 = arith.constant 8192 : i32
    %mul3A_1043 = vector.broadcast %mul3A_1042 : i32 to vector<16xi32>
    %mul3A_1044 = arith.muli %shift_right_arithmetic3A_1041, %mul3A_1043 : vector<16xi32>
    %and3A_1045 = arith.constant 1023 : i32
    %and3A_1046 = vector.broadcast %and3A_1045 : i32 to vector<16xi32>
    %and3A_1047 = arith.andi %get3A_1038, %and3A_1046 : vector<16xi32>
    %mul3A_1048 = arith.constant 8 : i32
    %mul3A_1049 = vector.broadcast %mul3A_1048 : i32 to vector<16xi32>
    %mul3A_1050 = arith.muli %and3A_1047, %mul3A_1049 : vector<16xi32>
    %add3A_1051 = arith.addi %mul3A_1044, %mul3A_1050 : vector<16xi32>
    %shift_right_arithmetic3A_1052 = arith.constant 10 : i32
    %shift_right_arithmetic3A_1053 = vector.broadcast %shift_right_arithmetic3A_1052 : i32 to vector<16xi32>
    %shift_right_arithmetic3A_1054 = arith.shrsi %get3A_1038, %shift_right_arithmetic3A_1053 : vector<16xi32>
    %and3A_1055 = arith.constant 7 : i32
    %and3A_1056 = vector.broadcast %and3A_1055 : i32 to vector<16xi32>
    %and3A_1057 = arith.andi %shift_right_arithmetic3A_1054, %and3A_1056 : vector<16xi32>
    %add3A_1058 = arith.addi %add3A_1051, %and3A_1057 : vector<16xi32>
    %swap3A_1059 = arith.constant 2 : i32
    %swap3A_1060 = arith.index_cast %swap3A_1059 : i32 to index
    %swap3A_1061 = arith.constant 32 : index
    %swap3A_1062 = tpu.vector_load %arg11[%swap3A_1060, %swap3A_1061] {strides = array<i32>} : memref<4x128xi32, #tpu.memory_space<vmem>>, vector<16xi32>,
    tpu.vector_store %arg11[%swap3A_1060, %swap3A_1061], %add3A_1058 {strides = array<i32>} : memref<4x128xi32, #tpu.memory_space<vmem>>, vector<16xi32>,
    %get3A_1063 = arith.constant 2 : i32
    %get3A_1064 = arith.index_cast %get3A_1063 : i32 to index
    %get3A_1065 = arith.constant 48 : index
    %get3A_1066 = tpu.vector_load %arg8[%get3A_1064, %get3A_1065] {strides = array<i32>} : memref<4x128xi32, #tpu.memory_space<vmem>>, vector<16xi32>,
    %shift_right_arithmetic3A_1067 = arith.constant 13 : i32
    %shift_right_arithmetic3A_1068 = vector.broadcast %shift_right_arithmetic3A_1067 : i32 to vector<16xi32>
    %shift_right_arithmetic3A_1069 = arith.shrsi %get3A_1066, %shift_right_arithmetic3A_1068 : vector<16xi32>
    %mul3A_1070 = arith.constant 8192 : i32
    %mul3A_1071 = vector.broadcast %mul3A_1070 : i32 to vector<16xi32>
    %mul3A_1072 = arith.muli %shift_right_arithmetic3A_1069, %mul3A_1071 : vector<16xi32>
    %and3A_1073 = arith.constant 1023 : i32
    %and3A_1074 = vector.broadcast %and3A_1073 : i32 to vector<16xi32>
    %and3A_1075 = arith.andi %get3A_1066, %and3A_1074 : vector<16xi32>
    %mul3A_1076 = arith.constant 8 : i32
    %mul3A_1077 = vector.broadcast %mul3A_1076 : i32 to vector<16xi32>
    %mul3A_1078 = arith.muli %and3A_1075, %mul3A_1077 : vector<16xi32>
    %add3A_1079 = arith.addi %mul3A_1072, %mul3A_1078 : vector<16xi32>
    %shift_right_arithmetic3A_1080 = arith.constant 10 : i32
    %shift_right_arithmetic3A_1081 = vector.broadcast %shift_right_arithmetic3A_1080 : i32 to vector<16xi32>
    %shift_right_arithmetic3A_1082 = arith.shrsi %get3A_1066, %shift_right_arithmetic3A_1081 : vector<16xi32>
    %and3A_1083 = arith.constant 7 : i32
    %and3A_1084 = vector.broadcast %and3A_1083 : i32 to vector<16xi32>
    %and3A_1085 = arith.andi %shift_right_arithmetic3A_1082, %and3A_1084 : vector<16xi32>
    %add3A_1086 = arith.addi %add3A_1079, %and3A_1085 : vector<16xi32>
    %swap3A_1087 = arith.constant 2 : i32
    %swap3A_1088 = arith.index_cast %swap3A_1087 : i32 to index
    %swap3A_1089 = arith.constant 48 : index
    %swap3A_1090 = tpu.vector_load %arg10[%swap3A_1088, %swap3A_1089] {strides = array<i32>} : memref<4x128xi32, #tpu.memory_space<vmem>>, vector<16xi32>,
    tpu.vector_store %arg10[%swap3A_1088, %swap3A_1089], %add3A_1086 {strides = array<i32>} : memref<4x128xi32, #tpu.memory_space<vmem>>, vector<16xi32>,
    %get3A_1091 = arith.constant 2 : i32
    %get3A_1092 = arith.index_cast %get3A_1091 : i32 to index
    %get3A_1093 = arith.constant 48 : index
    %get3A_1094 = tpu.vector_load %arg9[%get3A_1092, %get3A_1093] {strides = array<i32>} : memref<4x128xi32, #tpu.memory_space<vmem>>, vector<16xi32>,
    %shift_right_arithmetic3A_1095 = arith.constant 13 : i32
    %shift_right_arithmetic3A_1096 = vector.broadcast %shift_right_arithmetic3A_1095 : i32 to vector<16xi32>
    %shift_right_arithmetic3A_1097 = arith.shrsi %get3A_1094, %shift_right_arithmetic3A_1096 : vector<16xi32>
    %mul3A_1098 = arith.constant 8192 : i32
    %mul3A_1099 = vector.broadcast %mul3A_1098 : i32 to vector<16xi32>
    %mul3A_1100 = arith.muli %shift_right_arithmetic3A_1097, %mul3A_1099 : vector<16xi32>
    %and3A_1101 = arith.constant 1023 : i32
    %and3A_1102 = vector.broadcast %and3A_1101 : i32 to vector<16xi32>
    %and3A_1103 = arith.andi %get3A_1094, %and3A_1102 : vector<16xi32>
    %mul3A_1104 = arith.constant 8 : i32
    %mul3A_1105 = vector.broadcast %mul3A_1104 : i32 to vector<16xi32>
    %mul3A_1106 = arith.muli %and3A_1103, %mul3A_1105 : vector<16xi32>
    %add3A_1107 = arith.addi %mul3A_1100, %mul3A_1106 : vector<16xi32>
    %shift_right_arithmetic3A_1108 = arith.constant 10 : i32
    %shift_right_arithmetic3A_1109 = vector.broadcast %shift_right_arithmetic3A_1108 : i32 to vector<16xi32>
    %shift_right_arithmetic3A_1110 = arith.shrsi %get3A_1094, %shift_right_arithmetic3A_1109 : vector<16xi32>
    %and3A_1111 = arith.constant 7 : i32
    %and3A_1112 = vector.broadcast %and3A_1111 : i32 to vector<16xi32>
    %and3A_1113 = arith.andi %shift_right_arithmetic3A_1110, %and3A_1112 : vector<16xi32>
    %add3A_1114 = arith.addi %add3A_1107, %and3A_1113 : vector<16xi32>
    %swap3A_1115 = arith.constant 2 : i32
    %swap3A_1116 = arith.index_cast %swap3A_1115 : i32 to index
    %swap3A_1117 = arith.constant 48 : index
    %swap3A_1118 = tpu.vector_load %arg11[%swap3A_1116, %swap3A_1117] {strides = array<i32>} : memref<4x128xi32, #tpu.memory_space<vmem>>, vector<16xi32>,
    tpu.vector_store %arg11[%swap3A_1116, %swap3A_1117], %add3A_1114 {strides = array<i32>} : memref<4x128xi32, #tpu.memory_space<vmem>>, vector<16xi32>,
    %get3A_1119 = arith.constant 2 : i32
    %get3A_1120 = arith.index_cast %get3A_1119 : i32 to index
    %get3A_1121 = arith.constant 64 : index
    %get3A_1122 = tpu.vector_load %arg8[%get3A_1120, %get3A_1121] {strides = array<i32>} : memref<4x128xi32, #tpu.memory_space<vmem>>, vector<16xi32>,
    %shift_right_arithmetic3A_1123 = arith.constant 13 : i32
    %shift_right_arithmetic3A_1124 = vector.broadcast %shift_right_arithmetic3A_1123 : i32 to vector<16xi32>
    %shift_right_arithmetic3A_1125 = arith.shrsi %get3A_1122, %shift_right_arithmetic3A_1124 : vector<16xi32>
    %mul3A_1126 = arith.constant 8192 : i32
    %mul3A_1127 = vector.broadcast %mul3A_1126 : i32 to vector<16xi32>
    %mul3A_1128 = arith.muli %shift_right_arithmetic3A_1125, %mul3A_1127 : vector<16xi32>
    %and3A_1129 = arith.constant 1023 : i32
    %and3A_1130 = vector.broadcast %and3A_1129 : i32 to vector<16xi32>
    %and3A_1131 = arith.andi %get3A_1122, %and3A_1130 : vector<16xi32>
    %mul3A_1132 = arith.constant 8 : i32
    %mul3A_1133 = vector.broadcast %mul3A_1132 : i32 to vector<16xi32>
    %mul3A_1134 = arith.muli %and3A_1131, %mul3A_1133 : vector<16xi32>
    %add3A_1135 = arith.addi %mul3A_1128, %mul3A_1134 : vector<16xi32>
    %shift_right_arithmetic3A_1136 = arith.constant 10 : i32
    %shift_right_arithmetic3A_1137 = vector.broadcast %shift_right_arithmetic3A_1136 : i32 to vector<16xi32>
    %shift_right_arithmetic3A_1138 = arith.shrsi %get3A_1122, %shift_right_arithmetic3A_1137 : vector<16xi32>
    %and3A_1139 = arith.constant 7 : i32
    %and3A_1140 = vector.broadcast %and3A_1139 : i32 to vector<16xi32>
    %and3A_1141 = arith.andi %shift_right_arithmetic3A_1138, %and3A_1140 : vector<16xi32>
    %add3A_1142 = arith.addi %add3A_1135, %and3A_1141 : vector<16xi32>
    %swap3A_1143 = arith.constant 2 : i32
    %swap3A_1144 = arith.index_cast %swap3A_1143 : i32 to index
    %swap3A_1145 = arith.constant 64 : index
    %swap3A_1146 = tpu.vector_load %arg10[%swap3A_1144, %swap3A_1145] {strides = array<i32>} : memref<4x128xi32, #tpu.memory_space<vmem>>, vector<16xi32>,
    tpu.vector_store %arg10[%swap3A_1144, %swap3A_1145], %add3A_1142 {strides = array<i32>} : memref<4x128xi32, #tpu.memory_space<vmem>>, vector<16xi32>,
    %get3A_1147 = arith.constant 2 : i32
    %get3A_1148 = arith.index_cast %get3A_1147 : i32 to index
    %get3A_1149 = arith.constant 64 : index
    %get3A_1150 = tpu.vector_load %arg9[%get3A_1148, %get3A_1149] {strides = array<i32>} : memref<4x128xi32, #tpu.memory_space<vmem>>, vector<16xi32>,
    %shift_right_arithmetic3A_1151 = arith.constant 13 : i32
    %shift_right_arithmetic3A_1152 = vector.broadcast %shift_right_arithmetic3A_1151 : i32 to vector<16xi32>
    %shift_right_arithmetic3A_1153 = arith.shrsi %get3A_1150, %shift_right_arithmetic3A_1152 : vector<16xi32>
    %mul3A_1154 = arith.constant 8192 : i32
    %mul3A_1155 = vector.broadcast %mul3A_1154 : i32 to vector<16xi32>
    %mul3A_1156 = arith.muli %shift_right_arithmetic3A_1153, %mul3A_1155 : vector<16xi32>
    %and3A_1157 = arith.constant 1023 : i32
    %and3A_1158 = vector.broadcast %and3A_1157 : i32 to vector<16xi32>
    %and3A_1159 = arith.andi %get3A_1150, %and3A_1158 : vector<16xi32>
    %mul3A_1160 = arith.constant 8 : i32
    %mul3A_1161 = vector.broadcast %mul3A_1160 : i32 to vector<16xi32>
    %mul3A_1162 = arith.muli %and3A_1159, %mul3A_1161 : vector<16xi32>
    %add3A_1163 = arith.addi %mul3A_1156, %mul3A_1162 : vector<16xi32>
    %shift_right_arithmetic3A_1164 = arith.constant 10 : i32
    %shift_right_arithmetic3A_1165 = vector.broadcast %shift_right_arithmetic3A_1164 : i32 to vector<16xi32>
    %shift_right_arithmetic3A_1166 = arith.shrsi %get3A_1150, %shift_right_arithmetic3A_1165 : vector<16xi32>
    %and3A_1167 = arith.constant 7 : i32
    %and3A_1168 = vector.broadcast %and3A_1167 : i32 to vector<16xi32>
    %and3A_1169 = arith.andi %shift_right_arithmetic3A_1166, %and3A_1168 : vector<16xi32>
    %add3A_1170 = arith.addi %add3A_1163, %and3A_1169 : vector<16xi32>
    %swap3A_1171 = arith.constant 2 : i32
    %swap3A_1172 = arith.index_cast %swap3A_1171 : i32 to index
    %swap3A_1173 = arith.constant 64 : index
    %swap3A_1174 = tpu.vector_load %arg11[%swap3A_1172, %swap3A_1173] {strides = array<i32>} : memref<4x128xi32, #tpu.memory_space<vmem>>, vector<16xi32>,
    tpu.vector_store %arg11[%swap3A_1172, %swap3A_1173], %add3A_1170 {strides = array<i32>} : memref<4x128xi32, #tpu.memory_space<vmem>>, vector<16xi32>,
    %get3A_1175 = arith.constant 2 : i32
    %get3A_1176 = arith.index_cast %get3A_1175 : i32 to index
    %get3A_1177 = arith.constant 80 : index
    %get3A_1178 = tpu.vector_load %arg8[%get3A_1176, %get3A_1177] {strides = array<i32>} : memref<4x128xi32, #tpu.memory_space<vmem>>, vector<16xi32>,
    %shift_right_arithmetic3A_1179 = arith.constant 13 : i32
    %shift_right_arithmetic3A_1180 = vector.broadcast %shift_right_arithmetic3A_1179 : i32 to vector<16xi32>
    %shift_right_arithmetic3A_1181 = arith.shrsi %get3A_1178, %shift_right_arithmetic3A_1180 : vector<16xi32>
    %mul3A_1182 = arith.constant 8192 : i32
    %mul3A_1183 = vector.broadcast %mul3A_1182 : i32 to vector<16xi32>
    %mul3A_1184 = arith.muli %shift_right_arithmetic3A_1181, %mul3A_1183 : vector<16xi32>
    %and3A_1185 = arith.constant 1023 : i32
    %and3A_1186 = vector.broadcast %and3A_1185 : i32 to vector<16xi32>
    %and3A_1187 = arith.andi %get3A_1178, %and3A_1186 : vector<16xi32>
    %mul3A_1188 = arith.constant 8 : i32
    %mul3A_1189 = vector.broadcast %mul3A_1188 : i32 to vector<16xi32>
    %mul3A_1190 = arith.muli %and3A_1187, %mul3A_1189 : vector<16xi32>
    %add3A_1191 = arith.addi %mul3A_1184, %mul3A_1190 : vector<16xi32>
    %shift_right_arithmetic3A_1192 = arith.constant 10 : i32
    %shift_right_arithmetic3A_1193 = vector.broadcast %shift_right_arithmetic3A_1192 : i32 to vector<16xi32>
    %shift_right_arithmetic3A_1194 = arith.shrsi %get3A_1178, %shift_right_arithmetic3A_1193 : vector<16xi32>
    %and3A_1195 = arith.constant 7 : i32
    %and3A_1196 = vector.broadcast %and3A_1195 : i32 to vector<16xi32>
    %and3A_1197 = arith.andi %shift_right_arithmetic3A_1194, %and3A_1196 : vector<16xi32>
    %add3A_1198 = arith.addi %add3A_1191, %and3A_1197 : vector<16xi32>
    %swap3A_1199 = arith.constant 2 : i32
    %swap3A_1200 = arith.index_cast %swap3A_1199 : i32 to index
    %swap3A_1201 = arith.constant 80 : index
    %swap3A_1202 = tpu.vector_load %arg10[%swap3A_1200, %swap3A_1201] {strides = array<i32>} : memref<4x128xi32, #tpu.memory_space<vmem>>, vector<16xi32>,
    tpu.vector_store %arg10[%swap3A_1200, %swap3A_1201], %add3A_1198 {strides = array<i32>} : memref<4x128xi32, #tpu.memory_space<vmem>>, vector<16xi32>,
    %get3A_1203 = arith.constant 2 : i32
    %get3A_1204 = arith.index_cast %get3A_1203 : i32 to index
    %get3A_1205 = arith.constant 80 : index
    %get3A_1206 = tpu.vector_load %arg9[%get3A_1204, %get3A_1205] {strides = array<i32>} : memref<4x128xi32, #tpu.memory_space<vmem>>, vector<16xi32>,
    %shift_right_arithmetic3A_1207 = arith.constant 13 : i32
    %shift_right_arithmetic3A_1208 = vector.broadcast %shift_right_arithmetic3A_1207 : i32 to vector<16xi32>
    %shift_right_arithmetic3A_1209 = arith.shrsi %get3A_1206, %shift_right_arithmetic3A_1208 : vector<16xi32>
    %mul3A_1210 = arith.constant 8192 : i32
    %mul3A_1211 = vector.broadcast %mul3A_1210 : i32 to vector<16xi32>
    %mul3A_1212 = arith.muli %shift_right_arithmetic3A_1209, %mul3A_1211 : vector<16xi32>
    %and3A_1213 = arith.constant 1023 : i32
    %and3A_1214 = vector.broadcast %and3A_1213 : i32 to vector<16xi32>
    %and3A_1215 = arith.andi %get3A_1206, %and3A_1214 : vector<16xi32>
    %mul3A_1216 = arith.constant 8 : i32
    %mul3A_1217 = vector.broadcast %mul3A_1216 : i32 to vector<16xi32>
    %mul3A_1218 = arith.muli %and3A_1215, %mul3A_1217 : vector<16xi32>
    %add3A_1219 = arith.addi %mul3A_1212, %mul3A_1218 : vector<16xi32>
    %shift_right_arithmetic3A_1220 = arith.constant 10 : i32
    %shift_right_arithmetic3A_1221 = vector.broadcast %shift_right_arithmetic3A_1220 : i32 to vector<16xi32>
    %shift_right_arithmetic3A_1222 = arith.shrsi %get3A_1206, %shift_right_arithmetic3A_1221 : vector<16xi32>
    %and3A_1223 = arith.constant 7 : i32
    %and3A_1224 = vector.broadcast %and3A_1223 : i32 to vector<16xi32>
    %and3A_1225 = arith.andi %shift_right_arithmetic3A_1222, %and3A_1224 : vector<16xi32>
    %add3A_1226 = arith.addi %add3A_1219, %and3A_1225 : vector<16xi32>
    %swap3A_1227 = arith.constant 2 : i32
    %swap3A_1228 = arith.index_cast %swap3A_1227 : i32 to index
    %swap3A_1229 = arith.constant 80 : index
    %swap3A_1230 = tpu.vector_load %arg11[%swap3A_1228, %swap3A_1229] {strides = array<i32>} : memref<4x128xi32, #tpu.memory_space<vmem>>, vector<16xi32>,
    tpu.vector_store %arg11[%swap3A_1228, %swap3A_1229], %add3A_1226 {strides = array<i32>} : memref<4x128xi32, #tpu.memory_space<vmem>>, vector<16xi32>,
    %get3A_1231 = arith.constant 2 : i32
    %get3A_1232 = arith.index_cast %get3A_1231 : i32 to index
    %get3A_1233 = arith.constant 96 : index
    %get3A_1234 = tpu.vector_load %arg8[%get3A_1232, %get3A_1233] {strides = array<i32>} : memref<4x128xi32, #tpu.memory_space<vmem>>, vector<16xi32>,
    %shift_right_arithmetic3A_1235 = arith.constant 13 : i32
    %shift_right_arithmetic3A_1236 = vector.broadcast %shift_right_arithmetic3A_1235 : i32 to vector<16xi32>
    %shift_right_arithmetic3A_1237 = arith.shrsi %get3A_1234, %shift_right_arithmetic3A_1236 : vector<16xi32>
    %mul3A_1238 = arith.constant 8192 : i32
    %mul3A_1239 = vector.broadcast %mul3A_1238 : i32 to vector<16xi32>
    %mul3A_1240 = arith.muli %shift_right_arithmetic3A_1237, %mul3A_1239 : vector<16xi32>
    %and3A_1241 = arith.constant 1023 : i32
    %and3A_1242 = vector.broadcast %and3A_1241 : i32 to vector<16xi32>
    %and3A_1243 = arith.andi %get3A_1234, %and3A_1242 : vector<16xi32>
    %mul3A_1244 = arith.constant 8 : i32
    %mul3A_1245 = vector.broadcast %mul3A_1244 : i32 to vector<16xi32>
    %mul3A_1246 = arith.muli %and3A_1243, %mul3A_1245 : vector<16xi32>
    %add3A_1247 = arith.addi %mul3A_1240, %mul3A_1246 : vector<16xi32>
    %shift_right_arithmetic3A_1248 = arith.constant 10 : i32
    %shift_right_arithmetic3A_1249 = vector.broadcast %shift_right_arithmetic3A_1248 : i32 to vector<16xi32>
    %shift_right_arithmetic3A_1250 = arith.shrsi %get3A_1234, %shift_right_arithmetic3A_1249 : vector<16xi32>
    %and3A_1251 = arith.constant 7 : i32
    %and3A_1252 = vector.broadcast %and3A_1251 : i32 to vector<16xi32>
    %and3A_1253 = arith.andi %shift_right_arithmetic3A_1250, %and3A_1252 : vector<16xi32>
    %add3A_1254 = arith.addi %add3A_1247, %and3A_1253 : vector<16xi32>
    %swap3A_1255 = arith.constant 2 : i32
    %swap3A_1256 = arith.index_cast %swap3A_1255 : i32 to index
    %swap3A_1257 = arith.constant 96 : index
    %swap3A_1258 = tpu.vector_load %arg10[%swap3A_1256, %swap3A_1257] {strides = array<i32>} : memref<4x128xi32, #tpu.memory_space<vmem>>, vector<16xi32>,
    tpu.vector_store %arg10[%swap3A_1256, %swap3A_1257], %add3A_1254 {strides = array<i32>} : memref<4x128xi32, #tpu.memory_space<vmem>>, vector<16xi32>,
    %get3A_1259 = arith.constant 2 : i32
    %get3A_1260 = arith.index_cast %get3A_1259 : i32 to index
    %get3A_1261 = arith.constant 96 : index
    %get3A_1262 = tpu.vector_load %arg9[%get3A_1260, %get3A_1261] {strides = array<i32>} : memref<4x128xi32, #tpu.memory_space<vmem>>, vector<16xi32>,
    %shift_right_arithmetic3A_1263 = arith.constant 13 : i32
    %shift_right_arithmetic3A_1264 = vector.broadcast %shift_right_arithmetic3A_1263 : i32 to vector<16xi32>
    %shift_right_arithmetic3A_1265 = arith.shrsi %get3A_1262, %shift_right_arithmetic3A_1264 : vector<16xi32>
    %mul3A_1266 = arith.constant 8192 : i32
    %mul3A_1267 = vector.broadcast %mul3A_1266 : i32 to vector<16xi32>
    %mul3A_1268 = arith.muli %shift_right_arithmetic3A_1265, %mul3A_1267 : vector<16xi32>
    %and3A_1269 = arith.constant 1023 : i32
    %and3A_1270 = vector.broadcast %and3A_1269 : i32 to vector<16xi32>
    %and3A_1271 = arith.andi %get3A_1262, %and3A_1270 : vector<16xi32>
    %mul3A_1272 = arith.constant 8 : i32
    %mul3A_1273 = vector.broadcast %mul3A_1272 : i32 to vector<16xi32>
    %mul3A_1274 = arith.muli %and3A_1271, %mul3A_1273 : vector<16xi32>
    %add3A_1275 = arith.addi %mul3A_1268, %mul3A_1274 : vector<16xi32>
    %shift_right_arithmetic3A_1276 = arith.constant 10 : i32
    %shift_right_arithmetic3A_1277 = vector.broadcast %shift_right_arithmetic3A_1276 : i32 to vector<16xi32>
    %shift_right_arithmetic3A_1278 = arith.shrsi %get3A_1262, %shift_right_arithmetic3A_1277 : vector<16xi32>
    %and3A_1279 = arith.constant 7 : i32
    %and3A_1280 = vector.broadcast %and3A_1279 : i32 to vector<16xi32>
    %and3A_1281 = arith.andi %shift_right_arithmetic3A_1278, %and3A_1280 : vector<16xi32>
    %add3A_1282 = arith.addi %add3A_1275, %and3A_1281 : vector<16xi32>
    %swap3A_1283 = arith.constant 2 : i32
    %swap3A_1284 = arith.index_cast %swap3A_1283 : i32 to index
    %swap3A_1285 = arith.constant 96 : index
    %swap3A_1286 = tpu.vector_load %arg11[%swap3A_1284, %swap3A_1285] {strides = array<i32>} : memref<4x128xi32, #tpu.memory_space<vmem>>, vector<16xi32>,
    tpu.vector_store %arg11[%swap3A_1284, %swap3A_1285], %add3A_1282 {strides = array<i32>} : memref<4x128xi32, #tpu.memory_space<vmem>>, vector<16xi32>,
    %get3A_1287 = arith.constant 2 : i32
    %get3A_1288 = arith.index_cast %get3A_1287 : i32 to index
    %get3A_1289 = arith.constant 112 : index
    %get3A_1290 = tpu.vector_load %arg8[%get3A_1288, %get3A_1289] {strides = array<i32>} : memref<4x128xi32, #tpu.memory_space<vmem>>, vector<16xi32>,
    %shift_right_arithmetic3A_1291 = arith.constant 13 : i32
    %shift_right_arithmetic3A_1292 = vector.broadcast %shift_right_arithmetic3A_1291 : i32 to vector<16xi32>
    %shift_right_arithmetic3A_1293 = arith.shrsi %get3A_1290, %shift_right_arithmetic3A_1292 : vector<16xi32>
    %mul3A_1294 = arith.constant 8192 : i32
    %mul3A_1295 = vector.broadcast %mul3A_1294 : i32 to vector<16xi32>
    %mul3A_1296 = arith.muli %shift_right_arithmetic3A_1293, %mul3A_1295 : vector<16xi32>
    %and3A_1297 = arith.constant 1023 : i32
    %and3A_1298 = vector.broadcast %and3A_1297 : i32 to vector<16xi32>
    %and3A_1299 = arith.andi %get3A_1290, %and3A_1298 : vector<16xi32>
    %mul3A_1300 = arith.constant 8 : i32
    %mul3A_1301 = vector.broadcast %mul3A_1300 : i32 to vector<16xi32>
    %mul3A_1302 = arith.muli %and3A_1299, %mul3A_1301 : vector<16xi32>
    %add3A_1303 = arith.addi %mul3A_1296, %mul3A_1302 : vector<16xi32>
    %shift_right_arithmetic3A_1304 = arith.constant 10 : i32
    %shift_right_arithmetic3A_1305 = vector.broadcast %shift_right_arithmetic3A_1304 : i32 to vector<16xi32>
    %shift_right_arithmetic3A_1306 = arith.shrsi %get3A_1290, %shift_right_arithmetic3A_1305 : vector<16xi32>
    %and3A_1307 = arith.constant 7 : i32
    %and3A_1308 = vector.broadcast %and3A_1307 : i32 to vector<16xi32>
    %and3A_1309 = arith.andi %shift_right_arithmetic3A_1306, %and3A_1308 : vector<16xi32>
    %add3A_1310 = arith.addi %add3A_1303, %and3A_1309 : vector<16xi32>
    %swap3A_1311 = arith.constant 2 : i32
    %swap3A_1312 = arith.index_cast %swap3A_1311 : i32 to index
    %swap3A_1313 = arith.constant 112 : index
    %swap3A_1314 = tpu.vector_load %arg10[%swap3A_1312, %swap3A_1313] {strides = array<i32>} : memref<4x128xi32, #tpu.memory_space<vmem>>, vector<16xi32>,
    tpu.vector_store %arg10[%swap3A_1312, %swap3A_1313], %add3A_1310 {strides = array<i32>} : memref<4x128xi32, #tpu.memory_space<vmem>>, vector<16xi32>,
    %get3A_1315 = arith.constant 2 : i32
    %get3A_1316 = arith.index_cast %get3A_1315 : i32 to index
    %get3A_1317 = arith.constant 112 : index
    %get3A_1318 = tpu.vector_load %arg9[%get3A_1316, %get3A_1317] {strides = array<i32>} : memref<4x128xi32, #tpu.memory_space<vmem>>, vector<16xi32>,
    %shift_right_arithmetic3A_1319 = arith.constant 13 : i32
    %shift_right_arithmetic3A_1320 = vector.broadcast %shift_right_arithmetic3A_1319 : i32 to vector<16xi32>
    %shift_right_arithmetic3A_1321 = arith.shrsi %get3A_1318, %shift_right_arithmetic3A_1320 : vector<16xi32>
    %mul3A_1322 = arith.constant 8192 : i32
    %mul3A_1323 = vector.broadcast %mul3A_1322 : i32 to vector<16xi32>
    %mul3A_1324 = arith.muli %shift_right_arithmetic3A_1321, %mul3A_1323 : vector<16xi32>
    %and3A_1325 = arith.constant 1023 : i32
    %and3A_1326 = vector.broadcast %and3A_1325 : i32 to vector<16xi32>
    %and3A_1327 = arith.andi %get3A_1318, %and3A_1326 : vector<16xi32>
    %mul3A_1328 = arith.constant 8 : i32
    %mul3A_1329 = vector.broadcast %mul3A_1328 : i32 to vector<16xi32>
    %mul3A_1330 = arith.muli %and3A_1327, %mul3A_1329 : vector<16xi32>
    %add3A_1331 = arith.addi %mul3A_1324, %mul3A_1330 : vector<16xi32>
    %shift_right_arithmetic3A_1332 = arith.constant 10 : i32
    %shift_right_arithmetic3A_1333 = vector.broadcast %shift_right_arithmetic3A_1332 : i32 to vector<16xi32>
    %shift_right_arithmetic3A_1334 = arith.shrsi %get3A_1318, %shift_right_arithmetic3A_1333 : vector<16xi32>
    %and3A_1335 = arith.constant 7 : i32
    %and3A_1336 = vector.broadcast %and3A_1335 : i32 to vector<16xi32>
    %and3A_1337 = arith.andi %shift_right_arithmetic3A_1334, %and3A_1336 : vector<16xi32>
    %add3A_1338 = arith.addi %add3A_1331, %and3A_1337 : vector<16xi32>
    %swap3A_1339 = arith.constant 2 : i32
    %swap3A_1340 = arith.index_cast %swap3A_1339 : i32 to index
    %swap3A_1341 = arith.constant 112 : index
    %swap3A_1342 = tpu.vector_load %arg11[%swap3A_1340, %swap3A_1341] {strides = array<i32>} : memref<4x128xi32, #tpu.memory_space<vmem>>, vector<16xi32>,
    tpu.vector_store %arg11[%swap3A_1340, %swap3A_1341], %add3A_1338 {strides = array<i32>} : memref<4x128xi32, #tpu.memory_space<vmem>>, vector<16xi32>,
    %get3A_1343 = arith.constant 3 : i32
    %get3A_1344 = arith.index_cast %get3A_1343 : i32 to index
    %get3A_1345 = arith.constant 0 : index
    %get3A_1346 = tpu.vector_load %arg8[%get3A_1344, %get3A_1345] {strides = array<i32>} : memref<4x128xi32, #tpu.memory_space<vmem>>, vector<16xi32>,
    %shift_right_arithmetic3A_1347 = arith.constant 13 : i32
    %shift_right_arithmetic3A_1348 = vector.broadcast %shift_right_arithmetic3A_1347 : i32 to vector<16xi32>
    %shift_right_arithmetic3A_1349 = arith.shrsi %get3A_1346, %shift_right_arithmetic3A_1348 : vector<16xi32>
    %mul3A_1350 = arith.constant 8192 : i32
    %mul3A_1351 = vector.broadcast %mul3A_1350 : i32 to vector<16xi32>
    %mul3A_1352 = arith.muli %shift_right_arithmetic3A_1349, %mul3A_1351 : vector<16xi32>
    %and3A_1353 = arith.constant 1023 : i32
    %and3A_1354 = vector.broadcast %and3A_1353 : i32 to vector<16xi32>
    %and3A_1355 = arith.andi %get3A_1346, %and3A_1354 : vector<16xi32>
    %mul3A_1356 = arith.constant 8 : i32
    %mul3A_1357 = vector.broadcast %mul3A_1356 : i32 to vector<16xi32>
    %mul3A_1358 = arith.muli %and3A_1355, %mul3A_1357 : vector<16xi32>
    %add3A_1359 = arith.addi %mul3A_1352, %mul3A_1358 : vector<16xi32>
    %shift_right_arithmetic3A_1360 = arith.constant 10 : i32
    %shift_right_arithmetic3A_1361 = vector.broadcast %shift_right_arithmetic3A_1360 : i32 to vector<16xi32>
    %shift_right_arithmetic3A_1362 = arith.shrsi %get3A_1346, %shift_right_arithmetic3A_1361 : vector<16xi32>
    %and3A_1363 = arith.constant 7 : i32
    %and3A_1364 = vector.broadcast %and3A_1363 : i32 to vector<16xi32>
    %and3A_1365 = arith.andi %shift_right_arithmetic3A_1362, %and3A_1364 : vector<16xi32>
    %add3A_1366 = arith.addi %add3A_1359, %and3A_1365 : vector<16xi32>
    %swap3A_1367 = arith.constant 3 : i32
    %swap3A_1368 = arith.index_cast %swap3A_1367 : i32 to index
    %swap3A_1369 = arith.constant 0 : index
    %swap3A_1370 = tpu.vector_load %arg10[%swap3A_1368, %swap3A_1369] {strides = array<i32>} : memref<4x128xi32, #tpu.memory_space<vmem>>, vector<16xi32>,
    tpu.vector_store %arg10[%swap3A_1368, %swap3A_1369], %add3A_1366 {strides = array<i32>} : memref<4x128xi32, #tpu.memory_space<vmem>>, vector<16xi32>,
    %get3A_1371 = arith.constant 3 : i32
    %get3A_1372 = arith.index_cast %get3A_1371 : i32 to index
    %get3A_1373 = arith.constant 0 : index
    %get3A_1374 = tpu.vector_load %arg9[%get3A_1372, %get3A_1373] {strides = array<i32>} : memref<4x128xi32, #tpu.memory_space<vmem>>, vector<16xi32>,
    %shift_right_arithmetic3A_1375 = arith.constant 13 : i32
    %shift_right_arithmetic3A_1376 = vector.broadcast %shift_right_arithmetic3A_1375 : i32 to vector<16xi32>
    %shift_right_arithmetic3A_1377 = arith.shrsi %get3A_1374, %shift_right_arithmetic3A_1376 : vector<16xi32>
    %mul3A_1378 = arith.constant 8192 : i32
    %mul3A_1379 = vector.broadcast %mul3A_1378 : i32 to vector<16xi32>
    %mul3A_1380 = arith.muli %shift_right_arithmetic3A_1377, %mul3A_1379 : vector<16xi32>
    %and3A_1381 = arith.constant 1023 : i32
    %and3A_1382 = vector.broadcast %and3A_1381 : i32 to vector<16xi32>
    %and3A_1383 = arith.andi %get3A_1374, %and3A_1382 : vector<16xi32>
    %mul3A_1384 = arith.constant 8 : i32
    %mul3A_1385 = vector.broadcast %mul3A_1384 : i32 to vector<16xi32>
    %mul3A_1386 = arith.muli %and3A_1383, %mul3A_1385 : vector<16xi32>
    %add3A_1387 = arith.addi %mul3A_1380, %mul3A_1386 : vector<16xi32>
    %shift_right_arithmetic3A_1388 = arith.constant 10 : i32
    %shift_right_arithmetic3A_1389 = vector.broadcast %shift_right_arithmetic3A_1388 : i32 to vector<16xi32>
    %shift_right_arithmetic3A_1390 = arith.shrsi %get3A_1374, %shift_right_arithmetic3A_1389 : vector<16xi32>
    %and3A_1391 = arith.constant 7 : i32
    %and3A_1392 = vector.broadcast %and3A_1391 : i32 to vector<16xi32>
    %and3A_1393 = arith.andi %shift_right_arithmetic3A_1390, %and3A_1392 : vector<16xi32>
    %add3A_1394 = arith.addi %add3A_1387, %and3A_1393 : vector<16xi32>
    %swap3A_1395 = arith.constant 3 : i32
    %swap3A_1396 = arith.index_cast %swap3A_1395 : i32 to index
    %swap3A_1397 = arith.constant 0 : index
    %swap3A_1398 = tpu.vector_load %arg11[%swap3A_1396, %swap3A_1397] {strides = array<i32>} : memref<4x128xi32, #tpu.memory_space<vmem>>, vector<16xi32>,
    tpu.vector_store %arg11[%swap3A_1396, %swap3A_1397], %add3A_1394 {strides = array<i32>} : memref<4x128xi32, #tpu.memory_space<vmem>>, vector<16xi32>,
    %get3A_1399 = arith.constant 3 : i32
    %get3A_1400 = arith.index_cast %get3A_1399 : i32 to index
    %get3A_1401 = arith.constant 16 : index
    %get3A_1402 = tpu.vector_load %arg8[%get3A_1400, %get3A_1401] {strides = array<i32>} : memref<4x128xi32, #tpu.memory_space<vmem>>, vector<16xi32>,
    %shift_right_arithmetic3A_1403 = arith.constant 13 : i32
    %shift_right_arithmetic3A_1404 = vector.broadcast %shift_right_arithmetic3A_1403 : i32 to vector<16xi32>
    %shift_right_arithmetic3A_1405 = arith.shrsi %get3A_1402, %shift_right_arithmetic3A_1404 : vector<16xi32>
    %mul3A_1406 = arith.constant 8192 : i32
    %mul3A_1407 = vector.broadcast %mul3A_1406 : i32 to vector<16xi32>
    %mul3A_1408 = arith.muli %shift_right_arithmetic3A_1405, %mul3A_1407 : vector<16xi32>
    %and3A_1409 = arith.constant 1023 : i32
    %and3A_1410 = vector.broadcast %and3A_1409 : i32 to vector<16xi32>
    %and3A_1411 = arith.andi %get3A_1402, %and3A_1410 : vector<16xi32>
    %mul3A_1412 = arith.constant 8 : i32
    %mul3A_1413 = vector.broadcast %mul3A_1412 : i32 to vector<16xi32>
    %mul3A_1414 = arith.muli %and3A_1411, %mul3A_1413 : vector<16xi32>
    %add3A_1415 = arith.addi %mul3A_1408, %mul3A_1414 : vector<16xi32>
    %shift_right_arithmetic3A_1416 = arith.constant 10 : i32
    %shift_right_arithmetic3A_1417 = vector.broadcast %shift_right_arithmetic3A_1416 : i32 to vector<16xi32>
    %shift_right_arithmetic3A_1418 = arith.shrsi %get3A_1402, %shift_right_arithmetic3A_1417 : vector<16xi32>
    %and3A_1419 = arith.constant 7 : i32
    %and3A_1420 = vector.broadcast %and3A_1419 : i32 to vector<16xi32>
    %and3A_1421 = arith.andi %shift_right_arithmetic3A_1418, %and3A_1420 : vector<16xi32>
    %add3A_1422 = arith.addi %add3A_1415, %and3A_1421 : vector<16xi32>
    %swap3A_1423 = arith.constant 3 : i32
    %swap3A_1424 = arith.index_cast %swap3A_1423 : i32 to index
    %swap3A_1425 = arith.constant 16 : index
    %swap3A_1426 = tpu.vector_load %arg10[%swap3A_1424, %swap3A_1425] {strides = array<i32>} : memref<4x128xi32, #tpu.memory_space<vmem>>, vector<16xi32>,
    tpu.vector_store %arg10[%swap3A_1424, %swap3A_1425], %add3A_1422 {strides = array<i32>} : memref<4x128xi32, #tpu.memory_space<vmem>>, vector<16xi32>,
    %get3A_1427 = arith.constant 3 : i32
    %get3A_1428 = arith.index_cast %get3A_1427 : i32 to index
    %get3A_1429 = arith.constant 16 : index
    %get3A_1430 = tpu.vector_load %arg9[%get3A_1428, %get3A_1429] {strides = array<i32>} : memref<4x128xi32, #tpu.memory_space<vmem>>, vector<16xi32>,
    %shift_right_arithmetic3A_1431 = arith.constant 13 : i32
    %shift_right_arithmetic3A_1432 = vector.broadcast %shift_right_arithmetic3A_1431 : i32 to vector<16xi32>
    %shift_right_arithmetic3A_1433 = arith.shrsi %get3A_1430, %shift_right_arithmetic3A_1432 : vector<16xi32>
    %mul3A_1434 = arith.constant 8192 : i32
    %mul3A_1435 = vector.broadcast %mul3A_1434 : i32 to vector<16xi32>
    %mul3A_1436 = arith.muli %shift_right_arithmetic3A_1433, %mul3A_1435 : vector<16xi32>
    %and3A_1437 = arith.constant 1023 : i32
    %and3A_1438 = vector.broadcast %and3A_1437 : i32 to vector<16xi32>
    %and3A_1439 = arith.andi %get3A_1430, %and3A_1438 : vector<16xi32>
    %mul3A_1440 = arith.constant 8 : i32
    %mul3A_1441 = vector.broadcast %mul3A_1440 : i32 to vector<16xi32>
    %mul3A_1442 = arith.muli %and3A_1439, %mul3A_1441 : vector<16xi32>
    %add3A_1443 = arith.addi %mul3A_1436, %mul3A_1442 : vector<16xi32>
    %shift_right_arithmetic3A_1444 = arith.constant 10 : i32
    %shift_right_arithmetic3A_1445 = vector.broadcast %shift_right_arithmetic3A_1444 : i32 to vector<16xi32>
    %shift_right_arithmetic3A_1446 = arith.shrsi %get3A_1430, %shift_right_arithmetic3A_1445 : vector<16xi32>
    %and3A_1447 = arith.constant 7 : i32
    %and3A_1448 = vector.broadcast %and3A_1447 : i32 to vector<16xi32>
    %and3A_1449 = arith.andi %shift_right_arithmetic3A_1446, %and3A_1448 : vector<16xi32>
    %add3A_1450 = arith.addi %add3A_1443, %and3A_1449 : vector<16xi32>
    %swap3A_1451 = arith.constant 3 : i32
    %swap3A_1452 = arith.index_cast %swap3A_1451 : i32 to index
    %swap3A_1453 = arith.constant 16 : index
    %swap3A_1454 = tpu.vector_load %arg11[%swap3A_1452, %swap3A_1453] {strides = array<i32>} : memref<4x128xi32, #tpu.memory_space<vmem>>, vector<16xi32>,
    tpu.vector_store %arg11[%swap3A_1452, %swap3A_1453], %add3A_1450 {strides = array<i32>} : memref<4x128xi32, #tpu.memory_space<vmem>>, vector<16xi32>,
    %get3A_1455 = arith.constant 3 : i32
    %get3A_1456 = arith.index_cast %get3A_1455 : i32 to index
    %get3A_1457 = arith.constant 32 : index
    %get3A_1458 = tpu.vector_load %arg8[%get3A_1456, %get3A_1457] {strides = array<i32>} : memref<4x128xi32, #tpu.memory_space<vmem>>, vector<16xi32>,
    %shift_right_arithmetic3A_1459 = arith.constant 13 : i32
    %shift_right_arithmetic3A_1460 = vector.broadcast %shift_right_arithmetic3A_1459 : i32 to vector<16xi32>
    %shift_right_arithmetic3A_1461 = arith.shrsi %get3A_1458, %shift_right_arithmetic3A_1460 : vector<16xi32>
    %mul3A_1462 = arith.constant 8192 : i32
    %mul3A_1463 = vector.broadcast %mul3A_1462 : i32 to vector<16xi32>
    %mul3A_1464 = arith.muli %shift_right_arithmetic3A_1461, %mul3A_1463 : vector<16xi32>
    %and3A_1465 = arith.constant 1023 : i32
    %and3A_1466 = vector.broadcast %and3A_1465 : i32 to vector<16xi32>
    %and3A_1467 = arith.andi %get3A_1458, %and3A_1466 : vector<16xi32>
    %mul3A_1468 = arith.constant 8 : i32
    %mul3A_1469 = vector.broadcast %mul3A_1468 : i32 to vector<16xi32>
    %mul3A_1470 = arith.muli %and3A_1467, %mul3A_1469 : vector<16xi32>
    %add3A_1471 = arith.addi %mul3A_1464, %mul3A_1470 : vector<16xi32>
    %shift_right_arithmetic3A_1472 = arith.constant 10 : i32
    %shift_right_arithmetic3A_1473 = vector.broadcast %shift_right_arithmetic3A_1472 : i32 to vector<16xi32>
    %shift_right_arithmetic3A_1474 = arith.shrsi %get3A_1458, %shift_right_arithmetic3A_1473 : vector<16xi32>
    %and3A_1475 = arith.constant 7 : i32
    %and3A_1476 = vector.broadcast %and3A_1475 : i32 to vector<16xi32>
    %and3A_1477 = arith.andi %shift_right_arithmetic3A_1474, %and3A_1476 : vector<16xi32>
    %add3A_1478 = arith.addi %add3A_1471, %and3A_1477 : vector<16xi32>
    %swap3A_1479 = arith.constant 3 : i32
    %swap3A_1480 = arith.index_cast %swap3A_1479 : i32 to index
    %swap3A_1481 = arith.constant 32 : index
    %swap3A_1482 = tpu.vector_load %arg10[%swap3A_1480, %swap3A_1481] {strides = array<i32>} : memref<4x128xi32, #tpu.memory_space<vmem>>, vector<16xi32>,
    tpu.vector_store %arg10[%swap3A_1480, %swap3A_1481], %add3A_1478 {strides = array<i32>} : memref<4x128xi32, #tpu.memory_space<vmem>>, vector<16xi32>,
    %get3A_1483 = arith.constant 3 : i32
    %get3A_1484 = arith.index_cast %get3A_1483 : i32 to index
    %get3A_1485 = arith.constant 32 : index
    %get3A_1486 = tpu.vector_load %arg9[%get3A_1484, %get3A_1485] {strides = array<i32>} : memref<4x128xi32, #tpu.memory_space<vmem>>, vector<16xi32>,
    %shift_right_arithmetic3A_1487 = arith.constant 13 : i32
    %shift_right_arithmetic3A_1488 = vector.broadcast %shift_right_arithmetic3A_1487 : i32 to vector<16xi32>
    %shift_right_arithmetic3A_1489 = arith.shrsi %get3A_1486, %shift_right_arithmetic3A_1488 : vector<16xi32>
    %mul3A_1490 = arith.constant 8192 : i32
    %mul3A_1491 = vector.broadcast %mul3A_1490 : i32 to vector<16xi32>
    %mul3A_1492 = arith.muli %shift_right_arithmetic3A_1489, %mul3A_1491 : vector<16xi32>
    %and3A_1493 = arith.constant 1023 : i32
    %and3A_1494 = vector.broadcast %and3A_1493 : i32 to vector<16xi32>
    %and3A_1495 = arith.andi %get3A_1486, %and3A_1494 : vector<16xi32>
    %mul3A_1496 = arith.constant 8 : i32
    %mul3A_1497 = vector.broadcast %mul3A_1496 : i32 to vector<16xi32>
    %mul3A_1498 = arith.muli %and3A_1495, %mul3A_1497 : vector<16xi32>
    %add3A_1499 = arith.addi %mul3A_1492, %mul3A_1498 : vector<16xi32>
    %shift_right_arithmetic3A_1500 = arith.constant 10 : i32
    %shift_right_arithmetic3A_1501 = vector.broadcast %shift_right_arithmetic3A_1500 : i32 to vector<16xi32>
    %shift_right_arithmetic3A_1502 = arith.shrsi %get3A_1486, %shift_right_arithmetic3A_1501 : vector<16xi32>
    %and3A_1503 = arith.constant 7 : i32
    %and3A_1504 = vector.broadcast %and3A_1503 : i32 to vector<16xi32>
    %and3A_1505 = arith.andi %shift_right_arithmetic3A_1502, %and3A_1504 : vector<16xi32>
    %add3A_1506 = arith.addi %add3A_1499, %and3A_1505 : vector<16xi32>
    %swap3A_1507 = arith.constant 3 : i32
    %swap3A_1508 = arith.index_cast %swap3A_1507 : i32 to index
    %swap3A_1509 = arith.constant 32 : index
    %swap3A_1510 = tpu.vector_load %arg11[%swap3A_1508, %swap3A_1509] {strides = array<i32>} : memref<4x128xi32, #tpu.memory_space<vmem>>, vector<16xi32>,
    tpu.vector_store %arg11[%swap3A_1508, %swap3A_1509], %add3A_1506 {strides = array<i32>} : memref<4x128xi32, #tpu.memory_space<vmem>>, vector<16xi32>,
    %get3A_1511 = arith.constant 3 : i32
    %get3A_1512 = arith.index_cast %get3A_1511 : i32 to index
    %get3A_1513 = arith.constant 48 : index
    %get3A_1514 = tpu.vector_load %arg8[%get3A_1512, %get3A_1513] {strides = array<i32>} : memref<4x128xi32, #tpu.memory_space<vmem>>, vector<16xi32>,
    %shift_right_arithmetic3A_1515 = arith.constant 13 : i32
    %shift_right_arithmetic3A_1516 = vector.broadcast %shift_right_arithmetic3A_1515 : i32 to vector<16xi32>
    %shift_right_arithmetic3A_1517 = arith.shrsi %get3A_1514, %shift_right_arithmetic3A_1516 : vector<16xi32>
    %mul3A_1518 = arith.constant 8192 : i32
    %mul3A_1519 = vector.broadcast %mul3A_1518 : i32 to vector<16xi32>
    %mul3A_1520 = arith.muli %shift_right_arithmetic3A_1517, %mul3A_1519 : vector<16xi32>
    %and3A_1521 = arith.constant 1023 : i32
    %and3A_1522 = vector.broadcast %and3A_1521 : i32 to vector<16xi32>
    %and3A_1523 = arith.andi %get3A_1514, %and3A_1522 : vector<16xi32>
    %mul3A_1524 = arith.constant 8 : i32
    %mul3A_1525 = vector.broadcast %mul3A_1524 : i32 to vector<16xi32>
    %mul3A_1526 = arith.muli %and3A_1523, %mul3A_1525 : vector<16xi32>
    %add3A_1527 = arith.addi %mul3A_1520, %mul3A_1526 : vector<16xi32>
    %shift_right_arithmetic3A_1528 = arith.constant 10 : i32
    %shift_right_arithmetic3A_1529 = vector.broadcast %shift_right_arithmetic3A_1528 : i32 to vector<16xi32>
    %shift_right_arithmetic3A_1530 = arith.shrsi %get3A_1514, %shift_right_arithmetic3A_1529 : vector<16xi32>
    %and3A_1531 = arith.constant 7 : i32
    %and3A_1532 = vector.broadcast %and3A_1531 : i32 to vector<16xi32>
    %and3A_1533 = arith.andi %shift_right_arithmetic3A_1530, %and3A_1532 : vector<16xi32>
    %add3A_1534 = arith.addi %add3A_1527, %and3A_1533 : vector<16xi32>
    %swap3A_1535 = arith.constant 3 : i32
    %swap3A_1536 = arith.index_cast %swap3A_1535 : i32 to index
    %swap3A_1537 = arith.constant 48 : index
    %swap3A_1538 = tpu.vector_load %arg10[%swap3A_1536, %swap3A_1537] {strides = array<i32>} : memref<4x128xi32, #tpu.memory_space<vmem>>, vector<16xi32>,
    tpu.vector_store %arg10[%swap3A_1536, %swap3A_1537], %add3A_1534 {strides = array<i32>} : memref<4x128xi32, #tpu.memory_space<vmem>>, vector<16xi32>,
    %get3A_1539 = arith.constant 3 : i32
    %get3A_1540 = arith.index_cast %get3A_1539 : i32 to index
    %get3A_1541 = arith.constant 48 : index
    %get3A_1542 = tpu.vector_load %arg9[%get3A_1540, %get3A_1541] {strides = array<i32>} : memref<4x128xi32, #tpu.memory_space<vmem>>, vector<16xi32>,
    %shift_right_arithmetic3A_1543 = arith.constant 13 : i32
    %shift_right_arithmetic3A_1544 = vector.broadcast %shift_right_arithmetic3A_1543 : i32 to vector<16xi32>
    %shift_right_arithmetic3A_1545 = arith.shrsi %get3A_1542, %shift_right_arithmetic3A_1544 : vector<16xi32>
    %mul3A_1546 = arith.constant 8192 : i32
    %mul3A_1547 = vector.broadcast %mul3A_1546 : i32 to vector<16xi32>
    %mul3A_1548 = arith.muli %shift_right_arithmetic3A_1545, %mul3A_1547 : vector<16xi32>
    %and3A_1549 = arith.constant 1023 : i32
    %and3A_1550 = vector.broadcast %and3A_1549 : i32 to vector<16xi32>
    %and3A_1551 = arith.andi %get3A_1542, %and3A_1550 : vector<16xi32>
    %mul3A_1552 = arith.constant 8 : i32
    %mul3A_1553 = vector.broadcast %mul3A_1552 : i32 to vector<16xi32>
    %mul3A_1554 = arith.muli %and3A_1551, %mul3A_1553 : vector<16xi32>
    %add3A_1555 = arith.addi %mul3A_1548, %mul3A_1554 : vector<16xi32>
    %shift_right_arithmetic3A_1556 = arith.constant 10 : i32
    %shift_right_arithmetic3A_1557 = vector.broadcast %shift_right_arithmetic3A_1556 : i32 to vector<16xi32>
    %shift_right_arithmetic3A_1558 = arith.shrsi %get3A_1542, %shift_right_arithmetic3A_1557 : vector<16xi32>
    %and3A_1559 = arith.constant 7 : i32
    %and3A_1560 = vector.broadcast %and3A_1559 : i32 to vector<16xi32>
    %and3A_1561 = arith.andi %shift_right_arithmetic3A_1558, %and3A_1560 : vector<16xi32>
    %add3A_1562 = arith.addi %add3A_1555, %and3A_1561 : vector<16xi32>
    %swap3A_1563 = arith.constant 3 : i32
    %swap3A_1564 = arith.index_cast %swap3A_1563 : i32 to index
    %swap3A_1565 = arith.constant 48 : index
    %swap3A_1566 = tpu.vector_load %arg11[%swap3A_1564, %swap3A_1565] {strides = array<i32>} : memref<4x128xi32, #tpu.memory_space<vmem>>, vector<16xi32>,
    tpu.vector_store %arg11[%swap3A_1564, %swap3A_1565], %add3A_1562 {strides = array<i32>} : memref<4x128xi32, #tpu.memory_space<vmem>>, vector<16xi32>,
    %get3A_1567 = arith.constant 3 : i32
    %get3A_1568 = arith.index_cast %get3A_1567 : i32 to index
    %get3A_1569 = arith.constant 64 : index
    %get3A_1570 = tpu.vector_load %arg8[%get3A_1568, %get3A_1569] {strides = array<i32>} : memref<4x128xi32, #tpu.memory_space<vmem>>, vector<16xi32>,
    %shift_right_arithmetic3A_1571 = arith.constant 13 : i32
    %shift_right_arithmetic3A_1572 = vector.broadcast %shift_right_arithmetic3A_1571 : i32 to vector<16xi32>
    %shift_right_arithmetic3A_1573 = arith.shrsi %get3A_1570, %shift_right_arithmetic3A_1572 : vector<16xi32>
    %mul3A_1574 = arith.constant 8192 : i32
    %mul3A_1575 = vector.broadcast %mul3A_1574 : i32 to vector<16xi32>
    %mul3A_1576 = arith.muli %shift_right_arithmetic3A_1573, %mul3A_1575 : vector<16xi32>
    %and3A_1577 = arith.constant 1023 : i32
    %and3A_1578 = vector.broadcast %and3A_1577 : i32 to vector<16xi32>
    %and3A_1579 = arith.andi %get3A_1570, %and3A_1578 : vector<16xi32>
    %mul3A_1580 = arith.constant 8 : i32
    %mul3A_1581 = vector.broadcast %mul3A_1580 : i32 to vector<16xi32>
    %mul3A_1582 = arith.muli %and3A_1579, %mul3A_1581 : vector<16xi32>
    %add3A_1583 = arith.addi %mul3A_1576, %mul3A_1582 : vector<16xi32>
    %shift_right_arithmetic3A_1584 = arith.constant 10 : i32
    %shift_right_arithmetic3A_1585 = vector.broadcast %shift_right_arithmetic3A_1584 : i32 to vector<16xi32>
    %shift_right_arithmetic3A_1586 = arith.shrsi %get3A_1570, %shift_right_arithmetic3A_1585 : vector<16xi32>
    %and3A_1587 = arith.constant 7 : i32
    %and3A_1588 = vector.broadcast %and3A_1587 : i32 to vector<16xi32>
    %and3A_1589 = arith.andi %shift_right_arithmetic3A_1586, %and3A_1588 : vector<16xi32>
    %add3A_1590 = arith.addi %add3A_1583, %and3A_1589 : vector<16xi32>
    %swap3A_1591 = arith.constant 3 : i32
    %swap3A_1592 = arith.index_cast %swap3A_1591 : i32 to index
    %swap3A_1593 = arith.constant 64 : index
    %swap3A_1594 = tpu.vector_load %arg10[%swap3A_1592, %swap3A_1593] {strides = array<i32>} : memref<4x128xi32, #tpu.memory_space<vmem>>, vector<16xi32>,
    tpu.vector_store %arg10[%swap3A_1592, %swap3A_1593], %add3A_1590 {strides = array<i32>} : memref<4x128xi32, #tpu.memory_space<vmem>>, vector<16xi32>,
    %get3A_1595 = arith.constant 3 : i32
    %get3A_1596 = arith.index_cast %get3A_1595 : i32 to index
    %get3A_1597 = arith.constant 64 : index
    %get3A_1598 = tpu.vector_load %arg9[%get3A_1596, %get3A_1597] {strides = array<i32>} : memref<4x128xi32, #tpu.memory_space<vmem>>, vector<16xi32>,
    %shift_right_arithmetic3A_1599 = arith.constant 13 : i32
    %shift_right_arithmetic3A_1600 = vector.broadcast %shift_right_arithmetic3A_1599 : i32 to vector<16xi32>
    %shift_right_arithmetic3A_1601 = arith.shrsi %get3A_1598, %shift_right_arithmetic3A_1600 : vector<16xi32>
    %mul3A_1602 = arith.constant 8192 : i32
    %mul3A_1603 = vector.broadcast %mul3A_1602 : i32 to vector<16xi32>
    %mul3A_1604 = arith.muli %shift_right_arithmetic3A_1601, %mul3A_1603 : vector<16xi32>
    %and3A_1605 = arith.constant 1023 : i32
    %and3A_1606 = vector.broadcast %and3A_1605 : i32 to vector<16xi32>
    %and3A_1607 = arith.andi %get3A_1598, %and3A_1606 : vector<16xi32>
    %mul3A_1608 = arith.constant 8 : i32
    %mul3A_1609 = vector.broadcast %mul3A_1608 : i32 to vector<16xi32>
    %mul3A_1610 = arith.muli %and3A_1607, %mul3A_1609 : vector<16xi32>
    %add3A_1611 = arith.addi %mul3A_1604, %mul3A_1610 : vector<16xi32>
    %shift_right_arithmetic3A_1612 = arith.constant 10 : i32
    %shift_right_arithmetic3A_1613 = vector.broadcast %shift_right_arithmetic3A_1612 : i32 to vector<16xi32>
    %shift_right_arithmetic3A_1614 = arith.shrsi %get3A_1598, %shift_right_arithmetic3A_1613 : vector<16xi32>
    %and3A_1615 = arith.constant 7 : i32
    %and3A_1616 = vector.broadcast %and3A_1615 : i32 to vector<16xi32>
    %and3A_1617 = arith.andi %shift_right_arithmetic3A_1614, %and3A_1616 : vector<16xi32>
    %add3A_1618 = arith.addi %add3A_1611, %and3A_1617 : vector<16xi32>
    %swap3A_1619 = arith.constant 3 : i32
    %swap3A_1620 = arith.index_cast %swap3A_1619 : i32 to index
    %swap3A_1621 = arith.constant 64 : index
    %swap3A_1622 = tpu.vector_load %arg11[%swap3A_1620, %swap3A_1621] {strides = array<i32>} : memref<4x128xi32, #tpu.memory_space<vmem>>, vector<16xi32>,
    tpu.vector_store %arg11[%swap3A_1620, %swap3A_1621], %add3A_1618 {strides = array<i32>} : memref<4x128xi32, #tpu.memory_space<vmem>>, vector<16xi32>,
    %get3A_1623 = arith.constant 3 : i32
    %get3A_1624 = arith.index_cast %get3A_1623 : i32 to index
    %get3A_1625 = arith.constant 80 : index
    %get3A_1626 = tpu.vector_load %arg8[%get3A_1624, %get3A_1625] {strides = array<i32>} : memref<4x128xi32, #tpu.memory_space<vmem>>, vector<16xi32>,
    %shift_right_arithmetic3A_1627 = arith.constant 13 : i32
    %shift_right_arithmetic3A_1628 = vector.broadcast %shift_right_arithmetic3A_1627 : i32 to vector<16xi32>
    %shift_right_arithmetic3A_1629 = arith.shrsi %get3A_1626, %shift_right_arithmetic3A_1628 : vector<16xi32>
    %mul3A_1630 = arith.constant 8192 : i32
    %mul3A_1631 = vector.broadcast %mul3A_1630 : i32 to vector<16xi32>
    %mul3A_1632 = arith.muli %shift_right_arithmetic3A_1629, %mul3A_1631 : vector<16xi32>
    %and3A_1633 = arith.constant 1023 : i32
    %and3A_1634 = vector.broadcast %and3A_1633 : i32 to vector<16xi32>
    %and3A_1635 = arith.andi %get3A_1626, %and3A_1634 : vector<16xi32>
    %mul3A_1636 = arith.constant 8 : i32
    %mul3A_1637 = vector.broadcast %mul3A_1636 : i32 to vector<16xi32>
    %mul3A_1638 = arith.muli %and3A_1635, %mul3A_1637 : vector<16xi32>
    %add3A_1639 = arith.addi %mul3A_1632, %mul3A_1638 : vector<16xi32>
    %shift_right_arithmetic3A_1640 = arith.constant 10 : i32
    %shift_right_arithmetic3A_1641 = vector.broadcast %shift_right_arithmetic3A_1640 : i32 to vector<16xi32>
    %shift_right_arithmetic3A_1642 = arith.shrsi %get3A_1626, %shift_right_arithmetic3A_1641 : vector<16xi32>
    %and3A_1643 = arith.constant 7 : i32
    %and3A_1644 = vector.broadcast %and3A_1643 : i32 to vector<16xi32>
    %and3A_1645 = arith.andi %shift_right_arithmetic3A_1642, %and3A_1644 : vector<16xi32>
    %add3A_1646 = arith.addi %add3A_1639, %and3A_1645 : vector<16xi32>
    %swap3A_1647 = arith.constant 3 : i32
    %swap3A_1648 = arith.index_cast %swap3A_1647 : i32 to index
    %swap3A_1649 = arith.constant 80 : index
    %swap3A_1650 = tpu.vector_load %arg10[%swap3A_1648, %swap3A_1649] {strides = array<i32>} : memref<4x128xi32, #tpu.memory_space<vmem>>, vector<16xi32>,
    tpu.vector_store %arg10[%swap3A_1648, %swap3A_1649], %add3A_1646 {strides = array<i32>} : memref<4x128xi32, #tpu.memory_space<vmem>>, vector<16xi32>,
    %get3A_1651 = arith.constant 3 : i32
    %get3A_1652 = arith.index_cast %get3A_1651 : i32 to index
    %get3A_1653 = arith.constant 80 : index
    %get3A_1654 = tpu.vector_load %arg9[%get3A_1652, %get3A_1653] {strides = array<i32>} : memref<4x128xi32, #tpu.memory_space<vmem>>, vector<16xi32>,
    %shift_right_arithmetic3A_1655 = arith.constant 13 : i32
    %shift_right_arithmetic3A_1656 = vector.broadcast %shift_right_arithmetic3A_1655 : i32 to vector<16xi32>
    %shift_right_arithmetic3A_1657 = arith.shrsi %get3A_1654, %shift_right_arithmetic3A_1656 : vector<16xi32>
    %mul3A_1658 = arith.constant 8192 : i32
    %mul3A_1659 = vector.broadcast %mul3A_1658 : i32 to vector<16xi32>
    %mul3A_1660 = arith.muli %shift_right_arithmetic3A_1657, %mul3A_1659 : vector<16xi32>
    %and3A_1661 = arith.constant 1023 : i32
    %and3A_1662 = vector.broadcast %and3A_1661 : i32 to vector<16xi32>
    %and3A_1663 = arith.andi %get3A_1654, %and3A_1662 : vector<16xi32>
    %mul3A_1664 = arith.constant 8 : i32
    %mul3A_1665 = vector.broadcast %mul3A_1664 : i32 to vector<16xi32>
    %mul3A_1666 = arith.muli %and3A_1663, %mul3A_1665 : vector<16xi32>
    %add3A_1667 = arith.addi %mul3A_1660, %mul3A_1666 : vector<16xi32>
    %shift_right_arithmetic3A_1668 = arith.constant 10 : i32
    %shift_right_arithmetic3A_1669 = vector.broadcast %shift_right_arithmetic3A_1668 : i32 to vector<16xi32>
    %shift_right_arithmetic3A_1670 = arith.shrsi %get3A_1654, %shift_right_arithmetic3A_1669 : vector<16xi32>
    %and3A_1671 = arith.constant 7 : i32
    %and3A_1672 = vector.broadcast %and3A_1671 : i32 to vector<16xi32>
    %and3A_1673 = arith.andi %shift_right_arithmetic3A_1670, %and3A_1672 : vector<16xi32>
    %add3A_1674 = arith.addi %add3A_1667, %and3A_1673 : vector<16xi32>
    %swap3A_1675 = arith.constant 3 : i32
    %swap3A_1676 = arith.index_cast %swap3A_1675 : i32 to index
    %swap3A_1677 = arith.constant 80 : index
    %swap3A_1678 = tpu.vector_load %arg11[%swap3A_1676, %swap3A_1677] {strides = array<i32>} : memref<4x128xi32, #tpu.memory_space<vmem>>, vector<16xi32>,
    tpu.vector_store %arg11[%swap3A_1676, %swap3A_1677], %add3A_1674 {strides = array<i32>} : memref<4x128xi32, #tpu.memory_space<vmem>>, vector<16xi32>,
    %get3A_1679 = arith.constant 3 : i32
    %get3A_1680 = arith.index_cast %get3A_1679 : i32 to index
    %get3A_1681 = arith.constant 96 : index
    %get3A_1682 = tpu.vector_load %arg8[%get3A_1680, %get3A_1681] {strides = array<i32>} : memref<4x128xi32, #tpu.memory_space<vmem>>, vector<16xi32>,
    %shift_right_arithmetic3A_1683 = arith.constant 13 : i32
    %shift_right_arithmetic3A_1684 = vector.broadcast %shift_right_arithmetic3A_1683 : i32 to vector<16xi32>
    %shift_right_arithmetic3A_1685 = arith.shrsi %get3A_1682, %shift_right_arithmetic3A_1684 : vector<16xi32>
    %mul3A_1686 = arith.constant 8192 : i32
    %mul3A_1687 = vector.broadcast %mul3A_1686 : i32 to vector<16xi32>
    %mul3A_1688 = arith.muli %shift_right_arithmetic3A_1685, %mul3A_1687 : vector<16xi32>
    %and3A_1689 = arith.constant 1023 : i32
    %and3A_1690 = vector.broadcast %and3A_1689 : i32 to vector<16xi32>
    %and3A_1691 = arith.andi %get3A_1682, %and3A_1690 : vector<16xi32>
    %mul3A_1692 = arith.constant 8 : i32
    %mul3A_1693 = vector.broadcast %mul3A_1692 : i32 to vector<16xi32>
    %mul3A_1694 = arith.muli %and3A_1691, %mul3A_1693 : vector<16xi32>
    %add3A_1695 = arith.addi %mul3A_1688, %mul3A_1694 : vector<16xi32>
    %shift_right_arithmetic3A_1696 = arith.constant 10 : i32
    %shift_right_arithmetic3A_1697 = vector.broadcast %shift_right_arithmetic3A_1696 : i32 to vector<16xi32>
    %shift_right_arithmetic3A_1698 = arith.shrsi %get3A_1682, %shift_right_arithmetic3A_1697 : vector<16xi32>
    %and3A_1699 = arith.constant 7 : i32
    %and3A_1700 = vector.broadcast %and3A_1699 : i32 to vector<16xi32>
    %and3A_1701 = arith.andi %shift_right_arithmetic3A_1698, %and3A_1700 : vector<16xi32>
    %add3A_1702 = arith.addi %add3A_1695, %and3A_1701 : vector<16xi32>
    %swap3A_1703 = arith.constant 3 : i32
    %swap3A_1704 = arith.index_cast %swap3A_1703 : i32 to index
    %swap3A_1705 = arith.constant 96 : index
    %swap3A_1706 = tpu.vector_load %arg10[%swap3A_1704, %swap3A_1705] {strides = array<i32>} : memref<4x128xi32, #tpu.memory_space<vmem>>, vector<16xi32>,
    tpu.vector_store %arg10[%swap3A_1704, %swap3A_1705], %add3A_1702 {strides = array<i32>} : memref<4x128xi32, #tpu.memory_space<vmem>>, vector<16xi32>,
    %get3A_1707 = arith.constant 3 : i32
    %get3A_1708 = arith.index_cast %get3A_1707 : i32 to index
    %get3A_1709 = arith.constant 96 : index
    %get3A_1710 = tpu.vector_load %arg9[%get3A_1708, %get3A_1709] {strides = array<i32>} : memref<4x128xi32, #tpu.memory_space<vmem>>, vector<16xi32>,
    %shift_right_arithmetic3A_1711 = arith.constant 13 : i32
    %shift_right_arithmetic3A_1712 = vector.broadcast %shift_right_arithmetic3A_1711 : i32 to vector<16xi32>
    %shift_right_arithmetic3A_1713 = arith.shrsi %get3A_1710, %shift_right_arithmetic3A_1712 : vector<16xi32>
    %mul3A_1714 = arith.constant 8192 : i32
    %mul3A_1715 = vector.broadcast %mul3A_1714 : i32 to vector<16xi32>
    %mul3A_1716 = arith.muli %shift_right_arithmetic3A_1713, %mul3A_1715 : vector<16xi32>
    %and3A_1717 = arith.constant 1023 : i32
    %and3A_1718 = vector.broadcast %and3A_1717 : i32 to vector<16xi32>
    %and3A_1719 = arith.andi %get3A_1710, %and3A_1718 : vector<16xi32>
    %mul3A_1720 = arith.constant 8 : i32
    %mul3A_1721 = vector.broadcast %mul3A_1720 : i32 to vector<16xi32>
    %mul3A_1722 = arith.muli %and3A_1719, %mul3A_1721 : vector<16xi32>
    %add3A_1723 = arith.addi %mul3A_1716, %mul3A_1722 : vector<16xi32>
    %shift_right_arithmetic3A_1724 = arith.constant 10 : i32
    %shift_right_arithmetic3A_1725 = vector.broadcast %shift_right_arithmetic3A_1724 : i32 to vector<16xi32>
    %shift_right_arithmetic3A_1726 = arith.shrsi %get3A_1710, %shift_right_arithmetic3A_1725 : vector<16xi32>
    %and3A_1727 = arith.constant 7 : i32
    %and3A_1728 = vector.broadcast %and3A_1727 : i32 to vector<16xi32>
    %and3A_1729 = arith.andi %shift_right_arithmetic3A_1726, %and3A_1728 : vector<16xi32>
    %add3A_1730 = arith.addi %add3A_1723, %and3A_1729 : vector<16xi32>
    %swap3A_1731 = arith.constant 3 : i32
    %swap3A_1732 = arith.index_cast %swap3A_1731 : i32 to index
    %swap3A_1733 = arith.constant 96 : index
    %swap3A_1734 = tpu.vector_load %arg11[%swap3A_1732, %swap3A_1733] {strides = array<i32>} : memref<4x128xi32, #tpu.memory_space<vmem>>, vector<16xi32>,
    tpu.vector_store %arg11[%swap3A_1732, %swap3A_1733], %add3A_1730 {strides = array<i32>} : memref<4x128xi32, #tpu.memory_space<vmem>>, vector<16xi32>,
    %get3A_1735 = arith.constant 3 : i32
    %get3A_1736 = arith.index_cast %get3A_1735 : i32 to index
    %get3A_1737 = arith.constant 112 : index
    %get3A_1738 = tpu.vector_load %arg8[%get3A_1736, %get3A_1737] {strides = array<i32>} : memref<4x128xi32, #tpu.memory_space<vmem>>, vector<16xi32>,
    %shift_right_arithmetic3A_1739 = arith.constant 13 : i32
    %shift_right_arithmetic3A_1740 = vector.broadcast %shift_right_arithmetic3A_1739 : i32 to vector<16xi32>
    %shift_right_arithmetic3A_1741 = arith.shrsi %get3A_1738, %shift_right_arithmetic3A_1740 : vector<16xi32>
    %mul3A_1742 = arith.constant 8192 : i32
    %mul3A_1743 = vector.broadcast %mul3A_1742 : i32 to vector<16xi32>
    %mul3A_1744 = arith.muli %shift_right_arithmetic3A_1741, %mul3A_1743 : vector<16xi32>
    %and3A_1745 = arith.constant 1023 : i32
    %and3A_1746 = vector.broadcast %and3A_1745 : i32 to vector<16xi32>
    %and3A_1747 = arith.andi %get3A_1738, %and3A_1746 : vector<16xi32>
    %mul3A_1748 = arith.constant 8 : i32
    %mul3A_1749 = vector.broadcast %mul3A_1748 : i32 to vector<16xi32>
    %mul3A_1750 = arith.muli %and3A_1747, %mul3A_1749 : vector<16xi32>
    %add3A_1751 = arith.addi %mul3A_1744, %mul3A_1750 : vector<16xi32>
    %shift_right_arithmetic3A_1752 = arith.constant 10 : i32
    %shift_right_arithmetic3A_1753 = vector.broadcast %shift_right_arithmetic3A_1752 : i32 to vector<16xi32>
    %shift_right_arithmetic3A_1754 = arith.shrsi %get3A_1738, %shift_right_arithmetic3A_1753 : vector<16xi32>
    %and3A_1755 = arith.constant 7 : i32
    %and3A_1756 = vector.broadcast %and3A_1755 : i32 to vector<16xi32>
    %and3A_1757 = arith.andi %shift_right_arithmetic3A_1754, %and3A_1756 : vector<16xi32>
    %add3A_1758 = arith.addi %add3A_1751, %and3A_1757 : vector<16xi32>
    %swap3A_1759 = arith.constant 3 : i32
    %swap3A_1760 = arith.index_cast %swap3A_1759 : i32 to index
    %swap3A_1761 = arith.constant 112 : index
    %swap3A_1762 = tpu.vector_load %arg10[%swap3A_1760, %swap3A_1761] {strides = array<i32>} : memref<4x128xi32, #tpu.memory_space<vmem>>, vector<16xi32>,
    tpu.vector_store %arg10[%swap3A_1760, %swap3A_1761], %add3A_1758 {strides = array<i32>} : memref<4x128xi32, #tpu.memory_space<vmem>>, vector<16xi32>,
    %get3A_1763 = arith.constant 3 : i32
    %get3A_1764 = arith.index_cast %get3A_1763 : i32 to index
    %get3A_1765 = arith.constant 112 : index
    %get3A_1766 = tpu.vector_load %arg9[%get3A_1764, %get3A_1765] {strides = array<i32>} : memref<4x128xi32, #tpu.memory_space<vmem>>, vector<16xi32>,
    %shift_right_arithmetic3A_1767 = arith.constant 13 : i32
    %shift_right_arithmetic3A_1768 = vector.broadcast %shift_right_arithmetic3A_1767 : i32 to vector<16xi32>
    %shift_right_arithmetic3A_1769 = arith.shrsi %get3A_1766, %shift_right_arithmetic3A_1768 : vector<16xi32>
    %mul3A_1770 = arith.constant 8192 : i32
    %mul3A_1771 = vector.broadcast %mul3A_1770 : i32 to vector<16xi32>
    %mul3A_1772 = arith.muli %shift_right_arithmetic3A_1769, %mul3A_1771 : vector<16xi32>
    %and3A_1773 = arith.constant 1023 : i32
    %and3A_1774 = vector.broadcast %and3A_1773 : i32 to vector<16xi32>
    %and3A_1775 = arith.andi %get3A_1766, %and3A_1774 : vector<16xi32>
    %mul3A_1776 = arith.constant 8 : i32
    %mul3A_1777 = vector.broadcast %mul3A_1776 : i32 to vector<16xi32>
    %mul3A_1778 = arith.muli %and3A_1775, %mul3A_1777 : vector<16xi32>
    %add3A_1779 = arith.addi %mul3A_1772, %mul3A_1778 : vector<16xi32>
    %shift_right_arithmetic3A_1780 = arith.constant 10 : i32
    %shift_right_arithmetic3A_1781 = vector.broadcast %shift_right_arithmetic3A_1780 : i32 to vector<16xi32>
    %shift_right_arithmetic3A_1782 = arith.shrsi %get3A_1766, %shift_right_arithmetic3A_1781 : vector<16xi32>
    %and3A_1783 = arith.constant 7 : i32
    %and3A_1784 = vector.broadcast %and3A_1783 : i32 to vector<16xi32>
    %and3A_1785 = arith.andi %shift_right_arithmetic3A_1782, %and3A_1784 : vector<16xi32>
    %add3A_1786 = arith.addi %add3A_1779, %and3A_1785 : vector<16xi32>
    %swap3A_1787 = arith.constant 3 : i32
    %swap3A_1788 = arith.index_cast %swap3A_1787 : i32 to index
    %swap3A_1789 = arith.constant 112 : index
    %swap3A_1790 = tpu.vector_load %arg11[%swap3A_1788, %swap3A_1789] {strides = array<i32>} : memref<4x128xi32, #tpu.memory_space<vmem>>, vector<16xi32>,
    tpu.vector_store %arg11[%swap3A_1788, %swap3A_1789], %add3A_1786 {strides = array<i32>} : memref<4x128xi32, #tpu.memory_space<vmem>>, vector<16xi32>,
    %dma_start3A = arith.constant 0 : i32
    %dma_start3A_1791 = arith.constant 0 : i32
    %dma_start3A_1792 = arith.constant 0 : i32
    %dma_start3A_1793 = tpu.memref_slice %arg12[%dma_start3A_1791, %dma_start3A_1792] : memref<512x16xf32, #tpu.memory_space<vmem>> -> memref<128x16xf32, #tpu.memory_space<vmem>>
    %dma_start3A_1794 = arith.constant 0 : i32
    %dma_start3A_1795 = tpu.memref_slice %arg10[%dma_start3A, %dma_start3A_1794] : memref<4x128xi32, #tpu.memory_space<vmem>> -> memref<1x128xi32, #tpu.memory_space<vmem>>
    %dma_start3A_1796 = tpu.memref_squeeze %dma_start3A_1795 : memref<1x128xi32, #tpu.memory_space<vmem>> -> memref<128xi32, #tpu.memory_space<vmem>>
    %dma_start3A_1797 = arith.constant 0 : i32
    %dma_start3A_1798 = arith.constant 0 : i32
    %dma_start3A_1799 = tpu.memref_slice %arg4[%dma_start3A_1797, %dma_start3A_1798] : memref<106496x16xf32, #tpu.memory_space<hbm>> -> memref<106496x16xf32, #tpu.memory_space<hbm>>
    tpu.enqueue_indirect_dma source(%dma_start3A_1799 : memref<106496x16xf32, #tpu.memory_space<hbm>>) target(%dma_start3A_1793 : memref<128x16xf32, #tpu.memory_space<vmem>>) offsets(%dma_start3A_1796 : memref<128xi32, #tpu.memory_space<vmem>>) semaphore(%arg16 : memref<!tpu.dma_semaphore, #tpu.memory_space<semaphore_mem>>)
    %dma_start3A_1800 = arith.constant 0 : i32
    %dma_start3A_1801 = arith.constant 0 : i32
    %dma_start3A_1802 = arith.constant 0 : i32
    %dma_start3A_1803 = tpu.memref_slice %arg13[%dma_start3A_1801, %dma_start3A_1802] : memref<512x16xf32, #tpu.memory_space<vmem>> -> memref<128x16xf32, #tpu.memory_space<vmem>>
    %dma_start3A_1804 = arith.constant 0 : i32
    %dma_start3A_1805 = tpu.memref_slice %arg11[%dma_start3A_1800, %dma_start3A_1804] : memref<4x128xi32, #tpu.memory_space<vmem>> -> memref<1x128xi32, #tpu.memory_space<vmem>>
    %dma_start3A_1806 = tpu.memref_squeeze %dma_start3A_1805 : memref<1x128xi32, #tpu.memory_space<vmem>> -> memref<128xi32, #tpu.memory_space<vmem>>
    %dma_start3A_1807 = arith.constant 0 : i32
    %dma_start3A_1808 = arith.constant 0 : i32
    %dma_start3A_1809 = tpu.memref_slice %arg5[%dma_start3A_1807, %dma_start3A_1808] : memref<106496x16xf32, #tpu.memory_space<hbm>> -> memref<106496x16xf32, #tpu.memory_space<hbm>>
    tpu.enqueue_indirect_dma source(%dma_start3A_1809 : memref<106496x16xf32, #tpu.memory_space<hbm>>) target(%dma_start3A_1803 : memref<128x16xf32, #tpu.memory_space<vmem>>) offsets(%dma_start3A_1806 : memref<128xi32, #tpu.memory_space<vmem>>) semaphore(%arg16 : memref<!tpu.dma_semaphore, #tpu.memory_space<semaphore_mem>>)
    %dma_start3A_1810 = arith.constant 1 : i32
    %dma_start3A_1811 = arith.constant 128 : i32
    %dma_start3A_1812 = arith.constant 0 : i32
    %dma_start3A_1813 = tpu.memref_slice %arg12[%dma_start3A_1811, %dma_start3A_1812] : memref<512x16xf32, #tpu.memory_space<vmem>> -> memref<128x16xf32, #tpu.memory_space<vmem>>
    %dma_start3A_1814 = arith.constant 0 : i32
    %dma_start3A_1815 = tpu.memref_slice %arg10[%dma_start3A_1810, %dma_start3A_1814] : memref<4x128xi32, #tpu.memory_space<vmem>> -> memref<1x128xi32, #tpu.memory_space<vmem>>
    %dma_start3A_1816 = tpu.memref_squeeze %dma_start3A_1815 : memref<1x128xi32, #tpu.memory_space<vmem>> -> memref<128xi32, #tpu.memory_space<vmem>>
    %dma_start3A_1817 = arith.constant 0 : i32
    %dma_start3A_1818 = arith.constant 0 : i32
    %dma_start3A_1819 = tpu.memref_slice %arg4[%dma_start3A_1817, %dma_start3A_1818] : memref<106496x16xf32, #tpu.memory_space<hbm>> -> memref<106496x16xf32, #tpu.memory_space<hbm>>
    tpu.enqueue_indirect_dma source(%dma_start3A_1819 : memref<106496x16xf32, #tpu.memory_space<hbm>>) target(%dma_start3A_1813 : memref<128x16xf32, #tpu.memory_space<vmem>>) offsets(%dma_start3A_1816 : memref<128xi32, #tpu.memory_space<vmem>>) semaphore(%arg16 : memref<!tpu.dma_semaphore, #tpu.memory_space<semaphore_mem>>)
    %dma_start3A_1820 = arith.constant 1 : i32
    %dma_start3A_1821 = arith.constant 128 : i32
    %dma_start3A_1822 = arith.constant 0 : i32
    %dma_start3A_1823 = tpu.memref_slice %arg13[%dma_start3A_1821, %dma_start3A_1822] : memref<512x16xf32, #tpu.memory_space<vmem>> -> memref<128x16xf32, #tpu.memory_space<vmem>>
    %dma_start3A_1824 = arith.constant 0 : i32
    %dma_start3A_1825 = tpu.memref_slice %arg11[%dma_start3A_1820, %dma_start3A_1824] : memref<4x128xi32, #tpu.memory_space<vmem>> -> memref<1x128xi32, #tpu.memory_space<vmem>>
    %dma_start3A_1826 = tpu.memref_squeeze %dma_start3A_1825 : memref<1x128xi32, #tpu.memory_space<vmem>> -> memref<128xi32, #tpu.memory_space<vmem>>
    %dma_start3A_1827 = arith.constant 0 : i32
    %dma_start3A_1828 = arith.constant 0 : i32
    %dma_start3A_1829 = tpu.memref_slice %arg5[%dma_start3A_1827, %dma_start3A_1828] : memref<106496x16xf32, #tpu.memory_space<hbm>> -> memref<106496x16xf32, #tpu.memory_space<hbm>>
    tpu.enqueue_indirect_dma source(%dma_start3A_1829 : memref<106496x16xf32, #tpu.memory_space<hbm>>) target(%dma_start3A_1823 : memref<128x16xf32, #tpu.memory_space<vmem>>) offsets(%dma_start3A_1826 : memref<128xi32, #tpu.memory_space<vmem>>) semaphore(%arg16 : memref<!tpu.dma_semaphore, #tpu.memory_space<semaphore_mem>>)
    %dma_start3A_1830 = arith.constant 2 : i32
    %dma_start3A_1831 = arith.constant 256 : i32
    %dma_start3A_1832 = arith.constant 0 : i32
    %dma_start3A_1833 = tpu.memref_slice %arg12[%dma_start3A_1831, %dma_start3A_1832] : memref<512x16xf32, #tpu.memory_space<vmem>> -> memref<128x16xf32, #tpu.memory_space<vmem>>
    %dma_start3A_1834 = arith.constant 0 : i32
    %dma_start3A_1835 = tpu.memref_slice %arg10[%dma_start3A_1830, %dma_start3A_1834] : memref<4x128xi32, #tpu.memory_space<vmem>> -> memref<1x128xi32, #tpu.memory_space<vmem>>
    %dma_start3A_1836 = tpu.memref_squeeze %dma_start3A_1835 : memref<1x128xi32, #tpu.memory_space<vmem>> -> memref<128xi32, #tpu.memory_space<vmem>>
    %dma_start3A_1837 = arith.constant 0 : i32
    %dma_start3A_1838 = arith.constant 0 : i32
    %dma_start3A_1839 = tpu.memref_slice %arg4[%dma_start3A_1837, %dma_start3A_1838] : memref<106496x16xf32, #tpu.memory_space<hbm>> -> memref<106496x16xf32, #tpu.memory_space<hbm>>
    tpu.enqueue_indirect_dma source(%dma_start3A_1839 : memref<106496x16xf32, #tpu.memory_space<hbm>>) target(%dma_start3A_1833 : memref<128x16xf32, #tpu.memory_space<vmem>>) offsets(%dma_start3A_1836 : memref<128xi32, #tpu.memory_space<vmem>>) semaphore(%arg16 : memref<!tpu.dma_semaphore, #tpu.memory_space<semaphore_mem>>)
    %dma_start3A_1840 = arith.constant 2 : i32
    %dma_start3A_1841 = arith.constant 256 : i32
    %dma_start3A_1842 = arith.constant 0 : i32
    %dma_start3A_1843 = tpu.memref_slice %arg13[%dma_start3A_1841, %dma_start3A_1842] : memref<512x16xf32, #tpu.memory_space<vmem>> -> memref<128x16xf32, #tpu.memory_space<vmem>>
    %dma_start3A_1844 = arith.constant 0 : i32
    %dma_start3A_1845 = tpu.memref_slice %arg11[%dma_start3A_1840, %dma_start3A_1844] : memref<4x128xi32, #tpu.memory_space<vmem>> -> memref<1x128xi32, #tpu.memory_space<vmem>>
    %dma_start3A_1846 = tpu.memref_squeeze %dma_start3A_1845 : memref<1x128xi32, #tpu.memory_space<vmem>> -> memref<128xi32, #tpu.memory_space<vmem>>
    %dma_start3A_1847 = arith.constant 0 : i32
    %dma_start3A_1848 = arith.constant 0 : i32
    %dma_start3A_1849 = tpu.memref_slice %arg5[%dma_start3A_1847, %dma_start3A_1848] : memref<106496x16xf32, #tpu.memory_space<hbm>> -> memref<106496x16xf32, #tpu.memory_space<hbm>>
    tpu.enqueue_indirect_dma source(%dma_start3A_1849 : memref<106496x16xf32, #tpu.memory_space<hbm>>) target(%dma_start3A_1843 : memref<128x16xf32, #tpu.memory_space<vmem>>) offsets(%dma_start3A_1846 : memref<128xi32, #tpu.memory_space<vmem>>) semaphore(%arg16 : memref<!tpu.dma_semaphore, #tpu.memory_space<semaphore_mem>>)
    %dma_start3A_1850 = arith.constant 3 : i32
    %dma_start3A_1851 = arith.constant 384 : i32
    %dma_start3A_1852 = arith.constant 0 : i32
    %dma_start3A_1853 = tpu.memref_slice %arg12[%dma_start3A_1851, %dma_start3A_1852] : memref<512x16xf32, #tpu.memory_space<vmem>> -> memref<128x16xf32, #tpu.memory_space<vmem>>
    %dma_start3A_1854 = arith.constant 0 : i32
    %dma_start3A_1855 = tpu.memref_slice %arg10[%dma_start3A_1850, %dma_start3A_1854] : memref<4x128xi32, #tpu.memory_space<vmem>> -> memref<1x128xi32, #tpu.memory_space<vmem>>
    %dma_start3A_1856 = tpu.memref_squeeze %dma_start3A_1855 : memref<1x128xi32, #tpu.memory_space<vmem>> -> memref<128xi32, #tpu.memory_space<vmem>>
    %dma_start3A_1857 = arith.constant 0 : i32
    %dma_start3A_1858 = arith.constant 0 : i32
    %dma_start3A_1859 = tpu.memref_slice %arg4[%dma_start3A_1857, %dma_start3A_1858] : memref<106496x16xf32, #tpu.memory_space<hbm>> -> memref<106496x16xf32, #tpu.memory_space<hbm>>
    tpu.enqueue_indirect_dma source(%dma_start3A_1859 : memref<106496x16xf32, #tpu.memory_space<hbm>>) target(%dma_start3A_1853 : memref<128x16xf32, #tpu.memory_space<vmem>>) offsets(%dma_start3A_1856 : memref<128xi32, #tpu.memory_space<vmem>>) semaphore(%arg16 : memref<!tpu.dma_semaphore, #tpu.memory_space<semaphore_mem>>)
    %dma_start3A_1860 = arith.constant 3 : i32
    %dma_start3A_1861 = arith.constant 384 : i32
    %dma_start3A_1862 = arith.constant 0 : i32
    %dma_start3A_1863 = tpu.memref_slice %arg13[%dma_start3A_1861, %dma_start3A_1862] : memref<512x16xf32, #tpu.memory_space<vmem>> -> memref<128x16xf32, #tpu.memory_space<vmem>>
    %dma_start3A_1864 = arith.constant 0 : i32
    %dma_start3A_1865 = tpu.memref_slice %arg11[%dma_start3A_1860, %dma_start3A_1864] : memref<4x128xi32, #tpu.memory_space<vmem>> -> memref<1x128xi32, #tpu.memory_space<vmem>>
    %dma_start3A_1866 = tpu.memref_squeeze %dma_start3A_1865 : memref<1x128xi32, #tpu.memory_space<vmem>> -> memref<128xi32, #tpu.memory_space<vmem>>
    %dma_start3A_1867 = arith.constant 0 : i32
    %dma_start3A_1868 = arith.constant 0 : i32
    %dma_start3A_1869 = tpu.memref_slice %arg5[%dma_start3A_1867, %dma_start3A_1868] : memref<106496x16xf32, #tpu.memory_space<hbm>> -> memref<106496x16xf32, #tpu.memory_space<hbm>>
    tpu.enqueue_indirect_dma source(%dma_start3A_1869 : memref<106496x16xf32, #tpu.memory_space<hbm>>) target(%dma_start3A_1863 : memref<128x16xf32, #tpu.memory_space<vmem>>) offsets(%dma_start3A_1866 : memref<128xi32, #tpu.memory_space<vmem>>) semaphore(%arg16 : memref<!tpu.dma_semaphore, #tpu.memory_space<semaphore_mem>>)
    %broadcast_in_dim3A = arith.constant 0 : i32
    %broadcast_in_dim3A_1870 = vector.broadcast %broadcast_in_dim3A : i32 to vector<16xi32>
    %broadcast_in_dim3A_1871 = arith.constant 0 : i32
    %broadcast_in_dim3A_1872 = vector.broadcast %broadcast_in_dim3A_1871 : i32 to vector<16xi32>
    %gather3A = tpu.vector_load_idx %arg14[%broadcast_in_dim3A_1870, %broadcast_in_dim3A_1872] : memref<1x32xf32, #tpu.memory_space<vmem>>[vector<16xi32>, vector<16xi32>], vector<16xf32>,
    %broadcast_in_dim3A_1873 = arith.constant 1 : i32
    %broadcast_in_dim3A_1874 = vector.broadcast %broadcast_in_dim3A_1873 : i32 to vector<16xi32>
    %gather3A_1875 = tpu.vector_load_idx %arg14[%broadcast_in_dim3A_1870, %broadcast_in_dim3A_1874] : memref<1x32xf32, #tpu.memory_space<vmem>>[vector<16xi32>, vector<16xi32>], vector<16xf32>,
    %broadcast_in_dim3A_1876 = arith.constant 2 : i32
    %broadcast_in_dim3A_1877 = vector.broadcast %broadcast_in_dim3A_1876 : i32 to vector<16xi32>
    %gather3A_1878 = tpu.vector_load_idx %arg14[%broadcast_in_dim3A_1870, %broadcast_in_dim3A_1877] : memref<1x32xf32, #tpu.memory_space<vmem>>[vector<16xi32>, vector<16xi32>], vector<16xf32>,
    %broadcast_in_dim3A_1879 = arith.constant 3 : i32
    %broadcast_in_dim3A_1880 = vector.broadcast %broadcast_in_dim3A_1879 : i32 to vector<16xi32>
    %gather3A_1881 = tpu.vector_load_idx %arg14[%broadcast_in_dim3A_1870, %broadcast_in_dim3A_1880] : memref<1x32xf32, #tpu.memory_space<vmem>>[vector<16xi32>, vector<16xi32>], vector<16xf32>,
    %broadcast_in_dim3A_1882 = arith.constant 4 : i32
    %broadcast_in_dim3A_1883 = vector.broadcast %broadcast_in_dim3A_1882 : i32 to vector<16xi32>
    %gather3A_1884 = tpu.vector_load_idx %arg14[%broadcast_in_dim3A_1870, %broadcast_in_dim3A_1883] : memref<1x32xf32, #tpu.memory_space<vmem>>[vector<16xi32>, vector<16xi32>], vector<16xf32>,
    %broadcast_in_dim3A_1885 = arith.constant 5 : i32
    %broadcast_in_dim3A_1886 = vector.broadcast %broadcast_in_dim3A_1885 : i32 to vector<16xi32>
    %gather3A_1887 = tpu.vector_load_idx %arg14[%broadcast_in_dim3A_1870, %broadcast_in_dim3A_1886] : memref<1x32xf32, #tpu.memory_space<vmem>>[vector<16xi32>, vector<16xi32>], vector<16xf32>,
    %broadcast_in_dim3A_1888 = arith.constant 6 : i32
    %broadcast_in_dim3A_1889 = vector.broadcast %broadcast_in_dim3A_1888 : i32 to vector<16xi32>
    %gather3A_1890 = tpu.vector_load_idx %arg14[%broadcast_in_dim3A_1870, %broadcast_in_dim3A_1889] : memref<1x32xf32, #tpu.memory_space<vmem>>[vector<16xi32>, vector<16xi32>], vector<16xf32>,
    %broadcast_in_dim3A_1891 = arith.constant 7 : i32
    %broadcast_in_dim3A_1892 = vector.broadcast %broadcast_in_dim3A_1891 : i32 to vector<16xi32>
    %gather3A_1893 = tpu.vector_load_idx %arg14[%broadcast_in_dim3A_1870, %broadcast_in_dim3A_1892] : memref<1x32xf32, #tpu.memory_space<vmem>>[vector<16xi32>, vector<16xi32>], vector<16xf32>,
    %broadcast_in_dim3A_1894 = arith.constant 8 : i32
    %broadcast_in_dim3A_1895 = vector.broadcast %broadcast_in_dim3A_1894 : i32 to vector<16xi32>
    %gather3A_1896 = tpu.vector_load_idx %arg14[%broadcast_in_dim3A_1870, %broadcast_in_dim3A_1895] : memref<1x32xf32, #tpu.memory_space<vmem>>[vector<16xi32>, vector<16xi32>], vector<16xf32>,
    %broadcast_in_dim3A_1897 = arith.constant 9 : i32
    %broadcast_in_dim3A_1898 = vector.broadcast %broadcast_in_dim3A_1897 : i32 to vector<16xi32>
    %gather3A_1899 = tpu.vector_load_idx %arg14[%broadcast_in_dim3A_1870, %broadcast_in_dim3A_1898] : memref<1x32xf32, #tpu.memory_space<vmem>>[vector<16xi32>, vector<16xi32>], vector<16xf32>,
    %broadcast_in_dim3A_1900 = arith.constant 10 : i32
    %broadcast_in_dim3A_1901 = vector.broadcast %broadcast_in_dim3A_1900 : i32 to vector<16xi32>
    %gather3A_1902 = tpu.vector_load_idx %arg14[%broadcast_in_dim3A_1870, %broadcast_in_dim3A_1901] : memref<1x32xf32, #tpu.memory_space<vmem>>[vector<16xi32>, vector<16xi32>], vector<16xf32>,
    %broadcast_in_dim3A_1903 = arith.constant 11 : i32
    %broadcast_in_dim3A_1904 = vector.broadcast %broadcast_in_dim3A_1903 : i32 to vector<16xi32>
    %gather3A_1905 = tpu.vector_load_idx %arg14[%broadcast_in_dim3A_1870, %broadcast_in_dim3A_1904] : memref<1x32xf32, #tpu.memory_space<vmem>>[vector<16xi32>, vector<16xi32>], vector<16xf32>,
    %broadcast_in_dim3A_1906 = arith.constant 12 : i32
    %broadcast_in_dim3A_1907 = vector.broadcast %broadcast_in_dim3A_1906 : i32 to vector<16xi32>
    %gather3A_1908 = tpu.vector_load_idx %arg14[%broadcast_in_dim3A_1870, %broadcast_in_dim3A_1907] : memref<1x32xf32, #tpu.memory_space<vmem>>[vector<16xi32>, vector<16xi32>], vector<16xf32>,
    %broadcast_in_dim3A_1909 = arith.constant 13 : i32
    %broadcast_in_dim3A_1910 = vector.broadcast %broadcast_in_dim3A_1909 : i32 to vector<16xi32>
    %gather3A_1911 = tpu.vector_load_idx %arg14[%broadcast_in_dim3A_1870, %broadcast_in_dim3A_1910] : memref<1x32xf32, #tpu.memory_space<vmem>>[vector<16xi32>, vector<16xi32>], vector<16xf32>,
    %broadcast_in_dim3A_1912 = arith.constant 14 : i32
    %broadcast_in_dim3A_1913 = vector.broadcast %broadcast_in_dim3A_1912 : i32 to vector<16xi32>
    %gather3A_1914 = tpu.vector_load_idx %arg14[%broadcast_in_dim3A_1870, %broadcast_in_dim3A_1913] : memref<1x32xf32, #tpu.memory_space<vmem>>[vector<16xi32>, vector<16xi32>], vector<16xf32>,
    %broadcast_in_dim3A_1915 = arith.constant 15 : i32
    %broadcast_in_dim3A_1916 = vector.broadcast %broadcast_in_dim3A_1915 : i32 to vector<16xi32>
    %gather3A_1917 = tpu.vector_load_idx %arg14[%broadcast_in_dim3A_1870, %broadcast_in_dim3A_1916] : memref<1x32xf32, #tpu.memory_space<vmem>>[vector<16xi32>, vector<16xi32>], vector<16xf32>,
    %iota3A = tpu.iota {dimensions = array<i32: 0>} : vector<16xi32>
    %dma_wait3A = arith.constant 0 : i32
    %dma_wait3A_1918 = arith.constant 0 : i32
    %dma_wait3A_1919 = arith.constant 0 : i32
    %dma_wait3A_1920 = tpu.memref_slice %arg12[%dma_wait3A_1918, %dma_wait3A_1919] : memref<512x16xf32, #tpu.memory_space<vmem>> -> memref<128x16xf32, #tpu.memory_space<vmem>>
    %dma_wait3A_1921 = arith.constant 0 : i32
    %dma_wait3A_1922 = tpu.memref_slice %arg10[%dma_wait3A, %dma_wait3A_1921] : memref<4x128xi32, #tpu.memory_space<vmem>> -> memref<1x128xi32, #tpu.memory_space<vmem>>
    %dma_wait3A_1923 = tpu.memref_squeeze %dma_wait3A_1922 : memref<1x128xi32, #tpu.memory_space<vmem>> -> memref<128xi32, #tpu.memory_space<vmem>>
    %dma_wait3A_1924 = arith.constant 0 : i32
    %dma_wait3A_1925 = arith.constant 0 : i32
    %dma_wait3A_1926 = tpu.memref_slice %arg4[%dma_wait3A_1924, %dma_wait3A_1925] : memref<106496x16xf32, #tpu.memory_space<hbm>> -> memref<106496x16xf32, #tpu.memory_space<hbm>>
    tpu.wait_indirect_dma semaphore(%arg16 : memref<!tpu.dma_semaphore, #tpu.memory_space<semaphore_mem>>) src(%dma_wait3A_1926 : memref<106496x16xf32, #tpu.memory_space<hbm>>) dst(%dma_wait3A_1920 : memref<128x16xf32, #tpu.memory_space<vmem>>)
    %dma_wait3A_1927 = arith.constant 0 : i32
    %dma_wait3A_1928 = arith.constant 0 : i32
    %dma_wait3A_1929 = arith.constant 0 : i32
    %dma_wait3A_1930 = tpu.memref_slice %arg13[%dma_wait3A_1928, %dma_wait3A_1929] : memref<512x16xf32, #tpu.memory_space<vmem>> -> memref<128x16xf32, #tpu.memory_space<vmem>>
    %dma_wait3A_1931 = arith.constant 0 : i32
    %dma_wait3A_1932 = tpu.memref_slice %arg11[%dma_wait3A_1927, %dma_wait3A_1931] : memref<4x128xi32, #tpu.memory_space<vmem>> -> memref<1x128xi32, #tpu.memory_space<vmem>>
    %dma_wait3A_1933 = tpu.memref_squeeze %dma_wait3A_1932 : memref<1x128xi32, #tpu.memory_space<vmem>> -> memref<128xi32, #tpu.memory_space<vmem>>
    %dma_wait3A_1934 = arith.constant 0 : i32
    %dma_wait3A_1935 = arith.constant 0 : i32
    %dma_wait3A_1936 = tpu.memref_slice %arg5[%dma_wait3A_1934, %dma_wait3A_1935] : memref<106496x16xf32, #tpu.memory_space<hbm>> -> memref<106496x16xf32, #tpu.memory_space<hbm>>
    tpu.wait_indirect_dma semaphore(%arg16 : memref<!tpu.dma_semaphore, #tpu.memory_space<semaphore_mem>>) src(%dma_wait3A_1936 : memref<106496x16xf32, #tpu.memory_space<hbm>>) dst(%dma_wait3A_1930 : memref<128x16xf32, #tpu.memory_space<vmem>>)
    %scan3A = arith.constant 0 : i32
    %scan3A_1937 = arith.constant 8 : i32
    %scan3A_1938 = arith.addi %scan3A, %scan3A_1937 : i32
    %scan3A_1939 = arith.constant 1 : i32
    scf.for %scan3A_2016 = %scan3A to %scan3A_1938 step %scan3A_1939  : i32 {
      %mul3A_2017 = arith.constant 16 : i32
      %mul3A_2018 = arith.muli %scan3A_2016, %mul3A_2017 : i32
      %add3A_2019 = vector.broadcast %mul3A_2018 : i32 to vector<16xi32>
      %add3A_2020 = arith.addi %add3A_2019, %iota3A : vector<16xi32>
      %broadcast_in_dim3A_2021 = arith.constant 0.000000e+00 : f32
      %broadcast_in_dim3A_2022 = vector.broadcast %broadcast_in_dim3A_2021 : f32 to vector<16xf32>
      %broadcast_in_dim3A_2023 = arith.constant 0 : i32
      %broadcast_in_dim3A_2024 = vector.broadcast %broadcast_in_dim3A_2023 : i32 to vector<16xi32>
      %gather3A_2025 = tpu.vector_load_idx %arg12[%add3A_2020, %broadcast_in_dim3A_2024] : memref<512x16xf32, #tpu.memory_space<vmem>>[vector<16xi32>, vector<16xi32>], vector<16xf32>,
      %gather3A_2026 = tpu.vector_load_idx %arg13[%add3A_2020, %broadcast_in_dim3A_2024] : memref<512x16xf32, #tpu.memory_space<vmem>>[vector<16xi32>, vector<16xi32>], vector<16xf32>,
      %mul3A_2027 = arith.mulf %gather3A_2025, %gather3A_2026 : vector<16xf32>
      %mul3A_2028 = arith.mulf %mul3A_2027, %gather3A : vector<16xf32>
      %add3A_2029 = arith.addf %broadcast_in_dim3A_2022, %mul3A_2028 : vector<16xf32>
      %broadcast_in_dim3A_2030 = arith.constant 1 : i32
      %broadcast_in_dim3A_2031 = vector.broadcast %broadcast_in_dim3A_2030 : i32 to vector<16xi32>
      %gather3A_2032 = tpu.vector_load_idx %arg12[%add3A_2020, %broadcast_in_dim3A_2031] : memref<512x16xf32, #tpu.memory_space<vmem>>[vector<16xi32>, vector<16xi32>], vector<16xf32>,
      %gather3A_2033 = tpu.vector_load_idx %arg13[%add3A_2020, %broadcast_in_dim3A_2031] : memref<512x16xf32, #tpu.memory_space<vmem>>[vector<16xi32>, vector<16xi32>], vector<16xf32>,
      %mul3A_2034 = arith.mulf %gather3A_2032, %gather3A_2033 : vector<16xf32>
      %mul3A_2035 = arith.mulf %mul3A_2034, %gather3A_1875 : vector<16xf32>
      %add3A_2036 = arith.addf %add3A_2029, %mul3A_2035 : vector<16xf32>
      %broadcast_in_dim3A_2037 = arith.constant 2 : i32
      %broadcast_in_dim3A_2038 = vector.broadcast %broadcast_in_dim3A_2037 : i32 to vector<16xi32>
      %gather3A_2039 = tpu.vector_load_idx %arg12[%add3A_2020, %broadcast_in_dim3A_2038] : memref<512x16xf32, #tpu.memory_space<vmem>>[vector<16xi32>, vector<16xi32>], vector<16xf32>,
      %gather3A_2040 = tpu.vector_load_idx %arg13[%add3A_2020, %broadcast_in_dim3A_2038] : memref<512x16xf32, #tpu.memory_space<vmem>>[vector<16xi32>, vector<16xi32>], vector<16xf32>,
      %mul3A_2041 = arith.mulf %gather3A_2039, %gather3A_2040 : vector<16xf32>
      %mul3A_2042 = arith.mulf %mul3A_2041, %gather3A_1878 : vector<16xf32>
      %add3A_2043 = arith.addf %add3A_2036, %mul3A_2042 : vector<16xf32>
      %broadcast_in_dim3A_2044 = arith.constant 3 : i32
      %broadcast_in_dim3A_2045 = vector.broadcast %broadcast_in_dim3A_2044 : i32 to vector<16xi32>
      %gather3A_2046 = tpu.vector_load_idx %arg12[%add3A_2020, %broadcast_in_dim3A_2045] : memref<512x16xf32, #tpu.memory_space<vmem>>[vector<16xi32>, vector<16xi32>], vector<16xf32>,
      %gather3A_2047 = tpu.vector_load_idx %arg13[%add3A_2020, %broadcast_in_dim3A_2045] : memref<512x16xf32, #tpu.memory_space<vmem>>[vector<16xi32>, vector<16xi32>], vector<16xf32>,
      %mul3A_2048 = arith.mulf %gather3A_2046, %gather3A_2047 : vector<16xf32>
      %mul3A_2049 = arith.mulf %mul3A_2048, %gather3A_1881 : vector<16xf32>
      %add3A_2050 = arith.addf %add3A_2043, %mul3A_2049 : vector<16xf32>
      %broadcast_in_dim3A_2051 = arith.constant 4 : i32
      %broadcast_in_dim3A_2052 = vector.broadcast %broadcast_in_dim3A_2051 : i32 to vector<16xi32>
      %gather3A_2053 = tpu.vector_load_idx %arg12[%add3A_2020, %broadcast_in_dim3A_2052] : memref<512x16xf32, #tpu.memory_space<vmem>>[vector<16xi32>, vector<16xi32>], vector<16xf32>,
      %gather3A_2054 = tpu.vector_load_idx %arg13[%add3A_2020, %broadcast_in_dim3A_2052] : memref<512x16xf32, #tpu.memory_space<vmem>>[vector<16xi32>, vector<16xi32>], vector<16xf32>,
      %mul3A_2055 = arith.mulf %gather3A_2053, %gather3A_2054 : vector<16xf32>
      %mul3A_2056 = arith.mulf %mul3A_2055, %gather3A_1884 : vector<16xf32>
      %add3A_2057 = arith.addf %add3A_2050, %mul3A_2056 : vector<16xf32>
      %broadcast_in_dim3A_2058 = arith.constant 5 : i32
      %broadcast_in_dim3A_2059 = vector.broadcast %broadcast_in_dim3A_2058 : i32 to vector<16xi32>
      %gather3A_2060 = tpu.vector_load_idx %arg12[%add3A_2020, %broadcast_in_dim3A_2059] : memref<512x16xf32, #tpu.memory_space<vmem>>[vector<16xi32>, vector<16xi32>], vector<16xf32>,
      %gather3A_2061 = tpu.vector_load_idx %arg13[%add3A_2020, %broadcast_in_dim3A_2059] : memref<512x16xf32, #tpu.memory_space<vmem>>[vector<16xi32>, vector<16xi32>], vector<16xf32>,
      %mul3A_2062 = arith.mulf %gather3A_2060, %gather3A_2061 : vector<16xf32>
      %mul3A_2063 = arith.mulf %mul3A_2062, %gather3A_1887 : vector<16xf32>
      %add3A_2064 = arith.addf %add3A_2057, %mul3A_2063 : vector<16xf32>
      %broadcast_in_dim3A_2065 = arith.constant 6 : i32
      %broadcast_in_dim3A_2066 = vector.broadcast %broadcast_in_dim3A_2065 : i32 to vector<16xi32>
      %gather3A_2067 = tpu.vector_load_idx %arg12[%add3A_2020, %broadcast_in_dim3A_2066] : memref<512x16xf32, #tpu.memory_space<vmem>>[vector<16xi32>, vector<16xi32>], vector<16xf32>,
      %gather3A_2068 = tpu.vector_load_idx %arg13[%add3A_2020, %broadcast_in_dim3A_2066] : memref<512x16xf32, #tpu.memory_space<vmem>>[vector<16xi32>, vector<16xi32>], vector<16xf32>,
      %mul3A_2069 = arith.mulf %gather3A_2067, %gather3A_2068 : vector<16xf32>
      %mul3A_2070 = arith.mulf %mul3A_2069, %gather3A_1890 : vector<16xf32>
      %add3A_2071 = arith.addf %add3A_2064, %mul3A_2070 : vector<16xf32>
      %broadcast_in_dim3A_2072 = arith.constant 7 : i32
      %broadcast_in_dim3A_2073 = vector.broadcast %broadcast_in_dim3A_2072 : i32 to vector<16xi32>
      %gather3A_2074 = tpu.vector_load_idx %arg12[%add3A_2020, %broadcast_in_dim3A_2073] : memref<512x16xf32, #tpu.memory_space<vmem>>[vector<16xi32>, vector<16xi32>], vector<16xf32>,
      %gather3A_2075 = tpu.vector_load_idx %arg13[%add3A_2020, %broadcast_in_dim3A_2073] : memref<512x16xf32, #tpu.memory_space<vmem>>[vector<16xi32>, vector<16xi32>], vector<16xf32>,
      %mul3A_2076 = arith.mulf %gather3A_2074, %gather3A_2075 : vector<16xf32>
      %mul3A_2077 = arith.mulf %mul3A_2076, %gather3A_1893 : vector<16xf32>
      %add3A_2078 = arith.addf %add3A_2071, %mul3A_2077 : vector<16xf32>
      %broadcast_in_dim3A_2079 = arith.constant 8 : i32
      %broadcast_in_dim3A_2080 = vector.broadcast %broadcast_in_dim3A_2079 : i32 to vector<16xi32>
      %gather3A_2081 = tpu.vector_load_idx %arg12[%add3A_2020, %broadcast_in_dim3A_2080] : memref<512x16xf32, #tpu.memory_space<vmem>>[vector<16xi32>, vector<16xi32>], vector<16xf32>,
      %gather3A_2082 = tpu.vector_load_idx %arg13[%add3A_2020, %broadcast_in_dim3A_2080] : memref<512x16xf32, #tpu.memory_space<vmem>>[vector<16xi32>, vector<16xi32>], vector<16xf32>,
      %mul3A_2083 = arith.mulf %gather3A_2081, %gather3A_2082 : vector<16xf32>
      %mul3A_2084 = arith.mulf %mul3A_2083, %gather3A_1896 : vector<16xf32>
      %add3A_2085 = arith.addf %add3A_2078, %mul3A_2084 : vector<16xf32>
      %broadcast_in_dim3A_2086 = arith.constant 9 : i32
      %broadcast_in_dim3A_2087 = vector.broadcast %broadcast_in_dim3A_2086 : i32 to vector<16xi32>
      %gather3A_2088 = tpu.vector_load_idx %arg12[%add3A_2020, %broadcast_in_dim3A_2087] : memref<512x16xf32, #tpu.memory_space<vmem>>[vector<16xi32>, vector<16xi32>], vector<16xf32>,
      %gather3A_2089 = tpu.vector_load_idx %arg13[%add3A_2020, %broadcast_in_dim3A_2087] : memref<512x16xf32, #tpu.memory_space<vmem>>[vector<16xi32>, vector<16xi32>], vector<16xf32>,
      %mul3A_2090 = arith.mulf %gather3A_2088, %gather3A_2089 : vector<16xf32>
      %mul3A_2091 = arith.mulf %mul3A_2090, %gather3A_1899 : vector<16xf32>
      %add3A_2092 = arith.addf %add3A_2085, %mul3A_2091 : vector<16xf32>
      %broadcast_in_dim3A_2093 = arith.constant 10 : i32
      %broadcast_in_dim3A_2094 = vector.broadcast %broadcast_in_dim3A_2093 : i32 to vector<16xi32>
      %gather3A_2095 = tpu.vector_load_idx %arg12[%add3A_2020, %broadcast_in_dim3A_2094] : memref<512x16xf32, #tpu.memory_space<vmem>>[vector<16xi32>, vector<16xi32>], vector<16xf32>,
      %gather3A_2096 = tpu.vector_load_idx %arg13[%add3A_2020, %broadcast_in_dim3A_2094] : memref<512x16xf32, #tpu.memory_space<vmem>>[vector<16xi32>, vector<16xi32>], vector<16xf32>,
      %mul3A_2097 = arith.mulf %gather3A_2095, %gather3A_2096 : vector<16xf32>
      %mul3A_2098 = arith.mulf %mul3A_2097, %gather3A_1902 : vector<16xf32>
      %add3A_2099 = arith.addf %add3A_2092, %mul3A_2098 : vector<16xf32>
      %broadcast_in_dim3A_2100 = arith.constant 11 : i32
      %broadcast_in_dim3A_2101 = vector.broadcast %broadcast_in_dim3A_2100 : i32 to vector<16xi32>
      %gather3A_2102 = tpu.vector_load_idx %arg12[%add3A_2020, %broadcast_in_dim3A_2101] : memref<512x16xf32, #tpu.memory_space<vmem>>[vector<16xi32>, vector<16xi32>], vector<16xf32>,
      %gather3A_2103 = tpu.vector_load_idx %arg13[%add3A_2020, %broadcast_in_dim3A_2101] : memref<512x16xf32, #tpu.memory_space<vmem>>[vector<16xi32>, vector<16xi32>], vector<16xf32>,
      %mul3A_2104 = arith.mulf %gather3A_2102, %gather3A_2103 : vector<16xf32>
      %mul3A_2105 = arith.mulf %mul3A_2104, %gather3A_1905 : vector<16xf32>
      %add3A_2106 = arith.addf %add3A_2099, %mul3A_2105 : vector<16xf32>
      %broadcast_in_dim3A_2107 = arith.constant 12 : i32
      %broadcast_in_dim3A_2108 = vector.broadcast %broadcast_in_dim3A_2107 : i32 to vector<16xi32>
      %gather3A_2109 = tpu.vector_load_idx %arg12[%add3A_2020, %broadcast_in_dim3A_2108] : memref<512x16xf32, #tpu.memory_space<vmem>>[vector<16xi32>, vector<16xi32>], vector<16xf32>,
      %gather3A_2110 = tpu.vector_load_idx %arg13[%add3A_2020, %broadcast_in_dim3A_2108] : memref<512x16xf32, #tpu.memory_space<vmem>>[vector<16xi32>, vector<16xi32>], vector<16xf32>,
      %mul3A_2111 = arith.mulf %gather3A_2109, %gather3A_2110 : vector<16xf32>
      %mul3A_2112 = arith.mulf %mul3A_2111, %gather3A_1908 : vector<16xf32>
      %add3A_2113 = arith.addf %add3A_2106, %mul3A_2112 : vector<16xf32>
      %broadcast_in_dim3A_2114 = arith.constant 13 : i32
      %broadcast_in_dim3A_2115 = vector.broadcast %broadcast_in_dim3A_2114 : i32 to vector<16xi32>
      %gather3A_2116 = tpu.vector_load_idx %arg12[%add3A_2020, %broadcast_in_dim3A_2115] : memref<512x16xf32, #tpu.memory_space<vmem>>[vector<16xi32>, vector<16xi32>], vector<16xf32>,
      %gather3A_2117 = tpu.vector_load_idx %arg13[%add3A_2020, %broadcast_in_dim3A_2115] : memref<512x16xf32, #tpu.memory_space<vmem>>[vector<16xi32>, vector<16xi32>], vector<16xf32>,
      %mul3A_2118 = arith.mulf %gather3A_2116, %gather3A_2117 : vector<16xf32>
      %mul3A_2119 = arith.mulf %mul3A_2118, %gather3A_1911 : vector<16xf32>
      %add3A_2120 = arith.addf %add3A_2113, %mul3A_2119 : vector<16xf32>
      %broadcast_in_dim3A_2121 = arith.constant 14 : i32
      %broadcast_in_dim3A_2122 = vector.broadcast %broadcast_in_dim3A_2121 : i32 to vector<16xi32>
      %gather3A_2123 = tpu.vector_load_idx %arg12[%add3A_2020, %broadcast_in_dim3A_2122] : memref<512x16xf32, #tpu.memory_space<vmem>>[vector<16xi32>, vector<16xi32>], vector<16xf32>,
      %gather3A_2124 = tpu.vector_load_idx %arg13[%add3A_2020, %broadcast_in_dim3A_2122] : memref<512x16xf32, #tpu.memory_space<vmem>>[vector<16xi32>, vector<16xi32>], vector<16xf32>,
      %mul3A_2125 = arith.mulf %gather3A_2123, %gather3A_2124 : vector<16xf32>
      %mul3A_2126 = arith.mulf %mul3A_2125, %gather3A_1914 : vector<16xf32>
      %add3A_2127 = arith.addf %add3A_2120, %mul3A_2126 : vector<16xf32>
      %broadcast_in_dim3A_2128 = arith.constant 15 : i32
      %broadcast_in_dim3A_2129 = vector.broadcast %broadcast_in_dim3A_2128 : i32 to vector<16xi32>
      %gather3A_2130 = tpu.vector_load_idx %arg12[%add3A_2020, %broadcast_in_dim3A_2129] : memref<512x16xf32, #tpu.memory_space<vmem>>[vector<16xi32>, vector<16xi32>], vector<16xf32>,
      %gather3A_2131 = tpu.vector_load_idx %arg13[%add3A_2020, %broadcast_in_dim3A_2129] : memref<512x16xf32, #tpu.memory_space<vmem>>[vector<16xi32>, vector<16xi32>], vector<16xf32>,
      %mul3A_2132 = arith.mulf %gather3A_2130, %gather3A_2131 : vector<16xf32>
      %mul3A_2133 = arith.mulf %mul3A_2132, %gather3A_1917 : vector<16xf32>
      %add3A_2134 = arith.addf %add3A_2127, %mul3A_2133 : vector<16xf32>
      %mul3A_2135 = arith.constant 16 : i32
      %mul3A_2136 = arith.muli %scan3A_2016, %mul3A_2135 : i32
      %swap3A_2137 = arith.index_cast %mul3A_2136 : i32 to index
      %swap3A_2138 = tpu.vector_load %arg15[%swap3A_2137] {strides = array<i32>} : memref<512xf32, #tpu.memory_space<vmem>>, vector<16xf32>,
      tpu.vector_store %arg15[%swap3A_2137], %add3A_2134 {strides = array<i32>} : memref<512xf32, #tpu.memory_space<vmem>>, vector<16xf32>,
    }
    %scan3A_1940 = arith.constant 8 : i32
    %dma_wait3A_1941 = arith.constant 1 : i32
    %dma_wait3A_1942 = arith.constant 128 : i32
    %dma_wait3A_1943 = arith.constant 0 : i32
    %dma_wait3A_1944 = tpu.memref_slice %arg12[%dma_wait3A_1942, %dma_wait3A_1943] : memref<512x16xf32, #tpu.memory_space<vmem>> -> memref<128x16xf32, #tpu.memory_space<vmem>>
    %dma_wait3A_1945 = arith.constant 0 : i32
    %dma_wait3A_1946 = tpu.memref_slice %arg10[%dma_wait3A_1941, %dma_wait3A_1945] : memref<4x128xi32, #tpu.memory_space<vmem>> -> memref<1x128xi32, #tpu.memory_space<vmem>>
    %dma_wait3A_1947 = tpu.memref_squeeze %dma_wait3A_1946 : memref<1x128xi32, #tpu.memory_space<vmem>> -> memref<128xi32, #tpu.memory_space<vmem>>
    %dma_wait3A_1948 = arith.constant 0 : i32
    %dma_wait3A_1949 = arith.constant 0 : i32
    %dma_wait3A_1950 = tpu.memref_slice %arg4[%dma_wait3A_1948, %dma_wait3A_1949] : memref<106496x16xf32, #tpu.memory_space<hbm>> -> memref<106496x16xf32, #tpu.memory_space<hbm>>
    tpu.wait_indirect_dma semaphore(%arg16 : memref<!tpu.dma_semaphore, #tpu.memory_space<semaphore_mem>>) src(%dma_wait3A_1950 : memref<106496x16xf32, #tpu.memory_space<hbm>>) dst(%dma_wait3A_1944 : memref<128x16xf32, #tpu.memory_space<vmem>>)
    %dma_wait3A_1951 = arith.constant 1 : i32
    %dma_wait3A_1952 = arith.constant 128 : i32
    %dma_wait3A_1953 = arith.constant 0 : i32
    %dma_wait3A_1954 = tpu.memref_slice %arg13[%dma_wait3A_1952, %dma_wait3A_1953] : memref<512x16xf32, #tpu.memory_space<vmem>> -> memref<128x16xf32, #tpu.memory_space<vmem>>
    %dma_wait3A_1955 = arith.constant 0 : i32
    %dma_wait3A_1956 = tpu.memref_slice %arg11[%dma_wait3A_1951, %dma_wait3A_1955] : memref<4x128xi32, #tpu.memory_space<vmem>> -> memref<1x128xi32, #tpu.memory_space<vmem>>
    %dma_wait3A_1957 = tpu.memref_squeeze %dma_wait3A_1956 : memref<1x128xi32, #tpu.memory_space<vmem>> -> memref<128xi32, #tpu.memory_space<vmem>>
    %dma_wait3A_1958 = arith.constant 0 : i32
    %dma_wait3A_1959 = arith.constant 0 : i32
    %dma_wait3A_1960 = tpu.memref_slice %arg5[%dma_wait3A_1958, %dma_wait3A_1959] : memref<106496x16xf32, #tpu.memory_space<hbm>> -> memref<106496x16xf32, #tpu.memory_space<hbm>>
    tpu.wait_indirect_dma semaphore(%arg16 : memref<!tpu.dma_semaphore, #tpu.memory_space<semaphore_mem>>) src(%dma_wait3A_1960 : memref<106496x16xf32, #tpu.memory_space<hbm>>) dst(%dma_wait3A_1954 : memref<128x16xf32, #tpu.memory_space<vmem>>)
    %scan3A_1961 = arith.constant 8 : i32
    %scan3A_1962 = arith.constant 8 : i32
    %scan3A_1963 = arith.addi %scan3A_1961, %scan3A_1962 : i32
    %scan3A_1964 = arith.constant 1 : i32
    scf.for %scan3A_2016 = %scan3A_1961 to %scan3A_1963 step %scan3A_1964  : i32 {
      %mul3A_2017 = arith.constant 16 : i32
      %mul3A_2018 = arith.muli %scan3A_2016, %mul3A_2017 : i32
      %add3A_2019 = vector.broadcast %mul3A_2018 : i32 to vector<16xi32>
      %add3A_2020 = arith.addi %add3A_2019, %iota3A : vector<16xi32>
      %broadcast_in_dim3A_2021 = arith.constant 0.000000e+00 : f32
      %broadcast_in_dim3A_2022 = vector.broadcast %broadcast_in_dim3A_2021 : f32 to vector<16xf32>
      %broadcast_in_dim3A_2023 = arith.constant 0 : i32
      %broadcast_in_dim3A_2024 = vector.broadcast %broadcast_in_dim3A_2023 : i32 to vector<16xi32>
      %gather3A_2025 = tpu.vector_load_idx %arg12[%add3A_2020, %broadcast_in_dim3A_2024] : memref<512x16xf32, #tpu.memory_space<vmem>>[vector<16xi32>, vector<16xi32>], vector<16xf32>,
      %gather3A_2026 = tpu.vector_load_idx %arg13[%add3A_2020, %broadcast_in_dim3A_2024] : memref<512x16xf32, #tpu.memory_space<vmem>>[vector<16xi32>, vector<16xi32>], vector<16xf32>,
      %mul3A_2027 = arith.mulf %gather3A_2025, %gather3A_2026 : vector<16xf32>
      %mul3A_2028 = arith.mulf %mul3A_2027, %gather3A : vector<16xf32>
      %add3A_2029 = arith.addf %broadcast_in_dim3A_2022, %mul3A_2028 : vector<16xf32>
      %broadcast_in_dim3A_2030 = arith.constant 1 : i32
      %broadcast_in_dim3A_2031 = vector.broadcast %broadcast_in_dim3A_2030 : i32 to vector<16xi32>
      %gather3A_2032 = tpu.vector_load_idx %arg12[%add3A_2020, %broadcast_in_dim3A_2031] : memref<512x16xf32, #tpu.memory_space<vmem>>[vector<16xi32>, vector<16xi32>], vector<16xf32>,
      %gather3A_2033 = tpu.vector_load_idx %arg13[%add3A_2020, %broadcast_in_dim3A_2031] : memref<512x16xf32, #tpu.memory_space<vmem>>[vector<16xi32>, vector<16xi32>], vector<16xf32>,
      %mul3A_2034 = arith.mulf %gather3A_2032, %gather3A_2033 : vector<16xf32>
      %mul3A_2035 = arith.mulf %mul3A_2034, %gather3A_1875 : vector<16xf32>
      %add3A_2036 = arith.addf %add3A_2029, %mul3A_2035 : vector<16xf32>
      %broadcast_in_dim3A_2037 = arith.constant 2 : i32
      %broadcast_in_dim3A_2038 = vector.broadcast %broadcast_in_dim3A_2037 : i32 to vector<16xi32>
      %gather3A_2039 = tpu.vector_load_idx %arg12[%add3A_2020, %broadcast_in_dim3A_2038] : memref<512x16xf32, #tpu.memory_space<vmem>>[vector<16xi32>, vector<16xi32>], vector<16xf32>,
      %gather3A_2040 = tpu.vector_load_idx %arg13[%add3A_2020, %broadcast_in_dim3A_2038] : memref<512x16xf32, #tpu.memory_space<vmem>>[vector<16xi32>, vector<16xi32>], vector<16xf32>,
      %mul3A_2041 = arith.mulf %gather3A_2039, %gather3A_2040 : vector<16xf32>
      %mul3A_2042 = arith.mulf %mul3A_2041, %gather3A_1878 : vector<16xf32>
      %add3A_2043 = arith.addf %add3A_2036, %mul3A_2042 : vector<16xf32>
      %broadcast_in_dim3A_2044 = arith.constant 3 : i32
      %broadcast_in_dim3A_2045 = vector.broadcast %broadcast_in_dim3A_2044 : i32 to vector<16xi32>
      %gather3A_2046 = tpu.vector_load_idx %arg12[%add3A_2020, %broadcast_in_dim3A_2045] : memref<512x16xf32, #tpu.memory_space<vmem>>[vector<16xi32>, vector<16xi32>], vector<16xf32>,
      %gather3A_2047 = tpu.vector_load_idx %arg13[%add3A_2020, %broadcast_in_dim3A_2045] : memref<512x16xf32, #tpu.memory_space<vmem>>[vector<16xi32>, vector<16xi32>], vector<16xf32>,
      %mul3A_2048 = arith.mulf %gather3A_2046, %gather3A_2047 : vector<16xf32>
      %mul3A_2049 = arith.mulf %mul3A_2048, %gather3A_1881 : vector<16xf32>
      %add3A_2050 = arith.addf %add3A_2043, %mul3A_2049 : vector<16xf32>
      %broadcast_in_dim3A_2051 = arith.constant 4 : i32
      %broadcast_in_dim3A_2052 = vector.broadcast %broadcast_in_dim3A_2051 : i32 to vector<16xi32>
      %gather3A_2053 = tpu.vector_load_idx %arg12[%add3A_2020, %broadcast_in_dim3A_2052] : memref<512x16xf32, #tpu.memory_space<vmem>>[vector<16xi32>, vector<16xi32>], vector<16xf32>,
      %gather3A_2054 = tpu.vector_load_idx %arg13[%add3A_2020, %broadcast_in_dim3A_2052] : memref<512x16xf32, #tpu.memory_space<vmem>>[vector<16xi32>, vector<16xi32>], vector<16xf32>,
      %mul3A_2055 = arith.mulf %gather3A_2053, %gather3A_2054 : vector<16xf32>
      %mul3A_2056 = arith.mulf %mul3A_2055, %gather3A_1884 : vector<16xf32>
      %add3A_2057 = arith.addf %add3A_2050, %mul3A_2056 : vector<16xf32>
      %broadcast_in_dim3A_2058 = arith.constant 5 : i32
      %broadcast_in_dim3A_2059 = vector.broadcast %broadcast_in_dim3A_2058 : i32 to vector<16xi32>
      %gather3A_2060 = tpu.vector_load_idx %arg12[%add3A_2020, %broadcast_in_dim3A_2059] : memref<512x16xf32, #tpu.memory_space<vmem>>[vector<16xi32>, vector<16xi32>], vector<16xf32>,
      %gather3A_2061 = tpu.vector_load_idx %arg13[%add3A_2020, %broadcast_in_dim3A_2059] : memref<512x16xf32, #tpu.memory_space<vmem>>[vector<16xi32>, vector<16xi32>], vector<16xf32>,
      %mul3A_2062 = arith.mulf %gather3A_2060, %gather3A_2061 : vector<16xf32>
      %mul3A_2063 = arith.mulf %mul3A_2062, %gather3A_1887 : vector<16xf32>
      %add3A_2064 = arith.addf %add3A_2057, %mul3A_2063 : vector<16xf32>
      %broadcast_in_dim3A_2065 = arith.constant 6 : i32
      %broadcast_in_dim3A_2066 = vector.broadcast %broadcast_in_dim3A_2065 : i32 to vector<16xi32>
      %gather3A_2067 = tpu.vector_load_idx %arg12[%add3A_2020, %broadcast_in_dim3A_2066] : memref<512x16xf32, #tpu.memory_space<vmem>>[vector<16xi32>, vector<16xi32>], vector<16xf32>,
      %gather3A_2068 = tpu.vector_load_idx %arg13[%add3A_2020, %broadcast_in_dim3A_2066] : memref<512x16xf32, #tpu.memory_space<vmem>>[vector<16xi32>, vector<16xi32>], vector<16xf32>,
      %mul3A_2069 = arith.mulf %gather3A_2067, %gather3A_2068 : vector<16xf32>
      %mul3A_2070 = arith.mulf %mul3A_2069, %gather3A_1890 : vector<16xf32>
      %add3A_2071 = arith.addf %add3A_2064, %mul3A_2070 : vector<16xf32>
      %broadcast_in_dim3A_2072 = arith.constant 7 : i32
      %broadcast_in_dim3A_2073 = vector.broadcast %broadcast_in_dim3A_2072 : i32 to vector<16xi32>
      %gather3A_2074 = tpu.vector_load_idx %arg12[%add3A_2020, %broadcast_in_dim3A_2073] : memref<512x16xf32, #tpu.memory_space<vmem>>[vector<16xi32>, vector<16xi32>], vector<16xf32>,
      %gather3A_2075 = tpu.vector_load_idx %arg13[%add3A_2020, %broadcast_in_dim3A_2073] : memref<512x16xf32, #tpu.memory_space<vmem>>[vector<16xi32>, vector<16xi32>], vector<16xf32>,
      %mul3A_2076 = arith.mulf %gather3A_2074, %gather3A_2075 : vector<16xf32>
      %mul3A_2077 = arith.mulf %mul3A_2076, %gather3A_1893 : vector<16xf32>
      %add3A_2078 = arith.addf %add3A_2071, %mul3A_2077 : vector<16xf32>
      %broadcast_in_dim3A_2079 = arith.constant 8 : i32
      %broadcast_in_dim3A_2080 = vector.broadcast %broadcast_in_dim3A_2079 : i32 to vector<16xi32>
      %gather3A_2081 = tpu.vector_load_idx %arg12[%add3A_2020, %broadcast_in_dim3A_2080] : memref<512x16xf32, #tpu.memory_space<vmem>>[vector<16xi32>, vector<16xi32>], vector<16xf32>,
      %gather3A_2082 = tpu.vector_load_idx %arg13[%add3A_2020, %broadcast_in_dim3A_2080] : memref<512x16xf32, #tpu.memory_space<vmem>>[vector<16xi32>, vector<16xi32>], vector<16xf32>,
      %mul3A_2083 = arith.mulf %gather3A_2081, %gather3A_2082 : vector<16xf32>
      %mul3A_2084 = arith.mulf %mul3A_2083, %gather3A_1896 : vector<16xf32>
      %add3A_2085 = arith.addf %add3A_2078, %mul3A_2084 : vector<16xf32>
      %broadcast_in_dim3A_2086 = arith.constant 9 : i32
      %broadcast_in_dim3A_2087 = vector.broadcast %broadcast_in_dim3A_2086 : i32 to vector<16xi32>
      %gather3A_2088 = tpu.vector_load_idx %arg12[%add3A_2020, %broadcast_in_dim3A_2087] : memref<512x16xf32, #tpu.memory_space<vmem>>[vector<16xi32>, vector<16xi32>], vector<16xf32>,
      %gather3A_2089 = tpu.vector_load_idx %arg13[%add3A_2020, %broadcast_in_dim3A_2087] : memref<512x16xf32, #tpu.memory_space<vmem>>[vector<16xi32>, vector<16xi32>], vector<16xf32>,
      %mul3A_2090 = arith.mulf %gather3A_2088, %gather3A_2089 : vector<16xf32>
      %mul3A_2091 = arith.mulf %mul3A_2090, %gather3A_1899 : vector<16xf32>
      %add3A_2092 = arith.addf %add3A_2085, %mul3A_2091 : vector<16xf32>
      %broadcast_in_dim3A_2093 = arith.constant 10 : i32
      %broadcast_in_dim3A_2094 = vector.broadcast %broadcast_in_dim3A_2093 : i32 to vector<16xi32>
      %gather3A_2095 = tpu.vector_load_idx %arg12[%add3A_2020, %broadcast_in_dim3A_2094] : memref<512x16xf32, #tpu.memory_space<vmem>>[vector<16xi32>, vector<16xi32>], vector<16xf32>,
      %gather3A_2096 = tpu.vector_load_idx %arg13[%add3A_2020, %broadcast_in_dim3A_2094] : memref<512x16xf32, #tpu.memory_space<vmem>>[vector<16xi32>, vector<16xi32>], vector<16xf32>,
      %mul3A_2097 = arith.mulf %gather3A_2095, %gather3A_2096 : vector<16xf32>
      %mul3A_2098 = arith.mulf %mul3A_2097, %gather3A_1902 : vector<16xf32>
      %add3A_2099 = arith.addf %add3A_2092, %mul3A_2098 : vector<16xf32>
      %broadcast_in_dim3A_2100 = arith.constant 11 : i32
      %broadcast_in_dim3A_2101 = vector.broadcast %broadcast_in_dim3A_2100 : i32 to vector<16xi32>
      %gather3A_2102 = tpu.vector_load_idx %arg12[%add3A_2020, %broadcast_in_dim3A_2101] : memref<512x16xf32, #tpu.memory_space<vmem>>[vector<16xi32>, vector<16xi32>], vector<16xf32>,
      %gather3A_2103 = tpu.vector_load_idx %arg13[%add3A_2020, %broadcast_in_dim3A_2101] : memref<512x16xf32, #tpu.memory_space<vmem>>[vector<16xi32>, vector<16xi32>], vector<16xf32>,
      %mul3A_2104 = arith.mulf %gather3A_2102, %gather3A_2103 : vector<16xf32>
      %mul3A_2105 = arith.mulf %mul3A_2104, %gather3A_1905 : vector<16xf32>
      %add3A_2106 = arith.addf %add3A_2099, %mul3A_2105 : vector<16xf32>
      %broadcast_in_dim3A_2107 = arith.constant 12 : i32
      %broadcast_in_dim3A_2108 = vector.broadcast %broadcast_in_dim3A_2107 : i32 to vector<16xi32>
      %gather3A_2109 = tpu.vector_load_idx %arg12[%add3A_2020, %broadcast_in_dim3A_2108] : memref<512x16xf32, #tpu.memory_space<vmem>>[vector<16xi32>, vector<16xi32>], vector<16xf32>,
      %gather3A_2110 = tpu.vector_load_idx %arg13[%add3A_2020, %broadcast_in_dim3A_2108] : memref<512x16xf32, #tpu.memory_space<vmem>>[vector<16xi32>, vector<16xi32>], vector<16xf32>,
      %mul3A_2111 = arith.mulf %gather3A_2109, %gather3A_2110 : vector<16xf32>
      %mul3A_2112 = arith.mulf %mul3A_2111, %gather3A_1908 : vector<16xf32>
      %add3A_2113 = arith.addf %add3A_2106, %mul3A_2112 : vector<16xf32>
      %broadcast_in_dim3A_2114 = arith.constant 13 : i32
      %broadcast_in_dim3A_2115 = vector.broadcast %broadcast_in_dim3A_2114 : i32 to vector<16xi32>
      %gather3A_2116 = tpu.vector_load_idx %arg12[%add3A_2020, %broadcast_in_dim3A_2115] : memref<512x16xf32, #tpu.memory_space<vmem>>[vector<16xi32>, vector<16xi32>], vector<16xf32>,
      %gather3A_2117 = tpu.vector_load_idx %arg13[%add3A_2020, %broadcast_in_dim3A_2115] : memref<512x16xf32, #tpu.memory_space<vmem>>[vector<16xi32>, vector<16xi32>], vector<16xf32>,
      %mul3A_2118 = arith.mulf %gather3A_2116, %gather3A_2117 : vector<16xf32>
      %mul3A_2119 = arith.mulf %mul3A_2118, %gather3A_1911 : vector<16xf32>
      %add3A_2120 = arith.addf %add3A_2113, %mul3A_2119 : vector<16xf32>
      %broadcast_in_dim3A_2121 = arith.constant 14 : i32
      %broadcast_in_dim3A_2122 = vector.broadcast %broadcast_in_dim3A_2121 : i32 to vector<16xi32>
      %gather3A_2123 = tpu.vector_load_idx %arg12[%add3A_2020, %broadcast_in_dim3A_2122] : memref<512x16xf32, #tpu.memory_space<vmem>>[vector<16xi32>, vector<16xi32>], vector<16xf32>,
      %gather3A_2124 = tpu.vector_load_idx %arg13[%add3A_2020, %broadcast_in_dim3A_2122] : memref<512x16xf32, #tpu.memory_space<vmem>>[vector<16xi32>, vector<16xi32>], vector<16xf32>,
      %mul3A_2125 = arith.mulf %gather3A_2123, %gather3A_2124 : vector<16xf32>
      %mul3A_2126 = arith.mulf %mul3A_2125, %gather3A_1914 : vector<16xf32>
      %add3A_2127 = arith.addf %add3A_2120, %mul3A_2126 : vector<16xf32>
      %broadcast_in_dim3A_2128 = arith.constant 15 : i32
      %broadcast_in_dim3A_2129 = vector.broadcast %broadcast_in_dim3A_2128 : i32 to vector<16xi32>
      %gather3A_2130 = tpu.vector_load_idx %arg12[%add3A_2020, %broadcast_in_dim3A_2129] : memref<512x16xf32, #tpu.memory_space<vmem>>[vector<16xi32>, vector<16xi32>], vector<16xf32>,
      %gather3A_2131 = tpu.vector_load_idx %arg13[%add3A_2020, %broadcast_in_dim3A_2129] : memref<512x16xf32, #tpu.memory_space<vmem>>[vector<16xi32>, vector<16xi32>], vector<16xf32>,
      %mul3A_2132 = arith.mulf %gather3A_2130, %gather3A_2131 : vector<16xf32>
      %mul3A_2133 = arith.mulf %mul3A_2132, %gather3A_1917 : vector<16xf32>
      %add3A_2134 = arith.addf %add3A_2127, %mul3A_2133 : vector<16xf32>
      %mul3A_2135 = arith.constant 16 : i32
      %mul3A_2136 = arith.muli %scan3A_2016, %mul3A_2135 : i32
      %swap3A_2137 = arith.index_cast %mul3A_2136 : i32 to index
      %swap3A_2138 = tpu.vector_load %arg15[%swap3A_2137] {strides = array<i32>} : memref<512xf32, #tpu.memory_space<vmem>>, vector<16xf32>,
      tpu.vector_store %arg15[%swap3A_2137], %add3A_2134 {strides = array<i32>} : memref<512xf32, #tpu.memory_space<vmem>>, vector<16xf32>,
    }
    %scan3A_1965 = arith.constant 8 : i32
    %dma_wait3A_1966 = arith.constant 2 : i32
    %dma_wait3A_1967 = arith.constant 256 : i32
    %dma_wait3A_1968 = arith.constant 0 : i32
    %dma_wait3A_1969 = tpu.memref_slice %arg12[%dma_wait3A_1967, %dma_wait3A_1968] : memref<512x16xf32, #tpu.memory_space<vmem>> -> memref<128x16xf32, #tpu.memory_space<vmem>>
    %dma_wait3A_1970 = arith.constant 0 : i32
    %dma_wait3A_1971 = tpu.memref_slice %arg10[%dma_wait3A_1966, %dma_wait3A_1970] : memref<4x128xi32, #tpu.memory_space<vmem>> -> memref<1x128xi32, #tpu.memory_space<vmem>>
    %dma_wait3A_1972 = tpu.memref_squeeze %dma_wait3A_1971 : memref<1x128xi32, #tpu.memory_space<vmem>> -> memref<128xi32, #tpu.memory_space<vmem>>
    %dma_wait3A_1973 = arith.constant 0 : i32
    %dma_wait3A_1974 = arith.constant 0 : i32
    %dma_wait3A_1975 = tpu.memref_slice %arg4[%dma_wait3A_1973, %dma_wait3A_1974] : memref<106496x16xf32, #tpu.memory_space<hbm>> -> memref<106496x16xf32, #tpu.memory_space<hbm>>
    tpu.wait_indirect_dma semaphore(%arg16 : memref<!tpu.dma_semaphore, #tpu.memory_space<semaphore_mem>>) src(%dma_wait3A_1975 : memref<106496x16xf32, #tpu.memory_space<hbm>>) dst(%dma_wait3A_1969 : memref<128x16xf32, #tpu.memory_space<vmem>>)
    %dma_wait3A_1976 = arith.constant 2 : i32
    %dma_wait3A_1977 = arith.constant 256 : i32
    %dma_wait3A_1978 = arith.constant 0 : i32
    %dma_wait3A_1979 = tpu.memref_slice %arg13[%dma_wait3A_1977, %dma_wait3A_1978] : memref<512x16xf32, #tpu.memory_space<vmem>> -> memref<128x16xf32, #tpu.memory_space<vmem>>
    %dma_wait3A_1980 = arith.constant 0 : i32
    %dma_wait3A_1981 = tpu.memref_slice %arg11[%dma_wait3A_1976, %dma_wait3A_1980] : memref<4x128xi32, #tpu.memory_space<vmem>> -> memref<1x128xi32, #tpu.memory_space<vmem>>
    %dma_wait3A_1982 = tpu.memref_squeeze %dma_wait3A_1981 : memref<1x128xi32, #tpu.memory_space<vmem>> -> memref<128xi32, #tpu.memory_space<vmem>>
    %dma_wait3A_1983 = arith.constant 0 : i32
    %dma_wait3A_1984 = arith.constant 0 : i32
    %dma_wait3A_1985 = tpu.memref_slice %arg5[%dma_wait3A_1983, %dma_wait3A_1984] : memref<106496x16xf32, #tpu.memory_space<hbm>> -> memref<106496x16xf32, #tpu.memory_space<hbm>>
    tpu.wait_indirect_dma semaphore(%arg16 : memref<!tpu.dma_semaphore, #tpu.memory_space<semaphore_mem>>) src(%dma_wait3A_1985 : memref<106496x16xf32, #tpu.memory_space<hbm>>) dst(%dma_wait3A_1979 : memref<128x16xf32, #tpu.memory_space<vmem>>)
    %scan3A_1986 = arith.constant 16 : i32
    %scan3A_1987 = arith.constant 8 : i32
    %scan3A_1988 = arith.addi %scan3A_1986, %scan3A_1987 : i32
    %scan3A_1989 = arith.constant 1 : i32
    scf.for %scan3A_2016 = %scan3A_1986 to %scan3A_1988 step %scan3A_1989  : i32 {
      %mul3A_2017 = arith.constant 16 : i32
      %mul3A_2018 = arith.muli %scan3A_2016, %mul3A_2017 : i32
      %add3A_2019 = vector.broadcast %mul3A_2018 : i32 to vector<16xi32>
      %add3A_2020 = arith.addi %add3A_2019, %iota3A : vector<16xi32>
      %broadcast_in_dim3A_2021 = arith.constant 0.000000e+00 : f32
      %broadcast_in_dim3A_2022 = vector.broadcast %broadcast_in_dim3A_2021 : f32 to vector<16xf32>
      %broadcast_in_dim3A_2023 = arith.constant 0 : i32
      %broadcast_in_dim3A_2024 = vector.broadcast %broadcast_in_dim3A_2023 : i32 to vector<16xi32>
      %gather3A_2025 = tpu.vector_load_idx %arg12[%add3A_2020, %broadcast_in_dim3A_2024] : memref<512x16xf32, #tpu.memory_space<vmem>>[vector<16xi32>, vector<16xi32>], vector<16xf32>,
      %gather3A_2026 = tpu.vector_load_idx %arg13[%add3A_2020, %broadcast_in_dim3A_2024] : memref<512x16xf32, #tpu.memory_space<vmem>>[vector<16xi32>, vector<16xi32>], vector<16xf32>,
      %mul3A_2027 = arith.mulf %gather3A_2025, %gather3A_2026 : vector<16xf32>
      %mul3A_2028 = arith.mulf %mul3A_2027, %gather3A : vector<16xf32>
      %add3A_2029 = arith.addf %broadcast_in_dim3A_2022, %mul3A_2028 : vector<16xf32>
      %broadcast_in_dim3A_2030 = arith.constant 1 : i32
      %broadcast_in_dim3A_2031 = vector.broadcast %broadcast_in_dim3A_2030 : i32 to vector<16xi32>
      %gather3A_2032 = tpu.vector_load_idx %arg12[%add3A_2020, %broadcast_in_dim3A_2031] : memref<512x16xf32, #tpu.memory_space<vmem>>[vector<16xi32>, vector<16xi32>], vector<16xf32>,
      %gather3A_2033 = tpu.vector_load_idx %arg13[%add3A_2020, %broadcast_in_dim3A_2031] : memref<512x16xf32, #tpu.memory_space<vmem>>[vector<16xi32>, vector<16xi32>], vector<16xf32>,
      %mul3A_2034 = arith.mulf %gather3A_2032, %gather3A_2033 : vector<16xf32>
      %mul3A_2035 = arith.mulf %mul3A_2034, %gather3A_1875 : vector<16xf32>
      %add3A_2036 = arith.addf %add3A_2029, %mul3A_2035 : vector<16xf32>
      %broadcast_in_dim3A_2037 = arith.constant 2 : i32
      %broadcast_in_dim3A_2038 = vector.broadcast %broadcast_in_dim3A_2037 : i32 to vector<16xi32>
      %gather3A_2039 = tpu.vector_load_idx %arg12[%add3A_2020, %broadcast_in_dim3A_2038] : memref<512x16xf32, #tpu.memory_space<vmem>>[vector<16xi32>, vector<16xi32>], vector<16xf32>,
      %gather3A_2040 = tpu.vector_load_idx %arg13[%add3A_2020, %broadcast_in_dim3A_2038] : memref<512x16xf32, #tpu.memory_space<vmem>>[vector<16xi32>, vector<16xi32>], vector<16xf32>,
      %mul3A_2041 = arith.mulf %gather3A_2039, %gather3A_2040 : vector<16xf32>
      %mul3A_2042 = arith.mulf %mul3A_2041, %gather3A_1878 : vector<16xf32>
      %add3A_2043 = arith.addf %add3A_2036, %mul3A_2042 : vector<16xf32>
      %broadcast_in_dim3A_2044 = arith.constant 3 : i32
      %broadcast_in_dim3A_2045 = vector.broadcast %broadcast_in_dim3A_2044 : i32 to vector<16xi32>
      %gather3A_2046 = tpu.vector_load_idx %arg12[%add3A_2020, %broadcast_in_dim3A_2045] : memref<512x16xf32, #tpu.memory_space<vmem>>[vector<16xi32>, vector<16xi32>], vector<16xf32>,
      %gather3A_2047 = tpu.vector_load_idx %arg13[%add3A_2020, %broadcast_in_dim3A_2045] : memref<512x16xf32, #tpu.memory_space<vmem>>[vector<16xi32>, vector<16xi32>], vector<16xf32>,
      %mul3A_2048 = arith.mulf %gather3A_2046, %gather3A_2047 : vector<16xf32>
      %mul3A_2049 = arith.mulf %mul3A_2048, %gather3A_1881 : vector<16xf32>
      %add3A_2050 = arith.addf %add3A_2043, %mul3A_2049 : vector<16xf32>
      %broadcast_in_dim3A_2051 = arith.constant 4 : i32
      %broadcast_in_dim3A_2052 = vector.broadcast %broadcast_in_dim3A_2051 : i32 to vector<16xi32>
      %gather3A_2053 = tpu.vector_load_idx %arg12[%add3A_2020, %broadcast_in_dim3A_2052] : memref<512x16xf32, #tpu.memory_space<vmem>>[vector<16xi32>, vector<16xi32>], vector<16xf32>,
      %gather3A_2054 = tpu.vector_load_idx %arg13[%add3A_2020, %broadcast_in_dim3A_2052] : memref<512x16xf32, #tpu.memory_space<vmem>>[vector<16xi32>, vector<16xi32>], vector<16xf32>,
      %mul3A_2055 = arith.mulf %gather3A_2053, %gather3A_2054 : vector<16xf32>
      %mul3A_2056 = arith.mulf %mul3A_2055, %gather3A_1884 : vector<16xf32>
      %add3A_2057 = arith.addf %add3A_2050, %mul3A_2056 : vector<16xf32>
      %broadcast_in_dim3A_2058 = arith.constant 5 : i32
      %broadcast_in_dim3A_2059 = vector.broadcast %broadcast_in_dim3A_2058 : i32 to vector<16xi32>
      %gather3A_2060 = tpu.vector_load_idx %arg12[%add3A_2020, %broadcast_in_dim3A_2059] : memref<512x16xf32, #tpu.memory_space<vmem>>[vector<16xi32>, vector<16xi32>], vector<16xf32>,
      %gather3A_2061 = tpu.vector_load_idx %arg13[%add3A_2020, %broadcast_in_dim3A_2059] : memref<512x16xf32, #tpu.memory_space<vmem>>[vector<16xi32>, vector<16xi32>], vector<16xf32>,
      %mul3A_2062 = arith.mulf %gather3A_2060, %gather3A_2061 : vector<16xf32>
      %mul3A_2063 = arith.mulf %mul3A_2062, %gather3A_1887 : vector<16xf32>
      %add3A_2064 = arith.addf %add3A_2057, %mul3A_2063 : vector<16xf32>
      %broadcast_in_dim3A_2065 = arith.constant 6 : i32
      %broadcast_in_dim3A_2066 = vector.broadcast %broadcast_in_dim3A_2065 : i32 to vector<16xi32>
      %gather3A_2067 = tpu.vector_load_idx %arg12[%add3A_2020, %broadcast_in_dim3A_2066] : memref<512x16xf32, #tpu.memory_space<vmem>>[vector<16xi32>, vector<16xi32>], vector<16xf32>,
      %gather3A_2068 = tpu.vector_load_idx %arg13[%add3A_2020, %broadcast_in_dim3A_2066] : memref<512x16xf32, #tpu.memory_space<vmem>>[vector<16xi32>, vector<16xi32>], vector<16xf32>,
      %mul3A_2069 = arith.mulf %gather3A_2067, %gather3A_2068 : vector<16xf32>
      %mul3A_2070 = arith.mulf %mul3A_2069, %gather3A_1890 : vector<16xf32>
      %add3A_2071 = arith.addf %add3A_2064, %mul3A_2070 : vector<16xf32>
      %broadcast_in_dim3A_2072 = arith.constant 7 : i32
      %broadcast_in_dim3A_2073 = vector.broadcast %broadcast_in_dim3A_2072 : i32 to vector<16xi32>
      %gather3A_2074 = tpu.vector_load_idx %arg12[%add3A_2020, %broadcast_in_dim3A_2073] : memref<512x16xf32, #tpu.memory_space<vmem>>[vector<16xi32>, vector<16xi32>], vector<16xf32>,
      %gather3A_2075 = tpu.vector_load_idx %arg13[%add3A_2020, %broadcast_in_dim3A_2073] : memref<512x16xf32, #tpu.memory_space<vmem>>[vector<16xi32>, vector<16xi32>], vector<16xf32>,
      %mul3A_2076 = arith.mulf %gather3A_2074, %gather3A_2075 : vector<16xf32>
      %mul3A_2077 = arith.mulf %mul3A_2076, %gather3A_1893 : vector<16xf32>
      %add3A_2078 = arith.addf %add3A_2071, %mul3A_2077 : vector<16xf32>
      %broadcast_in_dim3A_2079 = arith.constant 8 : i32
      %broadcast_in_dim3A_2080 = vector.broadcast %broadcast_in_dim3A_2079 : i32 to vector<16xi32>
      %gather3A_2081 = tpu.vector_load_idx %arg12[%add3A_2020, %broadcast_in_dim3A_2080] : memref<512x16xf32, #tpu.memory_space<vmem>>[vector<16xi32>, vector<16xi32>], vector<16xf32>,
      %gather3A_2082 = tpu.vector_load_idx %arg13[%add3A_2020, %broadcast_in_dim3A_2080] : memref<512x16xf32, #tpu.memory_space<vmem>>[vector<16xi32>, vector<16xi32>], vector<16xf32>,
      %mul3A_2083 = arith.mulf %gather3A_2081, %gather3A_2082 : vector<16xf32>
      %mul3A_2084 = arith.mulf %mul3A_2083, %gather3A_1896 : vector<16xf32>
      %add3A_2085 = arith.addf %add3A_2078, %mul3A_2084 : vector<16xf32>
      %broadcast_in_dim3A_2086 = arith.constant 9 : i32
      %broadcast_in_dim3A_2087 = vector.broadcast %broadcast_in_dim3A_2086 : i32 to vector<16xi32>
      %gather3A_2088 = tpu.vector_load_idx %arg12[%add3A_2020, %broadcast_in_dim3A_2087] : memref<512x16xf32, #tpu.memory_space<vmem>>[vector<16xi32>, vector<16xi32>], vector<16xf32>,
      %gather3A_2089 = tpu.vector_load_idx %arg13[%add3A_2020, %broadcast_in_dim3A_2087] : memref<512x16xf32, #tpu.memory_space<vmem>>[vector<16xi32>, vector<16xi32>], vector<16xf32>,
      %mul3A_2090 = arith.mulf %gather3A_2088, %gather3A_2089 : vector<16xf32>
      %mul3A_2091 = arith.mulf %mul3A_2090, %gather3A_1899 : vector<16xf32>
      %add3A_2092 = arith.addf %add3A_2085, %mul3A_2091 : vector<16xf32>
      %broadcast_in_dim3A_2093 = arith.constant 10 : i32
      %broadcast_in_dim3A_2094 = vector.broadcast %broadcast_in_dim3A_2093 : i32 to vector<16xi32>
      %gather3A_2095 = tpu.vector_load_idx %arg12[%add3A_2020, %broadcast_in_dim3A_2094] : memref<512x16xf32, #tpu.memory_space<vmem>>[vector<16xi32>, vector<16xi32>], vector<16xf32>,
      %gather3A_2096 = tpu.vector_load_idx %arg13[%add3A_2020, %broadcast_in_dim3A_2094] : memref<512x16xf32, #tpu.memory_space<vmem>>[vector<16xi32>, vector<16xi32>], vector<16xf32>,
      %mul3A_2097 = arith.mulf %gather3A_2095, %gather3A_2096 : vector<16xf32>
      %mul3A_2098 = arith.mulf %mul3A_2097, %gather3A_1902 : vector<16xf32>
      %add3A_2099 = arith.addf %add3A_2092, %mul3A_2098 : vector<16xf32>
      %broadcast_in_dim3A_2100 = arith.constant 11 : i32
      %broadcast_in_dim3A_2101 = vector.broadcast %broadcast_in_dim3A_2100 : i32 to vector<16xi32>
      %gather3A_2102 = tpu.vector_load_idx %arg12[%add3A_2020, %broadcast_in_dim3A_2101] : memref<512x16xf32, #tpu.memory_space<vmem>>[vector<16xi32>, vector<16xi32>], vector<16xf32>,
      %gather3A_2103 = tpu.vector_load_idx %arg13[%add3A_2020, %broadcast_in_dim3A_2101] : memref<512x16xf32, #tpu.memory_space<vmem>>[vector<16xi32>, vector<16xi32>], vector<16xf32>,
      %mul3A_2104 = arith.mulf %gather3A_2102, %gather3A_2103 : vector<16xf32>
      %mul3A_2105 = arith.mulf %mul3A_2104, %gather3A_1905 : vector<16xf32>
      %add3A_2106 = arith.addf %add3A_2099, %mul3A_2105 : vector<16xf32>
      %broadcast_in_dim3A_2107 = arith.constant 12 : i32
      %broadcast_in_dim3A_2108 = vector.broadcast %broadcast_in_dim3A_2107 : i32 to vector<16xi32>
      %gather3A_2109 = tpu.vector_load_idx %arg12[%add3A_2020, %broadcast_in_dim3A_2108] : memref<512x16xf32, #tpu.memory_space<vmem>>[vector<16xi32>, vector<16xi32>], vector<16xf32>,
      %gather3A_2110 = tpu.vector_load_idx %arg13[%add3A_2020, %broadcast_in_dim3A_2108] : memref<512x16xf32, #tpu.memory_space<vmem>>[vector<16xi32>, vector<16xi32>], vector<16xf32>,
      %mul3A_2111 = arith.mulf %gather3A_2109, %gather3A_2110 : vector<16xf32>
      %mul3A_2112 = arith.mulf %mul3A_2111, %gather3A_1908 : vector<16xf32>
      %add3A_2113 = arith.addf %add3A_2106, %mul3A_2112 : vector<16xf32>
      %broadcast_in_dim3A_2114 = arith.constant 13 : i32
      %broadcast_in_dim3A_2115 = vector.broadcast %broadcast_in_dim3A_2114 : i32 to vector<16xi32>
      %gather3A_2116 = tpu.vector_load_idx %arg12[%add3A_2020, %broadcast_in_dim3A_2115] : memref<512x16xf32, #tpu.memory_space<vmem>>[vector<16xi32>, vector<16xi32>], vector<16xf32>,
      %gather3A_2117 = tpu.vector_load_idx %arg13[%add3A_2020, %broadcast_in_dim3A_2115] : memref<512x16xf32, #tpu.memory_space<vmem>>[vector<16xi32>, vector<16xi32>], vector<16xf32>,
      %mul3A_2118 = arith.mulf %gather3A_2116, %gather3A_2117 : vector<16xf32>
      %mul3A_2119 = arith.mulf %mul3A_2118, %gather3A_1911 : vector<16xf32>
      %add3A_2120 = arith.addf %add3A_2113, %mul3A_2119 : vector<16xf32>
      %broadcast_in_dim3A_2121 = arith.constant 14 : i32
      %broadcast_in_dim3A_2122 = vector.broadcast %broadcast_in_dim3A_2121 : i32 to vector<16xi32>
      %gather3A_2123 = tpu.vector_load_idx %arg12[%add3A_2020, %broadcast_in_dim3A_2122] : memref<512x16xf32, #tpu.memory_space<vmem>>[vector<16xi32>, vector<16xi32>], vector<16xf32>,
      %gather3A_2124 = tpu.vector_load_idx %arg13[%add3A_2020, %broadcast_in_dim3A_2122] : memref<512x16xf32, #tpu.memory_space<vmem>>[vector<16xi32>, vector<16xi32>], vector<16xf32>,
      %mul3A_2125 = arith.mulf %gather3A_2123, %gather3A_2124 : vector<16xf32>
      %mul3A_2126 = arith.mulf %mul3A_2125, %gather3A_1914 : vector<16xf32>
      %add3A_2127 = arith.addf %add3A_2120, %mul3A_2126 : vector<16xf32>
      %broadcast_in_dim3A_2128 = arith.constant 15 : i32
      %broadcast_in_dim3A_2129 = vector.broadcast %broadcast_in_dim3A_2128 : i32 to vector<16xi32>
      %gather3A_2130 = tpu.vector_load_idx %arg12[%add3A_2020, %broadcast_in_dim3A_2129] : memref<512x16xf32, #tpu.memory_space<vmem>>[vector<16xi32>, vector<16xi32>], vector<16xf32>,
      %gather3A_2131 = tpu.vector_load_idx %arg13[%add3A_2020, %broadcast_in_dim3A_2129] : memref<512x16xf32, #tpu.memory_space<vmem>>[vector<16xi32>, vector<16xi32>], vector<16xf32>,
      %mul3A_2132 = arith.mulf %gather3A_2130, %gather3A_2131 : vector<16xf32>
      %mul3A_2133 = arith.mulf %mul3A_2132, %gather3A_1917 : vector<16xf32>
      %add3A_2134 = arith.addf %add3A_2127, %mul3A_2133 : vector<16xf32>
      %mul3A_2135 = arith.constant 16 : i32
      %mul3A_2136 = arith.muli %scan3A_2016, %mul3A_2135 : i32
      %swap3A_2137 = arith.index_cast %mul3A_2136 : i32 to index
      %swap3A_2138 = tpu.vector_load %arg15[%swap3A_2137] {strides = array<i32>} : memref<512xf32, #tpu.memory_space<vmem>>, vector<16xf32>,
      tpu.vector_store %arg15[%swap3A_2137], %add3A_2134 {strides = array<i32>} : memref<512xf32, #tpu.memory_space<vmem>>, vector<16xf32>,
    }
    %scan3A_1990 = arith.constant 8 : i32
    %dma_wait3A_1991 = arith.constant 3 : i32
    %dma_wait3A_1992 = arith.constant 384 : i32
    %dma_wait3A_1993 = arith.constant 0 : i32
    %dma_wait3A_1994 = tpu.memref_slice %arg12[%dma_wait3A_1992, %dma_wait3A_1993] : memref<512x16xf32, #tpu.memory_space<vmem>> -> memref<128x16xf32, #tpu.memory_space<vmem>>
    %dma_wait3A_1995 = arith.constant 0 : i32
    %dma_wait3A_1996 = tpu.memref_slice %arg10[%dma_wait3A_1991, %dma_wait3A_1995] : memref<4x128xi32, #tpu.memory_space<vmem>> -> memref<1x128xi32, #tpu.memory_space<vmem>>
    %dma_wait3A_1997 = tpu.memref_squeeze %dma_wait3A_1996 : memref<1x128xi32, #tpu.memory_space<vmem>> -> memref<128xi32, #tpu.memory_space<vmem>>
    %dma_wait3A_1998 = arith.constant 0 : i32
    %dma_wait3A_1999 = arith.constant 0 : i32
    %dma_wait3A_2000 = tpu.memref_slice %arg4[%dma_wait3A_1998, %dma_wait3A_1999] : memref<106496x16xf32, #tpu.memory_space<hbm>> -> memref<106496x16xf32, #tpu.memory_space<hbm>>
    tpu.wait_indirect_dma semaphore(%arg16 : memref<!tpu.dma_semaphore, #tpu.memory_space<semaphore_mem>>) src(%dma_wait3A_2000 : memref<106496x16xf32, #tpu.memory_space<hbm>>) dst(%dma_wait3A_1994 : memref<128x16xf32, #tpu.memory_space<vmem>>)
    %dma_wait3A_2001 = arith.constant 3 : i32
    %dma_wait3A_2002 = arith.constant 384 : i32
    %dma_wait3A_2003 = arith.constant 0 : i32
    %dma_wait3A_2004 = tpu.memref_slice %arg13[%dma_wait3A_2002, %dma_wait3A_2003] : memref<512x16xf32, #tpu.memory_space<vmem>> -> memref<128x16xf32, #tpu.memory_space<vmem>>
    %dma_wait3A_2005 = arith.constant 0 : i32
    %dma_wait3A_2006 = tpu.memref_slice %arg11[%dma_wait3A_2001, %dma_wait3A_2005] : memref<4x128xi32, #tpu.memory_space<vmem>> -> memref<1x128xi32, #tpu.memory_space<vmem>>
    %dma_wait3A_2007 = tpu.memref_squeeze %dma_wait3A_2006 : memref<1x128xi32, #tpu.memory_space<vmem>> -> memref<128xi32, #tpu.memory_space<vmem>>
    %dma_wait3A_2008 = arith.constant 0 : i32
    %dma_wait3A_2009 = arith.constant 0 : i32
    %dma_wait3A_2010 = tpu.memref_slice %arg5[%dma_wait3A_2008, %dma_wait3A_2009] : memref<106496x16xf32, #tpu.memory_space<hbm>> -> memref<106496x16xf32, #tpu.memory_space<hbm>>
    tpu.wait_indirect_dma semaphore(%arg16 : memref<!tpu.dma_semaphore, #tpu.memory_space<semaphore_mem>>) src(%dma_wait3A_2010 : memref<106496x16xf32, #tpu.memory_space<hbm>>) dst(%dma_wait3A_2004 : memref<128x16xf32, #tpu.memory_space<vmem>>)
    %scan3A_2011 = arith.constant 24 : i32
    %scan3A_2012 = arith.constant 8 : i32
    %scan3A_2013 = arith.addi %scan3A_2011, %scan3A_2012 : i32
    %scan3A_2014 = arith.constant 1 : i32
    scf.for %scan3A_2016 = %scan3A_2011 to %scan3A_2013 step %scan3A_2014  : i32 {
      %mul3A_2017 = arith.constant 16 : i32
      %mul3A_2018 = arith.muli %scan3A_2016, %mul3A_2017 : i32
      %add3A_2019 = vector.broadcast %mul3A_2018 : i32 to vector<16xi32>
      %add3A_2020 = arith.addi %add3A_2019, %iota3A : vector<16xi32>
      %broadcast_in_dim3A_2021 = arith.constant 0.000000e+00 : f32
      %broadcast_in_dim3A_2022 = vector.broadcast %broadcast_in_dim3A_2021 : f32 to vector<16xf32>
      %broadcast_in_dim3A_2023 = arith.constant 0 : i32
      %broadcast_in_dim3A_2024 = vector.broadcast %broadcast_in_dim3A_2023 : i32 to vector<16xi32>
      %gather3A_2025 = tpu.vector_load_idx %arg12[%add3A_2020, %broadcast_in_dim3A_2024] : memref<512x16xf32, #tpu.memory_space<vmem>>[vector<16xi32>, vector<16xi32>], vector<16xf32>,
      %gather3A_2026 = tpu.vector_load_idx %arg13[%add3A_2020, %broadcast_in_dim3A_2024] : memref<512x16xf32, #tpu.memory_space<vmem>>[vector<16xi32>, vector<16xi32>], vector<16xf32>,
      %mul3A_2027 = arith.mulf %gather3A_2025, %gather3A_2026 : vector<16xf32>
      %mul3A_2028 = arith.mulf %mul3A_2027, %gather3A : vector<16xf32>
      %add3A_2029 = arith.addf %broadcast_in_dim3A_2022, %mul3A_2028 : vector<16xf32>
      %broadcast_in_dim3A_2030 = arith.constant 1 : i32
      %broadcast_in_dim3A_2031 = vector.broadcast %broadcast_in_dim3A_2030 : i32 to vector<16xi32>
      %gather3A_2032 = tpu.vector_load_idx %arg12[%add3A_2020, %broadcast_in_dim3A_2031] : memref<512x16xf32, #tpu.memory_space<vmem>>[vector<16xi32>, vector<16xi32>], vector<16xf32>,
      %gather3A_2033 = tpu.vector_load_idx %arg13[%add3A_2020, %broadcast_in_dim3A_2031] : memref<512x16xf32, #tpu.memory_space<vmem>>[vector<16xi32>, vector<16xi32>], vector<16xf32>,
      %mul3A_2034 = arith.mulf %gather3A_2032, %gather3A_2033 : vector<16xf32>
      %mul3A_2035 = arith.mulf %mul3A_2034, %gather3A_1875 : vector<16xf32>
      %add3A_2036 = arith.addf %add3A_2029, %mul3A_2035 : vector<16xf32>
      %broadcast_in_dim3A_2037 = arith.constant 2 : i32
      %broadcast_in_dim3A_2038 = vector.broadcast %broadcast_in_dim3A_2037 : i32 to vector<16xi32>
      %gather3A_2039 = tpu.vector_load_idx %arg12[%add3A_2020, %broadcast_in_dim3A_2038] : memref<512x16xf32, #tpu.memory_space<vmem>>[vector<16xi32>, vector<16xi32>], vector<16xf32>,
      %gather3A_2040 = tpu.vector_load_idx %arg13[%add3A_2020, %broadcast_in_dim3A_2038] : memref<512x16xf32, #tpu.memory_space<vmem>>[vector<16xi32>, vector<16xi32>], vector<16xf32>,
      %mul3A_2041 = arith.mulf %gather3A_2039, %gather3A_2040 : vector<16xf32>
      %mul3A_2042 = arith.mulf %mul3A_2041, %gather3A_1878 : vector<16xf32>
      %add3A_2043 = arith.addf %add3A_2036, %mul3A_2042 : vector<16xf32>
      %broadcast_in_dim3A_2044 = arith.constant 3 : i32
      %broadcast_in_dim3A_2045 = vector.broadcast %broadcast_in_dim3A_2044 : i32 to vector<16xi32>
      %gather3A_2046 = tpu.vector_load_idx %arg12[%add3A_2020, %broadcast_in_dim3A_2045] : memref<512x16xf32, #tpu.memory_space<vmem>>[vector<16xi32>, vector<16xi32>], vector<16xf32>,
      %gather3A_2047 = tpu.vector_load_idx %arg13[%add3A_2020, %broadcast_in_dim3A_2045] : memref<512x16xf32, #tpu.memory_space<vmem>>[vector<16xi32>, vector<16xi32>], vector<16xf32>,
      %mul3A_2048 = arith.mulf %gather3A_2046, %gather3A_2047 : vector<16xf32>
      %mul3A_2049 = arith.mulf %mul3A_2048, %gather3A_1881 : vector<16xf32>
      %add3A_2050 = arith.addf %add3A_2043, %mul3A_2049 : vector<16xf32>
      %broadcast_in_dim3A_2051 = arith.constant 4 : i32
      %broadcast_in_dim3A_2052 = vector.broadcast %broadcast_in_dim3A_2051 : i32 to vector<16xi32>
      %gather3A_2053 = tpu.vector_load_idx %arg12[%add3A_2020, %broadcast_in_dim3A_2052] : memref<512x16xf32, #tpu.memory_space<vmem>>[vector<16xi32>, vector<16xi32>], vector<16xf32>,
      %gather3A_2054 = tpu.vector_load_idx %arg13[%add3A_2020, %broadcast_in_dim3A_2052] : memref<512x16xf32, #tpu.memory_space<vmem>>[vector<16xi32>, vector<16xi32>], vector<16xf32>,
      %mul3A_2055 = arith.mulf %gather3A_2053, %gather3A_2054 : vector<16xf32>
      %mul3A_2056 = arith.mulf %mul3A_2055, %gather3A_1884 : vector<16xf32>
      %add3A_2057 = arith.addf %add3A_2050, %mul3A_2056 : vector<16xf32>
      %broadcast_in_dim3A_2058 = arith.constant 5 : i32
      %broadcast_in_dim3A_2059 = vector.broadcast %broadcast_in_dim3A_2058 : i32 to vector<16xi32>
      %gather3A_2060 = tpu.vector_load_idx %arg12[%add3A_2020, %broadcast_in_dim3A_2059] : memref<512x16xf32, #tpu.memory_space<vmem>>[vector<16xi32>, vector<16xi32>], vector<16xf32>,
      %gather3A_2061 = tpu.vector_load_idx %arg13[%add3A_2020, %broadcast_in_dim3A_2059] : memref<512x16xf32, #tpu.memory_space<vmem>>[vector<16xi32>, vector<16xi32>], vector<16xf32>,
      %mul3A_2062 = arith.mulf %gather3A_2060, %gather3A_2061 : vector<16xf32>
      %mul3A_2063 = arith.mulf %mul3A_2062, %gather3A_1887 : vector<16xf32>
      %add3A_2064 = arith.addf %add3A_2057, %mul3A_2063 : vector<16xf32>
      %broadcast_in_dim3A_2065 = arith.constant 6 : i32
      %broadcast_in_dim3A_2066 = vector.broadcast %broadcast_in_dim3A_2065 : i32 to vector<16xi32>
      %gather3A_2067 = tpu.vector_load_idx %arg12[%add3A_2020, %broadcast_in_dim3A_2066] : memref<512x16xf32, #tpu.memory_space<vmem>>[vector<16xi32>, vector<16xi32>], vector<16xf32>,
      %gather3A_2068 = tpu.vector_load_idx %arg13[%add3A_2020, %broadcast_in_dim3A_2066] : memref<512x16xf32, #tpu.memory_space<vmem>>[vector<16xi32>, vector<16xi32>], vector<16xf32>,
      %mul3A_2069 = arith.mulf %gather3A_2067, %gather3A_2068 : vector<16xf32>
      %mul3A_2070 = arith.mulf %mul3A_2069, %gather3A_1890 : vector<16xf32>
      %add3A_2071 = arith.addf %add3A_2064, %mul3A_2070 : vector<16xf32>
      %broadcast_in_dim3A_2072 = arith.constant 7 : i32
      %broadcast_in_dim3A_2073 = vector.broadcast %broadcast_in_dim3A_2072 : i32 to vector<16xi32>
      %gather3A_2074 = tpu.vector_load_idx %arg12[%add3A_2020, %broadcast_in_dim3A_2073] : memref<512x16xf32, #tpu.memory_space<vmem>>[vector<16xi32>, vector<16xi32>], vector<16xf32>,
      %gather3A_2075 = tpu.vector_load_idx %arg13[%add3A_2020, %broadcast_in_dim3A_2073] : memref<512x16xf32, #tpu.memory_space<vmem>>[vector<16xi32>, vector<16xi32>], vector<16xf32>,
      %mul3A_2076 = arith.mulf %gather3A_2074, %gather3A_2075 : vector<16xf32>
      %mul3A_2077 = arith.mulf %mul3A_2076, %gather3A_1893 : vector<16xf32>
      %add3A_2078 = arith.addf %add3A_2071, %mul3A_2077 : vector<16xf32>
      %broadcast_in_dim3A_2079 = arith.constant 8 : i32
      %broadcast_in_dim3A_2080 = vector.broadcast %broadcast_in_dim3A_2079 : i32 to vector<16xi32>
      %gather3A_2081 = tpu.vector_load_idx %arg12[%add3A_2020, %broadcast_in_dim3A_2080] : memref<512x16xf32, #tpu.memory_space<vmem>>[vector<16xi32>, vector<16xi32>], vector<16xf32>,
      %gather3A_2082 = tpu.vector_load_idx %arg13[%add3A_2020, %broadcast_in_dim3A_2080] : memref<512x16xf32, #tpu.memory_space<vmem>>[vector<16xi32>, vector<16xi32>], vector<16xf32>,
      %mul3A_2083 = arith.mulf %gather3A_2081, %gather3A_2082 : vector<16xf32>
      %mul3A_2084 = arith.mulf %mul3A_2083, %gather3A_1896 : vector<16xf32>
      %add3A_2085 = arith.addf %add3A_2078, %mul3A_2084 : vector<16xf32>
      %broadcast_in_dim3A_2086 = arith.constant 9 : i32
      %broadcast_in_dim3A_2087 = vector.broadcast %broadcast_in_dim3A_2086 : i32 to vector<16xi32>
      %gather3A_2088 = tpu.vector_load_idx %arg12[%add3A_2020, %broadcast_in_dim3A_2087] : memref<512x16xf32, #tpu.memory_space<vmem>>[vector<16xi32>, vector<16xi32>], vector<16xf32>,
      %gather3A_2089 = tpu.vector_load_idx %arg13[%add3A_2020, %broadcast_in_dim3A_2087] : memref<512x16xf32, #tpu.memory_space<vmem>>[vector<16xi32>, vector<16xi32>], vector<16xf32>,
      %mul3A_2090 = arith.mulf %gather3A_2088, %gather3A_2089 : vector<16xf32>
      %mul3A_2091 = arith.mulf %mul3A_2090, %gather3A_1899 : vector<16xf32>
      %add3A_2092 = arith.addf %add3A_2085, %mul3A_2091 : vector<16xf32>
      %broadcast_in_dim3A_2093 = arith.constant 10 : i32
      %broadcast_in_dim3A_2094 = vector.broadcast %broadcast_in_dim3A_2093 : i32 to vector<16xi32>
      %gather3A_2095 = tpu.vector_load_idx %arg12[%add3A_2020, %broadcast_in_dim3A_2094] : memref<512x16xf32, #tpu.memory_space<vmem>>[vector<16xi32>, vector<16xi32>], vector<16xf32>,
      %gather3A_2096 = tpu.vector_load_idx %arg13[%add3A_2020, %broadcast_in_dim3A_2094] : memref<512x16xf32, #tpu.memory_space<vmem>>[vector<16xi32>, vector<16xi32>], vector<16xf32>,
      %mul3A_2097 = arith.mulf %gather3A_2095, %gather3A_2096 : vector<16xf32>
      %mul3A_2098 = arith.mulf %mul3A_2097, %gather3A_1902 : vector<16xf32>
      %add3A_2099 = arith.addf %add3A_2092, %mul3A_2098 : vector<16xf32>
      %broadcast_in_dim3A_2100 = arith.constant 11 : i32
      %broadcast_in_dim3A_2101 = vector.broadcast %broadcast_in_dim3A_2100 : i32 to vector<16xi32>
      %gather3A_2102 = tpu.vector_load_idx %arg12[%add3A_2020, %broadcast_in_dim3A_2101] : memref<512x16xf32, #tpu.memory_space<vmem>>[vector<16xi32>, vector<16xi32>], vector<16xf32>,
      %gather3A_2103 = tpu.vector_load_idx %arg13[%add3A_2020, %broadcast_in_dim3A_2101] : memref<512x16xf32, #tpu.memory_space<vmem>>[vector<16xi32>, vector<16xi32>], vector<16xf32>,
      %mul3A_2104 = arith.mulf %gather3A_2102, %gather3A_2103 : vector<16xf32>
      %mul3A_2105 = arith.mulf %mul3A_2104, %gather3A_1905 : vector<16xf32>
      %add3A_2106 = arith.addf %add3A_2099, %mul3A_2105 : vector<16xf32>
      %broadcast_in_dim3A_2107 = arith.constant 12 : i32
      %broadcast_in_dim3A_2108 = vector.broadcast %broadcast_in_dim3A_2107 : i32 to vector<16xi32>
      %gather3A_2109 = tpu.vector_load_idx %arg12[%add3A_2020, %broadcast_in_dim3A_2108] : memref<512x16xf32, #tpu.memory_space<vmem>>[vector<16xi32>, vector<16xi32>], vector<16xf32>,
      %gather3A_2110 = tpu.vector_load_idx %arg13[%add3A_2020, %broadcast_in_dim3A_2108] : memref<512x16xf32, #tpu.memory_space<vmem>>[vector<16xi32>, vector<16xi32>], vector<16xf32>,
      %mul3A_2111 = arith.mulf %gather3A_2109, %gather3A_2110 : vector<16xf32>
      %mul3A_2112 = arith.mulf %mul3A_2111, %gather3A_1908 : vector<16xf32>
      %add3A_2113 = arith.addf %add3A_2106, %mul3A_2112 : vector<16xf32>
      %broadcast_in_dim3A_2114 = arith.constant 13 : i32
      %broadcast_in_dim3A_2115 = vector.broadcast %broadcast_in_dim3A_2114 : i32 to vector<16xi32>
      %gather3A_2116 = tpu.vector_load_idx %arg12[%add3A_2020, %broadcast_in_dim3A_2115] : memref<512x16xf32, #tpu.memory_space<vmem>>[vector<16xi32>, vector<16xi32>], vector<16xf32>,
      %gather3A_2117 = tpu.vector_load_idx %arg13[%add3A_2020, %broadcast_in_dim3A_2115] : memref<512x16xf32, #tpu.memory_space<vmem>>[vector<16xi32>, vector<16xi32>], vector<16xf32>,
      %mul3A_2118 = arith.mulf %gather3A_2116, %gather3A_2117 : vector<16xf32>
      %mul3A_2119 = arith.mulf %mul3A_2118, %gather3A_1911 : vector<16xf32>
      %add3A_2120 = arith.addf %add3A_2113, %mul3A_2119 : vector<16xf32>
      %broadcast_in_dim3A_2121 = arith.constant 14 : i32
      %broadcast_in_dim3A_2122 = vector.broadcast %broadcast_in_dim3A_2121 : i32 to vector<16xi32>
      %gather3A_2123 = tpu.vector_load_idx %arg12[%add3A_2020, %broadcast_in_dim3A_2122] : memref<512x16xf32, #tpu.memory_space<vmem>>[vector<16xi32>, vector<16xi32>], vector<16xf32>,
      %gather3A_2124 = tpu.vector_load_idx %arg13[%add3A_2020, %broadcast_in_dim3A_2122] : memref<512x16xf32, #tpu.memory_space<vmem>>[vector<16xi32>, vector<16xi32>], vector<16xf32>,
      %mul3A_2125 = arith.mulf %gather3A_2123, %gather3A_2124 : vector<16xf32>
      %mul3A_2126 = arith.mulf %mul3A_2125, %gather3A_1914 : vector<16xf32>
      %add3A_2127 = arith.addf %add3A_2120, %mul3A_2126 : vector<16xf32>
      %broadcast_in_dim3A_2128 = arith.constant 15 : i32
      %broadcast_in_dim3A_2129 = vector.broadcast %broadcast_in_dim3A_2128 : i32 to vector<16xi32>
      %gather3A_2130 = tpu.vector_load_idx %arg12[%add3A_2020, %broadcast_in_dim3A_2129] : memref<512x16xf32, #tpu.memory_space<vmem>>[vector<16xi32>, vector<16xi32>], vector<16xf32>,
      %gather3A_2131 = tpu.vector_load_idx %arg13[%add3A_2020, %broadcast_in_dim3A_2129] : memref<512x16xf32, #tpu.memory_space<vmem>>[vector<16xi32>, vector<16xi32>], vector<16xf32>,
      %mul3A_2132 = arith.mulf %gather3A_2130, %gather3A_2131 : vector<16xf32>
      %mul3A_2133 = arith.mulf %mul3A_2132, %gather3A_1917 : vector<16xf32>
      %add3A_2134 = arith.addf %add3A_2127, %mul3A_2133 : vector<16xf32>
      %mul3A_2135 = arith.constant 16 : i32
      %mul3A_2136 = arith.muli %scan3A_2016, %mul3A_2135 : i32
      %swap3A_2137 = arith.index_cast %mul3A_2136 : i32 to index
      %swap3A_2138 = tpu.vector_load %arg15[%swap3A_2137] {strides = array<i32>} : memref<512xf32, #tpu.memory_space<vmem>>, vector<16xf32>,
      tpu.vector_store %arg15[%swap3A_2137], %add3A_2134 {strides = array<i32>} : memref<512xf32, #tpu.memory_space<vmem>>, vector<16xf32>,
    }
    %scan3A_2015 = arith.constant 8 : i32
    "tpu.region"() ({
      %run_scoped3A = tpu.sem_alloc : memref<!tpu.dma_semaphore, #tpu.memory_space<semaphore_mem>>
      %dma_start3A_2016 = tpu.memref_slice %arg7[%mul3A_2] : memref<16384xf32, #tpu.memory_space<hbm>> -> memref<512xf32, #tpu.memory_space<hbm>>
      %dma_start3A_2017 = tpu.memref_slice %arg7[%mul3A_2] : memref<16384xf32, #tpu.memory_space<hbm>> -> memref<512xf32, #tpu.memory_space<hbm>>
      tpu.enqueue_dma source(%arg15 : memref<512xf32, #tpu.memory_space<vmem>>) target(%dma_start3A_2017 : memref<512xf32, #tpu.memory_space<hbm>>) target_semaphore(%run_scoped3A : memref<!tpu.dma_semaphore, #tpu.memory_space<semaphore_mem>>)
      %dma_wait3A_2018 = tpu.memref_slice %arg7[%mul3A_2] : memref<16384xf32, #tpu.memory_space<hbm>> -> memref<512xf32, #tpu.memory_space<hbm>>
      %dma_wait3A_2019 = tpu.memref_slice %arg7[%mul3A_2] : memref<16384xf32, #tpu.memory_space<hbm>> -> memref<512xf32, #tpu.memory_space<hbm>>
      tpu.wait_dma2 semaphore(%run_scoped3A : memref<!tpu.dma_semaphore, #tpu.memory_space<semaphore_mem>>) src(%arg15 : memref<512xf32, #tpu.memory_space<vmem>>) dst(%dma_wait3A_2019 : memref<512xf32, #tpu.memory_space<hbm>>)
      tpu.yield
    }) : () -> ()
    return
  }
}

#map = affine_map<(d0, d1) -> (0, 0, 0)>
#map1 = affine_map<(d0, d1) -> (0, 0)>
module attributes {stable_mosaic.version = 14 : i64} {
  func.func @gather_k(%arg0: i32, %arg1: i32, %arg2: memref<32x4x128xi32, #tpu.memory_space<hbm>>, %arg3: memref<32x4x128xi32, #tpu.memory_space<hbm>>, %arg4: memref<100000x128xf32, #tpu.memory_space<hbm>>, %arg5: memref<100000x128xf32, #tpu.memory_space<hbm>>, %arg6: memref<16384x128xf32, #tpu.memory_space<hbm>>, %arg7: memref<16384x128xf32, #tpu.memory_space<hbm>>, %arg8: memref<4x128xi32, #tpu.memory_space<vmem>>, %arg9: memref<4x128xi32, #tpu.memory_space<vmem>>, %arg10: memref<128x128xf32, #tpu.memory_space<vmem>>, %arg11: memref<128x128xf32, #tpu.memory_space<vmem>>, %arg12: memref<128x128xf32, #tpu.memory_space<vmem>>, %arg13: memref<128x128xf32, #tpu.memory_space<vmem>>, %arg14: memref<!tpu.dma_semaphore, #tpu.memory_space<semaphore_mem>>, %arg15: memref<!tpu.dma_semaphore, #tpu.memory_space<semaphore_mem>>, %arg16: memref<!tpu.dma_semaphore, #tpu.memory_space<semaphore_mem>>, %arg17: memref<!tpu.dma_semaphore, #tpu.memory_space<semaphore_mem>>) attributes {dimension_semantics = [#tpu.dimension_semantics<core_parallel>, #tpu.dimension_semantics<subcore_parallel>], iteration_bounds = array<i64: 2, 16>, scalar_prefetch = 0 : i64, scratch_operands = 10 : i64, tpu.core_type = #tpu.core_type<sc_vector_subcore>, window_params = [{transform_indices = #map}, {transform_indices = #map}, {transform_indices = #map1}, {transform_indices = #map1}, {transform_indices = #map1}, {transform_indices = #map1}]} {
    %mul3A = arith.constant 2 : i32
    %mul3A_0 = arith.muli %arg1, %mul3A : i32
    %add3A = arith.addi %mul3A_0, %arg0 : i32
    %mul3A_1 = arith.constant 512 : i32
    %mul3A_2 = arith.muli %add3A, %mul3A_1 : i32
    "tpu.region"() ({
      %run_scoped3A = tpu.sem_alloc : memref<!tpu.dma_semaphore, #tpu.memory_space<semaphore_mem>>
      %dma_start3A_121 = arith.constant 0 : i32
      %dma_start3A_122 = arith.constant 0 : i32
      %dma_start3A_123 = tpu.memref_slice %arg2[%add3A, %dma_start3A_121, %dma_start3A_122] : memref<32x4x128xi32, #tpu.memory_space<hbm>> -> memref<1x4x128xi32, #tpu.memory_space<hbm>>
      %dma_start3A_124 = tpu.memref_squeeze %dma_start3A_123 : memref<1x4x128xi32, #tpu.memory_space<hbm>> -> memref<4x128xi32, #tpu.memory_space<hbm>>
      %dma_start3A_125 = arith.constant 0 : i32
      %dma_start3A_126 = arith.constant 0 : i32
      %dma_start3A_127 = tpu.memref_slice %arg2[%add3A, %dma_start3A_125, %dma_start3A_126] : memref<32x4x128xi32, #tpu.memory_space<hbm>> -> memref<1x4x128xi32, #tpu.memory_space<hbm>>
      %dma_start3A_128 = tpu.memref_squeeze %dma_start3A_127 : memref<1x4x128xi32, #tpu.memory_space<hbm>> -> memref<4x128xi32, #tpu.memory_space<hbm>>
      tpu.enqueue_dma source(%dma_start3A_128 : memref<4x128xi32, #tpu.memory_space<hbm>>) target(%arg8 : memref<4x128xi32, #tpu.memory_space<vmem>>) target_semaphore(%run_scoped3A : memref<!tpu.dma_semaphore, #tpu.memory_space<semaphore_mem>>)
      %dma_wait3A_129 = arith.constant 0 : i32
      %dma_wait3A_130 = arith.constant 0 : i32
      %dma_wait3A_131 = tpu.memref_slice %arg2[%add3A, %dma_wait3A_129, %dma_wait3A_130] : memref<32x4x128xi32, #tpu.memory_space<hbm>> -> memref<1x4x128xi32, #tpu.memory_space<hbm>>
      %dma_wait3A_132 = tpu.memref_squeeze %dma_wait3A_131 : memref<1x4x128xi32, #tpu.memory_space<hbm>> -> memref<4x128xi32, #tpu.memory_space<hbm>>
      %dma_wait3A_133 = arith.constant 0 : i32
      %dma_wait3A_134 = arith.constant 0 : i32
      %dma_wait3A_135 = tpu.memref_slice %arg2[%add3A, %dma_wait3A_133, %dma_wait3A_134] : memref<32x4x128xi32, #tpu.memory_space<hbm>> -> memref<1x4x128xi32, #tpu.memory_space<hbm>>
      %dma_wait3A_136 = tpu.memref_squeeze %dma_wait3A_135 : memref<1x4x128xi32, #tpu.memory_space<hbm>> -> memref<4x128xi32, #tpu.memory_space<hbm>>
      tpu.wait_dma2 semaphore(%run_scoped3A : memref<!tpu.dma_semaphore, #tpu.memory_space<semaphore_mem>>) src(%dma_wait3A_136 : memref<4x128xi32, #tpu.memory_space<hbm>>) dst(%arg8 : memref<4x128xi32, #tpu.memory_space<vmem>>)
      tpu.yield
    }) : () -> ()
    "tpu.region"() ({
      %run_scoped3A = tpu.sem_alloc : memref<!tpu.dma_semaphore, #tpu.memory_space<semaphore_mem>>
      %dma_start3A_121 = arith.constant 0 : i32
      %dma_start3A_122 = arith.constant 0 : i32
      %dma_start3A_123 = tpu.memref_slice %arg3[%add3A, %dma_start3A_121, %dma_start3A_122] : memref<32x4x128xi32, #tpu.memory_space<hbm>> -> memref<1x4x128xi32, #tpu.memory_space<hbm>>
      %dma_start3A_124 = tpu.memref_squeeze %dma_start3A_123 : memref<1x4x128xi32, #tpu.memory_space<hbm>> -> memref<4x128xi32, #tpu.memory_space<hbm>>
      %dma_start3A_125 = arith.constant 0 : i32
      %dma_start3A_126 = arith.constant 0 : i32
      %dma_start3A_127 = tpu.memref_slice %arg3[%add3A, %dma_start3A_125, %dma_start3A_126] : memref<32x4x128xi32, #tpu.memory_space<hbm>> -> memref<1x4x128xi32, #tpu.memory_space<hbm>>
      %dma_start3A_128 = tpu.memref_squeeze %dma_start3A_127 : memref<1x4x128xi32, #tpu.memory_space<hbm>> -> memref<4x128xi32, #tpu.memory_space<hbm>>
      tpu.enqueue_dma source(%dma_start3A_128 : memref<4x128xi32, #tpu.memory_space<hbm>>) target(%arg9 : memref<4x128xi32, #tpu.memory_space<vmem>>) target_semaphore(%run_scoped3A : memref<!tpu.dma_semaphore, #tpu.memory_space<semaphore_mem>>)
      %dma_wait3A_129 = arith.constant 0 : i32
      %dma_wait3A_130 = arith.constant 0 : i32
      %dma_wait3A_131 = tpu.memref_slice %arg3[%add3A, %dma_wait3A_129, %dma_wait3A_130] : memref<32x4x128xi32, #tpu.memory_space<hbm>> -> memref<1x4x128xi32, #tpu.memory_space<hbm>>
      %dma_wait3A_132 = tpu.memref_squeeze %dma_wait3A_131 : memref<1x4x128xi32, #tpu.memory_space<hbm>> -> memref<4x128xi32, #tpu.memory_space<hbm>>
      %dma_wait3A_133 = arith.constant 0 : i32
      %dma_wait3A_134 = arith.constant 0 : i32
      %dma_wait3A_135 = tpu.memref_slice %arg3[%add3A, %dma_wait3A_133, %dma_wait3A_134] : memref<32x4x128xi32, #tpu.memory_space<hbm>> -> memref<1x4x128xi32, #tpu.memory_space<hbm>>
      %dma_wait3A_136 = tpu.memref_squeeze %dma_wait3A_135 : memref<1x4x128xi32, #tpu.memory_space<hbm>> -> memref<4x128xi32, #tpu.memory_space<hbm>>
      tpu.wait_dma2 semaphore(%run_scoped3A : memref<!tpu.dma_semaphore, #tpu.memory_space<semaphore_mem>>) src(%dma_wait3A_136 : memref<4x128xi32, #tpu.memory_space<hbm>>) dst(%arg9 : memref<4x128xi32, #tpu.memory_space<vmem>>)
      tpu.yield
    }) : () -> ()
    %dma_start3A = arith.constant 0 : i32
    %dma_start3A_3 = arith.constant 0 : i32
    %dma_start3A_4 = tpu.memref_slice %arg8[%dma_start3A, %dma_start3A_3] : memref<4x128xi32, #tpu.memory_space<vmem>> -> memref<1x128xi32, #tpu.memory_space<vmem>>
    %dma_start3A_5 = tpu.memref_squeeze %dma_start3A_4 : memref<1x128xi32, #tpu.memory_space<vmem>> -> memref<128xi32, #tpu.memory_space<vmem>>
    %dma_start3A_6 = arith.constant 0 : i32
    %dma_start3A_7 = arith.constant 0 : i32
    %dma_start3A_8 = tpu.memref_slice %arg4[%dma_start3A_6, %dma_start3A_7] : memref<100000x128xf32, #tpu.memory_space<hbm>> -> memref<100000x128xf32, #tpu.memory_space<hbm>>
    tpu.enqueue_indirect_dma source(%dma_start3A_8 : memref<100000x128xf32, #tpu.memory_space<hbm>>) target(%arg10 : memref<128x128xf32, #tpu.memory_space<vmem>>) offsets(%dma_start3A_5 : memref<128xi32, #tpu.memory_space<vmem>>) semaphore(%arg14 : memref<!tpu.dma_semaphore, #tpu.memory_space<semaphore_mem>>)
    %dma_start3A_9 = arith.constant 0 : i32
    %dma_start3A_10 = arith.constant 0 : i32
    %dma_start3A_11 = tpu.memref_slice %arg9[%dma_start3A_9, %dma_start3A_10] : memref<4x128xi32, #tpu.memory_space<vmem>> -> memref<1x128xi32, #tpu.memory_space<vmem>>
    %dma_start3A_12 = tpu.memref_squeeze %dma_start3A_11 : memref<1x128xi32, #tpu.memory_space<vmem>> -> memref<128xi32, #tpu.memory_space<vmem>>
    %dma_start3A_13 = arith.constant 0 : i32
    %dma_start3A_14 = arith.constant 0 : i32
    %dma_start3A_15 = tpu.memref_slice %arg5[%dma_start3A_13, %dma_start3A_14] : memref<100000x128xf32, #tpu.memory_space<hbm>> -> memref<100000x128xf32, #tpu.memory_space<hbm>>
    tpu.enqueue_indirect_dma source(%dma_start3A_15 : memref<100000x128xf32, #tpu.memory_space<hbm>>) target(%arg12 : memref<128x128xf32, #tpu.memory_space<vmem>>) offsets(%dma_start3A_12 : memref<128xi32, #tpu.memory_space<vmem>>) semaphore(%arg16 : memref<!tpu.dma_semaphore, #tpu.memory_space<semaphore_mem>>)
    %dma_start3A_16 = arith.constant 1 : i32
    %dma_start3A_17 = arith.constant 0 : i32
    %dma_start3A_18 = tpu.memref_slice %arg8[%dma_start3A_16, %dma_start3A_17] : memref<4x128xi32, #tpu.memory_space<vmem>> -> memref<1x128xi32, #tpu.memory_space<vmem>>
    %dma_start3A_19 = tpu.memref_squeeze %dma_start3A_18 : memref<1x128xi32, #tpu.memory_space<vmem>> -> memref<128xi32, #tpu.memory_space<vmem>>
    %dma_start3A_20 = arith.constant 0 : i32
    %dma_start3A_21 = arith.constant 0 : i32
    %dma_start3A_22 = tpu.memref_slice %arg4[%dma_start3A_20, %dma_start3A_21] : memref<100000x128xf32, #tpu.memory_space<hbm>> -> memref<100000x128xf32, #tpu.memory_space<hbm>>
    tpu.enqueue_indirect_dma source(%dma_start3A_22 : memref<100000x128xf32, #tpu.memory_space<hbm>>) target(%arg11 : memref<128x128xf32, #tpu.memory_space<vmem>>) offsets(%dma_start3A_19 : memref<128xi32, #tpu.memory_space<vmem>>) semaphore(%arg15 : memref<!tpu.dma_semaphore, #tpu.memory_space<semaphore_mem>>)
    %dma_start3A_23 = arith.constant 1 : i32
    %dma_start3A_24 = arith.constant 0 : i32
    %dma_start3A_25 = tpu.memref_slice %arg9[%dma_start3A_23, %dma_start3A_24] : memref<4x128xi32, #tpu.memory_space<vmem>> -> memref<1x128xi32, #tpu.memory_space<vmem>>
    %dma_start3A_26 = tpu.memref_squeeze %dma_start3A_25 : memref<1x128xi32, #tpu.memory_space<vmem>> -> memref<128xi32, #tpu.memory_space<vmem>>
    %dma_start3A_27 = arith.constant 0 : i32
    %dma_start3A_28 = arith.constant 0 : i32
    %dma_start3A_29 = tpu.memref_slice %arg5[%dma_start3A_27, %dma_start3A_28] : memref<100000x128xf32, #tpu.memory_space<hbm>> -> memref<100000x128xf32, #tpu.memory_space<hbm>>
    tpu.enqueue_indirect_dma source(%dma_start3A_29 : memref<100000x128xf32, #tpu.memory_space<hbm>>) target(%arg13 : memref<128x128xf32, #tpu.memory_space<vmem>>) offsets(%dma_start3A_26 : memref<128xi32, #tpu.memory_space<vmem>>) semaphore(%arg17 : memref<!tpu.dma_semaphore, #tpu.memory_space<semaphore_mem>>)
    %add3A_30 = arith.constant 0 : i32
    %add3A_31 = arith.addi %mul3A_2, %add3A_30 : i32
    %dma_wait3A = arith.constant 0 : i32
    %dma_wait3A_32 = arith.constant 0 : i32
    %dma_wait3A_33 = tpu.memref_slice %arg8[%dma_wait3A, %dma_wait3A_32] : memref<4x128xi32, #tpu.memory_space<vmem>> -> memref<1x128xi32, #tpu.memory_space<vmem>>
    %dma_wait3A_34 = tpu.memref_squeeze %dma_wait3A_33 : memref<1x128xi32, #tpu.memory_space<vmem>> -> memref<128xi32, #tpu.memory_space<vmem>>
    %dma_wait3A_35 = arith.constant 0 : i32
    %dma_wait3A_36 = arith.constant 0 : i32
    %dma_wait3A_37 = tpu.memref_slice %arg4[%dma_wait3A_35, %dma_wait3A_36] : memref<100000x128xf32, #tpu.memory_space<hbm>> -> memref<100000x128xf32, #tpu.memory_space<hbm>>
    tpu.wait_indirect_dma semaphore(%arg14 : memref<!tpu.dma_semaphore, #tpu.memory_space<semaphore_mem>>) src(%dma_wait3A_37 : memref<100000x128xf32, #tpu.memory_space<hbm>>) dst(%arg10 : memref<128x128xf32, #tpu.memory_space<vmem>>)
    "tpu.region"() ({
      %run_scoped3A = tpu.sem_alloc : memref<!tpu.dma_semaphore, #tpu.memory_space<semaphore_mem>>
      %dma_start3A_121 = arith.constant 0 : i32
      %dma_start3A_122 = tpu.memref_slice %arg6[%add3A_31, %dma_start3A_121] : memref<16384x128xf32, #tpu.memory_space<hbm>> -> memref<128x128xf32, #tpu.memory_space<hbm>>
      %dma_start3A_123 = arith.constant 0 : i32
      %dma_start3A_124 = tpu.memref_slice %arg6[%add3A_31, %dma_start3A_123] : memref<16384x128xf32, #tpu.memory_space<hbm>> -> memref<128x128xf32, #tpu.memory_space<hbm>>
      tpu.enqueue_dma source(%arg10 : memref<128x128xf32, #tpu.memory_space<vmem>>) target(%dma_start3A_124 : memref<128x128xf32, #tpu.memory_space<hbm>>) target_semaphore(%run_scoped3A : memref<!tpu.dma_semaphore, #tpu.memory_space<semaphore_mem>>)
      %dma_wait3A_125 = arith.constant 0 : i32
      %dma_wait3A_126 = tpu.memref_slice %arg6[%add3A_31, %dma_wait3A_125] : memref<16384x128xf32, #tpu.memory_space<hbm>> -> memref<128x128xf32, #tpu.memory_space<hbm>>
      %dma_wait3A_127 = arith.constant 0 : i32
      %dma_wait3A_128 = tpu.memref_slice %arg6[%add3A_31, %dma_wait3A_127] : memref<16384x128xf32, #tpu.memory_space<hbm>> -> memref<128x128xf32, #tpu.memory_space<hbm>>
      tpu.wait_dma2 semaphore(%run_scoped3A : memref<!tpu.dma_semaphore, #tpu.memory_space<semaphore_mem>>) src(%arg10 : memref<128x128xf32, #tpu.memory_space<vmem>>) dst(%dma_wait3A_128 : memref<128x128xf32, #tpu.memory_space<hbm>>)
      tpu.yield
    }) : () -> ()
    %dma_start3A_38 = arith.constant 2 : i32
    %dma_start3A_39 = arith.constant 0 : i32
    %dma_start3A_40 = tpu.memref_slice %arg8[%dma_start3A_38, %dma_start3A_39] : memref<4x128xi32, #tpu.memory_space<vmem>> -> memref<1x128xi32, #tpu.memory_space<vmem>>
    %dma_start3A_41 = tpu.memref_squeeze %dma_start3A_40 : memref<1x128xi32, #tpu.memory_space<vmem>> -> memref<128xi32, #tpu.memory_space<vmem>>
    %dma_start3A_42 = arith.constant 0 : i32
    %dma_start3A_43 = arith.constant 0 : i32
    %dma_start3A_44 = tpu.memref_slice %arg4[%dma_start3A_42, %dma_start3A_43] : memref<100000x128xf32, #tpu.memory_space<hbm>> -> memref<100000x128xf32, #tpu.memory_space<hbm>>
    tpu.enqueue_indirect_dma source(%dma_start3A_44 : memref<100000x128xf32, #tpu.memory_space<hbm>>) target(%arg10 : memref<128x128xf32, #tpu.memory_space<vmem>>) offsets(%dma_start3A_41 : memref<128xi32, #tpu.memory_space<vmem>>) semaphore(%arg14 : memref<!tpu.dma_semaphore, #tpu.memory_space<semaphore_mem>>)
    %dma_wait3A_45 = arith.constant 0 : i32
    %dma_wait3A_46 = arith.constant 0 : i32
    %dma_wait3A_47 = tpu.memref_slice %arg9[%dma_wait3A_45, %dma_wait3A_46] : memref<4x128xi32, #tpu.memory_space<vmem>> -> memref<1x128xi32, #tpu.memory_space<vmem>>
    %dma_wait3A_48 = tpu.memref_squeeze %dma_wait3A_47 : memref<1x128xi32, #tpu.memory_space<vmem>> -> memref<128xi32, #tpu.memory_space<vmem>>
    %dma_wait3A_49 = arith.constant 0 : i32
    %dma_wait3A_50 = arith.constant 0 : i32
    %dma_wait3A_51 = tpu.memref_slice %arg5[%dma_wait3A_49, %dma_wait3A_50] : memref<100000x128xf32, #tpu.memory_space<hbm>> -> memref<100000x128xf32, #tpu.memory_space<hbm>>
    tpu.wait_indirect_dma semaphore(%arg16 : memref<!tpu.dma_semaphore, #tpu.memory_space<semaphore_mem>>) src(%dma_wait3A_51 : memref<100000x128xf32, #tpu.memory_space<hbm>>) dst(%arg12 : memref<128x128xf32, #tpu.memory_space<vmem>>)
    "tpu.region"() ({
      %run_scoped3A = tpu.sem_alloc : memref<!tpu.dma_semaphore, #tpu.memory_space<semaphore_mem>>
      %dma_start3A_121 = arith.constant 0 : i32
      %dma_start3A_122 = tpu.memref_slice %arg7[%add3A_31, %dma_start3A_121] : memref<16384x128xf32, #tpu.memory_space<hbm>> -> memref<128x128xf32, #tpu.memory_space<hbm>>
      %dma_start3A_123 = arith.constant 0 : i32
      %dma_start3A_124 = tpu.memref_slice %arg7[%add3A_31, %dma_start3A_123] : memref<16384x128xf32, #tpu.memory_space<hbm>> -> memref<128x128xf32, #tpu.memory_space<hbm>>
      tpu.enqueue_dma source(%arg12 : memref<128x128xf32, #tpu.memory_space<vmem>>) target(%dma_start3A_124 : memref<128x128xf32, #tpu.memory_space<hbm>>) target_semaphore(%run_scoped3A : memref<!tpu.dma_semaphore, #tpu.memory_space<semaphore_mem>>)
      %dma_wait3A_125 = arith.constant 0 : i32
      %dma_wait3A_126 = tpu.memref_slice %arg7[%add3A_31, %dma_wait3A_125] : memref<16384x128xf32, #tpu.memory_space<hbm>> -> memref<128x128xf32, #tpu.memory_space<hbm>>
      %dma_wait3A_127 = arith.constant 0 : i32
      %dma_wait3A_128 = tpu.memref_slice %arg7[%add3A_31, %dma_wait3A_127] : memref<16384x128xf32, #tpu.memory_space<hbm>> -> memref<128x128xf32, #tpu.memory_space<hbm>>
      tpu.wait_dma2 semaphore(%run_scoped3A : memref<!tpu.dma_semaphore, #tpu.memory_space<semaphore_mem>>) src(%arg12 : memref<128x128xf32, #tpu.memory_space<vmem>>) dst(%dma_wait3A_128 : memref<128x128xf32, #tpu.memory_space<hbm>>)
      tpu.yield
    }) : () -> ()
    %dma_start3A_52 = arith.constant 2 : i32
    %dma_start3A_53 = arith.constant 0 : i32
    %dma_start3A_54 = tpu.memref_slice %arg9[%dma_start3A_52, %dma_start3A_53] : memref<4x128xi32, #tpu.memory_space<vmem>> -> memref<1x128xi32, #tpu.memory_space<vmem>>
    %dma_start3A_55 = tpu.memref_squeeze %dma_start3A_54 : memref<1x128xi32, #tpu.memory_space<vmem>> -> memref<128xi32, #tpu.memory_space<vmem>>
    %dma_start3A_56 = arith.constant 0 : i32
    %dma_start3A_57 = arith.constant 0 : i32
    %dma_start3A_58 = tpu.memref_slice %arg5[%dma_start3A_56, %dma_start3A_57] : memref<100000x128xf32, #tpu.memory_space<hbm>> -> memref<100000x128xf32, #tpu.memory_space<hbm>>
    tpu.enqueue_indirect_dma source(%dma_start3A_58 : memref<100000x128xf32, #tpu.memory_space<hbm>>) target(%arg12 : memref<128x128xf32, #tpu.memory_space<vmem>>) offsets(%dma_start3A_55 : memref<128xi32, #tpu.memory_space<vmem>>) semaphore(%arg16 : memref<!tpu.dma_semaphore, #tpu.memory_space<semaphore_mem>>)
    %add3A_59 = arith.constant 128 : i32
    %add3A_60 = arith.addi %mul3A_2, %add3A_59 : i32
    %dma_wait3A_61 = arith.constant 1 : i32
    %dma_wait3A_62 = arith.constant 0 : i32
    %dma_wait3A_63 = tpu.memref_slice %arg8[%dma_wait3A_61, %dma_wait3A_62] : memref<4x128xi32, #tpu.memory_space<vmem>> -> memref<1x128xi32, #tpu.memory_space<vmem>>
    %dma_wait3A_64 = tpu.memref_squeeze %dma_wait3A_63 : memref<1x128xi32, #tpu.memory_space<vmem>> -> memref<128xi32, #tpu.memory_space<vmem>>
    %dma_wait3A_65 = arith.constant 0 : i32
    %dma_wait3A_66 = arith.constant 0 : i32
    %dma_wait3A_67 = tpu.memref_slice %arg4[%dma_wait3A_65, %dma_wait3A_66] : memref<100000x128xf32, #tpu.memory_space<hbm>> -> memref<100000x128xf32, #tpu.memory_space<hbm>>
    tpu.wait_indirect_dma semaphore(%arg15 : memref<!tpu.dma_semaphore, #tpu.memory_space<semaphore_mem>>) src(%dma_wait3A_67 : memref<100000x128xf32, #tpu.memory_space<hbm>>) dst(%arg11 : memref<128x128xf32, #tpu.memory_space<vmem>>)
    "tpu.region"() ({
      %run_scoped3A = tpu.sem_alloc : memref<!tpu.dma_semaphore, #tpu.memory_space<semaphore_mem>>
      %dma_start3A_121 = arith.constant 0 : i32
      %dma_start3A_122 = tpu.memref_slice %arg6[%add3A_60, %dma_start3A_121] : memref<16384x128xf32, #tpu.memory_space<hbm>> -> memref<128x128xf32, #tpu.memory_space<hbm>>
      %dma_start3A_123 = arith.constant 0 : i32
      %dma_start3A_124 = tpu.memref_slice %arg6[%add3A_60, %dma_start3A_123] : memref<16384x128xf32, #tpu.memory_space<hbm>> -> memref<128x128xf32, #tpu.memory_space<hbm>>
      tpu.enqueue_dma source(%arg11 : memref<128x128xf32, #tpu.memory_space<vmem>>) target(%dma_start3A_124 : memref<128x128xf32, #tpu.memory_space<hbm>>) target_semaphore(%run_scoped3A : memref<!tpu.dma_semaphore, #tpu.memory_space<semaphore_mem>>)
      %dma_wait3A_125 = arith.constant 0 : i32
      %dma_wait3A_126 = tpu.memref_slice %arg6[%add3A_60, %dma_wait3A_125] : memref<16384x128xf32, #tpu.memory_space<hbm>> -> memref<128x128xf32, #tpu.memory_space<hbm>>
      %dma_wait3A_127 = arith.constant 0 : i32
      %dma_wait3A_128 = tpu.memref_slice %arg6[%add3A_60, %dma_wait3A_127] : memref<16384x128xf32, #tpu.memory_space<hbm>> -> memref<128x128xf32, #tpu.memory_space<hbm>>
      tpu.wait_dma2 semaphore(%run_scoped3A : memref<!tpu.dma_semaphore, #tpu.memory_space<semaphore_mem>>) src(%arg11 : memref<128x128xf32, #tpu.memory_space<vmem>>) dst(%dma_wait3A_128 : memref<128x128xf32, #tpu.memory_space<hbm>>)
      tpu.yield
    }) : () -> ()
    %dma_start3A_68 = arith.constant 3 : i32
    %dma_start3A_69 = arith.constant 0 : i32
    %dma_start3A_70 = tpu.memref_slice %arg8[%dma_start3A_68, %dma_start3A_69] : memref<4x128xi32, #tpu.memory_space<vmem>> -> memref<1x128xi32, #tpu.memory_space<vmem>>
    %dma_start3A_71 = tpu.memref_squeeze %dma_start3A_70 : memref<1x128xi32, #tpu.memory_space<vmem>> -> memref<128xi32, #tpu.memory_space<vmem>>
    %dma_start3A_72 = arith.constant 0 : i32
    %dma_start3A_73 = arith.constant 0 : i32
    %dma_start3A_74 = tpu.memref_slice %arg4[%dma_start3A_72, %dma_start3A_73] : memref<100000x128xf32, #tpu.memory_space<hbm>> -> memref<100000x128xf32, #tpu.memory_space<hbm>>
    tpu.enqueue_indirect_dma source(%dma_start3A_74 : memref<100000x128xf32, #tpu.memory_space<hbm>>) target(%arg11 : memref<128x128xf32, #tpu.memory_space<vmem>>) offsets(%dma_start3A_71 : memref<128xi32, #tpu.memory_space<vmem>>) semaphore(%arg15 : memref<!tpu.dma_semaphore, #tpu.memory_space<semaphore_mem>>)
    %dma_wait3A_75 = arith.constant 1 : i32
    %dma_wait3A_76 = arith.constant 0 : i32
    %dma_wait3A_77 = tpu.memref_slice %arg9[%dma_wait3A_75, %dma_wait3A_76] : memref<4x128xi32, #tpu.memory_space<vmem>> -> memref<1x128xi32, #tpu.memory_space<vmem>>
    %dma_wait3A_78 = tpu.memref_squeeze %dma_wait3A_77 : memref<1x128xi32, #tpu.memory_space<vmem>> -> memref<128xi32, #tpu.memory_space<vmem>>
    %dma_wait3A_79 = arith.constant 0 : i32
    %dma_wait3A_80 = arith.constant 0 : i32
    %dma_wait3A_81 = tpu.memref_slice %arg5[%dma_wait3A_79, %dma_wait3A_80] : memref<100000x128xf32, #tpu.memory_space<hbm>> -> memref<100000x128xf32, #tpu.memory_space<hbm>>
    tpu.wait_indirect_dma semaphore(%arg17 : memref<!tpu.dma_semaphore, #tpu.memory_space<semaphore_mem>>) src(%dma_wait3A_81 : memref<100000x128xf32, #tpu.memory_space<hbm>>) dst(%arg13 : memref<128x128xf32, #tpu.memory_space<vmem>>)
    "tpu.region"() ({
      %run_scoped3A = tpu.sem_alloc : memref<!tpu.dma_semaphore, #tpu.memory_space<semaphore_mem>>
      %dma_start3A_121 = arith.constant 0 : i32
      %dma_start3A_122 = tpu.memref_slice %arg7[%add3A_60, %dma_start3A_121] : memref<16384x128xf32, #tpu.memory_space<hbm>> -> memref<128x128xf32, #tpu.memory_space<hbm>>
      %dma_start3A_123 = arith.constant 0 : i32
      %dma_start3A_124 = tpu.memref_slice %arg7[%add3A_60, %dma_start3A_123] : memref<16384x128xf32, #tpu.memory_space<hbm>> -> memref<128x128xf32, #tpu.memory_space<hbm>>
      tpu.enqueue_dma source(%arg13 : memref<128x128xf32, #tpu.memory_space<vmem>>) target(%dma_start3A_124 : memref<128x128xf32, #tpu.memory_space<hbm>>) target_semaphore(%run_scoped3A : memref<!tpu.dma_semaphore, #tpu.memory_space<semaphore_mem>>)
      %dma_wait3A_125 = arith.constant 0 : i32
      %dma_wait3A_126 = tpu.memref_slice %arg7[%add3A_60, %dma_wait3A_125] : memref<16384x128xf32, #tpu.memory_space<hbm>> -> memref<128x128xf32, #tpu.memory_space<hbm>>
      %dma_wait3A_127 = arith.constant 0 : i32
      %dma_wait3A_128 = tpu.memref_slice %arg7[%add3A_60, %dma_wait3A_127] : memref<16384x128xf32, #tpu.memory_space<hbm>> -> memref<128x128xf32, #tpu.memory_space<hbm>>
      tpu.wait_dma2 semaphore(%run_scoped3A : memref<!tpu.dma_semaphore, #tpu.memory_space<semaphore_mem>>) src(%arg13 : memref<128x128xf32, #tpu.memory_space<vmem>>) dst(%dma_wait3A_128 : memref<128x128xf32, #tpu.memory_space<hbm>>)
      tpu.yield
    }) : () -> ()
    %dma_start3A_82 = arith.constant 3 : i32
    %dma_start3A_83 = arith.constant 0 : i32
    %dma_start3A_84 = tpu.memref_slice %arg9[%dma_start3A_82, %dma_start3A_83] : memref<4x128xi32, #tpu.memory_space<vmem>> -> memref<1x128xi32, #tpu.memory_space<vmem>>
    %dma_start3A_85 = tpu.memref_squeeze %dma_start3A_84 : memref<1x128xi32, #tpu.memory_space<vmem>> -> memref<128xi32, #tpu.memory_space<vmem>>
    %dma_start3A_86 = arith.constant 0 : i32
    %dma_start3A_87 = arith.constant 0 : i32
    %dma_start3A_88 = tpu.memref_slice %arg5[%dma_start3A_86, %dma_start3A_87] : memref<100000x128xf32, #tpu.memory_space<hbm>> -> memref<100000x128xf32, #tpu.memory_space<hbm>>
    tpu.enqueue_indirect_dma source(%dma_start3A_88 : memref<100000x128xf32, #tpu.memory_space<hbm>>) target(%arg13 : memref<128x128xf32, #tpu.memory_space<vmem>>) offsets(%dma_start3A_85 : memref<128xi32, #tpu.memory_space<vmem>>) semaphore(%arg17 : memref<!tpu.dma_semaphore, #tpu.memory_space<semaphore_mem>>)
    %add3A_89 = arith.constant 256 : i32
    %add3A_90 = arith.addi %mul3A_2, %add3A_89 : i32
    %dma_wait3A_91 = arith.constant 2 : i32
    %dma_wait3A_92 = arith.constant 0 : i32
    %dma_wait3A_93 = tpu.memref_slice %arg8[%dma_wait3A_91, %dma_wait3A_92] : memref<4x128xi32, #tpu.memory_space<vmem>> -> memref<1x128xi32, #tpu.memory_space<vmem>>
    %dma_wait3A_94 = tpu.memref_squeeze %dma_wait3A_93 : memref<1x128xi32, #tpu.memory_space<vmem>> -> memref<128xi32, #tpu.memory_space<vmem>>
    %dma_wait3A_95 = arith.constant 0 : i32
    %dma_wait3A_96 = arith.constant 0 : i32
    %dma_wait3A_97 = tpu.memref_slice %arg4[%dma_wait3A_95, %dma_wait3A_96] : memref<100000x128xf32, #tpu.memory_space<hbm>> -> memref<100000x128xf32, #tpu.memory_space<hbm>>
    tpu.wait_indirect_dma semaphore(%arg14 : memref<!tpu.dma_semaphore, #tpu.memory_space<semaphore_mem>>) src(%dma_wait3A_97 : memref<100000x128xf32, #tpu.memory_space<hbm>>) dst(%arg10 : memref<128x128xf32, #tpu.memory_space<vmem>>)
    "tpu.region"() ({
      %run_scoped3A = tpu.sem_alloc : memref<!tpu.dma_semaphore, #tpu.memory_space<semaphore_mem>>
      %dma_start3A_121 = arith.constant 0 : i32
      %dma_start3A_122 = tpu.memref_slice %arg6[%add3A_90, %dma_start3A_121] : memref<16384x128xf32, #tpu.memory_space<hbm>> -> memref<128x128xf32, #tpu.memory_space<hbm>>
      %dma_start3A_123 = arith.constant 0 : i32
      %dma_start3A_124 = tpu.memref_slice %arg6[%add3A_90, %dma_start3A_123] : memref<16384x128xf32, #tpu.memory_space<hbm>> -> memref<128x128xf32, #tpu.memory_space<hbm>>
      tpu.enqueue_dma source(%arg10 : memref<128x128xf32, #tpu.memory_space<vmem>>) target(%dma_start3A_124 : memref<128x128xf32, #tpu.memory_space<hbm>>) target_semaphore(%run_scoped3A : memref<!tpu.dma_semaphore, #tpu.memory_space<semaphore_mem>>)
      %dma_wait3A_125 = arith.constant 0 : i32
      %dma_wait3A_126 = tpu.memref_slice %arg6[%add3A_90, %dma_wait3A_125] : memref<16384x128xf32, #tpu.memory_space<hbm>> -> memref<128x128xf32, #tpu.memory_space<hbm>>
      %dma_wait3A_127 = arith.constant 0 : i32
      %dma_wait3A_128 = tpu.memref_slice %arg6[%add3A_90, %dma_wait3A_127] : memref<16384x128xf32, #tpu.memory_space<hbm>> -> memref<128x128xf32, #tpu.memory_space<hbm>>
      tpu.wait_dma2 semaphore(%run_scoped3A : memref<!tpu.dma_semaphore, #tpu.memory_space<semaphore_mem>>) src(%arg10 : memref<128x128xf32, #tpu.memory_space<vmem>>) dst(%dma_wait3A_128 : memref<128x128xf32, #tpu.memory_space<hbm>>)
      tpu.yield
    }) : () -> ()
    %dma_wait3A_98 = arith.constant 2 : i32
    %dma_wait3A_99 = arith.constant 0 : i32
    %dma_wait3A_100 = tpu.memref_slice %arg9[%dma_wait3A_98, %dma_wait3A_99] : memref<4x128xi32, #tpu.memory_space<vmem>> -> memref<1x128xi32, #tpu.memory_space<vmem>>
    %dma_wait3A_101 = tpu.memref_squeeze %dma_wait3A_100 : memref<1x128xi32, #tpu.memory_space<vmem>> -> memref<128xi32, #tpu.memory_space<vmem>>
    %dma_wait3A_102 = arith.constant 0 : i32
    %dma_wait3A_103 = arith.constant 0 : i32
    %dma_wait3A_104 = tpu.memref_slice %arg5[%dma_wait3A_102, %dma_wait3A_103] : memref<100000x128xf32, #tpu.memory_space<hbm>> -> memref<100000x128xf32, #tpu.memory_space<hbm>>
    tpu.wait_indirect_dma semaphore(%arg16 : memref<!tpu.dma_semaphore, #tpu.memory_space<semaphore_mem>>) src(%dma_wait3A_104 : memref<100000x128xf32, #tpu.memory_space<hbm>>) dst(%arg12 : memref<128x128xf32, #tpu.memory_space<vmem>>)
    "tpu.region"() ({
      %run_scoped3A = tpu.sem_alloc : memref<!tpu.dma_semaphore, #tpu.memory_space<semaphore_mem>>
      %dma_start3A_121 = arith.constant 0 : i32
      %dma_start3A_122 = tpu.memref_slice %arg7[%add3A_90, %dma_start3A_121] : memref<16384x128xf32, #tpu.memory_space<hbm>> -> memref<128x128xf32, #tpu.memory_space<hbm>>
      %dma_start3A_123 = arith.constant 0 : i32
      %dma_start3A_124 = tpu.memref_slice %arg7[%add3A_90, %dma_start3A_123] : memref<16384x128xf32, #tpu.memory_space<hbm>> -> memref<128x128xf32, #tpu.memory_space<hbm>>
      tpu.enqueue_dma source(%arg12 : memref<128x128xf32, #tpu.memory_space<vmem>>) target(%dma_start3A_124 : memref<128x128xf32, #tpu.memory_space<hbm>>) target_semaphore(%run_scoped3A : memref<!tpu.dma_semaphore, #tpu.memory_space<semaphore_mem>>)
      %dma_wait3A_125 = arith.constant 0 : i32
      %dma_wait3A_126 = tpu.memref_slice %arg7[%add3A_90, %dma_wait3A_125] : memref<16384x128xf32, #tpu.memory_space<hbm>> -> memref<128x128xf32, #tpu.memory_space<hbm>>
      %dma_wait3A_127 = arith.constant 0 : i32
      %dma_wait3A_128 = tpu.memref_slice %arg7[%add3A_90, %dma_wait3A_127] : memref<16384x128xf32, #tpu.memory_space<hbm>> -> memref<128x128xf32, #tpu.memory_space<hbm>>
      tpu.wait_dma2 semaphore(%run_scoped3A : memref<!tpu.dma_semaphore, #tpu.memory_space<semaphore_mem>>) src(%arg12 : memref<128x128xf32, #tpu.memory_space<vmem>>) dst(%dma_wait3A_128 : memref<128x128xf32, #tpu.memory_space<hbm>>)
      tpu.yield
    }) : () -> ()
    %add3A_105 = arith.constant 384 : i32
    %add3A_106 = arith.addi %mul3A_2, %add3A_105 : i32
    %dma_wait3A_107 = arith.constant 3 : i32
    %dma_wait3A_108 = arith.constant 0 : i32
    %dma_wait3A_109 = tpu.memref_slice %arg8[%dma_wait3A_107, %dma_wait3A_108] : memref<4x128xi32, #tpu.memory_space<vmem>> -> memref<1x128xi32, #tpu.memory_space<vmem>>
    %dma_wait3A_110 = tpu.memref_squeeze %dma_wait3A_109 : memref<1x128xi32, #tpu.memory_space<vmem>> -> memref<128xi32, #tpu.memory_space<vmem>>
    %dma_wait3A_111 = arith.constant 0 : i32
    %dma_wait3A_112 = arith.constant 0 : i32
    %dma_wait3A_113 = tpu.memref_slice %arg4[%dma_wait3A_111, %dma_wait3A_112] : memref<100000x128xf32, #tpu.memory_space<hbm>> -> memref<100000x128xf32, #tpu.memory_space<hbm>>
    tpu.wait_indirect_dma semaphore(%arg15 : memref<!tpu.dma_semaphore, #tpu.memory_space<semaphore_mem>>) src(%dma_wait3A_113 : memref<100000x128xf32, #tpu.memory_space<hbm>>) dst(%arg11 : memref<128x128xf32, #tpu.memory_space<vmem>>)
    "tpu.region"() ({
      %run_scoped3A = tpu.sem_alloc : memref<!tpu.dma_semaphore, #tpu.memory_space<semaphore_mem>>
      %dma_start3A_121 = arith.constant 0 : i32
      %dma_start3A_122 = tpu.memref_slice %arg6[%add3A_106, %dma_start3A_121] : memref<16384x128xf32, #tpu.memory_space<hbm>> -> memref<128x128xf32, #tpu.memory_space<hbm>>
      %dma_start3A_123 = arith.constant 0 : i32
      %dma_start3A_124 = tpu.memref_slice %arg6[%add3A_106, %dma_start3A_123] : memref<16384x128xf32, #tpu.memory_space<hbm>> -> memref<128x128xf32, #tpu.memory_space<hbm>>
      tpu.enqueue_dma source(%arg11 : memref<128x128xf32, #tpu.memory_space<vmem>>) target(%dma_start3A_124 : memref<128x128xf32, #tpu.memory_space<hbm>>) target_semaphore(%run_scoped3A : memref<!tpu.dma_semaphore, #tpu.memory_space<semaphore_mem>>)
      %dma_wait3A_125 = arith.constant 0 : i32
      %dma_wait3A_126 = tpu.memref_slice %arg6[%add3A_106, %dma_wait3A_125] : memref<16384x128xf32, #tpu.memory_space<hbm>> -> memref<128x128xf32, #tpu.memory_space<hbm>>
      %dma_wait3A_127 = arith.constant 0 : i32
      %dma_wait3A_128 = tpu.memref_slice %arg6[%add3A_106, %dma_wait3A_127] : memref<16384x128xf32, #tpu.memory_space<hbm>> -> memref<128x128xf32, #tpu.memory_space<hbm>>
      tpu.wait_dma2 semaphore(%run_scoped3A : memref<!tpu.dma_semaphore, #tpu.memory_space<semaphore_mem>>) src(%arg11 : memref<128x128xf32, #tpu.memory_space<vmem>>) dst(%dma_wait3A_128 : memref<128x128xf32, #tpu.memory_space<hbm>>)
      tpu.yield
    }) : () -> ()
    %dma_wait3A_114 = arith.constant 3 : i32
    %dma_wait3A_115 = arith.constant 0 : i32
    %dma_wait3A_116 = tpu.memref_slice %arg9[%dma_wait3A_114, %dma_wait3A_115] : memref<4x128xi32, #tpu.memory_space<vmem>> -> memref<1x128xi32, #tpu.memory_space<vmem>>
    %dma_wait3A_117 = tpu.memref_squeeze %dma_wait3A_116 : memref<1x128xi32, #tpu.memory_space<vmem>> -> memref<128xi32, #tpu.memory_space<vmem>>
    %dma_wait3A_118 = arith.constant 0 : i32
    %dma_wait3A_119 = arith.constant 0 : i32
    %dma_wait3A_120 = tpu.memref_slice %arg5[%dma_wait3A_118, %dma_wait3A_119] : memref<100000x128xf32, #tpu.memory_space<hbm>> -> memref<100000x128xf32, #tpu.memory_space<hbm>>
    tpu.wait_indirect_dma semaphore(%arg17 : memref<!tpu.dma_semaphore, #tpu.memory_space<semaphore_mem>>) src(%dma_wait3A_120 : memref<100000x128xf32, #tpu.memory_space<hbm>>) dst(%arg13 : memref<128x128xf32, #tpu.memory_space<vmem>>)
    "tpu.region"() ({
      %run_scoped3A = tpu.sem_alloc : memref<!tpu.dma_semaphore, #tpu.memory_space<semaphore_mem>>
      %dma_start3A_121 = arith.constant 0 : i32
      %dma_start3A_122 = tpu.memref_slice %arg7[%add3A_106, %dma_start3A_121] : memref<16384x128xf32, #tpu.memory_space<hbm>> -> memref<128x128xf32, #tpu.memory_space<hbm>>
      %dma_start3A_123 = arith.constant 0 : i32
      %dma_start3A_124 = tpu.memref_slice %arg7[%add3A_106, %dma_start3A_123] : memref<16384x128xf32, #tpu.memory_space<hbm>> -> memref<128x128xf32, #tpu.memory_space<hbm>>
      tpu.enqueue_dma source(%arg13 : memref<128x128xf32, #tpu.memory_space<vmem>>) target(%dma_start3A_124 : memref<128x128xf32, #tpu.memory_space<hbm>>) target_semaphore(%run_scoped3A : memref<!tpu.dma_semaphore, #tpu.memory_space<semaphore_mem>>)
      %dma_wait3A_125 = arith.constant 0 : i32
      %dma_wait3A_126 = tpu.memref_slice %arg7[%add3A_106, %dma_wait3A_125] : memref<16384x128xf32, #tpu.memory_space<hbm>> -> memref<128x128xf32, #tpu.memory_space<hbm>>
      %dma_wait3A_127 = arith.constant 0 : i32
      %dma_wait3A_128 = tpu.memref_slice %arg7[%add3A_106, %dma_wait3A_127] : memref<16384x128xf32, #tpu.memory_space<hbm>> -> memref<128x128xf32, #tpu.memory_space<hbm>>
      tpu.wait_dma2 semaphore(%run_scoped3A : memref<!tpu.dma_semaphore, #tpu.memory_space<semaphore_mem>>) src(%arg13 : memref<128x128xf32, #tpu.memory_space<vmem>>) dst(%dma_wait3A_128 : memref<128x128xf32, #tpu.memory_space<hbm>>)
      tpu.yield
    }) : () -> ()
    return
  }
}

module attributes {stable_mosaic.version = 14 : i64} {
  func.func @_mlp_body(%arg0: i32, %arg1: memref<2048x128xf32, #tpu.memory_space<vmem>>, %arg2: memref<2048x128xf32, #tpu.memory_space<vmem>>, %arg3: memref<256x128xf32, #tpu.memory_space<vmem>>, %arg4: memref<1x128xf32, #tpu.memory_space<vmem>>, %arg5: memref<64x128xf32, #tpu.memory_space<vmem>>, %arg6: memref<64x1xf32, #tpu.memory_space<vmem>>, %arg7: memref<32x64xf32, #tpu.memory_space<vmem>>, %arg8: memref<32x1xf32, #tpu.memory_space<vmem>>, %arg9: memref<16x32xf32, #tpu.memory_space<vmem>>, %arg10: memref<16x1xf32, #tpu.memory_space<vmem>>, %arg11: memref<1x32xf32, #tpu.memory_space<vmem>>, %arg12: memref<1x1x2048xf32, #tpu.memory_space<vmem>>) attributes {dimension_semantics = [#tpu.dimension_semantics<arbitrary>], iteration_bounds = array<i64: 8>, scalar_prefetch = 0 : i64, scratch_operands = 0 : i64, tpu.core_type = #tpu.core_type<tc>, window_params = [{transform_indices = @transform_0, window_bounds = array<i64: 2048, 128>}, {transform_indices = @transform_1, window_bounds = array<i64: 2048, 128>}, {pipeline_mode = #tpu.pipeline_mode<synchronous>, transform_indices = @transform_2, window_bounds = array<i64: 256, 128>}, {pipeline_mode = #tpu.pipeline_mode<synchronous>, transform_indices = @transform_3, window_bounds = array<i64: 1, 128>}, {pipeline_mode = #tpu.pipeline_mode<synchronous>, transform_indices = @transform_4, window_bounds = array<i64: 64, 128>}, {pipeline_mode = #tpu.pipeline_mode<synchronous>, transform_indices = @transform_5, window_bounds = array<i64: 64, 1>}, {pipeline_mode = #tpu.pipeline_mode<synchronous>, transform_indices = @transform_6, window_bounds = array<i64: 32, 64>}, {pipeline_mode = #tpu.pipeline_mode<synchronous>, transform_indices = @transform_7, window_bounds = array<i64: 32, 1>}, {pipeline_mode = #tpu.pipeline_mode<synchronous>, transform_indices = @transform_8, window_bounds = array<i64: 16, 32>}, {pipeline_mode = #tpu.pipeline_mode<synchronous>, transform_indices = @transform_9, window_bounds = array<i64: 16, 1>}, {pipeline_mode = #tpu.pipeline_mode<synchronous>, transform_indices = @transform_10, window_bounds = array<i64: 1, 32>}, {transform_indices = @transform_11, window_bounds = array<i64: 1, 1, 2048>}]} {
    %get3A = arith.constant 0 : index
    %get3A_0 = arith.constant 0 : index
    %get3A_1 = vector.load %arg3[%get3A, %get3A_0] : memref<256x128xf32, #tpu.memory_space<vmem>>, vector<256x128xf32>
    %convert_element_type3A = arith.truncf %get3A_1 : vector<256x128xf32> to vector<256x128xbf16>
    %get3A_2 = arith.constant 0 : index
    %get3A_3 = arith.constant 0 : index
    %get3A_4 = vector.load %arg1[%get3A_2, %get3A_3] : memref<2048x128xf32, #tpu.memory_space<vmem>>, vector<2048x128xf32>
    %convert_element_type3A_5 = arith.truncf %get3A_4 : vector<2048x128xf32> to vector<2048x128xbf16>
    %slice3A = vector.extract_strided_slice %convert_element_type3A {offsets = [0, 0], sizes = [128, 128], strides = [1, 1]} : vector<256x128xbf16> to vector<128x128xbf16>
    %dot_general3A = arith.constant dense<0.000000e+00> : vector<2048x128xf32>
    %dot_general3A_6 = tpu.matmul %convert_element_type3A_5, %slice3A, %dot_general3A {dimension_numbers = #tpu.dot_dimension_numbers<[1], [0], [0], [1], [0, 0, 1, 1], [], []>, transpose_lhs_hint = false} : vector<2048x128xbf16>, vector<128x128xbf16>, vector<2048x128xf32> -> vector<2048x128xf32>
    %get3A_7 = arith.constant 0 : index
    %get3A_8 = arith.constant 0 : index
    %get3A_9 = vector.load %arg2[%get3A_7, %get3A_8] : memref<2048x128xf32, #tpu.memory_space<vmem>>, vector<2048x128xf32>
    %convert_element_type3A_10 = arith.truncf %get3A_9 : vector<2048x128xf32> to vector<2048x128xbf16>
    %slice3A_11 = vector.extract_strided_slice %convert_element_type3A {offsets = [128, 0], sizes = [128, 128], strides = [1, 1]} : vector<256x128xbf16> to vector<128x128xbf16>
    %dot_general3A_12 = arith.constant dense<0.000000e+00> : vector<2048x128xf32>
    %dot_general3A_13 = tpu.matmul %convert_element_type3A_10, %slice3A_11, %dot_general3A_12 {dimension_numbers = #tpu.dot_dimension_numbers<[1], [0], [0], [1], [0, 0, 1, 1], [], []>, transpose_lhs_hint = false} : vector<2048x128xbf16>, vector<128x128xbf16>, vector<2048x128xf32> -> vector<2048x128xf32>
    %add3A = arith.addf %dot_general3A_6, %dot_general3A_13 : vector<2048x128xf32>
    %get3A_14 = arith.constant 0 : index
    %get3A_15 = arith.constant 0 : index
    %get3A_16 = vector.load %arg4[%get3A_14, %get3A_15] : memref<1x128xf32, #tpu.memory_space<vmem>>, vector<1x128xf32>
    %add3A_17 = vector.broadcast %get3A_16 : vector<1x128xf32> to vector<2048x128xf32>
    %add3A_18 = arith.addf %add3A, %add3A_17 : vector<2048x128xf32>
    %max3A = arith.constant 0.000000e+00 : f32
    %max3A_19 = vector.broadcast %max3A : f32 to vector<2048x128xf32>
    %max3A_20 = arith.maximumf %add3A_18, %max3A_19 : vector<2048x128xf32>
    %transpose3A = tpu.transpose %max3A_20, [1, 0] : vector<2048x128xf32> -> vector<128x2048xf32>
    %get3A_21 = arith.constant 0 : index
    %get3A_22 = arith.constant 0 : index
    %get3A_23 = vector.load %arg5[%get3A_21, %get3A_22] : memref<64x128xf32, #tpu.memory_space<vmem>>, vector<64x128xf32>
    %convert_element_type3A_24 = arith.truncf %get3A_23 : vector<64x128xf32> to vector<64x128xbf16>
    %convert_element_type3A_25 = arith.truncf %transpose3A : vector<128x2048xf32> to vector<128x2048xbf16>
    %dot_general3A_26 = arith.constant dense<0.000000e+00> : vector<64x2048xf32>
    %dot_general3A_27 = tpu.matmul %convert_element_type3A_24, %convert_element_type3A_25, %dot_general3A_26 {dimension_numbers = #tpu.dot_dimension_numbers<[1], [0], [0], [1], [0, 0, 1, 1], [], []>, transpose_lhs_hint = false} : vector<64x128xbf16>, vector<128x2048xbf16>, vector<64x2048xf32> -> vector<64x2048xf32>
    %get3A_28 = arith.constant 0 : index
    %get3A_29 = arith.constant 0 : index
    %get3A_30 = vector.load %arg6[%get3A_28, %get3A_29] : memref<64x1xf32, #tpu.memory_space<vmem>>, vector<64x1xf32>
    %add3A_31 = vector.broadcast %get3A_30 : vector<64x1xf32> to vector<64x2048xf32>
    %add3A_32 = arith.addf %dot_general3A_27, %add3A_31 : vector<64x2048xf32>
    %max3A_33 = arith.constant 0.000000e+00 : f32
    %max3A_34 = vector.broadcast %max3A_33 : f32 to vector<64x2048xf32>
    %max3A_35 = arith.maximumf %add3A_32, %max3A_34 : vector<64x2048xf32>
    %get3A_36 = arith.constant 0 : index
    %get3A_37 = arith.constant 0 : index
    %get3A_38 = vector.load %arg7[%get3A_36, %get3A_37] : memref<32x64xf32, #tpu.memory_space<vmem>>, vector<32x64xf32>
    %convert_element_type3A_39 = arith.truncf %get3A_38 : vector<32x64xf32> to vector<32x64xbf16>
    %convert_element_type3A_40 = arith.truncf %max3A_35 : vector<64x2048xf32> to vector<64x2048xbf16>
    %dot_general3A_41 = arith.constant dense<0.000000e+00> : vector<32x2048xf32>
    %dot_general3A_42 = tpu.matmul %convert_element_type3A_39, %convert_element_type3A_40, %dot_general3A_41 {dimension_numbers = #tpu.dot_dimension_numbers<[1], [0], [0], [1], [0, 0, 1, 1], [], []>, transpose_lhs_hint = false} : vector<32x64xbf16>, vector<64x2048xbf16>, vector<32x2048xf32> -> vector<32x2048xf32>
    %get3A_43 = arith.constant 0 : index
    %get3A_44 = arith.constant 0 : index
    %get3A_45 = vector.load %arg8[%get3A_43, %get3A_44] : memref<32x1xf32, #tpu.memory_space<vmem>>, vector<32x1xf32>
    %add3A_46 = vector.broadcast %get3A_45 : vector<32x1xf32> to vector<32x2048xf32>
    %add3A_47 = arith.addf %dot_general3A_42, %add3A_46 : vector<32x2048xf32>
    %max3A_48 = arith.constant 0.000000e+00 : f32
    %max3A_49 = vector.broadcast %max3A_48 : f32 to vector<32x2048xf32>
    %max3A_50 = arith.maximumf %add3A_47, %max3A_49 : vector<32x2048xf32>
    %get3A_51 = arith.constant 0 : index
    %get3A_52 = arith.constant 0 : index
    %get3A_53 = vector.load %arg9[%get3A_51, %get3A_52] : memref<16x32xf32, #tpu.memory_space<vmem>>, vector<16x32xf32>
    %convert_element_type3A_54 = arith.truncf %get3A_53 : vector<16x32xf32> to vector<16x32xbf16>
    %convert_element_type3A_55 = arith.truncf %max3A_50 : vector<32x2048xf32> to vector<32x2048xbf16>
    %dot_general3A_56 = arith.constant dense<0.000000e+00> : vector<16x2048xf32>
    %dot_general3A_57 = tpu.matmul %convert_element_type3A_54, %convert_element_type3A_55, %dot_general3A_56 {dimension_numbers = #tpu.dot_dimension_numbers<[1], [0], [0], [1], [0, 0, 1, 1], [], []>, transpose_lhs_hint = false} : vector<16x32xbf16>, vector<32x2048xbf16>, vector<16x2048xf32> -> vector<16x2048xf32>
    %get3A_58 = arith.constant 0 : index
    %get3A_59 = arith.constant 0 : index
    %get3A_60 = vector.load %arg10[%get3A_58, %get3A_59] : memref<16x1xf32, #tpu.memory_space<vmem>>, vector<16x1xf32>
    %add3A_61 = vector.broadcast %get3A_60 : vector<16x1xf32> to vector<16x2048xf32>
    %add3A_62 = arith.addf %dot_general3A_57, %add3A_61 : vector<16x2048xf32>
    %max3A_63 = arith.constant 0.000000e+00 : f32
    %max3A_64 = vector.broadcast %max3A_63 : f32 to vector<16x2048xf32>
    %max3A_65 = arith.maximumf %add3A_62, %max3A_64 : vector<16x2048xf32>
    %get3A_66 = arith.constant 0 : index
    %get3A_67 = arith.constant 0 : index
    %get3A_68 = vector.load %arg11[%get3A_66, %get3A_67] : memref<1x32xf32, #tpu.memory_space<vmem>>, vector<1x32xf32>
    %slice3A_69 = vector.extract_strided_slice %get3A_68 {offsets = [0, 16], sizes = [1, 16], strides = [1, 1]} : vector<1x32xf32> to vector<1x16xf32>
    %convert_element_type3A_70 = arith.truncf %slice3A_69 : vector<1x16xf32> to vector<1x16xbf16>
    %convert_element_type3A_71 = arith.truncf %max3A_65 : vector<16x2048xf32> to vector<16x2048xbf16>
    %dot_general3A_72 = arith.constant dense<0.000000e+00> : vector<1x2048xf32>
    %dot_general3A_73 = tpu.matmul %convert_element_type3A_70, %convert_element_type3A_71, %dot_general3A_72 {dimension_numbers = #tpu.dot_dimension_numbers<[1], [0], [0], [1], [0, 0, 1, 1], [], []>, transpose_lhs_hint = false} : vector<1x16xbf16>, vector<16x2048xbf16>, vector<1x2048xf32> -> vector<1x2048xf32>
    %broadcast_in_dim3A = vector.shape_cast %dot_general3A_73 : vector<1x2048xf32> to vector<1x1x2048xf32>
    %swap3A = arith.constant 0 : index
    %swap3A_74 = arith.constant 0 : index
    %swap3A_75 = arith.constant 0 : index
    %swap3A_76 = vector.load %arg12[%swap3A, %swap3A_74, %swap3A_75] : memref<1x1x2048xf32, #tpu.memory_space<vmem>>, vector<1x1x2048xf32>
    tpu.vector_store %arg12[%swap3A, %swap3A_74, %swap3A_75], %broadcast_in_dim3A {strides = array<i32>} : memref<1x1x2048xf32, #tpu.memory_space<vmem>>, vector<1x1x2048xf32>,
    return
  }
  func.func @transform_0(%arg0: i32) -> (i32, i32) {
    %c0_i32 = arith.constant 0 : i32
    %c0_i32_0 = arith.constant 0 : i32
    return %arg0, %c0_i32 : i32, i32
  }
  func.func @transform_1(%arg0: i32) -> (i32, i32) {
    %c0_i32 = arith.constant 0 : i32
    %c0_i32_0 = arith.constant 0 : i32
    return %arg0, %c0_i32 : i32, i32
  }
  func.func @transform_2(%arg0: i32) -> (i32, i32) {
    %c0_i32 = arith.constant 0 : i32
    %c0_i32_0 = arith.constant 0 : i32
    %c0_i32_1 = arith.constant 0 : i32
    return %c0_i32, %c0_i32_0 : i32, i32
  }
  func.func @transform_3(%arg0: i32) -> (i32, i32) {
    %c0_i32 = arith.constant 0 : i32
    %c0_i32_0 = arith.constant 0 : i32
    %c0_i32_1 = arith.constant 0 : i32
    return %c0_i32, %c0_i32_0 : i32, i32
  }
  func.func @transform_4(%arg0: i32) -> (i32, i32) {
    %c0_i32 = arith.constant 0 : i32
    %c0_i32_0 = arith.constant 0 : i32
    %c0_i32_1 = arith.constant 0 : i32
    return %c0_i32, %c0_i32_0 : i32, i32
  }
  func.func @transform_5(%arg0: i32) -> (i32, i32) {
    %c0_i32 = arith.constant 0 : i32
    %c0_i32_0 = arith.constant 0 : i32
    %c0_i32_1 = arith.constant 0 : i32
    return %c0_i32, %c0_i32_0 : i32, i32
  }
  func.func @transform_6(%arg0: i32) -> (i32, i32) {
    %c0_i32 = arith.constant 0 : i32
    %c0_i32_0 = arith.constant 0 : i32
    %c0_i32_1 = arith.constant 0 : i32
    return %c0_i32, %c0_i32_0 : i32, i32
  }
  func.func @transform_7(%arg0: i32) -> (i32, i32) {
    %c0_i32 = arith.constant 0 : i32
    %c0_i32_0 = arith.constant 0 : i32
    %c0_i32_1 = arith.constant 0 : i32
    return %c0_i32, %c0_i32_0 : i32, i32
  }
  func.func @transform_8(%arg0: i32) -> (i32, i32) {
    %c0_i32 = arith.constant 0 : i32
    %c0_i32_0 = arith.constant 0 : i32
    %c0_i32_1 = arith.constant 0 : i32
    return %c0_i32, %c0_i32_0 : i32, i32
  }
  func.func @transform_9(%arg0: i32) -> (i32, i32) {
    %c0_i32 = arith.constant 0 : i32
    %c0_i32_0 = arith.constant 0 : i32
    %c0_i32_1 = arith.constant 0 : i32
    return %c0_i32, %c0_i32_0 : i32, i32
  }
  func.func @transform_10(%arg0: i32) -> (i32, i32) {
    %c0_i32 = arith.constant 0 : i32
    %c0_i32_0 = arith.constant 0 : i32
    %c0_i32_1 = arith.constant 0 : i32
    return %c0_i32, %c0_i32_0 : i32, i32
  }
  func.func @transform_11(%arg0: i32) -> (i32, i32, i32) {
    %c0_i32 = arith.constant 0 : i32
    %c0_i32_0 = arith.constant 0 : i32
    %c0_i32_1 = arith.constant 0 : i32
    return %arg0, %c0_i32, %c0_i32_0 : i32, i32, i32
  }
}

module attributes {stable_mosaic.version = 14 : i64} {
  func.func @_repack_body(%arg0: i32, %arg1: memref<16x8192xf32, #tpu.memory_space<vmem>>, %arg2: memref<16x8192xf32, #tpu.memory_space<vmem>>, %arg3: memref<1024x128xf32, #tpu.memory_space<vmem>>, %arg4: memref<1024x128xf32, #tpu.memory_space<vmem>>) attributes {dimension_semantics = [#tpu.dimension_semantics<arbitrary>], iteration_bounds = array<i64: 13>, scalar_prefetch = 0 : i64, scratch_operands = 0 : i64, tpu.core_type = #tpu.core_type<tc>, window_params = [{transform_indices = @transform_0, window_bounds = array<i64: 16, 8192>}, {transform_indices = @transform_1, window_bounds = array<i64: 16, 8192>}, {transform_indices = @transform_2, window_bounds = array<i64: 1024, 128>}, {transform_indices = @transform_3, window_bounds = array<i64: 1024, 128>}]} {
    %get3A = arith.constant 0 : index
    %get3A_0 = arith.constant 0 : index
    %get3A_1 = vector.load %arg1[%get3A, %get3A_0] : memref<16x8192xf32, #tpu.memory_space<vmem>>, vector<16x8192xf32>
    %slice3A = vector.extract_strided_slice %get3A_1 {offsets = [0, 0], sizes = [16, 1024], strides = [1, 1]} : vector<16x8192xf32> to vector<16x1024xf32>
    %slice3A_2 = vector.extract_strided_slice %get3A_1 {offsets = [0, 1024], sizes = [16, 1024], strides = [1, 1]} : vector<16x8192xf32> to vector<16x1024xf32>
    %slice3A_3 = vector.extract_strided_slice %get3A_1 {offsets = [0, 2048], sizes = [16, 1024], strides = [1, 1]} : vector<16x8192xf32> to vector<16x1024xf32>
    %slice3A_4 = vector.extract_strided_slice %get3A_1 {offsets = [0, 3072], sizes = [16, 1024], strides = [1, 1]} : vector<16x8192xf32> to vector<16x1024xf32>
    %slice3A_5 = vector.extract_strided_slice %get3A_1 {offsets = [0, 4096], sizes = [16, 1024], strides = [1, 1]} : vector<16x8192xf32> to vector<16x1024xf32>
    %slice3A_6 = vector.extract_strided_slice %get3A_1 {offsets = [0, 5120], sizes = [16, 1024], strides = [1, 1]} : vector<16x8192xf32> to vector<16x1024xf32>
    %slice3A_7 = vector.extract_strided_slice %get3A_1 {offsets = [0, 6144], sizes = [16, 1024], strides = [1, 1]} : vector<16x8192xf32> to vector<16x1024xf32>
    %slice3A_8 = vector.extract_strided_slice %get3A_1 {offsets = [0, 7168], sizes = [16, 1024], strides = [1, 1]} : vector<16x8192xf32> to vector<16x1024xf32>
    %concatenate3A = tpu.concatenate %slice3A, %slice3A_2, %slice3A_3, %slice3A_4, %slice3A_5, %slice3A_6, %slice3A_7, %slice3A_8 in 0 : vector<16x1024xf32>, vector<16x1024xf32>, vector<16x1024xf32>, vector<16x1024xf32>, vector<16x1024xf32>, vector<16x1024xf32>, vector<16x1024xf32>, vector<16x1024xf32> -> vector<128x1024xf32>
    %transpose3A = tpu.transpose %concatenate3A, [1, 0] : vector<128x1024xf32> -> vector<1024x128xf32>
    %swap3A = arith.constant 0 : index
    %swap3A_9 = arith.constant 0 : index
    %swap3A_10 = vector.load %arg3[%swap3A, %swap3A_9] : memref<1024x128xf32, #tpu.memory_space<vmem>>, vector<1024x128xf32>
    tpu.vector_store %arg3[%swap3A, %swap3A_9], %transpose3A {strides = array<i32>} : memref<1024x128xf32, #tpu.memory_space<vmem>>, vector<1024x128xf32>,
    %get3A_11 = arith.constant 0 : index
    %get3A_12 = arith.constant 0 : index
    %get3A_13 = vector.load %arg2[%get3A_11, %get3A_12] : memref<16x8192xf32, #tpu.memory_space<vmem>>, vector<16x8192xf32>
    %slice3A_14 = vector.extract_strided_slice %get3A_13 {offsets = [0, 0], sizes = [16, 1024], strides = [1, 1]} : vector<16x8192xf32> to vector<16x1024xf32>
    %slice3A_15 = vector.extract_strided_slice %get3A_13 {offsets = [0, 1024], sizes = [16, 1024], strides = [1, 1]} : vector<16x8192xf32> to vector<16x1024xf32>
    %slice3A_16 = vector.extract_strided_slice %get3A_13 {offsets = [0, 2048], sizes = [16, 1024], strides = [1, 1]} : vector<16x8192xf32> to vector<16x1024xf32>
    %slice3A_17 = vector.extract_strided_slice %get3A_13 {offsets = [0, 3072], sizes = [16, 1024], strides = [1, 1]} : vector<16x8192xf32> to vector<16x1024xf32>
    %slice3A_18 = vector.extract_strided_slice %get3A_13 {offsets = [0, 4096], sizes = [16, 1024], strides = [1, 1]} : vector<16x8192xf32> to vector<16x1024xf32>
    %slice3A_19 = vector.extract_strided_slice %get3A_13 {offsets = [0, 5120], sizes = [16, 1024], strides = [1, 1]} : vector<16x8192xf32> to vector<16x1024xf32>
    %slice3A_20 = vector.extract_strided_slice %get3A_13 {offsets = [0, 6144], sizes = [16, 1024], strides = [1, 1]} : vector<16x8192xf32> to vector<16x1024xf32>
    %slice3A_21 = vector.extract_strided_slice %get3A_13 {offsets = [0, 7168], sizes = [16, 1024], strides = [1, 1]} : vector<16x8192xf32> to vector<16x1024xf32>
    %concatenate3A_22 = tpu.concatenate %slice3A_14, %slice3A_15, %slice3A_16, %slice3A_17, %slice3A_18, %slice3A_19, %slice3A_20, %slice3A_21 in 0 : vector<16x1024xf32>, vector<16x1024xf32>, vector<16x1024xf32>, vector<16x1024xf32>, vector<16x1024xf32>, vector<16x1024xf32>, vector<16x1024xf32>, vector<16x1024xf32> -> vector<128x1024xf32>
    %transpose3A_23 = tpu.transpose %concatenate3A_22, [1, 0] : vector<128x1024xf32> -> vector<1024x128xf32>
    %swap3A_24 = arith.constant 0 : index
    %swap3A_25 = arith.constant 0 : index
    %swap3A_26 = vector.load %arg4[%swap3A_24, %swap3A_25] : memref<1024x128xf32, #tpu.memory_space<vmem>>, vector<1024x128xf32>
    tpu.vector_store %arg4[%swap3A_24, %swap3A_25], %transpose3A_23 {strides = array<i32>} : memref<1024x128xf32, #tpu.memory_space<vmem>>, vector<1024x128xf32>,
    return
  }
  func.func @transform_0(%arg0: i32) -> (i32, i32) {
    %c0_i32 = arith.constant 0 : i32
    %c0_i32_0 = arith.constant 0 : i32
    return %c0_i32, %arg0 : i32, i32
  }
  func.func @transform_1(%arg0: i32) -> (i32, i32) {
    %c0_i32 = arith.constant 0 : i32
    %c0_i32_0 = arith.constant 0 : i32
    return %c0_i32, %arg0 : i32, i32
  }
  func.func @transform_2(%arg0: i32) -> (i32, i32) {
    %c0_i32 = arith.constant 0 : i32
    %c0_i32_0 = arith.constant 0 : i32
    return %arg0, %c0_i32 : i32, i32
  }
  func.func @transform_3(%arg0: i32) -> (i32, i32) {
    %c0_i32 = arith.constant 0 : i32
    %c0_i32_0 = arith.constant 0 : i32
    return %arg0, %c0_i32 : i32, i32
  }
}

module attributes {stable_mosaic.version = 14 : i64} {
  func.func @_head_body(%arg0: i32, %arg1: memref<16384xf32, #tpu.memory_space<vmem>>, %arg2: memref<16384xf32, #tpu.memory_space<vmem>>, %arg3: memref<1xf32, #tpu.memory_space<smem>>, %arg4: memref<16384xf32, #tpu.memory_space<vmem>>) attributes {dimension_semantics = [#tpu.dimension_semantics<arbitrary>], iteration_bounds = array<i64: 1>, scalar_prefetch = 0 : i64, scratch_operands = 0 : i64, tpu.core_type = #tpu.core_type<tc>, window_params = [{pipeline_mode = #tpu.pipeline_mode<synchronous>, transform_indices = @transform_0, window_bounds = array<i64: 16384>}, {pipeline_mode = #tpu.pipeline_mode<synchronous>, transform_indices = @transform_1, window_bounds = array<i64: 16384>}, {transform_indices = @transform_2, window_bounds = array<i64: 1>}, {pipeline_mode = #tpu.pipeline_mode<synchronous>, transform_indices = @transform_3, window_bounds = array<i64: 16384>}]} {
    %get3A = arith.constant 0 : index
    %get3A_0 = vector.load %arg1[%get3A] : memref<16384xf32, #tpu.memory_space<vmem>>, vector<16384xf32>
    %get3A_1 = arith.constant 0 : index
    %get3A_2 = vector.load %arg2[%get3A_1] : memref<16384xf32, #tpu.memory_space<vmem>>, vector<16384xf32>
    %add3A = arith.addf %get3A_0, %get3A_2 : vector<16384xf32>
    %get3A_3 = arith.constant 0 : index
    %get3A_4 = memref.load %arg3[%get3A_3] : memref<1xf32, #tpu.memory_space<smem>>
    %add3A_5 = vector.broadcast %get3A_4 : f32 to vector<16384xf32>
    %add3A_6 = arith.addf %add3A, %add3A_5 : vector<16384xf32>
    %logistic3A = arith.negf %add3A_6 : vector<16384xf32>
    %logistic3A_7 = math.exp %logistic3A : vector<16384xf32>
    %logistic3A_8 = arith.constant 1.000000e+00 : f32
    %logistic3A_9 = vector.broadcast %logistic3A_8 : f32 to vector<16384xf32>
    %logistic3A_10 = arith.addf %logistic3A_9, %logistic3A_7 : vector<16384xf32>
    %logistic3A_11 = arith.divf %logistic3A_9, %logistic3A_10 : vector<16384xf32>
    %swap3A = arith.constant 0 : index
    %swap3A_12 = vector.load %arg4[%swap3A] : memref<16384xf32, #tpu.memory_space<vmem>>, vector<16384xf32>
    tpu.vector_store %arg4[%swap3A], %logistic3A_11 {strides = array<i32>} : memref<16384xf32, #tpu.memory_space<vmem>>, vector<16384xf32>,
    return
  }
  func.func @transform_0(%arg0: i32) -> i32 {
    %c0_i32 = arith.constant 0 : i32
    %c0_i32_0 = arith.constant 0 : i32
    return %c0_i32 : i32
  }
  func.func @transform_1(%arg0: i32) -> i32 {
    %c0_i32 = arith.constant 0 : i32
    %c0_i32_0 = arith.constant 0 : i32
    return %c0_i32 : i32
  }
  func.func @transform_2(%arg0: i32) -> i32 {
    %c0_i32 = arith.constant 0 : i32
    %c0_i32_0 = arith.constant 0 : i32
    return %c0_i32 : i32
  }
  func.func @transform_3(%arg0: i32) -> i32 {
    %c0_i32 = arith.constant 0 : i32
    %c0_i32_0 = arith.constant 0 : i32
    return %c0_i32 : i32
  }
}

</mosaic_0001>

<sc_bundles>
// kernel: kernel.10.cloned.1.call-start
scs
__scs_entry_jumppad:
0x0: {  	(pc) =	sbr.rel $0x88, $3  }
0x1: {  	(tag) =	ssettag $0x0;
	lr =	simm.s32 $0x1  }
0x2: {  	[smem:$0x3F91] =	sst lr;
	_ =	strace $0xD0000000  }
0x3: {  	_ = 	snop  }
0x4: {  	_ = 	snop  }
0x5: {  	_ = 	snop  }
0x6: {  	_ = 	snop  }
0x7: {  	_ = 	snop  }
__scs_overlays_trampoline_lowered:
0x8: {  	[smem:$0x3FA0] =	sst s0  }
0x9: {  	[smem:$0x3FA1] =	sst s1  }
0xa: {  	[smem:$0x3FA2] =	sst s2  }
0xb: {  	[smem:$0x3FA3] =	sst s3  }
0xc: {  	[smem:$0x3FA4] =	sst s4  }
0xd: {  	[smem:$0x3FA5] =	sst s5  }
0xe: {  	[smem:$0x3FA6] =	sst s6  }
0xf: {  	[smem:$0x3FA7] =	sst s7  }
0x10: {  	[smem:$0x3FA8] =	sst s8  }
0x11: {  	[smem:$0x3FA9] =	sst s9;
	s0 =	simm.s32 @!p0 $0x0  }
0x12: {  	s1 =	sld [smem:$0x3F8F];
	s0 =	simm.s32 @p0 $0x1  }
0x13: {  	[smem:$0x3FAA] =	sst s0;
	s0 =	simm.s32 @!p1 $0x0  }
0x14: {  	s2 =	sld [smem:$0x3F8E];
	s0 =	simm.s32 @p1 $0x1  }
0x15: {  	[smem:$0x3FAB] =	sst s0;
	s0 =	simm.s32 @!p2 $0x0  }
0x16: {  	s3 =	sld [smem:$0x3FDB];
	s0 =	simm.s32 @p2 $0x1  }
0x17: {  	s4 =	simm.s32 $0x1BF5;
	[smem:$0x3FAD] =	sst s0  }
0x18: {  	s0 =	sld [smem:$0x3F90];
	_ =	swait.ge [sflag:s4], $0x0  }
0x19: {  	s7 =	sld [smem:$0x3F91]  }
0x1a: {  	s8 =	sadd.s32 $0xFFFFE003, lr  }
0x1b: {  	s9 =	sadd.s32 $0xFFFFFEF7, lr;
	s5 =	simm.s32 $0xFFFFFFFF;
	p2 =	slt.u32 s8, $0xFFFFF086  }
0x1c: {  	p1 =	slt.u32 s9, $0xF7A;
	s5 =	simm.s32 @!p2 $0x0  }
0x1d: {  	s5 =	simm.s32 @p1 $0x1;
	p0 =	seq.s32 s7, s2  }
0x1e: {  	s7 =	smul.u32 @!p0 $0xF7A, s2;
	p2 =	seq.s32 @!p0 s5, $0x0  }
0x1f: {  	s9 =	smul.u32 $0xF7A, s1;
	s8 =	simm.s32 @!p0 $0x1BF5;
	p2 =	por !p2, p0  }
0x20: {  	[sflag:s8] =	ssyncset.s32 @!p0 $0xFFFFF086;
	s6 =	sadd.s32 @!p0 s3, s7;
	s7 =	simm.s32 @!p0 $0x108  }
0x21: {  	s3 =	sadd.s32 s3, s9;
	s6 =	sadd.s32 @!p0 $0x88, s6;
	s7 =	simm.s32 @p2 $0x1082  }
0x22: {  	[simem:s7], [sflag:s8] =	dma.local @!p0 [hbm:s6], $0xF7A  }
0x23: {  	s9 =	sor.u32 $0xD0000000, s2;
	s6 =	simm.s32 $0x108;
	_ =	swait.ge @!p0 [sflag:s8], $0x0  }
0x24: {  	s3 =	sadd.s32 $0x88, s3;
	s6 =	simm.s32 @!p1 $0x1082;
	[sflag:s4] =	ssyncset.s32 $0xFFFFF086  }
0x25: {  	[simem:s6], [sflag:s4] =	dma.local [hbm:s3], $0xF7A  }
0x26: {  	[smem:$0x3F91] =	sst s1;
	(tag) =	ssettag s2;
	_ =	strace s9  }
0x27: {  	s1 =	sld [smem:$0x3FA1]  }
0x28: {  	s2 =	sld [smem:$0x3FA2]  }
0x29: {  	s4 =	sld [smem:$0x3FA4]  }
0x2a: {  	p0 =	seq.s32 s5, $0x0;
	s5 =	sld [smem:$0x3FA5]  }
0x2b: {  	s6 =	sld [smem:$0x3FA6]  }
0x2c: {  	s7 =	sld [smem:$0x3FA7]  }
0x2d: {  	s3 =	simm.s32 $0x108;
	s8 =	sld [smem:$0x3FA8]  }
0x2e: {  	s3 =	simm.s32 @!p0 $0x1082;
	s9 =	sld [smem:$0x3FA9]  }
0x2f: {  	lr =	sadd.s32 s0, s3;
	s0 =	sld [smem:$0x3FA0]  }
0x30: {  	s3 =	sld [smem:$0x3FA3]  }
0x31: {  	[smem:$0x3FAC] =	sst s10  }
0x32: {  	s10 =	sld [smem:$0x3FAA];
	_ =	sdelay $0x3  }
0x33: {  	p0 =	seq.s32 s10, $0x1;
	s10 =	sld [smem:$0x3FAC];
	_ =	sdelay $0x3  }
0x34: {  	[smem:$0x3FAC] =	sst s10  }
0x35: {  	s10 =	sld [smem:$0x3FAB];
	_ =	sdelay $0x3  }
0x36: {  	p1 =	seq.s32 s10, $0x1;
	s10 =	sld [smem:$0x3FAC];
	_ =	sdelay $0x3  }
0x37: {  	[smem:$0x3FAC] =	sst s10  }
0x38: {  	s10 =	sld [smem:$0x3FAD]  }
0x39: {  	_ = 	snop;
	(pc) =	sbr.ind lr, $3  }
0x3a: {  	_ = 	snop  }
0x3b: {  	_ = 	snop  }
0x3c: {  	p2 =	seq.s32 s10, $0x1;
	s10 =	sld [smem:$0x3FAC]  }
0x3d: {  	_ =	shalt  }
0x3e: {  	_ =	shalt  }
0x3f: {  	_ =	shalt  }
0x40: {  	_ =	shalt  }
0x41: {  	_ =	shalt  }
0x42: {  	_ =	shalt  }
0x43: {  	_ =	shalt  }
0x44: {  	_ =	shalt  }
0x45: {  	_ =	shalt  }
0x46: {  	_ =	shalt  }
0x47: {  	_ =	shalt  }
0x48: {  	_ =	shalt  }
0x49: {  	_ =	shalt  }
0x4a: {  	_ =	shalt  }
0x4b: {  	_ =	shalt  }
0x4c: {  	_ =	shalt  }
0x4d: {  	_ =	shalt  }
0x4e: {  	_ =	shalt  }
0x4f: {  	_ =	shalt  }
0x50: {  	_ =	shalt  }
0x51: {  	_ =	shalt  }
0x52: {  	_ =	shalt  }
0x53: {  	_ =	shalt  }
0x54: {  	_ =	shalt  }
0x55: {  	_ =	shalt  }
0x56: {  	_ =	shalt  }
0x57: {  	_ =	shalt  }
0x58: {  	_ =	shalt  }
0x59: {  	_ =	shalt  }
0x5a: {  	_ =	shalt  }
0x5b: {  	_ =	shalt  }
0x5c: {  	_ =	shalt  }
0x5d: {  	_ =	shalt  }
0x5e: {  	_ =	shalt  }
0x5f: {  	_ =	shalt  }
0x60: {  	_ =	shalt  }
0x61: {  	_ =	shalt  }
0x62: {  	_ =	shalt  }
0x63: {  	_ =	shalt  }
0x64: {  	_ =	shalt  }
0x65: {  	_ =	shalt  }
0x66: {  	_ =	shalt  }
0x67: {  	_ =	shalt  }
0x68: {  	_ =	shalt  }
0x69: {  	_ =	shalt  }
0x6a: {  	_ =	shalt  }
0x6b: {  	_ =	shalt  }
0x6c: {  	_ =	shalt  }
0x6d: {  	_ =	shalt  }
0x6e: {  	_ =	shalt  }
0x6f: {  	_ =	shalt  }
0x70: {  	_ =	shalt  }
0x71: {  	_ =	shalt  }
0x72: {  	_ =	shalt  }
0x73: {  	_ =	shalt  }
0x74: {  	_ =	shalt  }
0x75: {  	_ =	shalt  }
0x76: {  	_ =	shalt  }
0x77: {  	_ =	shalt  }
0x78: {  	_ =	shalt  }
0x79: {  	_ =	shalt  }
0x7a: {  	_ =	shalt  }
0x7b: {  	_ =	shalt  }
0x7c: {  	_ =	shalt  }
0x7d: {  	_ =	shalt  }
0x7e: {  	_ =	shalt  }
0x7f: {  	_ =	shalt  }
0x80: {  	_ =	shalt  }
0x81: {  	_ =	shalt  }
0x82: {  	_ =	shalt  }
0x83: {  	_ =	shalt  }
0x84: {  	_ =	shalt  }
0x85: {  	_ =	shalt  }
0x86: {  	_ =	shalt  }
0x87: {  	_ =	shalt  }
.Lfunc_end0:
.L_simem_size_0:
called_computation.1_lowered:
.L_overlay_start_0:
0x88: {  	s2 =	sld [smem:$0x3FD9]  }
0x89: {  	s3 =	sld [smem:$0x3FFE];
	_ =	sdelay $0x1  }
0x8a: {  	s1 =	srdreg.scid  }
0x8b: {  	s0 =	sand.u32 $0x1, s1  }
0x8c: {  	s17 =	sshll.u32 s0, $0xA;
	s2 =	sadd.s32 s3, s2  }
0x8d: {  	s2 =	sadd.s32 s2, s17  }
0x8e: {  	[smem:$0x3FB8] =	sst s2  }
0x8f: {  	_ = 	snop  }
0x90: {  	s2 =	sld [smem:$0x3FC9]  }
0x91: {  	s18 =	sld [smem:$0x3FC8]  }
0x92: {  	s4 =	sld [smem:$0x3FC5]  }
0x93: {  	s5 =	sld [smem:$0x3FC4];
	(tm) =	ssettm $0x1  }
0x94: {  	s6 =	sld [smem:$0x3FFB];
	_ =	sdelay $0x3  }
0x95: {  	_ =	strace s6  }
0x96: {  	s6 =	sld [smem:$0x3FFC];
	_ =	sdelay $0x3  }
0x97: {  	_ =	strace s6  }
0x98: {  	s6 =	sld [smem:$0x3FFD];
	_ =	sdelay $0x3  }
0x99: {  	_ =	strace s6  }
0x9a: {  	_ =	strace $0x8FFFFFFF  }
0x9b: {  	s19 =	sld [smem:$0x3FDB];
	_ =	sdelay $0x1  }
0x9c: {  	s7 =	simm.s32 $_scs_section_size  }
0x9d: {  	s8 =	simm.s32 $_size__tile_overlayer_lowered;
	s9 =	simm.s32 $_tile_overlayer_lowered  }
0x9e: {  	s22 =	simm.s32 $0x1BFF;
	s21 =	sshll.u32 s9, $0x1;
	s6 =	sadd.s32 s7, s19  }
0x9f: {  	s10 =	simm.s32 $0x0;
	s20 =	sshll.u32 s8, $0x1;
	s8 =	sadd.s32 s21, s6  }
0xa0: {  	[timem:s10], [sflag:s22] =	dma.local [hbm:s8], s20  }
0xa1: {  	_ =	swait.ge [sflag:s22], s20  }
0xa2: {  	s7 =	ssub.s32 $0x0, s20;
	[sflag:s22] =	ssyncset.done $0x0  }
0xa3: {  	[sflag:s22] =	ssyncadd.s32 s7;
	_ =	sdelay $0x1  }
0xa4: {  	s23 =	simm.s32 $0x1B8B  }
0xa5: {  	_ =	swait.ge [sflag:s23], $0x1  }
0xa6: {  	[sflag:s23] =	ssyncset.done $0x0  }
0xa7: {  	s25 =	simm.s32 $0x1B8E;
	s24 =	sld [smem:$0x3FFE];
	[sflag:s23] =	ssyncadd.s32 $0xFFFFFFFF  }
0xa8: {  	s26 =	simm.s32 $execute0_lowered;
	[smem:$0x3FD2] =	sst s25  }
0xa9: {  	s8 =	sshll.u32 s26, $0x1;
	_ =	strace $0x80000046;
	[dreg:$0x1] =	wrdreg $0xFFFFFFFF  }
0xaa: {  	s28 =	simm.s32 $_size_execute0_lowered;
	s6 =	sadd.s32 s6, s8;
	[dreg:$0x0] =	wrdreg $0x0  }
0xab: {  	s8 =	sshll.u32 s28, $0x1;
	[dreg:$0x2] =	wrdreg s6  }
0xac: {  	[dreg:$0x3] =	wrdreg s8  }
0xad: {  	[dreg:$0x4] =	wrdreg $0xC0  }
0xae: {  	_ =	task [dreg:s10], $0x5FFFF  }
0xaf: {  	[dreg:$0x1] =	wrdreg $0xFFFFFFFF  }
0xb0: {  	[dreg:$0x0] =	wrdreg $0x60  }
0xb1: {  	[dreg:$0x2] =	wrdreg s2  }
0xb2: {  	[dreg:$0x3] =	wrdreg s18  }
0xb3: {  	[dreg:$0x4] =	wrdreg s4  }
0xb4: {  	[dreg:$0x5] =	wrdreg s5  }
0xb5: {  	[dreg:$0x6] =	wrdreg s24  }
0xb6: {  	[dreg:$0x7] =	wrdreg $0xA  }
0xb7: {  	_ =	task.clear_ibuf [dreg:s10], $0x8FFFF;
	_ =	strace $0x90000046  }
0xb8: {  	s29 =	simm.s32 $0xA;
	_ =	strace $0x80000048  }
0xb9: {  	_ =	swait.ge [sflag:s29], $0x1  }
0xba: {  	[sflag:s29] =	ssyncadd.s32 $0xFFFFFFFF  }
0xbb: {  	_ =	strace $0x90000048  }
0xbc: {  	_ =	sfence  }
0xbd: {  	s30 =	sld [smem:$0x0];
	_ =	sdelay $0x2  }
0xbe: {  	s31 =	sshll.u32 s1, $0xD;
	s1 =	sshrl.u32 s1, $0x2  }
0xbf: {  	s3 =	sand.u32 $0x4000, s31;
	s1 =	sadd.s32 s1, s30  }
0xc0: {  	s0 =	sor.u32 s3, s0;
	s1 =	sshll.u32 s1, $0x11  }
0xc1: {  	s0 =	sor.u32 s1, s0  }
0xc2: {  	s0 =	sadd.s32 $0x8F2B, s0  }
0xc3: {  	[sflag:s0] =	ssyncadd.remote.s32 $0x1  }
0xc4: {  	_ =	sfence.sel $0xFFFF  }
0xc5: {  	[dreg:$0x0] =	wrdreg $0xFFFFFFFF;
	(pc) =	sbr.abs _section_cstart, $3  }
0xc6: {  	[dreg:$0x1] =	wrdreg $0xFFFFFFFF  }
0xc7: {  	_ =	task.clear_ibuf [dreg:s10], $0x2FFFF;
	_ =	strace $0x9FFFFFFF  }
0xc8: {  	(tm) =	ssettm $0x7FFFFFFF  }
0xc9: {  	_ =	shalt  }
tec
execute0_lowered:
.L_overlay_start_1:
0x0: {  	(tag) =	ssettag $0x1  }
0x1: {  	s1 =	rddreg [dreg:$0x0];
	s4 =	srdreg.scid  }
0x2: {  	s6 =	rddreg [dreg:$0x1];
	s0 =	stileid.u32;
	s30 =	sand.u32 $0x1, s4  }
0x3: {  	s2 =	rddreg [dreg:$0x2];
	s5 =	sshll.u32 s0, $0xA;
	s7 =	sshll.u32 s30, $0x9  }
0x4: {  	s3 =	rddreg [dreg:$0x3];
	s15 =	sor.u32 s7, s5  }
0x5: {  	s18 =	rddreg [dreg:$0x4];
	s4 =	simm.s32 $0x0;
	s7 =	sshrl.u32 s15, $0x3  }
0x6: {  	[smem:$0x7FF] =	sst s4;
	s1 =	sadd.s32 s1, s7  }
0x7: {  	_ =	strace $0x80000047;
	[dreg:$0x6] =	wrdreg s1  }
0x8: {  	s5 =	simm.s32 $0x5;
	s1 =	rddreg [dreg:$0x6]  }
0x9: {  	[tilespmem:s4], [sflag:$0x5] =	stream.linear.gather [hbm4b:s1+s4], $0x200, $0x38;
	[tilespmem:$0x10400] =	vst v63  }
0xa: {  	_ =	swait.ge [sflag:s5], $0x200  }
0xb: {  	[sflag:s5] =	ssyncset.done $0x0  }
0xc: {  	s6 =	sadd.s32 s6, s7;
	s7 =	simm.s32 $0x200;
	[sflag:s5] =	ssyncadd.s32 $0xFFFFFE00  }
0xd: {  	[tilespmem:s7], [sflag:$0x5] =	stream.linear.gather [hbm4b:s6+s4], $0x200, $0x38;
	[tilespmem:$0x10400] =	vst v63  }
0xe: {  	_ =	swait.ge [sflag:s5], $0x200  }
0xf: {  	[sflag:s5] =	ssyncset.done $0x0  }
0x10: {  	s8 =	simm.s32 $0x80;
	s9 =	simm.s32 $0x400;
	[sflag:s5] =	ssyncadd.s32 $0xFFFFFE00  }
0x11: {  	[tilespmem:s9], [sflag:$0x1] =	stream.indirect.gather [hbm4b:s2+s8], $0x80, s4, s8, $0xb8;
	[tilespmem:$0x10400] =	vst v63  }
0x12: {  	s10 =	simm.s32 $0x8400  }
0x13: {  	[tilespmem:s10], [sflag:$0x3] =	stream.indirect.gather [hbm4b:s3+s8], $0x80, s7, s8, $0xb8;
	[tilespmem:$0x10400] =	vst v63  }
0x14: {  	s11 =	simm.s32 $0x4400  }
0x15: {  	[tilespmem:s11], [sflag:$0x2] =	stream.indirect.gather [hbm4b:s2+s8], $0x80, s8, s8, $0xb8;
	[tilespmem:$0x10400] =	vst v63  }
0x16: {  	s12 =	simm.s32 $0x280;
	s13 =	simm.s32 $0xC400;
	s14 =	simm.s32 $0x1  }
0x17: {  	[tilespmem:s13], [sflag:$0x4] =	stream.indirect.gather [hbm4b:s3+s8], $0x80, s12, s8, $0xb8;
	[tilespmem:$0x10400] =	vst v63  }
0x18: {  	_ =	swait.ge [sflag:s14], $0x4000  }
0x19: {  	s29 =	sadd.s32 $0x2C00, s18;
	s0 =	sshll.u32 s15, $0x4;
	[sflag:s14] =	ssyncset.done $0x0  }
0x1a: {  	s15 =	sadd.s32 s29, s0;
	[sflag:s14] =	ssyncadd.s32 $0xFFFFC000  }
0x1b: {  	[hbm4b:s15+s4] =	stream.linear.scatter [tilespmem:s9], [sflag:$0x5], $0x4000, $0x38;
	[tilespmem:$0x10400] =	vst v63  }
0x1c: {  	_ =	swait.ge [sflag:s5], $0x4000  }
0x1d: {  	[sflag:s5] =	ssyncset.done $0x0  }
0x1e: {  	s16 =	simm.s32 $0x100;
	s17 =	simm.s32 $0x3;
	[sflag:s5] =	ssyncadd.s32 $0xFFFFC000  }
0x1f: {  	[tilespmem:s9], [sflag:$0x1] =	stream.indirect.gather [hbm4b:s2+s8], $0x80, s16, s8, $0xb8;
	[tilespmem:$0x10400] =	vst v63  }
0x20: {  	_ =	swait.ge [sflag:s17], $0x4000  }
0x21: {  	s31 =	sadd.s32 $0x42C00, s18;
	[sflag:s17] =	ssyncset.done $0x0  }
0x22: {  	s18 =	sadd.s32 s31, s0;
	[sflag:s17] =	ssyncadd.s32 $0xFFFFC000  }
0x23: {  	[hbm4b:s18+s4] =	stream.linear.scatter [tilespmem:s10], [sflag:$0x5], $0x4000, $0x38;
	[tilespmem:$0x10400] =	vst v63  }
0x24: {  	_ =	swait.ge [sflag:s5], $0x4000  }
0x25: {  	[sflag:s5] =	ssyncset.done $0x0  }
0x26: {  	s19 =	simm.s32 $0x300;
	s20 =	simm.s32 $0x2;
	[sflag:s5] =	ssyncadd.s32 $0xFFFFC000  }
0x27: {  	[tilespmem:s10], [sflag:$0x3] =	stream.indirect.gather [hbm4b:s3+s8], $0x80, s19, s8, $0xb8;
	[tilespmem:$0x10400] =	vst v63  }
0x28: {  	_ =	swait.ge [sflag:s20], $0x4000  }
0x29: {  	s24 =	sor.u32 $0x800, s0;
	[sflag:s20] =	ssyncset.done $0x0  }
0x2a: {  	s21 =	sadd.s32 s29, s24;
	[sflag:s20] =	ssyncadd.s32 $0xFFFFC000  }
0x2b: {  	[hbm4b:s21+s4] =	stream.linear.scatter [tilespmem:s11], [sflag:$0x5], $0x4000, $0x38;
	[tilespmem:$0x10400] =	vst v63  }
0x2c: {  	_ =	swait.ge [sflag:s5], $0x4000  }
0x2d: {  	[sflag:s5] =	ssyncset.done $0x0  }
0x2e: {  	s22 =	simm.s32 $0x180;
	s23 =	simm.s32 $0x4;
	[sflag:s5] =	ssyncadd.s32 $0xFFFFC000  }
0x2f: {  	[tilespmem:s11], [sflag:$0x2] =	stream.indirect.gather [hbm4b:s2+s8], $0x80, s22, s8, $0xb8;
	[tilespmem:$0x10400] =	vst v63  }
0x30: {  	_ =	swait.ge [sflag:s23], $0x4000  }
0x31: {  	[sflag:s23] =	ssyncset.done $0x0  }
0x32: {  	s24 =	sadd.s32 s31, s24;
	[sflag:s23] =	ssyncadd.s32 $0xFFFFC000  }
0x33: {  	[hbm4b:s24+s4] =	stream.linear.scatter [tilespmem:s13], [sflag:$0x5], $0x4000, $0x38;
	[tilespmem:$0x10400] =	vst v63  }
0x34: {  	_ =	swait.ge [sflag:s5], $0x4000  }
0x35: {  	[sflag:s5] =	ssyncset.done $0x0  }
0x36: {  	s25 =	simm.s32 $0x380;
	[sflag:s5] =	ssyncadd.s32 $0xFFFFC000  }
0x37: {  	[tilespmem:s13], [sflag:$0x4] =	stream.indirect.gather [hbm4b:s3+s8], $0x80, s25, s8, $0xb8;
	[tilespmem:$0x10400] =	vst v63  }
0x38: {  	_ =	swait.ge [sflag:s14], $0x4000  }
0x39: {  	s28 =	sor.u32 $0x1000, s0;
	[sflag:s14] =	ssyncset.done $0x0  }
0x3a: {  	s26 =	sadd.s32 s29, s28;
	[sflag:s14] =	ssyncadd.s32 $0xFFFFC000  }
0x3b: {  	[hbm4b:s26+s4] =	stream.linear.scatter [tilespmem:s9], [sflag:$0x5], $0x4000, $0x38;
	[tilespmem:$0x10400] =	vst v63  }
0x3c: {  	_ =	swait.ge [sflag:s5], $0x4000  }
0x3d: {  	[sflag:s5] =	ssyncset.done $0x0  }
0x3e: {  	[sflag:s5] =	ssyncadd.s32 $0xFFFFC000  }
0x3f: {  	_ =	swait.ge [sflag:s17], $0x4000  }
0x40: {  	[sflag:s17] =	ssyncset.done $0x0  }
0x41: {  	s28 =	sadd.s32 s31, s28;
	[sflag:s17] =	ssyncadd.s32 $0xFFFFC000  }
0x42: {  	[hbm4b:s28+s4] =	stream.linear.scatter [tilespmem:s10], [sflag:$0x5], $0x4000, $0x38;
	[tilespmem:$0x10400] =	vst v63  }
0x43: {  	_ =	swait.ge [sflag:s5], $0x4000  }
0x44: {  	[sflag:s5] =	ssyncset.done $0x0  }
0x45: {  	[sflag:s5] =	ssyncadd.s32 $0xFFFFC000  }
0x46: {  	_ =	swait.ge [sflag:s20], $0x4000  }
0x47: {  	s30 =	ssub.s32 $0x2, s30;
	s1 =	sor.u32 $0x1800, s0;
	[sflag:s20] =	ssyncset.done $0x0  }
0x48: {  	s0 =	sshrl.u32 s30, $0x1;
	s29 =	sadd.s32 s29, s1;
	[sflag:s20] =	ssyncadd.s32 $0xFFFFC000  }
0x49: {  	[hbm4b:s29+s4] =	stream.linear.scatter [tilespmem:s11], [sflag:$0x5], $0x4000, $0x38;
	[tilespmem:$0x10400] =	vst v63  }
0x4a: {  	s0 =	ssub.s32 s30, s0;
	_ =	swait.ge [sflag:s5], $0x4000  }
0x4b: {  	s0 =	smax.u32 s0, $0x1;
	[sflag:s5] =	ssyncset.done $0x0  }
0x4c: {  	p0 =	sne.s32 s0, $0x1;
	[sflag:s5] =	ssyncadd.s32 $0xFFFFC000  }
.Ltmp0:
0x4d: {  	_ =	swait.ge [sflag:s23], $0x4000;
	(pc) =	sbr.rel @!p0 .LBB2_2-.Ltmp0, $4  }
0x4e: {  	[sflag:s23] =	ssyncset.done $0x0  }
0x4f: {  	s30 =	sadd.s32 s31, s1;
	[sflag:s23] =	ssyncadd.s32 $0xFFFFC000  }
0x50: {  	[hbm4b:s30+s4] =	stream.linear.scatter [tilespmem:s13], [sflag:$0x5], $0x4000, $0x38;
	[tilespmem:$0x10400] =	vst v63  }
0x51: {  	s31 =	sadd.s32 $0xFFFFFFFF, s0;
	_ =	swait.ge [sflag:s5], $0x4000  }
.LBB2_1:
0x52: {  	[sflag:s5] =	ssyncset.done $0x0  }
0x53: {  	s0 =	rddreg [dreg:$0x6];
	[sflag:s5] =	ssyncadd.s32 $0xFFFFC000  }
0x54: {  	[tilespmem:s4], [sflag:$0x5] =	stream.linear.gather [hbm4b:s0+s4], $0x200, $0x38;
	[tilespmem:$0x10400] =	vst v63  }
0x55: {  	_ =	swait.ge [sflag:s5], $0x200  }
0x56: {  	[sflag:s5] =	ssyncset.done $0x0  }
0x57: {  	[sflag:s5] =	ssyncadd.s32 $0xFFFFFE00  }
0x58: {  	[tilespmem:s7], [sflag:$0x5] =	stream.linear.gather [hbm4b:s6+s4], $0x200, $0x38;
	[tilespmem:$0x10400] =	vst v63  }
0x59: {  	_ =	swait.ge [sflag:s5], $0x200  }
0x5a: {  	[sflag:s5] =	ssyncset.done $0x0  }
0x5b: {  	[sflag:s5] =	ssyncadd.s32 $0xFFFFFE00  }
0x5c: {  	[tilespmem:s9], [sflag:$0x1] =	stream.indirect.gather [hbm4b:s2+s8], $0x80, s4, s8, $0xb8;
	[tilespmem:$0x10400] =	vst v63  }
0x5d: {  	_ = 	snop  }
0x5e: {  	[tilespmem:s10], [sflag:$0x3] =	stream.indirect.gather [hbm4b:s3+s8], $0x80, s7, s8, $0xb8;
	[tilespmem:$0x10400] =	vst v63  }
0x5f: {  	_ = 	snop  }
0x60: {  	[tilespmem:s11], [sflag:$0x2] =	stream.indirect.gather [hbm4b:s2+s8], $0x80, s8, s8, $0xb8;
	[tilespmem:$0x10400] =	vst v63  }
0x61: {  	_ = 	snop  }
0x62: {  	[tilespmem:s13], [sflag:$0x4] =	stream.indirect.gather [hbm4b:s3+s8], $0x80, s12, s8, $0xb8;
	[tilespmem:$0x10400] =	vst v63  }
0x63: {  	_ =	swait.ge [sflag:s14], $0x4000  }
0x64: {  	[sflag:s14] =	ssyncset.done $0x0  }
0x65: {  	[sflag:s14] =	ssyncadd.s32 $0xFFFFC000  }
0x66: {  	[hbm4b:s15+s4] =	stream.linear.scatter [tilespmem:s9], [sflag:$0x5], $0x4000, $0x38;
	[tilespmem:$0x10400] =	vst v63  }
0x67: {  	_ =	swait.ge [sflag:s5], $0x4000  }
0x68: {  	[sflag:s5] =	ssyncset.done $0x0  }
0x69: {  	[sflag:s5] =	ssyncadd.s32 $0xFFFFC000  }
0x6a: {  	[tilespmem:s9], [sflag:$0x1] =	stream.indirect.gather [hbm4b:s2+s8], $0x80, s16, s8, $0xb8;
	[tilespmem:$0x10400] =	vst v63  }
0x6b: {  	_ =	swait.ge [sflag:s17], $0x4000  }
0x6c: {  	[sflag:s17] =	ssyncset.done $0x0  }
0x6d: {  	[sflag:s17] =	ssyncadd.s32 $0xFFFFC000  }
0x6e: {  	[hbm4b:s18+s4] =	stream.linear.scatter [tilespmem:s10], [sflag:$0x5], $0x4000, $0x38;
	[tilespmem:$0x10400] =	vst v63  }
0x6f: {  	_ =	swait.ge [sflag:s5], $0x4000  }
0x70: {  	[sflag:s5] =	ssyncset.done $0x0  }
0x71: {  	[sflag:s5] =	ssyncadd.s32 $0xFFFFC000  }
0x72: {  	[tilespmem:s10], [sflag:$0x3] =	stream.indirect.gather [hbm4b:s3+s8], $0x80, s19, s8, $0xb8;
	[tilespmem:$0x10400] =	vst v63  }
0x73: {  	_ =	swait.ge [sflag:s20], $0x4000  }
0x74: {  	[sflag:s20] =	ssyncset.done $0x0  }
0x75: {  	[sflag:s20] =	ssyncadd.s32 $0xFFFFC000  }
0x76: {  	[hbm4b:s21+s4] =	stream.linear.scatter [tilespmem:s11], [sflag:$0x5], $0x4000, $0x38;
	[tilespmem:$0x10400] =	vst v63  }
0x77: {  	_ =	swait.ge [sflag:s5], $0x4000  }
0x78: {  	[sflag:s5] =	ssyncset.done $0x0  }
0x79: {  	[sflag:s5] =	ssyncadd.s32 $0xFFFFC000  }
0x7a: {  	[tilespmem:s11], [sflag:$0x2] =	stream.indirect.gather [hbm4b:s2+s8], $0x80, s22, s8, $0xb8;
	[tilespmem:$0x10400] =	vst v63  }
0x7b: {  	_ =	swait.ge [sflag:s23], $0x4000  }
0x7c: {  	[sflag:s23] =	ssyncset.done $0x0  }
0x7d: {  	[sflag:s23] =	ssyncadd.s32 $0xFFFFC000  }
0x7e: {  	[hbm4b:s24+s4] =	stream.linear.scatter [tilespmem:s13], [sflag:$0x5], $0x4000, $0x38;
	[tilespmem:$0x10400] =	vst v63  }
0x7f: {  	_ =	swait.ge [sflag:s5], $0x4000  }
0x80: {  	[sflag:s5] =	ssyncset.done $0x0  }
0x81: {  	[sflag:s5] =	ssyncadd.s32 $0xFFFFC000  }
0x82: {  	[tilespmem:s13], [sflag:$0x4] =	stream.indirect.gather [hbm4b:s3+s8], $0x80, s25, s8, $0xb8;
	[tilespmem:$0x10400] =	vst v63  }
0x83: {  	_ =	swait.ge [sflag:s14], $0x4000  }
0x84: {  	[sflag:s14] =	ssyncset.done $0x0  }
0x85: {  	[sflag:s14] =	ssyncadd.s32 $0xFFFFC000  }
0x86: {  	[hbm4b:s26+s4] =	stream.linear.scatter [tilespmem:s9], [sflag:$0x5], $0x4000, $0x38;
	[tilespmem:$0x10400] =	vst v63  }
0x87: {  	_ =	swait.ge [sflag:s5], $0x4000  }
0x88: {  	[sflag:s5] =	ssyncset.done $0x0  }
0x89: {  	[sflag:s5] =	ssyncadd.s32 $0xFFFFC000  }
0x8a: {  	_ =	swait.ge [sflag:s17], $0x4000  }
0x8b: {  	[sflag:s17] =	ssyncset.done $0x0  }
0x8c: {  	[sflag:s17] =	ssyncadd.s32 $0xFFFFC000  }
0x8d: {  	[hbm4b:s28+s4] =	stream.linear.scatter [tilespmem:s10], [sflag:$0x5], $0x4000, $0x38;
	[tilespmem:$0x10400] =	vst v63  }
0x8e: {  	_ =	swait.ge [sflag:s5], $0x4000  }
0x8f: {  	[sflag:s5] =	ssyncset.done $0x0  }
0x90: {  	[sflag:s5] =	ssyncadd.s32 $0xFFFFC000  }
0x91: {  	_ =	swait.ge [sflag:s20], $0x4000  }
0x92: {  	[sflag:s20] =	ssyncset.done $0x0  }
0x93: {  	[sflag:s20] =	ssyncadd.s32 $0xFFFFC000  }
0x94: {  	[hbm4b:s29+s4] =	stream.linear.scatter [tilespmem:s11], [sflag:$0x5], $0x4000, $0x38;
	[tilespmem:$0x10400] =	vst v63  }
0x95: {  	_ =	swait.ge [sflag:s5], $0x4000  }
0x96: {  	[sflag:s5] =	ssyncset.done $0x0  }
0x97: {  	p0 =	sne.s32 s31, $0x1;
	[sflag:s5] =	ssyncadd.s32 $0xFFFFC000  }
.Ltmp1:
0x98: {  	_ =	swait.ge [sflag:s23], $0x4000;
	(pc) =	sbr.rel @p0 .LBB2_1-.Ltmp1, $4  }
0x99: {  	[sflag:s23] =	ssyncset.done $0x0  }
0x9a: {  	[sflag:s23] =	ssyncadd.s32 $0xFFFFC000  }
0x9b: {  	[hbm4b:s30+s4] =	stream.linear.scatter [tilespmem:s13], [sflag:$0x5], $0x4000, $0x38;
	[tilespmem:$0x10400] =	vst v63  }
0x9c: {  	s31 =	sadd.s32 $0xFFFFFFFF, s31;
	_ =	swait.ge [sflag:s5], $0x4000  }
.LBB2_2:
0x9d: {  	[sflag:s5] =	ssyncset.done $0x0  }
0x9e: {  	[sflag:s5] =	ssyncadd.s32 $0xFFFFC000  }
0x9f: {  	_ =	sfence.sel $0x180000  }
0xa0: {  	[bflag:$0x0] =	sbarrier.arrive $0xFFFF  }
0xa1: {  	_ =	strace $0x90000047  }
0xa2: {  	s0 =	stileid.u32;
	[bflag:$0x2] =	sbarrier.arrive $0xFFFF  }
0xa3: {  	p0 =	sne.s32 s0, $0x0;
	s0 =	rddreg [dreg:$0x5]  }
0xa4: {  	s0 =	sadd.s32 @!p0 $0x100000, s0  }
0xa5: {  	[sflag:s0] =	ssyncadd.tile.s32 @!p0 $0x1;
	_ =	shalt  }
.Lfunc_end2:
_tile_overlayer_lowered:
.L_overlay_start_2:
0xa6: {  	(tag) =	ssettag $0x2  }
0xa7: {  	s0 =	rddreg [dreg:$0x0];
	s2 =	stileid.u32  }
0xa8: {  	s1 =	rddreg [dreg:$0x1];
	p0 =	sne.s32 s2, $0x0  }
0xa9: {  	s3 =	rddreg [dreg:$0x2];
	[bflag:$0x3] =	sbarrier.arrive $0xFFFF;
	s2 =	simm.s32 @!p0 $0x1C05  }
0xaa: {  	[timem:s3], [sflag:s2] =	dma.local @!p0 [hbm:s0], s1  }
0xab: {  	s0 =	simm.s32 @!p0 $0x5  }
0xac: {  	_ =	swait.ge @!p0 [sflag:s0], s1  }
0xad: {  	s1 =	ssub.s32 @!p0 $0x0, s1;
	[sflag:s0] =	ssyncset.done @!p0 $0x0  }
0xae: {  	[sflag:s0] =	ssyncadd.s32 @!p0 s1  }
0xaf: {  	[bflag:$0x3] =	sbarrier.arrive $0xFFFF  }
0xb0: {  	_ =	shalt  }

// kernel: kernel.7.cloned.1.call-start
scs
__scs_entry_jumppad:
0x0: {  	(pc) =	sbr.rel $0x88, $3  }
0x1: {  	(tag) =	ssettag $0x0;
	lr =	simm.s32 $0x1  }
0x2: {  	[smem:$0x3F91] =	sst lr;
	_ =	strace $0xD0000000  }
0x3: {  	_ = 	snop  }
0x4: {  	_ = 	snop  }
0x5: {  	_ = 	snop  }
0x6: {  	_ = 	snop  }
0x7: {  	_ = 	snop  }
__scs_overlays_trampoline_lowered:
0x8: {  	[smem:$0x3FA0] =	sst s0  }
0x9: {  	[smem:$0x3FA1] =	sst s1  }
0xa: {  	[smem:$0x3FA2] =	sst s2  }
0xb: {  	[smem:$0x3FA3] =	sst s3  }
0xc: {  	[smem:$0x3FA4] =	sst s4  }
0xd: {  	[smem:$0x3FA5] =	sst s5  }
0xe: {  	[smem:$0x3FA6] =	sst s6  }
0xf: {  	[smem:$0x3FA7] =	sst s7  }
0x10: {  	[smem:$0x3FA8] =	sst s8  }
0x11: {  	[smem:$0x3FA9] =	sst s9;
	s0 =	simm.s32 @!p0 $0x0  }
0x12: {  	s1 =	sld [smem:$0x3F8F];
	s0 =	simm.s32 @p0 $0x1  }
0x13: {  	[smem:$0x3FAA] =	sst s0;
	s0 =	simm.s32 @!p1 $0x0  }
0x14: {  	s2 =	sld [smem:$0x3F8E];
	s0 =	simm.s32 @p1 $0x1  }
0x15: {  	[smem:$0x3FAB] =	sst s0;
	s0 =	simm.s32 @!p2 $0x0  }
0x16: {  	s3 =	sld [smem:$0x3FDB];
	s0 =	simm.s32 @p2 $0x1  }
0x17: {  	s4 =	simm.s32 $0x1BF5;
	[smem:$0x3FAD] =	sst s0  }
0x18: {  	s0 =	sld [smem:$0x3F90];
	_ =	swait.ge [sflag:s4], $0x0  }
0x19: {  	s7 =	sld [smem:$0x3F91]  }
0x1a: {  	s8 =	sadd.s32 $0xFFFFE003, lr  }
0x1b: {  	s9 =	sadd.s32 $0xFFFFFEF7, lr;
	s5 =	simm.s32 $0xFFFFFFFF;
	p2 =	slt.u32 s8, $0xFFFFF086  }
0x1c: {  	p1 =	slt.u32 s9, $0xF7A;
	s5 =	simm.s32 @!p2 $0x0  }
0x1d: {  	s5 =	simm.s32 @p1 $0x1;
	p0 =	seq.s32 s7, s2  }
0x1e: {  	s7 =	smul.u32 @!p0 $0xF7A, s2;
	p2 =	seq.s32 @!p0 s5, $0x0  }
0x1f: {  	s9 =	smul.u32 $0xF7A, s1;
	s8 =	simm.s32 @!p0 $0x1BF5;
	p2 =	por !p2, p0  }
0x20: {  	[sflag:s8] =	ssyncset.s32 @!p0 $0xFFFFF086;
	s6 =	sadd.s32 @!p0 s3, s7;
	s7 =	simm.s32 @!p0 $0x108  }
0x21: {  	s3 =	sadd.s32 s3, s9;
	s6 =	sadd.s32 @!p0 $0x88, s6;
	s7 =	simm.s32 @p2 $0x1082  }
0x22: {  	[simem:s7], [sflag:s8] =	dma.local @!p0 [hbm:s6], $0xF7A  }
0x23: {  	s9 =	sor.u32 $0xD0000000, s2;
	s6 =	simm.s32 $0x108;
	_ =	swait.ge @!p0 [sflag:s8], $0x0  }
0x24: {  	s3 =	sadd.s32 $0x88, s3;
	s6 =	simm.s32 @!p1 $0x1082;
	[sflag:s4] =	ssyncset.s32 $0xFFFFF086  }
0x25: {  	[simem:s6], [sflag:s4] =	dma.local [hbm:s3], $0xF7A  }
0x26: {  	[smem:$0x3F91] =	sst s1;
	(tag) =	ssettag s2;
	_ =	strace s9  }
0x27: {  	s1 =	sld [smem:$0x3FA1]  }
0x28: {  	s2 =	sld [smem:$0x3FA2]  }
0x29: {  	s4 =	sld [smem:$0x3FA4]  }
0x2a: {  	p0 =	seq.s32 s5, $0x0;
	s5 =	sld [smem:$0x3FA5]  }
0x2b: {  	s6 =	sld [smem:$0x3FA6]  }
0x2c: {  	s7 =	sld [smem:$0x3FA7]  }
0x2d: {  	s3 =	simm.s32 $0x108;
	s8 =	sld [smem:$0x3FA8]  }
0x2e: {  	s3 =	simm.s32 @!p0 $0x1082;
	s9 =	sld [smem:$0x3FA9]  }
0x2f: {  	lr =	sadd.s32 s0, s3;
	s0 =	sld [smem:$0x3FA0]  }
0x30: {  	s3 =	sld [smem:$0x3FA3]  }
0x31: {  	[smem:$0x3FAC] =	sst s10  }
0x32: {  	s10 =	sld [smem:$0x3FAA];
	_ =	sdelay $0x3  }
0x33: {  	p0 =	seq.s32 s10, $0x1;
	s10 =	sld [smem:$0x3FAC];
	_ =	sdelay $0x3  }
0x34: {  	[smem:$0x3FAC] =	sst s10  }
0x35: {  	s10 =	sld [smem:$0x3FAB];
	_ =	sdelay $0x3  }
0x36: {  	p1 =	seq.s32 s10, $0x1;
	s10 =	sld [smem:$0x3FAC];
	_ =	sdelay $0x3  }
0x37: {  	[smem:$0x3FAC] =	sst s10  }
0x38: {  	s10 =	sld [smem:$0x3FAD]  }
0x39: {  	_ = 	snop;
	(pc) =	sbr.ind lr, $3  }
0x3a: {  	_ = 	snop  }
0x3b: {  	_ = 	snop  }
0x3c: {  	p2 =	seq.s32 s10, $0x1;
	s10 =	sld [smem:$0x3FAC]  }
0x3d: {  	_ =	shalt  }
0x3e: {  	_ =	shalt  }
0x3f: {  	_ =	shalt  }
0x40: {  	_ =	shalt  }
0x41: {  	_ =	shalt  }
0x42: {  	_ =	shalt  }
0x43: {  	_ =	shalt  }
0x44: {  	_ =	shalt  }
0x45: {  	_ =	shalt  }
0x46: {  	_ =	shalt  }
0x47: {  	_ =	shalt  }
0x48: {  	_ =	shalt  }
0x49: {  	_ =	shalt  }
0x4a: {  	_ =	shalt  }
0x4b: {  	_ =	shalt  }
0x4c: {  	_ =	shalt  }
0x4d: {  	_ =	shalt  }
0x4e: {  	_ =	shalt  }
0x4f: {  	_ =	shalt  }
0x50: {  	_ =	shalt  }
0x51: {  	_ =	shalt  }
0x52: {  	_ =	shalt  }
0x53: {  	_ =	shalt  }
0x54: {  	_ =	shalt  }
0x55: {  	_ =	shalt  }
0x56: {  	_ =	shalt  }
0x57: {  	_ =	shalt  }
0x58: {  	_ =	shalt  }
0x59: {  	_ =	shalt  }
0x5a: {  	_ =	shalt  }
0x5b: {  	_ =	shalt  }
0x5c: {  	_ =	shalt  }
0x5d: {  	_ =	shalt  }
0x5e: {  	_ =	shalt  }
0x5f: {  	_ =	shalt  }
0x60: {  	_ =	shalt  }
0x61: {  	_ =	shalt  }
0x62: {  	_ =	shalt  }
0x63: {  	_ =	shalt  }
0x64: {  	_ =	shalt  }
0x65: {  	_ =	shalt  }
0x66: {  	_ =	shalt  }
0x67: {  	_ =	shalt  }
0x68: {  	_ =	shalt  }
0x69: {  	_ =	shalt  }
0x6a: {  	_ =	shalt  }
0x6b: {  	_ =	shalt  }
0x6c: {  	_ =	shalt  }
0x6d: {  	_ =	shalt  }
0x6e: {  	_ =	shalt  }
0x6f: {  	_ =	shalt  }
0x70: {  	_ =	shalt  }
0x71: {  	_ =	shalt  }
0x72: {  	_ =	shalt  }
0x73: {  	_ =	shalt  }
0x74: {  	_ =	shalt  }
0x75: {  	_ =	shalt  }
0x76: {  	_ =	shalt  }
0x77: {  	_ =	shalt  }
0x78: {  	_ =	shalt  }
0x79: {  	_ =	shalt  }
0x7a: {  	_ =	shalt  }
0x7b: {  	_ =	shalt  }
0x7c: {  	_ =	shalt  }
0x7d: {  	_ =	shalt  }
0x7e: {  	_ =	shalt  }
0x7f: {  	_ =	shalt  }
0x80: {  	_ =	shalt  }
0x81: {  	_ =	shalt  }
0x82: {  	_ =	shalt  }
0x83: {  	_ =	shalt  }
0x84: {  	_ =	shalt  }
0x85: {  	_ =	shalt  }
0x86: {  	_ =	shalt  }
0x87: {  	_ =	shalt  }
.Lfunc_end0:
.L_simem_size_0:
called_computation_lowered:
.L_overlay_start_0:
0x88: {  	s2 =	sld [smem:$0x3FD9]  }
0x89: {  	s3 =	sld [smem:$0x3FFE];
	_ =	sdelay $0x1  }
0x8a: {  	s1 =	srdreg.scid  }
0x8b: {  	s0 =	sand.u32 $0x1, s1  }
0x8c: {  	s17 =	sshll.u32 s0, $0xA;
	s2 =	sadd.s32 s3, s2  }
0x8d: {  	s2 =	sadd.s32 s2, s17  }
0x8e: {  	[smem:$0x3FB8] =	sst s2  }
0x8f: {  	_ = 	snop  }
0x90: {  	s5 =	sld [smem:$0x3FC9]  }
0x91: {  	s6 =	sld [smem:$0x3FC8]  }
0x92: {  	s18 =	sld [smem:$0x3FBB]  }
0x93: {  	s4 =	sld [smem:$0x3FD0];
	(tm) =	ssettm $0x1  }
0x94: {  	s19 =	sld [smem:$0x3FFB];
	_ =	sdelay $0x3  }
0x95: {  	_ =	strace s19  }
0x96: {  	s2 =	sld [smem:$0x3FFC];
	_ =	sdelay $0x3  }
0x97: {  	_ =	strace s2  }
0x98: {  	s2 =	sld [smem:$0x3FFD];
	_ =	sdelay $0x3  }
0x99: {  	_ =	strace s2  }
0x9a: {  	_ =	strace $0x8FFFFFFF  }
0x9b: {  	s20 =	sld [smem:$0x3FDB];
	_ =	sdelay $0x1  }
0x9c: {  	s7 =	simm.s32 $_scs_section_size  }
0x9d: {  	s8 =	simm.s32 $_size__tile_overlayer_lowered;
	s9 =	simm.s32 $_tile_overlayer_lowered  }
0x9e: {  	s10 =	simm.s32 $0x1BFF;
	s21 =	sshll.u32 s9, $0x1;
	s7 =	sadd.s32 s7, s20  }
0x9f: {  	s22 =	simm.s32 $0x0;
	s8 =	sshll.u32 s8, $0x1;
	s9 =	sadd.s32 s21, s7  }
0xa0: {  	[timem:s22], [sflag:s10] =	dma.local [hbm:s9], s8  }
0xa1: {  	_ =	swait.ge [sflag:s10], s8  }
0xa2: {  	s8 =	ssub.s32 $0x0, s8;
	[sflag:s10] =	ssyncset.done $0x0  }
0xa3: {  	[sflag:s10] =	ssyncadd.s32 s8;
	_ =	sdelay $0x1  }
0xa4: {  	s23 =	simm.s32 $0x1B8B  }
0xa5: {  	_ =	swait.ge [sflag:s23], $0x1  }
0xa6: {  	[sflag:s23] =	ssyncset.done $0x0  }
0xa7: {  	[sflag:s23] =	ssyncadd.s32 $0xFFFFFFFF  }
0xa8: {  	s8 =	sld [smem:$0x0]  }
0xa9: {  	s9 =	sand.u32 $0xFFFFFFFE, s1  }
0xaa: {  	p0 =	sne.s32 s1, s9  }
0xab: {  	s9 =	sshll.u32 @p0 s9, $0xE  }
0xac: {  	s9 =	sadd.s32 @p0 $0x11B8D, s9;
	s10 =	sshll.u32 @p0 s8, $0x11  }
0xad: {  	s9 =	sor.u32 @p0 s10, s9  }
0xae: {  	[sflag:s9] =	ssyncadd.remote.s32 @p0 $0x1;
	_ =	sdelay $0x1  }
0xaf: {  	s9 =	simm.s32 @p0 $0x1B8D  }
0xb0: {  	_ =	swait.eq @p0 [sflag:s9], $0x1  }
0xb1: {  	[sflag:s9] =	ssyncadd.s32 @p0 $0xFFFFFFFF  }
0xb2: {  	s10 =	sshll.u32 @!p0 s1, $0xE  }
0xb3: {  	s10 =	sor.u32 @!p0 $0x4000, s10;
	s9 =	simm.s32 @!p0 $0x1B8D  }
0xb4: {  	s8 =	sshll.u32 @!p0 s8, $0x11;
	s10 =	sadd.s32 @!p0 $0x11B8D, s10;
	_ =	swait.eq @!p0 [sflag:s9], $0x1  }
0xb5: {  	s8 =	sor.u32 @!p0 s8, s10;
	[sflag:s9] =	ssyncadd.s32 @!p0 $0xFFFFFFFF  }
0xb6: {  	s25 =	simm.s32 $0x1B8E;
	s24 =	sld [smem:$0x3FFE];
	[sflag:s8] =	ssyncadd.remote.s32 @!p0 $0x1  }
0xb7: {  	s26 =	simm.s32 $execute0_lowered;
	[smem:$0x3FD2] =	sst s25  }
0xb8: {  	s9 =	sshll.u32 s26, $0x1;
	_ =	strace $0x80000049;
	[dreg:$0x1] =	wrdreg $0xFFFFFFFF  }
0xb9: {  	s28 =	simm.s32 $_size_execute0_lowered;
	s7 =	sadd.s32 s7, s9;
	[dreg:$0x0] =	wrdreg $0x0  }
0xba: {  	s9 =	sshll.u32 s28, $0x1;
	[dreg:$0x2] =	wrdreg s7  }
0xbb: {  	[dreg:$0x3] =	wrdreg s9  }
0xbc: {  	[dreg:$0x4] =	wrdreg $0xC0  }
0xbd: {  	_ =	task [dreg:s22], $0x5FFFF  }
0xbe: {  	[dreg:$0x1] =	wrdreg $0xFFFFFFFF  }
0xbf: {  	[dreg:$0x0] =	wrdreg $0x60  }
0xc0: {  	[dreg:$0x2] =	wrdreg s5  }
0xc1: {  	[dreg:$0x3] =	wrdreg s6  }
0xc2: {  	[dreg:$0x4] =	wrdreg s24  }
0xc3: {  	[dreg:$0x5] =	wrdreg s18  }
0xc4: {  	[dreg:$0x6] =	wrdreg s4  }
0xc5: {  	[dreg:$0x7] =	wrdreg $0x9  }
0xc6: {  	_ =	task.clear_ibuf [dreg:s22], $0x8FFFF;
	_ =	strace $0x90000049  }
0xc7: {  	s29 =	simm.s32 $0x9;
	_ =	strace $0x8000004B  }
0xc8: {  	_ =	swait.ge [sflag:s29], $0x1  }
0xc9: {  	[sflag:s29] =	ssyncadd.s32 $0xFFFFFFFF  }
0xca: {  	_ =	strace $0x9000004B  }
0xcb: {  	_ =	sfence  }
0xcc: {  	s30 =	sld [smem:$0x0];
	_ =	sdelay $0x2  }
0xcd: {  	s31 =	sshll.u32 s1, $0xD;
	s1 =	sshrl.u32 s1, $0x2  }
0xce: {  	s4 =	sand.u32 $0x4000, s31;
	s1 =	sadd.s32 s1, s30  }
0xcf: {  	s0 =	sor.u32 s4, s0;
	s1 =	sshll.u32 s1, $0x11  }
0xd0: {  	s0 =	sor.u32 s1, s0  }
0xd1: {  	s0 =	sadd.s32 $0x8F2B, s0  }
0xd2: {  	[sflag:s0] =	ssyncadd.remote.s32 $0x1  }
0xd3: {  	_ =	sfence.sel $0xFFFF  }
0xd4: {  	[dreg:$0x0] =	wrdreg $0xFFFFFFFF;
	(pc) =	sbr.abs _section_cstart, $3  }
0xd5: {  	[dreg:$0x1] =	wrdreg $0xFFFFFFFF  }
0xd6: {  	_ =	task.clear_ibuf [dreg:s22], $0x2FFFF;
	_ =	strace $0x9FFFFFFF  }
0xd7: {  	(tm) =	ssettm $0x7FFFFFFF  }
tec
execute0_lowered:
.L_overlay_start_1:
0x0: {  	(tag) =	ssettag $0x1  }
0x1: {  	s0 =	rddreg [dreg:$0x0]  }
0x2: {  	s1 =	rddreg [dreg:$0x1]  }
0x3: {  	s3 =	rddreg [dreg:$0x2]  }
0x4: {  	s8 =	rddreg [dreg:$0x4];
	s2 =	simm.s32 $0x0  }
0x5: {  	s4 =	srdreg.scid;
	s9 =	stileid.u32;
	s12 =	simm.s32 $0x4800  }
0x6: {  	s13 =	simm.s32 $0x80;
	s14 =	simm.s32 $0x400;
	s15 =	simm.s32 $0x800  }
0x7: {  	s16 =	simm.s32 $0x600;
	s17 =	simm.s32 $0x2800;
	s18 =	simm.s32 $0x480  }
0x8: {  	s19 =	simm.s32 $0x1000;
	s20 =	simm.s32 $0x680;
	s21 =	simm.s32 $0x3000  }
0x9: {  	s22 =	simm.s32 $0x500;
	s23 =	simm.s32 $0x1800;
	s24 =	simm.s32 $0x700  }
0xa: {  	s25 =	simm.s32 $0x3800;
	s28 =	simm.s32 $0x2000;
	s29 =	simm.s32 $0x780  }
0xb: {  	s30 =	simm.s32 $0x4000;
	s31 =	simm.s32 $0x1;
	[smem:$0x7FF] =	sst s2  }
0xc: {  	v0 =	vimm.s32 $0x3;
	v1 =	vimm.s32 $0xA;
	s5 =	sand.u32 $0x1, s4;
	s4 =	sadd.s32 $0xB6C00, s3;
	s9 =	sshll.u32 s9, $0x7  }
0xd: {  	v2 =	vimm.s32 $0x7;
	v3 =	vimm.s32 $0x1;
	v4 =	vimm.s32 $0x2;
	_ =	strace $0x8000004A;
	s6 =	ssub.s32 $0x2, s5;
	s10 =	sshll.u32 s5, $0x6  }
0xe: {  	v5 =	vimm.s32 $0x4;
	v6 =	vimm.s32 $0x5;
	v7 =	vimm.s32 $0x6;
	s5 =	sadd.s32 $0x82C00, s3;
	s3 =	simm.s32 $0x0;
	s7 =	sshrl.u32 s6, $0x1  }
0xf: {  	v8 =	vimm.s32 $0x8;
	v9 =	vimm.s32 $0x9;
	v15 =	vlaneseq.u32;
	s9 =	sor.u32 s10, s9;
	s10 =	simm.s32 $0x2;
	s26 =	ssub.s32 s6, s7  }
0x10: {  	v10 =	vimm.s32 $0xB;
	v11 =	vimm.s32 $0xC;
	v15 =	vmul.u32 $0x10, v15;
	s6 =	sadd.s32 s0, s9;
	s7 =	sadd.s32 s1, s9;
	s8 =	sadd.s32 s8, s9  }
0x11: {  	v12 =	vimm.s32 $0xD;
	v13 =	vimm.s32 $0xE;
	v14 =	vimm.s32 $0xF;
	s0 =	simm.s32 $0x4820;
	s9 =	smax.u32 s26, $0x1;
	s26 =	simm.s32 $0x580  }
.LBB2_1:
0x12: {  	[tilespmem:s2], [sflag:$0x2] =	stream.linear.gather [hbm4b:s6+s2], $0x200, $0x38;
	[tilespmem:$0x4A20] =	vst v63  }
0x13: {  	_ =	swait.ge [sflag:s10], $0x200  }
0x14: {  	[sflag:s10] =	ssyncset.done $0x0  }
0x15: {  	s1 =	simm.s32 $0x200;
	[sflag:s10] =	ssyncadd.s32 $0xFFFFFE00  }
0x16: {  	[tilespmem:s1], [sflag:$0x2] =	stream.linear.gather [hbm4b:s7+s2], $0x200, $0x38;
	[tilespmem:$0x4A20] =	vst v63  }
0x17: {  	_ =	swait.ge [sflag:s10], $0x200  }
0x18: {  	[sflag:s10] =	ssyncset.done $0x0  }
0x19: {  	[sflag:s10] =	ssyncadd.s32 $0xFFFFFE00  }
0x1a: {  	s11 =	rddreg [dreg:$0x3]  }
0x1b: {  	[tilespmem:s12], [sflag:$0x2] =	stream.linear.gather [hbm4b:s11+s2], $0x20, $0x38;
	[tilespmem:$0x4A20] =	vst v63  }
0x1c: {  	_ =	swait.ge [sflag:s10], $0x20  }
0x1d: {  	[sflag:s10] =	ssyncset.done $0x0  }
0x1e: {  	[sflag:s10] =	ssyncadd.s32 $0xFFFFFFE0  }
0x1f: {  	v16 =	vld [tilespmem:$0x0]  }
0x20: {  	v17 =	vld [tilespmem:$0x200]  }
0x21: {  	v23 =	vld [tilespmem:$0x20]  }
0x22: {  	v33 =	vld [tilespmem:$0x270]  }
0x23: {  	v43 =	vld [tilespmem:$0x80]  }
0x24: {  	v35 =	vld [tilespmem:$0x280]  }
0x25: {  	v36 =	vld [tilespmem:$0x90]  }
0x26: {  	v47 =	vld [tilespmem:$0x290]  }
0x27: {  	v38 =	vld [tilespmem:$0xA0];
	v18 =	vshll.u32 v16, $0x3;
	v20 =	vand.u32 $0xFFFFE000, v16;
	v16 =	vshrl.u32 v16, $0xA  }
0x28: {  	v39 =	vld [tilespmem:$0x2A0];
	v22 =	vand.u32 $0xFFFFE000, v17;
	v25 =	vand.u32 $0xFFFFE000, v23;
	v44 =	vshll.u32 v33, $0x3  }
0x29: {  	v55 =	vld [tilespmem:$0xB0];
	v45 =	vshrl.u32 v33, $0xA;
	v46 =	vshll.u32 v43, $0x3;
	v37 =	vand.u32 $0xFFFFE000, v43  }
0x2a: {  	v48 =	vshll.u32 v35, $0x3;
	v49 =	vand.u32 $0xFFFFE000, v35;
	v35 =	vshrl.u32 v35, $0xA  }
0x2b: {  	v51 =	vshll.u32 v36, $0x3;
	v52 =	vand.u32 $0xFFFFE000, v36;
	v53 =	vshrl.u32 v36, $0xA  }
0x2c: {  	v42 =	vld [tilespmem:$0xC0];
	v54 =	vshll.u32 v47, $0x3;
	v40 =	vand.u32 $0xFFFFE000, v47;
	v56 =	vshll.u32 v38, $0x3  }
0x2d: {  	v63 =	vld [tilespmem:$0x2C0];
	v57 =	vand.u32 $0xFFFFE000, v38;
	v38 =	vshrl.u32 v38, $0xA;
	v59 =	vshll.u32 v39, $0x3  }
0x2e: {  	v60 =	vand.u32 $0xFFFFE000, v39;
	v61 =	vshrl.u32 v39, $0xA;
	v62 =	vshll.u32 v55, $0x3  }
0x2f: {  	v18 =	vand.u32 $0x1FF8, v18;
	v16 =	vand.u32 $0x7, v16;
	v50 =	vand.u32 $0x7, v35  }
0x30: {  	v19 =	vld [tilespmem:$0x10];
	v35 =	vand.u32 $0x1FF8, v51;
	v36 =	vand.u32 $0x1FF8, v54;
	v58 =	vand.u32 $0x7, v38  }
0x31: {  	v38 =	vand.u32 $0x1FF8, v59;
	v39 =	vand.u32 $0x1FF8, v62;
	v51 =	vshll.u32 v42, $0x3  }
0x32: {  	v21 =	vld [tilespmem:$0x210];
	v54 =	vshll.u32 v63, $0x3;
	v18 =	vor.u32 v20, v18;
	v20 =	vshll.u32 v17, $0x3  }
0x33: {  	v17 =	vshrl.u32 v17, $0xA;
	v36 =	vor.u32 v40, v36;
	v20 =	vand.u32 $0x1FF8, v20  }
0x34: {  	v40 =	vshrl.u32 v55, $0xA;
	v20 =	vor.u32 v22, v20;
	v22 =	vand.u32 $0x7, v17  }
0x35: {  	v17 =	vor.u32 v16, v18;
	v18 =	vshll.u32 v19, $0x3;
	v16 =	vor.u32 v22, v20  }
0x36: {  	v20 =	vand.u32 $0xFFFFE000, v19;
	v18 =	vand.u32 $0x1FF8, v18;
	v19 =	vshrl.u32 v19, $0xA  }
0x37: {  	v22 =	vld [tilespmem:$0x220];
	v18 =	vor.u32 v20, v18;
	v19 =	vand.u32 $0x7, v19;
	v20 =	vshll.u32 v21, $0x3  }
0x38: {  	v18 =	vor.u32 v19, v18;
	v19 =	vand.u32 $0xFFFFE000, v21;
	v20 =	vand.u32 $0x1FF8, v20  }
0x39: {  	v24 =	vld [tilespmem:$0x30];
	v19 =	vor.u32 v19, v20;
	v20 =	vshrl.u32 v21, $0xA;
	v21 =	vshll.u32 v23, $0x3  }
0x3a: {  	v40 =	vand.u32 $0x7, v40;
	v23 =	vshrl.u32 v23, $0xA;
	v21 =	vand.u32 $0x1FF8, v21  }
0x3b: {  	v20 =	vand.u32 $0x7, v20;
	v23 =	vand.u32 $0x7, v23;
	v21 =	vor.u32 v25, v21;
	v25 =	vld [tilespmem:$0x230]  }
0x3c: {  	v20 =	vor.u32 v20, v19;
	v19 =	vor.u32 v23, v21;
	v21 =	vshll.u32 v22, $0x3  }
0x3d: {  	v23 =	vand.u32 $0xFFFFE000, v22;
	v22 =	vshrl.u32 v22, $0xA;
	v21 =	vand.u32 $0x1FF8, v21  }
0x3e: {  	v26 =	vld [tilespmem:$0x40];
	v22 =	vand.u32 $0x7, v22;
	v21 =	vor.u32 v23, v21;
	v23 =	vshll.u32 v24, $0x3  }
0x3f: {  	v21 =	vor.u32 v22, v21;
	v22 =	vand.u32 $0xFFFFE000, v24;
	v23 =	vand.u32 $0x1FF8, v23  }
0x40: {  	v27 =	vld [tilespmem:$0x240];
	v22 =	vor.u32 v22, v23;
	v23 =	vshrl.u32 v24, $0xA;
	v24 =	vshll.u32 v25, $0x3  }
0x41: {  	v28 =	vand.u32 $0xFFFFE000, v25;
	v25 =	vshrl.u32 v25, $0xA;
	v24 =	vand.u32 $0x1FF8, v24  }
0x42: {  	v23 =	vand.u32 $0x7, v23;
	v25 =	vand.u32 $0x7, v25;
	v24 =	vor.u32 v28, v24;
	v28 =	vld [tilespmem:$0x50]  }
0x43: {  	v23 =	vor.u32 v23, v22;
	v22 =	vor.u32 v25, v24;
	v24 =	vshll.u32 v26, $0x3  }
0x44: {  	v25 =	vand.u32 $0xFFFFE000, v26;
	v26 =	vshrl.u32 v26, $0xA;
	v24 =	vand.u32 $0x1FF8, v24  }
0x45: {  	v29 =	vld [tilespmem:$0x250];
	v24 =	vor.u32 v25, v24;
	v25 =	vand.u32 $0x7, v26;
	v26 =	vshll.u32 v27, $0x3  }
0x46: {  	v24 =	vor.u32 v25, v24;
	v25 =	vand.u32 $0xFFFFE000, v27;
	v26 =	vand.u32 $0x1FF8, v26  }
0x47: {  	v30 =	vld [tilespmem:$0x60];
	v25 =	vor.u32 v25, v26;
	v26 =	vshrl.u32 v27, $0xA;
	v27 =	vshll.u32 v28, $0x3  }
0x48: {  	v31 =	vand.u32 $0xFFFFE000, v28;
	v28 =	vshrl.u32 v28, $0xA;
	v27 =	vand.u32 $0x1FF8, v27  }
0x49: {  	v26 =	vand.u32 $0x7, v26;
	v28 =	vand.u32 $0x7, v28;
	v27 =	vor.u32 v31, v27;
	v31 =	vld [tilespmem:$0x260]  }
0x4a: {  	v26 =	vor.u32 v26, v25;
	v25 =	vor.u32 v28, v27;
	v27 =	vshll.u32 v29, $0x3  }
0x4b: {  	v28 =	vand.u32 $0xFFFFE000, v29;
	v29 =	vshrl.u32 v29, $0xA;
	v27 =	vand.u32 $0x1FF8, v27  }
0x4c: {  	v27 =	vor.u32 v28, v27;
	v28 =	vand.u32 $0x7, v29;
	v29 =	vshll.u32 v30, $0x3  }
0x4d: {  	v32 =	vld [tilespmem:$0x70];
	v27 =	vor.u32 v28, v27;
	v28 =	vand.u32 $0xFFFFE000, v30;
	v29 =	vand.u32 $0x1FF8, v29  }
0x4e: {  	v28 =	vor.u32 v28, v29;
	v29 =	vshrl.u32 v30, $0xA;
	v30 =	vshll.u32 v31, $0x3  }
0x4f: {  	v34 =	vand.u32 $0xFFFFE000, v31;
	v31 =	vshrl.u32 v31, $0xA;
	v30 =	vand.u32 $0x1FF8, v30  }
0x50: {  	v29 =	vand.u32 $0x7, v29;
	v31 =	vand.u32 $0x7, v31;
	v30 =	vor.u32 v34, v30  }
0x51: {  	v29 =	vor.u32 v29, v28;
	v34 =	vshrl.u32 v43, $0xA;
	v43 =	vand.u32 $0xFFFFE000, v55  }
0x52: {  	v28 =	vor.u32 v31, v30;
	v30 =	vshll.u32 v32, $0x3;
	v31 =	vand.u32 $0xFFFFE000, v32  }
0x53: {  	v55 =	vld [tilespmem:$0xE0];
	v32 =	vshrl.u32 v32, $0xA;
	v39 =	vor.u32 v43, v39;
	v43 =	vshrl.u32 v63, $0xA  }
0x54: {  	v34 =	vand.u32 $0x7, v34;
	v30 =	vand.u32 $0x1FF8, v30;
	v43 =	vand.u32 $0x7, v43  }
0x55: {  	v30 =	vor.u32 v31, v30;
	v31 =	vand.u32 $0x7, v32;
	v32 =	vand.u32 $0x1FF8, v44  }
0x56: {  	v41 =	vld [tilespmem:$0x2B0];
	v30 =	vor.u32 v31, v30;
	v31 =	vand.u32 $0xFFFFE000, v33;
	v33 =	vand.u32 $0x1FF8, v46  }
0x57: {  	v46 =	vand.u32 $0xFFFFE000, v63;
	v31 =	vor.u32 v31, v32;
	v32 =	vand.u32 $0x7, v45  }
0x58: {  	v33 =	vor.u32 v37, v33;
	v37 =	vshrl.u32 v47, $0xA;
	v62 =	vshll.u32 v55, $0x3  }
0x59: {  	v32 =	vor.u32 v32, v31;
	v31 =	vor.u32 v34, v33;
	v33 =	vand.u32 $0x1FF8, v48  }
0x5a: {  	v34 =	vor.u32 v52, v35;
	v35 =	vand.u32 $0x7, v53;
	v37 =	vand.u32 $0x7, v37  }
0x5b: {  	v48 =	vshll.u32 v41, $0x3;
	v52 =	vand.u32 $0xFFFFE000, v42;
	v53 =	vshrl.u32 v42, $0xA  }
0x5c: {  	v42 =	vand.u32 $0x1FF8, v54;
	v33 =	vor.u32 v49, v33;
	v35 =	vor.u32 v35, v34  }
0x5d: {  	v44 =	vld [tilespmem:$0xD0];
	v34 =	vor.u32 v37, v36;
	v36 =	vand.u32 $0x1FF8, v56;
	v37 =	vor.u32 v60, v38  }
0x5e: {  	v38 =	vand.u32 $0x7, v61;
	v49 =	vand.u32 $0xFFFFE000, v41;
	v41 =	vshrl.u32 v41, $0xA  }
0x5f: {  	v42 =	vor.u32 v46, v42;
	v46 =	vshrl.u32 v55, $0xA;
	v33 =	vor.u32 v50, v33  }
0x60: {  	v36 =	vor.u32 v57, v36;
	v38 =	vor.u32 v38, v37;
	v37 =	vor.u32 v40, v39  }
0x61: {  	v45 =	vld [tilespmem:$0x2D0];
	v39 =	vand.u32 $0x1FF8, v48;
	v50 =	vand.u32 $0x7, v41;
	v41 =	vand.u32 $0x1FF8, v51  }
0x62: {  	v56 =	vshll.u32 v44, $0x3;
	v57 =	vand.u32 $0xFFFFE000, v44;
	v44 =	vshrl.u32 v44, $0xA  }
0x63: {  	v47 =	vld [tilespmem:$0x2E0];
	v46 =	vand.u32 $0x7, v46;
	v36 =	vor.u32 v58, v36;
	v39 =	vor.u32 v49, v39  }
0x64: {  	v40 =	vor.u32 v52, v41;
	v41 =	vand.u32 $0x7, v53;
	v58 =	vand.u32 $0x7, v44  }
0x65: {  	v63 =	vld [tilespmem:$0x2F0];
	v49 =	vand.u32 $0xFFFFE000, v55;
	v39 =	vor.u32 v50, v39;
	v41 =	vor.u32 v41, v40  }
0x66: {  	v40 =	vor.u32 v43, v42;
	v42 =	vand.u32 $0x1FF8, v56;
	v59 =	vshll.u32 v45, $0x3  }
0x67: {  	v60 =	vand.u32 $0xFFFFE000, v45;
	v61 =	vshrl.u32 v45, $0xA;
	v45 =	vand.u32 $0x1FF8, v62  }
0x68: {  	v48 =	vld [tilespmem:$0xF0];
	v51 =	vshll.u32 v47, $0x3;
	v52 =	vand.u32 $0xFFFFE000, v47;
	v47 =	vshrl.u32 v47, $0xA  }
0x69: {  	v42 =	vor.u32 v57, v42;
	v44 =	vand.u32 $0x1FF8, v59;
	v45 =	vor.u32 v49, v45  }
0x6a: {  	v53 =	vand.u32 $0x7, v47;
	v57 =	vshll.u32 v63, $0x3;
	v49 =	vshrl.u32 v63, $0xA  }
0x6b: {  	v42 =	vor.u32 v58, v42;
	v43 =	vor.u32 v60, v44;
	v44 =	vand.u32 $0x7, v61  }
0x6c: {  	v50 =	vld [tilespmem:$0x100];
	v49 =	vand.u32 $0x7, v49;
	v44 =	vor.u32 v44, v43;
	v43 =	vor.u32 v46, v45  }
0x6d: {  	v45 =	vand.u32 $0x1FF8, v51;
	v54 =	vshll.u32 v48, $0x3;
	v55 =	vand.u32 $0xFFFFE000, v48  }
0x6e: {  	v56 =	vshrl.u32 v48, $0xA;
	v51 =	vld [tilespmem:$0x300];
	v48 =	vand.u32 $0x1FF8, v57;
	v45 =	vor.u32 v52, v45  }
0x6f: {  	v47 =	vand.u32 $0x1FF8, v54;
	v52 =	vand.u32 $0xFFFFE000, v63;
	v45 =	vor.u32 v53, v45  }
0x70: {  	v54 =	vld [tilespmem:$0x120];
	v46 =	vor.u32 v55, v47;
	v47 =	vand.u32 $0x7, v56;
	v48 =	vor.u32 v52, v48  }
0x71: {  	v52 =	vld [tilespmem:$0x110];
	v58 =	vshll.u32 v50, $0x3;
	v59 =	vand.u32 $0xFFFFE000, v50;
	v50 =	vshrl.u32 v50, $0xA  }
0x72: {  	v53 =	vld [tilespmem:$0x310];
	v47 =	vor.u32 v47, v46;
	v46 =	vor.u32 v49, v48;
	v48 =	vand.u32 $0x1FF8, v58  }
0x73: {  	v60 =	vand.u32 $0x7, v50;
	v48 =	vor.u32 v59, v48;
	v61 =	vshll.u32 v51, $0x3  }
0x74: {  	v48 =	vor.u32 v60, v48;
	v62 =	vand.u32 $0xFFFFE000, v51;
	v50 =	vand.u32 $0x1FF8, v61  }
0x75: {  	v63 =	vshrl.u32 v51, $0xA;
	v61 =	vshll.u32 v54, $0x3;
	v49 =	vor.u32 v62, v50  }
0x76: {  	v57 =	vshll.u32 v52, $0x3;
	v55 =	vand.u32 $0xFFFFE000, v52;
	v52 =	vshrl.u32 v52, $0xA  }
0x77: {  	v56 =	vld [tilespmem:$0x130];
	v50 =	vand.u32 $0x7, v63;
	v58 =	vshll.u32 v53, $0x3;
	v59 =	vand.u32 $0xFFFFE000, v53  }
0x78: {  	v53 =	vshrl.u32 v53, $0xA;
	v62 =	vand.u32 $0xFFFFE000, v54;
	v63 =	vshrl.u32 v54, $0xA  }
0x79: {  	[tilespmem:$0x400] =	vst v17;
	v51 =	vand.u32 $0x1FF8, v57;
	v52 =	vand.u32 $0x7, v52;
	v17 =	vand.u32 $0x7, v63;
	v63 =	vld [tilespmem:$0x140]  }
0x7a: {  	v50 =	vor.u32 v50, v49;
	v60 =	vand.u32 $0x7, v53;
	v51 =	vor.u32 v55, v51;
	v55 =	vld [tilespmem:$0x320]  }
0x7b: {  	[tilespmem:$0x410] =	vst v18;
	v53 =	vand.u32 $0x1FF8, v61;
	v49 =	vor.u32 v52, v51;
	v51 =	vand.u32 $0x1FF8, v58  }
0x7c: {  	[tilespmem:$0x610] =	vst v20;
	v18 =	vand.u32 $0xFFFFE000, v56;
	v52 =	vor.u32 v62, v53;
	v51 =	vor.u32 v59, v51  }
0x7d: {  	[tilespmem:$0x620] =	vst v21;
	v57 =	vld [tilespmem:$0x330];
	v17 =	vor.u32 v17, v52;
	v59 =	vshrl.u32 v56, $0xA;
	v51 =	vor.u32 v60, v51  }
0x7e: {  	[tilespmem:$0x430] =	vst v23;
	v20 =	vand.u32 $0x7, v59;
	v21 =	vshll.u32 v63, $0x3;
	v23 =	vand.u32 $0xFFFFE000, v63  }
0x7f: {  	v53 =	vld [tilespmem:$0x190];
	v63 =	vshrl.u32 v63, $0xA;
	v60 =	vshll.u32 v55, $0x3;
	v58 =	vand.u32 $0xFFFFE000, v55  }
0x80: {  	[tilespmem:$0x630] =	vst v22;
	v21 =	vand.u32 $0x1FF8, v21;
	v22 =	vand.u32 $0x7, v63;
	v63 =	vld [tilespmem:$0x3B0];
	v54 =	vand.u32 $0x1FF8, v60  }
0x81: {  	[tilespmem:$0x600] =	vst v16;
	v21 =	vor.u32 v23, v21;
	v23 =	vld [tilespmem:$0x350];
	v61 =	vor.u32 v58, v54;
	v58 =	vshll.u32 v56, $0x3  }
0x82: {  	[tilespmem:$0x420] =	vst v19;
	v19 =	vand.u32 $0xFFFFE000, v57;
	v55 =	vshrl.u32 v55, $0xA;
	v52 =	vand.u32 $0x1FF8, v58  }
0x83: {  	[tilespmem:$0x640] =	vst v26;
	v62 =	vand.u32 $0x7, v55;
	v60 =	vshll.u32 v57, $0x3;
	v54 =	vld [tilespmem:$0x390];
	v18 =	vor.u32 v18, v52  }
0x84: {  	[tilespmem:$0x670] =	vst v32;
	v32 =	vshrl.u32 v53, $0xA;
	v56 =	vld [tilespmem:$0x1A0];
	v18 =	vor.u32 v20, v18;
	v20 =	vand.u32 $0x1FF8, v60  }
0x85: {  	[tilespmem:$0x6E0] =	vst v45;
	v16 =	vor.u32 v62, v61;
	v61 =	vld [tilespmem:$0x340];
	v45 =	vshrl.u32 v63, $0xA;
	v19 =	vor.u32 v19, v20  }
0x86: {  	[tilespmem:$0x660] =	vst v28;
	v20 =	vshrl.u32 v57, $0xA;
	v26 =	vshll.u32 v23, $0x3;
	v28 =	vand.u32 $0xFFFFE000, v23  }
0x87: {  	[tilespmem:$0x440] =	vst v24;
	v58 =	vld [tilespmem:$0x3A0];
	v23 =	vshrl.u32 v23, $0xA;
	v20 =	vand.u32 $0x7, v20;
	v26 =	vand.u32 $0x1FF8, v26  }
0x88: {  	[tilespmem:$0x450] =	vst v25;
	v62 =	vld [tilespmem:$0x150];
	v23 =	vand.u32 $0x7, v23;
	v57 =	vshll.u32 v54, $0x3;
	v59 =	vshrl.u32 v54, $0xA  }
0x89: {  	[tilespmem:$0x690] =	vst v34;
	v60 =	vshll.u32 v56, $0x3;
	v34 =	vshrl.u32 v56, $0xA;
	v20 =	vor.u32 v20, v19  }
0x8a: {  	[tilespmem:$0x680] =	vst v33;
	v19 =	vor.u32 v22, v21;
	v21 =	vshll.u32 v61, $0x3;
	v22 =	vand.u32 $0xFFFFE000, v61  }
0x8b: {  	v25 =	vld [tilespmem:$0x160];
	[tilespmem:$0x6C0] =	vst v40;
	v24 =	vshrl.u32 v61, $0xA;
	v26 =	vor.u32 v28, v26;
	v33 =	vand.u32 $0x1FF8, v60  }
0x8c: {  	[tilespmem:$0x720] =	vst v16;
	v40 =	vshll.u32 v58, $0x3;
	v16 =	vand.u32 $0xFFFFE000, v58;
	v21 =	vand.u32 $0x1FF8, v21  }
0x8d: {  	[tilespmem:$0x4E0] =	vst v43;
	v43 =	vld [tilespmem:$0x1C0];
	v21 =	vor.u32 v22, v21;
	v22 =	vand.u32 $0x7, v24;
	v24 =	vshll.u32 v62, $0x3  }
0x8e: {  	[tilespmem:$0x650] =	vst v27;
	v27 =	vld [tilespmem:$0x360];
	v21 =	vor.u32 v22, v21;
	v22 =	vand.u32 $0xFFFFE000, v62;
	v24 =	vand.u32 $0x1FF8, v24  }
0x8f: {  	[tilespmem:$0x4C0] =	vst v41;
	v41 =	vshrl.u32 v58, $0xA;
	v22 =	vor.u32 v22, v24;
	v24 =	vshrl.u32 v62, $0xA  }
0x90: {  	v28 =	vld [tilespmem:$0x170];
	v23 =	vor.u32 v23, v26;
	v26 =	vand.u32 $0xFFFFE000, v25;
	v24 =	vand.u32 $0x7, v24  }
0x91: {  	[tilespmem:$0x530] =	vst v18;
	v18 =	vand.u32 $0x7, v41;
	v22 =	vor.u32 v24, v22;
	v24 =	vshll.u32 v25, $0x3  }
0x92: {  	[tilespmem:$0x750] =	vst v23;
	v23 =	vshrl.u32 v43, $0xA;
	v25 =	vshrl.u32 v25, $0xA;
	v24 =	vand.u32 $0x1FF8, v24  }
0x93: {  	[tilespmem:$0x460] =	vst v29;
	v29 =	vld [tilespmem:$0x370];
	v25 =	vand.u32 $0x7, v25;
	v24 =	vor.u32 v26, v24;
	v26 =	vshll.u32 v27, $0x3  }
0x94: {  	v24 =	vor.u32 v25, v24;
	v25 =	vand.u32 $0xFFFFE000, v27;
	v26 =	vand.u32 $0x1FF8, v26  }
0x95: {  	[tilespmem:$0x470] =	vst v30;
	v30 =	vld [tilespmem:$0x180];
	v25 =	vor.u32 v25, v26;
	v26 =	vshrl.u32 v27, $0xA;
	v27 =	vshll.u32 v28, $0x3  }
0x96: {  	[tilespmem:$0x480] =	vst v31;
	v31 =	vand.u32 $0xFFFFE000, v28;
	v28 =	vshrl.u32 v28, $0xA;
	v27 =	vand.u32 $0x1FF8, v27  }
0x97: {  	v26 =	vand.u32 $0x7, v26;
	v28 =	vand.u32 $0x7, v28;
	v27 =	vor.u32 v31, v27;
	v31 =	vld [tilespmem:$0x380]  }
0x98: {  	[tilespmem:$0x490] =	vst v35;
	v25 =	vor.u32 v26, v25;
	v26 =	vor.u32 v28, v27;
	v27 =	vshll.u32 v29, $0x3  }
0x99: {  	[tilespmem:$0x6A0] =	vst v38;
	v28 =	vand.u32 $0xFFFFE000, v29;
	v29 =	vshrl.u32 v29, $0xA;
	v27 =	vand.u32 $0x1FF8, v27  }
0x9a: {  	[tilespmem:$0x4B0] =	vst v37;
	v27 =	vor.u32 v28, v27;
	v28 =	vand.u32 $0x7, v29;
	v29 =	vshll.u32 v30, $0x3  }
0x9b: {  	[tilespmem:$0x4A0] =	vst v36;
	v27 =	vor.u32 v28, v27;
	v28 =	vand.u32 $0xFFFFE000, v30;
	v29 =	vand.u32 $0x1FF8, v29  }
0x9c: {  	[tilespmem:$0x6B0] =	vst v39;
	v28 =	vor.u32 v28, v29;
	v29 =	vshrl.u32 v30, $0xA;
	v30 =	vshll.u32 v31, $0x3  }
0x9d: {  	[tilespmem:$0x4D0] =	vst v42;
	v55 =	vand.u32 $0xFFFFE000, v31;
	v31 =	vshrl.u32 v31, $0xA;
	v30 =	vand.u32 $0x1FF8, v30  }
0x9e: {  	[tilespmem:$0x6D0] =	vst v44;
	v61 =	vld [tilespmem:$0x1B0];
	v29 =	vand.u32 $0x7, v29;
	v31 =	vand.u32 $0x7, v31;
	v30 =	vor.u32 v55, v30  }
0x9f: {  	[tilespmem:$0x4F0] =	vst v47;
	v28 =	vor.u32 v29, v28;
	v29 =	vor.u32 v31, v30;
	v30 =	vshll.u32 v53, $0x3  }
0xa0: {  	v62 =	vand.u32 $0xFFFFE000, v56;
	[tilespmem:$0x740] =	vst v21;
	v31 =	vand.u32 $0xFFFFE000, v53;
	v30 =	vand.u32 $0x1FF8, v30  }
0xa1: {  	v21 =	vand.u32 $0xFFFFE000, v63;
	[tilespmem:$0x550] =	vst v22;
	v22 =	vld [tilespmem:$0x1D0];
	v30 =	vor.u32 v31, v30;
	v31 =	vand.u32 $0x7, v32  }
0xa2: {  	[tilespmem:$0x6F0] =	vst v46;
	v32 =	vand.u32 $0x1FF8, v57;
	v30 =	vor.u32 v31, v30;
	v31 =	vand.u32 $0xFFFFE000, v54  }
0xa3: {  	[tilespmem:$0x520] =	vst v17;
	v42 =	vshll.u32 v61, $0x3;
	v31 =	vor.u32 v31, v32;
	v32 =	vand.u32 $0x7, v59  }
0xa4: {  	[tilespmem:$0x540] =	vst v19;
	v19 =	vshrl.u32 v61, $0xA;
	v17 =	vor.u32 v32, v31;
	v32 =	vand.u32 $0x1FF8, v40  }
0xa5: {  	[tilespmem:$0x730] =	vst v20;
	v20 =	vand.u32 $0x1FF8, v42;
	v19 =	vand.u32 $0x7, v19;
	v16 =	vor.u32 v16, v32  }
0xa6: {  	[tilespmem:$0x760] =	vst v25;
	v25 =	vshll.u32 v22, $0x3;
	v16 =	vor.u32 v18, v16;
	v18 =	vand.u32 $0xFFFFE000, v61  }
0xa7: {  	v44 =	vld [tilespmem:$0x3C0];
	[tilespmem:$0x500] =	vst v48;
	v25 =	vand.u32 $0x1FF8, v25;
	v18 =	vor.u32 v18, v20;
	v20 =	vshll.u32 v63, $0x3  }
0xa8: {  	[tilespmem:$0x770] =	vst v27;
	v27 =	vand.u32 $0xFFFFE000, v22;
	v22 =	vshrl.u32 v22, $0xA;
	v20 =	vand.u32 $0x1FF8, v20  }
0xa9: {  	[tilespmem:$0x700] =	vst v50;
	v25 =	vor.u32 v27, v25;
	v20 =	vor.u32 v21, v20;
	v21 =	vand.u32 $0x7, v45  }
0xaa: {  	[tilespmem:$0x510] =	vst v49;
	v18 =	vor.u32 v19, v18;
	v19 =	vor.u32 v21, v20;
	v20 =	vshll.u32 v43, $0x3  }
0xab: {  	[tilespmem:$0x560] =	vst v24;
	v24 =	vld [tilespmem:$0x3D0];
	v22 =	vand.u32 $0x7, v22;
	v21 =	vand.u32 $0xFFFFE000, v43;
	v20 =	vand.u32 $0x1FF8, v20  }
0xac: {  	[tilespmem:$0x710] =	vst v51;
	v20 =	vor.u32 v21, v20;
	v21 =	vand.u32 $0x7, v23;
	v23 =	vshll.u32 v44, $0x3  }
0xad: {  	[tilespmem:$0x570] =	vst v26;
	v26 =	vld [tilespmem:$0x1E0];
	v20 =	vor.u32 v21, v20;
	v21 =	vand.u32 $0xFFFFE000, v44;
	v23 =	vand.u32 $0x1FF8, v23  }
0xae: {  	v22 =	vor.u32 v22, v25;
	[tilespmem:$0x580] =	vst v28;
	v21 =	vor.u32 v21, v23;
	v23 =	vshrl.u32 v44, $0xA  }
0xaf: {  	v34 =	vand.u32 $0x7, v34;
	v33 =	vor.u32 v62, v33;
	v27 =	vld [tilespmem:$0x3E0];
	[tilespmem:$0x5D0] =	vst v22;
	v23 =	vand.u32 $0x7, v23  }
0xb0: {  	[tilespmem:$0x780] =	vst v29;
	v31 =	vor.u32 v34, v33;
	v21 =	vor.u32 v23, v21;
	v23 =	vshll.u32 v24, $0x3  }
0xb1: {  	[tilespmem:$0x790] =	vst v17;
	v17 =	vand.u32 $0xFFFFE000, v24;
	v24 =	vshrl.u32 v24, $0xA;
	v23 =	vand.u32 $0x1FF8, v23  }
0xb2: {  	v25 =	vld [tilespmem:$0x1F0];
	[tilespmem:$0x590] =	vst v30;
	v17 =	vor.u32 v17, v23;
	v23 =	vand.u32 $0x7, v24;
	v24 =	vshll.u32 v26, $0x3  }
0xb3: {  	[tilespmem:$0x7A0] =	vst v16;
	v16 =	vor.u32 v23, v17;
	v17 =	vand.u32 $0xFFFFE000, v26;
	v23 =	vand.u32 $0x1FF8, v24  }
0xb4: {  	[tilespmem:$0x5B0] =	vst v18;
	v18 =	vshrl.u32 v26, $0xA;
	v24 =	vld [tilespmem:$0x3F0];
	v17 =	vor.u32 v17, v23;
	v23 =	vshll.u32 v27, $0x3  }
0xb5: {  	[tilespmem:$0x7B0] =	vst v19;
	v19 =	vand.u32 $0xFFFFE000, v27;
	v26 =	vshrl.u32 v27, $0xA;
	v23 =	vand.u32 $0x1FF8, v23  }
0xb6: {  	v18 =	vand.u32 $0x7, v18;
	[tilespmem:$0x5C0] =	vst v20;
	v20 =	vand.u32 $0x7, v26;
	v19 =	vor.u32 v19, v23  }
0xb7: {  	[tilespmem:$0x7C0] =	vst v21;
	v17 =	vor.u32 v18, v17;
	v18 =	vor.u32 v20, v19;
	v19 =	vshll.u32 v25, $0x3  }
0xb8: {  	v21 =	vshrl.u32 v25, $0xA;
	[tilespmem:$0x7D0] =	vst v16;
	v20 =	vand.u32 $0xFFFFE000, v25;
	v19 =	vand.u32 $0x1FF8, v19  }
0xb9: {  	[tilespmem:$0x5E0] =	vst v17;
	v17 =	vand.u32 $0xFFFFE000, v24;
	v16 =	vor.u32 v20, v19;
	v20 =	vshll.u32 v24, $0x3  }
0xba: {  	[tilespmem:$0x5A0] =	vst v31;
	v19 =	vand.u32 $0x7, v21;
	v21 =	vshrl.u32 v24, $0xA;
	v20 =	vand.u32 $0x1FF8, v20  }
0xbb: {  	[tilespmem:$0x7E0] =	vst v18;
	v16 =	vor.u32 v19, v16;
	v18 =	vand.u32 $0x7, v21;
	v17 =	vor.u32 v17, v20  }
0xbc: {  	[tilespmem:$0x5F0] =	vst v16;
	v16 =	vor.u32 v18, v17  }
0xbd: {  	[tilespmem:$0x7F0] =	vst v16  }
0xbe: {  	[tilespmem:s15], [sflag:$0x1] =	stream.indirect.gather [hbm4b:s4+s13], $0x10, s14, s13, $0xb8;
	[tilespmem:$0x4A20] =	vst v63  }
0xbf: {  	_ = 	snop  }
0xc0: {  	[tilespmem:s17], [sflag:$0x1] =	stream.indirect.gather [hbm4b:s5+s13], $0x10, s16, s13, $0xb8;
	[tilespmem:$0x4A20] =	vst v63  }
0xc1: {  	_ = 	snop  }
0xc2: {  	[tilespmem:s19], [sflag:$0x1] =	stream.indirect.gather [hbm4b:s4+s13], $0x10, s18, s13, $0xb8;
	[tilespmem:$0x4A20] =	vst v63  }
0xc3: {  	_ = 	snop  }
0xc4: {  	[tilespmem:s21], [sflag:$0x1] =	stream.indirect.gather [hbm4b:s5+s13], $0x10, s20, s13, $0xb8;
	[tilespmem:$0x4A20] =	vst v63  }
0xc5: {  	_ = 	snop  }
0xc6: {  	[tilespmem:s23], [sflag:$0x1] =	stream.indirect.gather [hbm4b:s4+s13], $0x10, s22, s13, $0xb8;
	[tilespmem:$0x4A20] =	vst v63  }
0xc7: {  	_ = 	snop  }
0xc8: {  	[tilespmem:s25], [sflag:$0x1] =	stream.indirect.gather [hbm4b:s5+s13], $0x10, s24, s13, $0xb8;
	[tilespmem:$0x4A20] =	vst v63  }
0xc9: {  	_ = 	snop  }
0xca: {  	[tilespmem:s28], [sflag:$0x1] =	stream.indirect.gather [hbm4b:s4+s13], $0x10, s26, s13, $0xb8;
	[tilespmem:$0x4A20] =	vst v63  }
0xcb: {  	_ = 	snop  }
0xcc: {  	[tilespmem:s30], [sflag:$0x1] =	stream.indirect.gather [hbm4b:s5+s13], $0x10, s29, s13, $0xb8;
	[tilespmem:$0x4A20] =	vst v63  }
0xcd: {  	v31 =	vld.msk [tilespmem:s12+$0x0], $0xffff  }
0xce: {  	v30 =	vld.idx.msk [tilespmem:v3+s12+$0x0], $0xffff  }
0xcf: {  	v29 =	vld.idx.msk [tilespmem:v4+s12+$0x0], $0xffff  }
0xd0: {  	v28 =	vld.idx.msk [tilespmem:v0+s12+$0x0], $0xffff  }
0xd1: {  	v27 =	vld.idx.msk [tilespmem:v5+s12+$0x0], $0xffff  }
0xd2: {  	v26 =	vld.idx.msk [tilespmem:v6+s12+$0x0], $0xffff  }
0xd3: {  	v25 =	vld.idx.msk [tilespmem:v7+s12+$0x0], $0xffff  }
0xd4: {  	v24 =	vld.idx.msk [tilespmem:v2+s12+$0x0], $0xffff  }
0xd5: {  	v23 =	vld.idx.msk [tilespmem:v8+s12+$0x0], $0xffff  }
0xd6: {  	v22 =	vld.idx.msk [tilespmem:v9+s12+$0x0], $0xffff  }
0xd7: {  	v21 =	vld.idx.msk [tilespmem:v1+s12+$0x0], $0xffff  }
0xd8: {  	v20 =	vld.idx.msk [tilespmem:v10+s12+$0x0], $0xffff  }
0xd9: {  	v19 =	vld.idx.msk [tilespmem:v11+s12+$0x0], $0xffff  }
0xda: {  	v18 =	vld.idx.msk [tilespmem:v12+s12+$0x0], $0xffff  }
0xdb: {  	v46 =	vmov s2;
	v17 =	vld.idx.msk [tilespmem:v13+s12+$0x0], $0xffff  }
0xdc: {  	v32 =	vshll.u32 v46, $0x4;
	v16 =	vld.idx.msk [tilespmem:v14+s12+$0x0], $0xffff;
	_ =	swait.ge [sflag:s31], $0x800  }
0xdd: {  	v32 =	vor.u32 v15, v32;
	[sflag:s31] =	ssyncset.done $0x0  }
0xde: {  	[sflag:s31] =	ssyncadd.s32 $0xFFFFF800  }
0xdf: {  	v47 =	vor.u32 $0x1, v32;
	_ =	swait.ge [sflag:s31], $0x800  }
0xe0: {  	[sflag:s31] =	ssyncset.done $0x0  }
0xe1: {  	v48 =	vor.u32 $0x2, v32;
	[sflag:s31] =	ssyncadd.s32 $0xFFFFF800  }
0xe2: {  	v49 =	vld.idx.msk [tilespmem:v32+s17+$0x0], $0xffff  }
0xe3: {  	v51 =	vor.u32 $0x3, v32;
	v50 =	vld.idx.msk [tilespmem:v32+s15+$0x0], $0xffff  }
0xe4: {  	v52 =	vld.idx.msk [tilespmem:v47+s15+$0x0], $0xffff  }
0xe5: {  	v53 =	vor.u32 $0x4, v32;
	v33 =	vld.idx.msk [tilespmem:v47+s17+$0x0], $0xffff  }
0xe6: {  	v54 =	vld.idx.msk [tilespmem:v48+s15+$0x0], $0xffff  }
0xe7: {  	v55 =	vor.u32 $0x5, v32;
	v34 =	vld.idx.msk [tilespmem:v48+s17+$0x0], $0xffff  }
0xe8: {  	v56 =	vld.idx.msk [tilespmem:v51+s15+$0x0], $0xffff;
	v35 =	vmul.f32 v49, v50  }
0xe9: {  	v58 =	vor.u32 $0x6, v32;
	v57 =	vld.idx.msk [tilespmem:v51+s17+$0x0], $0xffff  }
0xea: {  	v59 =	vld.idx.msk [tilespmem:v53+s15+$0x0], $0xffff;
	v33 =	vmul.f32 v33, v52;
	v35 =	vmul.f32 v35, v31  }
0xeb: {  	v61 =	vor.u32 $0x7, v32;
	v60 =	vld.idx.msk [tilespmem:v53+s17+$0x0], $0xffff  }
0xec: {  	v62 =	vld.idx.msk [tilespmem:v55+s15+$0x0], $0xffff;
	v34 =	vmul.f32 v34, v54;
	v33 =	vmul.f32 v33, v30;
	v35 =	vadd.f32 $0.0e+00, v35  }
0xed: {  	v63 =	vor.u32 $0x8, v32;
	v41 =	vld.idx.msk [tilespmem:v55+s17+$0x0], $0xffff  }
0xee: {  	v48 =	vld.idx.msk [tilespmem:v58+s15+$0x0], $0xffff;
	v49 =	vmul.f32 v57, v56;
	v34 =	vmul.f32 v34, v29;
	v33 =	vadd.f32 v33, v35  }
0xef: {  	v37 =	vld.idx.msk [tilespmem:v58+s17+$0x0], $0xffff;
	v50 =	vor.u32 $0x9, v32  }
0xf0: {  	v51 =	vld.idx.msk [tilespmem:v61+s15+$0x0], $0xffff;
	v53 =	vmul.f32 v60, v59;
	v52 =	vmul.f32 v49, v28;
	v33 =	vadd.f32 v34, v33  }
0xf1: {  	v39 =	vld.idx.msk [tilespmem:v61+s17+$0x0], $0xffff;
	v54 =	vor.u32 $0xA, v32  }
0xf2: {  	v55 =	vld.idx.msk [tilespmem:v63+s15+$0x0], $0xffff;
	v57 =	vmul.f32 v41, v62;
	v56 =	vmul.f32 v53, v27;
	v33 =	vadd.f32 v52, v33  }
0xf3: {  	v58 =	vor.u32 $0xB, v32;
	v40 =	vld.idx.msk [tilespmem:v63+s17+$0x0], $0xffff  }
0xf4: {  	v61 =	vmul.f32 v37, v48;
	v60 =	vmul.f32 v57, v26;
	v59 =	vld.idx.msk [tilespmem:v50+s15+$0x0], $0xffff;
	v33 =	vadd.f32 v56, v33  }
0xf5: {  	v62 =	vor.u32 $0xC, v32;
	v36 =	vld.idx.msk [tilespmem:v50+s17+$0x0], $0xffff  }
0xf6: {  	v48 =	vmul.f32 v61, v25;
	v49 =	vmul.f32 v39, v51;
	v63 =	vld.idx.msk [tilespmem:v54+s15+$0x0], $0xffff;
	v33 =	vadd.f32 v60, v33  }
0xf7: {  	v50 =	vor.u32 $0xD, v32;
	v38 =	vld.idx.msk [tilespmem:v54+s17+$0x0], $0xffff  }
0xf8: {  	v41 =	vld.idx.msk [tilespmem:v58+s17+$0x0], $0xffff;
	v53 =	vmul.f32 v40, v55;
	v52 =	vmul.f32 v49, v24;
	v33 =	vadd.f32 v48, v33  }
0xf9: {  	v51 =	vld.idx.msk [tilespmem:v58+s15+$0x0], $0xffff;
	v54 =	vor.u32 $0xE, v32  }
0xfa: {  	v55 =	vld.idx.msk [tilespmem:v62+s15+$0x0], $0xffff;
	v57 =	vmul.f32 v36, v59;
	v56 =	vmul.f32 v53, v23;
	v33 =	vadd.f32 v52, v33  }
0xfb: {  	v32 =	vor.u32 $0xF, v32;
	v58 =	vld.idx.msk [tilespmem:v62+s17+$0x0], $0xffff  }
0xfc: {  	v59 =	vld.idx.msk [tilespmem:v50+s15+$0x0], $0xffff;
	v61 =	vmul.f32 v38, v63;
	v60 =	vmul.f32 v57, v22;
	v33 =	vadd.f32 v56, v33  }
0xfd: {  	v62 =	vld.idx.msk [tilespmem:v50+s17+$0x0], $0xffff  }
0xfe: {  	v45 =	vmul.f32 v41, v51;
	v63 =	vld.idx.msk [tilespmem:v54+s15+$0x0], $0xffff;
	v44 =	vmul.f32 v61, v21;
	v33 =	vadd.f32 v60, v33  }
0xff: {  	v40 =	vld.idx.msk [tilespmem:v54+s17+$0x0], $0xffff  }
0x100: {  	v47 =	vmul.f32 v45, v20;
	v46 =	vld.idx.msk [tilespmem:v32+s15+$0x0], $0xffff;
	v48 =	vmul.f32 v58, v55;
	v33 =	vadd.f32 v44, v33  }
0x101: {  	v32 =	vld.idx.msk [tilespmem:v32+s17+$0x0], $0xffff  }
0x102: {  	v50 =	vmul.f32 v62, v59;
	v49 =	vmul.f32 v48, v19;
	v33 =	vadd.f32 v47, v33;
	_ =	sdelay $0x1  }
0x103: {  	s11 =	simm.s32 $0x10;
	v51 =	vmul.f32 v50, v18;
	v52 =	vmul.f32 v40, v63;
	v33 =	vadd.f32 v49, v33  }
0x104: {  	v53 =	vmov s11  }
0x105: {  	v32 =	vmul.f32 v32, v46;
	v54 =	vmul.f32 v52, v17;
	v33 =	vadd.f32 v51, v33  }
0x106: {  	v55 =	vshll.u32 v53, $0x4  }
0x107: {  	v35 =	vor.u32 v15, v55;
	v32 =	vmul.f32 v32, v16;
	v33 =	vadd.f32 v54, v33;
	_ =	sdelay $0x1  }
0x108: {  	v56 =	vor.u32 $0x1, v35;
	v32 =	vadd.f32 v32, v33;
	_ =	sdelay $0x1  }
0x109: {  	v57 =	vor.u32 $0x2, v35;
	[tilespmem:s0+$0x0] =	vst v32  }
0x10a: {  	v32 =	vld.idx.msk [tilespmem:v35+s17+$0x0], $0xffff  }
0x10b: {  	v59 =	vor.u32 $0x3, v35;
	v58 =	vld.idx.msk [tilespmem:v35+s15+$0x0], $0xffff  }
0x10c: {  	v60 =	vld.idx.msk [tilespmem:v56+s15+$0x0], $0xffff  }
0x10d: {  	v61 =	vor.u32 $0x4, v35;
	v34 =	vld.idx.msk [tilespmem:v56+s17+$0x0], $0xffff  }
0x10e: {  	v62 =	vld.idx.msk [tilespmem:v57+s15+$0x0], $0xffff  }
0x10f: {  	v63 =	vor.u32 $0x5, v35;
	v33 =	vld.idx.msk [tilespmem:v57+s17+$0x0], $0xffff  }
0x110: {  	v48 =	vld.idx.msk [tilespmem:v59+s15+$0x0], $0xffff;
	v32 =	vmul.f32 v32, v58  }
0x111: {  	v50 =	vor.u32 $0x6, v35;
	v49 =	vld.idx.msk [tilespmem:v59+s17+$0x0], $0xffff  }
0x112: {  	v51 =	vld.idx.msk [tilespmem:v61+s15+$0x0], $0xffff;
	v34 =	vmul.f32 v34, v60;
	v32 =	vmul.f32 v32, v31  }
0x113: {  	v53 =	vor.u32 $0x7, v35;
	v52 =	vld.idx.msk [tilespmem:v61+s17+$0x0], $0xffff  }
0x114: {  	v54 =	vld.idx.msk [tilespmem:v63+s15+$0x0], $0xffff;
	v33 =	vmul.f32 v33, v62;
	v34 =	vmul.f32 v34, v30;
	v32 =	vadd.f32 $0.0e+00, v32  }
0x115: {  	v55 =	vor.u32 $0x8, v35;
	v41 =	vld.idx.msk [tilespmem:v63+s17+$0x0], $0xffff  }
0x116: {  	v56 =	vld.idx.msk [tilespmem:v50+s15+$0x0], $0xffff;
	v57 =	vmul.f32 v49, v48;
	v33 =	vmul.f32 v33, v29;
	v32 =	vadd.f32 v34, v32  }
0x117: {  	v37 =	vld.idx.msk [tilespmem:v50+s17+$0x0], $0xffff;
	v58 =	vor.u32 $0x9, v35  }
0x118: {  	v59 =	vld.idx.msk [tilespmem:v53+s15+$0x0], $0xffff;
	v61 =	vmul.f32 v52, v51;
	v60 =	vmul.f32 v57, v28;
	v32 =	vadd.f32 v33, v32  }
0x119: {  	v39 =	vld.idx.msk [tilespmem:v53+s17+$0x0], $0xffff;
	v62 =	vor.u32 $0xA, v35  }
0x11a: {  	v63 =	vld.idx.msk [tilespmem:v55+s15+$0x0], $0xffff;
	v49 =	vmul.f32 v41, v54;
	v48 =	vmul.f32 v61, v27;
	v32 =	vadd.f32 v60, v32  }
0x11b: {  	v50 =	vor.u32 $0xB, v35;
	v40 =	vld.idx.msk [tilespmem:v55+s17+$0x0], $0xffff  }
0x11c: {  	v53 =	vmul.f32 v37, v56;
	v52 =	vmul.f32 v49, v26;
	v51 =	vld.idx.msk [tilespmem:v58+s15+$0x0], $0xffff;
	v32 =	vadd.f32 v48, v32  }
0x11d: {  	v54 =	vor.u32 $0xC, v35;
	v36 =	vld.idx.msk [tilespmem:v58+s17+$0x0], $0xffff  }
0x11e: {  	v56 =	vmul.f32 v53, v25;
	v57 =	vmul.f32 v39, v59;
	v55 =	vld.idx.msk [tilespmem:v62+s15+$0x0], $0xffff;
	v32 =	vadd.f32 v52, v32  }
0x11f: {  	v58 =	vor.u32 $0xD, v35;
	v38 =	vld.idx.msk [tilespmem:v62+s17+$0x0], $0xffff  }
0x120: {  	v41 =	vld.idx.msk [tilespmem:v50+s17+$0x0], $0xffff;
	v61 =	vmul.f32 v40, v63;
	v60 =	vmul.f32 v57, v24;
	v32 =	vadd.f32 v56, v32  }
0x121: {  	v59 =	vld.idx.msk [tilespmem:v50+s15+$0x0], $0xffff;
	v62 =	vor.u32 $0xE, v35  }
0x122: {  	v46 =	vmul.f32 v61, v23;
	v63 =	vld.idx.msk [tilespmem:v54+s15+$0x0], $0xffff;
	v47 =	vmul.f32 v36, v51;
	v32 =	vadd.f32 v60, v32  }
0x123: {  	v35 =	vor.u32 $0xF, v35;
	v48 =	vld.idx.msk [tilespmem:v54+s17+$0x0], $0xffff  }
0x124: {  	v49 =	vld.idx.msk [tilespmem:v58+s15+$0x0], $0xffff;
	v51 =	vmul.f32 v38, v55;
	v50 =	vmul.f32 v47, v22;
	v32 =	vadd.f32 v46, v32  }
0x125: {  	v52 =	vld.idx.msk [tilespmem:v58+s17+$0x0], $0xffff  }
0x126: {  	v55 =	vld.idx.msk [tilespmem:v62+s15+$0x0], $0xffff;
	v53 =	vmul.f32 v51, v21;
	v54 =	vmul.f32 v41, v59;
	v32 =	vadd.f32 v50, v32  }
0x127: {  	v40 =	vld.idx.msk [tilespmem:v62+s17+$0x0], $0xffff  }
0x128: {  	v58 =	vld.idx.msk [tilespmem:v35+s15+$0x0], $0xffff;
	v56 =	vmul.f32 v54, v20;
	v57 =	vmul.f32 v48, v63;
	v32 =	vadd.f32 v53, v32  }
0x129: {  	v35 =	vld.idx.msk [tilespmem:v35+s17+$0x0], $0xffff  }
0x12a: {  	v59 =	vmul.f32 v57, v19;
	v60 =	vmul.f32 v52, v49;
	v32 =	vadd.f32 v56, v32;
	_ =	sdelay $0x1  }
0x12b: {  	s11 =	simm.s32 $0x20;
	v62 =	vmul.f32 v40, v55;
	v61 =	vmul.f32 v60, v18;
	v32 =	vadd.f32 v59, v32  }
0x12c: {  	v63 =	vmov s11  }
0x12d: {  	v33 =	vmul.f32 v62, v17;
	v34 =	vmul.f32 v35, v58;
	v32 =	vadd.f32 v61, v32  }
0x12e: {  	s1 =	simm.s32 $0x4820;
	s11 =	simm.s32 $0x30;
	v35 =	vshll.u32 v63, $0x4  }
.LBB2_2:
0x12f: {  	p0 =	sne.s32 s11, $0x70;
	v35 =	vor.u32 v15, v35;
	v32 =	vadd.f32 v33, v32;
	v33 =	vmul.f32 v34, v16;
	_ =	sdelay $0x1  }
0x130: {  	v34 =	vor.u32 $0x1, v35;
	v32 =	vadd.f32 v33, v32  }
0x131: {  	s1 =	sadd.s32 $0x10, s1  }
0x132: {  	v33 =	vor.u32 $0x2, v35;
	[tilespmem:s1+$0x0] =	vst v32  }
0x133: {  	v32 =	vld.idx.msk [tilespmem:v35+s17+$0x0], $0xffff  }
0x134: {  	v37 =	vor.u32 $0x3, v35;
	v36 =	vld.idx.msk [tilespmem:v35+s15+$0x0], $0xffff  }
0x135: {  	v38 =	vld.idx.msk [tilespmem:v34+s15+$0x0], $0xffff  }
0x136: {  	v39 =	vor.u32 $0x4, v35;
	v34 =	vld.idx.msk [tilespmem:v34+s17+$0x0], $0xffff  }
0x137: {  	v40 =	vld.idx.msk [tilespmem:v33+s15+$0x0], $0xffff  }
0x138: {  	v41 =	vor.u32 $0x5, v35;
	v33 =	vld.idx.msk [tilespmem:v33+s17+$0x0], $0xffff  }
0x139: {  	v42 =	vld.idx.msk [tilespmem:v37+s15+$0x0], $0xffff  }
0x13a: {  	v32 =	vmul.f32 v32, v36;
	v36 =	vld.idx.msk [tilespmem:v37+s17+$0x0], $0xffff;
	v37 =	vor.u32 $0x6, v35  }
0x13b: {  	v43 =	vld.idx.msk [tilespmem:v39+s15+$0x0], $0xffff  }
0x13c: {  	v32 =	vmul.f32 v32, v31;
	v34 =	vmul.f32 v34, v38;
	v38 =	vld.idx.msk [tilespmem:v39+s17+$0x0], $0xffff;
	v39 =	vor.u32 $0x7, v35  }
0x13d: {  	v45 =	vor.u32 $0x8, v35;
	v44 =	vld.idx.msk [tilespmem:v41+s15+$0x0], $0xffff  }
0x13e: {  	v32 =	vadd.f32 $0.0e+00, v32;
	v34 =	vmul.f32 v34, v30;
	v33 =	vmul.f32 v33, v40;
	v40 =	vld.idx.msk [tilespmem:v41+s17+$0x0], $0xffff  }
0x13f: {  	v46 =	vor.u32 $0x9, v35;
	v41 =	vld.idx.msk [tilespmem:v37+s15+$0x0], $0xffff  }
0x140: {  	v32 =	vadd.f32 v34, v32;
	v33 =	vmul.f32 v33, v29;
	v34 =	vmul.f32 v36, v42;
	v36 =	vld.idx.msk [tilespmem:v37+s17+$0x0], $0xffff  }
0x141: {  	v42 =	vor.u32 $0xA, v35;
	v37 =	vld.idx.msk [tilespmem:v39+s15+$0x0], $0xffff  }
0x142: {  	v32 =	vadd.f32 v33, v32;
	v33 =	vmul.f32 v34, v28;
	v34 =	vmul.f32 v38, v43;
	v38 =	vld.idx.msk [tilespmem:v39+s17+$0x0], $0xffff  }
0x143: {  	v43 =	vor.u32 $0xB, v35;
	v39 =	vld.idx.msk [tilespmem:v45+s15+$0x0], $0xffff  }
0x144: {  	v32 =	vadd.f32 v33, v32;
	v33 =	vmul.f32 v34, v27;
	v34 =	vmul.f32 v40, v44;
	v40 =	vld.idx.msk [tilespmem:v45+s17+$0x0], $0xffff  }
0x145: {  	v45 =	vor.u32 $0xC, v35;
	v44 =	vld.idx.msk [tilespmem:v46+s15+$0x0], $0xffff  }
0x146: {  	v32 =	vadd.f32 v33, v32;
	v33 =	vmul.f32 v34, v26;
	v34 =	vmul.f32 v36, v41;
	v36 =	vld.idx.msk [tilespmem:v46+s17+$0x0], $0xffff  }
0x147: {  	v46 =	vor.u32 $0xD, v35;
	v41 =	vld.idx.msk [tilespmem:v42+s15+$0x0], $0xffff  }
0x148: {  	v32 =	vadd.f32 v33, v32;
	v33 =	vmul.f32 v34, v25;
	v34 =	vmul.f32 v38, v37;
	v37 =	vld.idx.msk [tilespmem:v42+s17+$0x0], $0xffff  }
0x149: {  	v42 =	vor.u32 $0xE, v35;
	v38 =	vld.idx.msk [tilespmem:v43+s15+$0x0], $0xffff  }
0x14a: {  	v32 =	vadd.f32 v33, v32;
	v33 =	vmul.f32 v34, v24;
	v34 =	vmul.f32 v40, v39;
	v39 =	vld.idx.msk [tilespmem:v43+s17+$0x0], $0xffff  }
0x14b: {  	v35 =	vor.u32 $0xF, v35;
	v40 =	vld.idx.msk [tilespmem:v45+s15+$0x0], $0xffff  }
0x14c: {  	v32 =	vadd.f32 v33, v32;
	v33 =	vmul.f32 v34, v23;
	v34 =	vmul.f32 v36, v44;
	v36 =	vld.idx.msk [tilespmem:v45+s17+$0x0], $0xffff  }
0x14d: {  	v43 =	vld.idx.msk [tilespmem:v46+s15+$0x0], $0xffff  }
0x14e: {  	v32 =	vadd.f32 v33, v32;
	v33 =	vmul.f32 v34, v22;
	v34 =	vmul.f32 v37, v41;
	v37 =	vld.idx.msk [tilespmem:v46+s17+$0x0], $0xffff  }
0x14f: {  	v41 =	vld.idx.msk [tilespmem:v42+s15+$0x0], $0xffff  }
0x150: {  	v32 =	vadd.f32 v33, v32;
	v33 =	vmul.f32 v34, v21;
	v34 =	vmul.f32 v39, v38;
	v38 =	vld.idx.msk [tilespmem:v42+s17+$0x0], $0xffff  }
0x151: {  	v39 =	vld.idx.msk [tilespmem:v35+s15+$0x0], $0xffff  }
0x152: {  	v32 =	vadd.f32 v33, v32;
	v33 =	vmul.f32 v34, v20;
	v34 =	vmul.f32 v36, v40;
	v35 =	vld.idx.msk [tilespmem:v35+s17+$0x0], $0xffff;
	_ =	sdelay $0x1  }
0x153: {  	v32 =	vadd.f32 v33, v32;
	v33 =	vmul.f32 v34, v19;
	v34 =	vmul.f32 v37, v43  }
.Ltmp0:
0x154: {  	(pc) =	sbr.rel @p0 .LBB2_2-.Ltmp0, $4  }
0x155: {  	v32 =	vadd.f32 v33, v32;
	v33 =	vmul.f32 v34, v18;
	v34 =	vmul.f32 v38, v41  }
0x156: {  	v36 =	vmov s11  }
0x157: {  	v32 =	vadd.f32 v33, v32;
	v33 =	vmul.f32 v34, v17;
	v34 =	vmul.f32 v35, v39  }
0x158: {  	s11 =	sadd.s32 $0x10, s11;
	v35 =	vshll.u32 v36, $0x4  }
0x159: {  	v35 =	vor.u32 v15, v35;
	v32 =	vadd.f32 v33, v32;
	v54 =	vmul.f32 v34, v16;
	_ =	sdelay $0x1  }
0x15a: {  	v55 =	vor.u32 $0x1, v35;
	v32 =	vadd.f32 v54, v32  }
0x15b: {  	s1 =	sadd.s32 $0x10, s1  }
0x15c: {  	v56 =	vor.u32 $0x2, v35;
	[tilespmem:s1+$0x0] =	vst v32  }
0x15d: {  	v32 =	vld.idx.msk [tilespmem:v35+s17+$0x0], $0xffff  }
0x15e: {  	v37 =	vor.u32 $0x3, v35;
	v36 =	vld.idx.msk [tilespmem:v35+s15+$0x0], $0xffff  }
0x15f: {  	v38 =	vld.idx.msk [tilespmem:v55+s15+$0x0], $0xffff  }
0x160: {  	v39 =	vor.u32 $0x4, v35;
	v34 =	vld.idx.msk [tilespmem:v55+s17+$0x0], $0xffff  }
0x161: {  	v40 =	vld.idx.msk [tilespmem:v56+s15+$0x0], $0xffff  }
0x162: {  	v41 =	vor.u32 $0x5, v35;
	v33 =	vld.idx.msk [tilespmem:v56+s17+$0x0], $0xffff  }
0x163: {  	v42 =	vld.idx.msk [tilespmem:v37+s15+$0x0], $0xffff;
	v32 =	vmul.f32 v32, v36  }
0x164: {  	v58 =	vor.u32 $0x6, v35;
	v57 =	vld.idx.msk [tilespmem:v37+s17+$0x0], $0xffff  }
0x165: {  	v43 =	vld.idx.msk [tilespmem:v39+s15+$0x0], $0xffff;
	v34 =	vmul.f32 v34, v38;
	v32 =	vmul.f32 v32, v31  }
0x166: {  	v60 =	vor.u32 $0x7, v35;
	v59 =	vld.idx.msk [tilespmem:v39+s17+$0x0], $0xffff  }
0x167: {  	v44 =	vld.idx.msk [tilespmem:v41+s15+$0x0], $0xffff;
	v33 =	vmul.f32 v33, v40;
	v34 =	vmul.f32 v34, v30;
	v32 =	vadd.f32 $0.0e+00, v32  }
0x168: {  	v61 =	vor.u32 $0x8, v35;
	v41 =	vld.idx.msk [tilespmem:v41+s17+$0x0], $0xffff  }
0x169: {  	v45 =	vld.idx.msk [tilespmem:v58+s15+$0x0], $0xffff;
	v62 =	vmul.f32 v57, v42;
	v33 =	vmul.f32 v33, v29;
	v32 =	vadd.f32 v34, v32  }
0x16a: {  	v63 =	vor.u32 $0x9, v35;
	v37 =	vld.idx.msk [tilespmem:v58+s17+$0x0], $0xffff  }
0x16b: {  	v48 =	vld.idx.msk [tilespmem:v60+s15+$0x0], $0xffff;
	v50 =	vmul.f32 v59, v43;
	v49 =	vmul.f32 v62, v28;
	v32 =	vadd.f32 v33, v32  }
0x16c: {  	v51 =	vor.u32 $0xA, v35;
	v39 =	vld.idx.msk [tilespmem:v60+s17+$0x0], $0xffff  }
0x16d: {  	v52 =	vld.idx.msk [tilespmem:v61+s15+$0x0], $0xffff;
	v54 =	vmul.f32 v41, v44;
	v53 =	vmul.f32 v50, v27;
	v32 =	vadd.f32 v49, v32  }
0x16e: {  	v55 =	vor.u32 $0xB, v35;
	v40 =	vld.idx.msk [tilespmem:v61+s17+$0x0], $0xffff  }
0x16f: {  	v56 =	vld.idx.msk [tilespmem:v63+s15+$0x0], $0xffff;
	v58 =	vmul.f32 v37, v45;
	v57 =	vmul.f32 v54, v26;
	v32 =	vadd.f32 v53, v32  }
0x170: {  	v36 =	vld.idx.msk [tilespmem:v63+s17+$0x0], $0xffff;
	v59 =	vor.u32 $0xC, v35  }
0x171: {  	v60 =	vld.idx.msk [tilespmem:v51+s15+$0x0], $0xffff;
	v61 =	vmul.f32 v58, v25;
	v62 =	vmul.f32 v39, v48;
	v32 =	vadd.f32 v57, v32  }
0x172: {  	v63 =	vor.u32 $0xD, v35;
	v38 =	vld.idx.msk [tilespmem:v51+s17+$0x0], $0xffff  }
0x173: {  	v46 =	vld.idx.msk [tilespmem:v55+s15+$0x0], $0xffff;
	v47 =	vmul.f32 v62, v24;
	v48 =	vmul.f32 v40, v52;
	v32 =	vadd.f32 v61, v32  }
0x174: {  	v41 =	vld.idx.msk [tilespmem:v55+s17+$0x0], $0xffff;
	v49 =	vor.u32 $0xE, v35  }
0x175: {  	v50 =	vld.idx.msk [tilespmem:v59+s15+$0x0], $0xffff;
	v52 =	vmul.f32 v36, v56;
	v51 =	vmul.f32 v48, v23;
	v32 =	vadd.f32 v47, v32  }
0x176: {  	v35 =	vor.u32 $0xF, v35;
	v53 =	vld.idx.msk [tilespmem:v59+s17+$0x0], $0xffff  }
0x177: {  	v54 =	vld.idx.msk [tilespmem:v63+s15+$0x0], $0xffff;
	v56 =	vmul.f32 v38, v60;
	v55 =	vmul.f32 v52, v22;
	v32 =	vadd.f32 v51, v32  }
0x178: {  	v57 =	vld.idx.msk [tilespmem:v63+s17+$0x0], $0xffff  }
0x179: {  	v60 =	vmul.f32 v41, v46;
	v59 =	vmul.f32 v56, v21;
	v58 =	vld.idx.msk [tilespmem:v49+s15+$0x0], $0xffff;
	v32 =	vadd.f32 v55, v32  }
0x17a: {  	v40 =	vld.idx.msk [tilespmem:v49+s17+$0x0], $0xffff  }
0x17b: {  	v62 =	vmul.f32 v60, v20;
	v61 =	vld.idx.msk [tilespmem:v35+s15+$0x0], $0xffff;
	v63 =	vmul.f32 v53, v50;
	v32 =	vadd.f32 v59, v32  }
0x17c: {  	v35 =	vld.idx.msk [tilespmem:v35+s17+$0x0], $0xffff  }
0x17d: {  	v36 =	vmul.f32 v63, v19;
	v37 =	vmul.f32 v57, v54;
	v32 =	vadd.f32 v62, v32;
	_ =	sdelay $0x1  }
0x17e: {  	v42 =	vmul.f32 v40, v58;
	v38 =	vmul.f32 v37, v18;
	v32 =	vadd.f32 v36, v32;
	_ =	sdelay $0x1  }
0x17f: {  	v44 =	vmul.f32 v35, v61;
	v43 =	vmul.f32 v42, v17;
	v32 =	vadd.f32 v38, v32;
	_ =	sdelay $0x1  }
0x180: {  	v45 =	vmul.f32 v44, v16;
	v32 =	vadd.f32 v43, v32;
	_ =	sdelay $0x1  }
0x181: {  	v32 =	vadd.f32 v45, v32  }
0x182: {  	s11 =	simm.s32 $0x80;
	s1 =	sadd.s32 $0x10, s1  }
0x183: {  	v46 =	vmov s11;
	[tilespmem:s1+$0x0] =	vst v32  }
0x184: {  	v32 =	vshll.u32 v46, $0x4;
	_ =	swait.ge [sflag:s31], $0x800  }
0x185: {  	v32 =	vor.u32 v15, v32;
	[sflag:s31] =	ssyncset.done $0x0  }
0x186: {  	[sflag:s31] =	ssyncadd.s32 $0xFFFFF800  }
0x187: {  	v47 =	vor.u32 $0x1, v32;
	_ =	swait.ge [sflag:s31], $0x800  }
0x188: {  	[sflag:s31] =	ssyncset.done $0x0  }
0x189: {  	v48 =	vor.u32 $0x2, v32;
	[sflag:s31] =	ssyncadd.s32 $0xFFFFF800  }
0x18a: {  	v49 =	vld.idx.msk [tilespmem:v32+s17+$0x0], $0xffff  }
0x18b: {  	v51 =	vor.u32 $0x3, v32;
	v50 =	vld.idx.msk [tilespmem:v32+s15+$0x0], $0xffff  }
0x18c: {  	v52 =	vld.idx.msk [tilespmem:v47+s15+$0x0], $0xffff  }
0x18d: {  	v53 =	vor.u32 $0x4, v32;
	v33 =	vld.idx.msk [tilespmem:v47+s17+$0x0], $0xffff  }
0x18e: {  	v54 =	vld.idx.msk [tilespmem:v48+s15+$0x0], $0xffff  }
0x18f: {  	v55 =	vor.u32 $0x5, v32;
	v34 =	vld.idx.msk [tilespmem:v48+s17+$0x0], $0xffff  }
0x190: {  	v56 =	vld.idx.msk [tilespmem:v51+s15+$0x0], $0xffff;
	v35 =	vmul.f32 v49, v50  }
0x191: {  	v58 =	vor.u32 $0x6, v32;
	v57 =	vld.idx.msk [tilespmem:v51+s17+$0x0], $0xffff  }
0x192: {  	v59 =	vld.idx.msk [tilespmem:v53+s15+$0x0], $0xffff;
	v33 =	vmul.f32 v33, v52;
	v35 =	vmul.f32 v35, v31  }
0x193: {  	v61 =	vor.u32 $0x7, v32;
	v60 =	vld.idx.msk [tilespmem:v53+s17+$0x0], $0xffff  }
0x194: {  	v62 =	vld.idx.msk [tilespmem:v55+s15+$0x0], $0xffff;
	v34 =	vmul.f32 v34, v54;
	v33 =	vmul.f32 v33, v30;
	v35 =	vadd.f32 $0.0e+00, v35  }
0x195: {  	v63 =	vor.u32 $0x8, v32;
	v41 =	vld.idx.msk [tilespmem:v55+s17+$0x0], $0xffff  }
0x196: {  	v48 =	vld.idx.msk [tilespmem:v58+s15+$0x0], $0xffff;
	v49 =	vmul.f32 v57, v56;
	v34 =	vmul.f32 v34, v29;
	v33 =	vadd.f32 v33, v35  }
0x197: {  	v37 =	vld.idx.msk [tilespmem:v58+s17+$0x0], $0xffff;
	v50 =	vor.u32 $0x9, v32  }
0x198: {  	v51 =	vld.idx.msk [tilespmem:v61+s15+$0x0], $0xffff;
	v53 =	vmul.f32 v60, v59;
	v52 =	vmul.f32 v49, v28;
	v33 =	vadd.f32 v34, v33  }
0x199: {  	v39 =	vld.idx.msk [tilespmem:v61+s17+$0x0], $0xffff;
	v54 =	vor.u32 $0xA, v32  }
0x19a: {  	v55 =	vld.idx.msk [tilespmem:v63+s15+$0x0], $0xffff;
	v57 =	vmul.f32 v41, v62;
	v56 =	vmul.f32 v53, v27;
	v33 =	vadd.f32 v52, v33  }
0x19b: {  	v58 =	vor.u32 $0xB, v32;
	v40 =	vld.idx.msk [tilespmem:v63+s17+$0x0], $0xffff  }
0x19c: {  	v61 =	vmul.f32 v37, v48;
	v60 =	vmul.f32 v57, v26;
	v59 =	vld.idx.msk [tilespmem:v50+s15+$0x0], $0xffff;
	v33 =	vadd.f32 v56, v33  }
0x19d: {  	v62 =	vor.u32 $0xC, v32;
	v36 =	vld.idx.msk [tilespmem:v50+s17+$0x0], $0xffff  }
0x19e: {  	v48 =	vmul.f32 v61, v25;
	v49 =	vmul.f32 v39, v51;
	v63 =	vld.idx.msk [tilespmem:v54+s15+$0x0], $0xffff;
	v33 =	vadd.f32 v60, v33  }
0x19f: {  	v50 =	vor.u32 $0xD, v32;
	v38 =	vld.idx.msk [tilespmem:v54+s17+$0x0], $0xffff  }
0x1a0: {  	v41 =	vld.idx.msk [tilespmem:v58+s17+$0x0], $0xffff;
	v53 =	vmul.f32 v40, v55;
	v52 =	vmul.f32 v49, v24;
	v33 =	vadd.f32 v48, v33  }
0x1a1: {  	v51 =	vld.idx.msk [tilespmem:v58+s15+$0x0], $0xffff;
	v54 =	vor.u32 $0xE, v32  }
0x1a2: {  	v55 =	vld.idx.msk [tilespmem:v62+s15+$0x0], $0xffff;
	v57 =	vmul.f32 v36, v59;
	v56 =	vmul.f32 v53, v23;
	v33 =	vadd.f32 v52, v33  }
0x1a3: {  	v32 =	vor.u32 $0xF, v32;
	v58 =	vld.idx.msk [tilespmem:v62+s17+$0x0], $0xffff  }
0x1a4: {  	v59 =	vld.idx.msk [tilespmem:v50+s15+$0x0], $0xffff;
	v61 =	vmul.f32 v38, v63;
	v60 =	vmul.f32 v57, v22;
	v33 =	vadd.f32 v56, v33  }
0x1a5: {  	v62 =	vld.idx.msk [tilespmem:v50+s17+$0x0], $0xffff  }
0x1a6: {  	v45 =	vmul.f32 v41, v51;
	v63 =	vld.idx.msk [tilespmem:v54+s15+$0x0], $0xffff;
	v44 =	vmul.f32 v61, v21;
	v33 =	vadd.f32 v60, v33  }
0x1a7: {  	v40 =	vld.idx.msk [tilespmem:v54+s17+$0x0], $0xffff  }
0x1a8: {  	v47 =	vmul.f32 v45, v20;
	v46 =	vld.idx.msk [tilespmem:v32+s15+$0x0], $0xffff;
	v48 =	vmul.f32 v58, v55;
	v33 =	vadd.f32 v44, v33  }
0x1a9: {  	v32 =	vld.idx.msk [tilespmem:v32+s17+$0x0], $0xffff  }
0x1aa: {  	v50 =	vmul.f32 v62, v59;
	v49 =	vmul.f32 v48, v19;
	v33 =	vadd.f32 v47, v33;
	_ =	sdelay $0x1  }
0x1ab: {  	s11 =	simm.s32 $0x90;
	v51 =	vmul.f32 v50, v18;
	v52 =	vmul.f32 v40, v63;
	v33 =	vadd.f32 v49, v33  }
0x1ac: {  	v53 =	vmov s11  }
0x1ad: {  	v32 =	vmul.f32 v32, v46;
	v54 =	vmul.f32 v52, v17;
	v33 =	vadd.f32 v51, v33  }
0x1ae: {  	v55 =	vshll.u32 v53, $0x4  }
0x1af: {  	v35 =	vor.u32 v15, v55;
	v32 =	vmul.f32 v32, v16;
	v33 =	vadd.f32 v54, v33;
	_ =	sdelay $0x1  }
0x1b0: {  	v56 =	vor.u32 $0x1, v35;
	v32 =	vadd.f32 v32, v33  }
0x1b1: {  	s1 =	simm.s32 $0x48A0  }
0x1b2: {  	v57 =	vor.u32 $0x2, v35;
	[tilespmem:s1+$0x0] =	vst v32  }
0x1b3: {  	v32 =	vld.idx.msk [tilespmem:v35+s17+$0x0], $0xffff  }
0x1b4: {  	v59 =	vor.u32 $0x3, v35;
	v58 =	vld.idx.msk [tilespmem:v35+s15+$0x0], $0xffff  }
0x1b5: {  	v60 =	vld.idx.msk [tilespmem:v56+s15+$0x0], $0xffff  }
0x1b6: {  	v61 =	vor.u32 $0x4, v35;
	v34 =	vld.idx.msk [tilespmem:v56+s17+$0x0], $0xffff  }
0x1b7: {  	v62 =	vld.idx.msk [tilespmem:v57+s15+$0x0], $0xffff  }
0x1b8: {  	v63 =	vor.u32 $0x5, v35;
	v33 =	vld.idx.msk [tilespmem:v57+s17+$0x0], $0xffff  }
0x1b9: {  	v48 =	vld.idx.msk [tilespmem:v59+s15+$0x0], $0xffff;
	v32 =	vmul.f32 v32, v58  }
0x1ba: {  	v50 =	vor.u32 $0x6, v35;
	v49 =	vld.idx.msk [tilespmem:v59+s17+$0x0], $0xffff  }
0x1bb: {  	v51 =	vld.idx.msk [tilespmem:v61+s15+$0x0], $0xffff;
	v34 =	vmul.f32 v34, v60;
	v32 =	vmul.f32 v32, v31  }
0x1bc: {  	v53 =	vor.u32 $0x7, v35;
	v52 =	vld.idx.msk [tilespmem:v61+s17+$0x0], $0xffff  }
0x1bd: {  	v54 =	vld.idx.msk [tilespmem:v63+s15+$0x0], $0xffff;
	v33 =	vmul.f32 v33, v62;
	v34 =	vmul.f32 v34, v30;
	v32 =	vadd.f32 $0.0e+00, v32  }
0x1be: {  	v55 =	vor.u32 $0x8, v35;
	v41 =	vld.idx.msk [tilespmem:v63+s17+$0x0], $0xffff  }
0x1bf: {  	v56 =	vld.idx.msk [tilespmem:v50+s15+$0x0], $0xffff;
	v57 =	vmul.f32 v49, v48;
	v33 =	vmul.f32 v33, v29;
	v32 =	vadd.f32 v34, v32  }
0x1c0: {  	v37 =	vld.idx.msk [tilespmem:v50+s17+$0x0], $0xffff;
	v58 =	vor.u32 $0x9, v35  }
0x1c1: {  	v59 =	vld.idx.msk [tilespmem:v53+s15+$0x0], $0xffff;
	v61 =	vmul.f32 v52, v51;
	v60 =	vmul.f32 v57, v28;
	v32 =	vadd.f32 v33, v32  }
0x1c2: {  	v39 =	vld.idx.msk [tilespmem:v53+s17+$0x0], $0xffff;
	v62 =	vor.u32 $0xA, v35  }
0x1c3: {  	v63 =	vld.idx.msk [tilespmem:v55+s15+$0x0], $0xffff;
	v49 =	vmul.f32 v41, v54;
	v48 =	vmul.f32 v61, v27;
	v32 =	vadd.f32 v60, v32  }
0x1c4: {  	v50 =	vor.u32 $0xB, v35;
	v40 =	vld.idx.msk [tilespmem:v55+s17+$0x0], $0xffff  }
0x1c5: {  	v53 =	vmul.f32 v37, v56;
	v52 =	vmul.f32 v49, v26;
	v51 =	vld.idx.msk [tilespmem:v58+s15+$0x0], $0xffff;
	v32 =	vadd.f32 v48, v32  }
0x1c6: {  	v54 =	vor.u32 $0xC, v35;
	v36 =	vld.idx.msk [tilespmem:v58+s17+$0x0], $0xffff  }
0x1c7: {  	v56 =	vmul.f32 v53, v25;
	v57 =	vmul.f32 v39, v59;
	v55 =	vld.idx.msk [tilespmem:v62+s15+$0x0], $0xffff;
	v32 =	vadd.f32 v52, v32  }
0x1c8: {  	v58 =	vor.u32 $0xD, v35;
	v38 =	vld.idx.msk [tilespmem:v62+s17+$0x0], $0xffff  }
0x1c9: {  	v41 =	vld.idx.msk [tilespmem:v50+s17+$0x0], $0xffff;
	v61 =	vmul.f32 v40, v63;
	v60 =	vmul.f32 v57, v24;
	v32 =	vadd.f32 v56, v32  }
0x1ca: {  	v59 =	vld.idx.msk [tilespmem:v50+s15+$0x0], $0xffff;
	v62 =	vor.u32 $0xE, v35  }
0x1cb: {  	v46 =	vmul.f32 v61, v23;
	v63 =	vld.idx.msk [tilespmem:v54+s15+$0x0], $0xffff;
	v47 =	vmul.f32 v36, v51;
	v32 =	vadd.f32 v60, v32  }
0x1cc: {  	v35 =	vor.u32 $0xF, v35;
	v48 =	vld.idx.msk [tilespmem:v54+s17+$0x0], $0xffff  }
0x1cd: {  	v49 =	vld.idx.msk [tilespmem:v58+s15+$0x0], $0xffff;
	v51 =	vmul.f32 v38, v55;
	v50 =	vmul.f32 v47, v22;
	v32 =	vadd.f32 v46, v32  }
0x1ce: {  	v52 =	vld.idx.msk [tilespmem:v58+s17+$0x0], $0xffff  }
0x1cf: {  	v55 =	vld.idx.msk [tilespmem:v62+s15+$0x0], $0xffff;
	v53 =	vmul.f32 v51, v21;
	v54 =	vmul.f32 v41, v59;
	v32 =	vadd.f32 v50, v32  }
0x1d0: {  	v40 =	vld.idx.msk [tilespmem:v62+s17+$0x0], $0xffff  }
0x1d1: {  	v58 =	vld.idx.msk [tilespmem:v35+s15+$0x0], $0xffff;
	v56 =	vmul.f32 v54, v20;
	v57 =	vmul.f32 v48, v63;
	v32 =	vadd.f32 v53, v32  }
0x1d2: {  	v35 =	vld.idx.msk [tilespmem:v35+s17+$0x0], $0xffff  }
0x1d3: {  	v59 =	vmul.f32 v57, v19;
	v60 =	vmul.f32 v52, v49;
	v32 =	vadd.f32 v56, v32;
	_ =	sdelay $0x1  }
0x1d4: {  	s11 =	simm.s32 $0xA0;
	v62 =	vmul.f32 v40, v55;
	v61 =	vmul.f32 v60, v18;
	v32 =	vadd.f32 v59, v32  }
0x1d5: {  	v63 =	vmov s11  }
0x1d6: {  	v33 =	vmul.f32 v62, v17;
	v34 =	vmul.f32 v35, v58;
	v32 =	vadd.f32 v61, v32  }
0x1d7: {  	s11 =	simm.s32 $0xB0;
	v35 =	vshll.u32 v63, $0x4  }
.LBB2_4:
0x1d8: {  	p0 =	sne.s32 s11, $0xF0;
	v35 =	vor.u32 v15, v35;
	v32 =	vadd.f32 v33, v32;
	v33 =	vmul.f32 v34, v16;
	_ =	sdelay $0x1  }
0x1d9: {  	v34 =	vor.u32 $0x1, v35;
	v32 =	vadd.f32 v33, v32  }
0x1da: {  	s1 =	sadd.s32 $0x10, s1  }
0x1db: {  	v33 =	vor.u32 $0x2, v35;
	[tilespmem:s1+$0x0] =	vst v32  }
0x1dc: {  	v32 =	vld.idx.msk [tilespmem:v35+s17+$0x0], $0xffff  }
0x1dd: {  	v37 =	vor.u32 $0x3, v35;
	v36 =	vld.idx.msk [tilespmem:v35+s15+$0x0], $0xffff  }
0x1de: {  	v38 =	vld.idx.msk [tilespmem:v34+s15+$0x0], $0xffff  }
0x1df: {  	v39 =	vor.u32 $0x4, v35;
	v34 =	vld.idx.msk [tilespmem:v34+s17+$0x0], $0xffff  }
0x1e0: {  	v40 =	vld.idx.msk [tilespmem:v33+s15+$0x0], $0xffff  }
0x1e1: {  	v41 =	vor.u32 $0x5, v35;
	v33 =	vld.idx.msk [tilespmem:v33+s17+$0x0], $0xffff  }
0x1e2: {  	v42 =	vld.idx.msk [tilespmem:v37+s15+$0x0], $0xffff  }
0x1e3: {  	v32 =	vmul.f32 v32, v36;
	v36 =	vld.idx.msk [tilespmem:v37+s17+$0x0], $0xffff;
	v37 =	vor.u32 $0x6, v35  }
0x1e4: {  	v43 =	vld.idx.msk [tilespmem:v39+s15+$0x0], $0xffff  }
0x1e5: {  	v32 =	vmul.f32 v32, v31;
	v34 =	vmul.f32 v34, v38;
	v38 =	vld.idx.msk [tilespmem:v39+s17+$0x0], $0xffff;
	v39 =	vor.u32 $0x7, v35  }
0x1e6: {  	v45 =	vor.u32 $0x8, v35;
	v44 =	vld.idx.msk [tilespmem:v41+s15+$0x0], $0xffff  }
0x1e7: {  	v32 =	vadd.f32 $0.0e+00, v32;
	v34 =	vmul.f32 v34, v30;
	v33 =	vmul.f32 v33, v40;
	v40 =	vld.idx.msk [tilespmem:v41+s17+$0x0], $0xffff  }
0x1e8: {  	v46 =	vor.u32 $0x9, v35;
	v41 =	vld.idx.msk [tilespmem:v37+s15+$0x0], $0xffff  }
0x1e9: {  	v32 =	vadd.f32 v34, v32;
	v33 =	vmul.f32 v33, v29;
	v34 =	vmul.f32 v36, v42;
	v36 =	vld.idx.msk [tilespmem:v37+s17+$0x0], $0xffff  }
0x1ea: {  	v42 =	vor.u32 $0xA, v35;
	v37 =	vld.idx.msk [tilespmem:v39+s15+$0x0], $0xffff  }
0x1eb: {  	v32 =	vadd.f32 v33, v32;
	v33 =	vmul.f32 v34, v28;
	v34 =	vmul.f32 v38, v43;
	v38 =	vld.idx.msk [tilespmem:v39+s17+$0x0], $0xffff  }
0x1ec: {  	v43 =	vor.u32 $0xB, v35;
	v39 =	vld.idx.msk [tilespmem:v45+s15+$0x0], $0xffff  }
0x1ed: {  	v32 =	vadd.f32 v33, v32;
	v33 =	vmul.f32 v34, v27;
	v34 =	vmul.f32 v40, v44;
	v40 =	vld.idx.msk [tilespmem:v45+s17+$0x0], $0xffff  }
0x1ee: {  	v45 =	vor.u32 $0xC, v35;
	v44 =	vld.idx.msk [tilespmem:v46+s15+$0x0], $0xffff  }
0x1ef: {  	v32 =	vadd.f32 v33, v32;
	v33 =	vmul.f32 v34, v26;
	v34 =	vmul.f32 v36, v41;
	v36 =	vld.idx.msk [tilespmem:v46+s17+$0x0], $0xffff  }
0x1f0: {  	v46 =	vor.u32 $0xD, v35;
	v41 =	vld.idx.msk [tilespmem:v42+s15+$0x0], $0xffff  }
0x1f1: {  	v32 =	vadd.f32 v33, v32;
	v33 =	vmul.f32 v34, v25;
	v34 =	vmul.f32 v38, v37;
	v37 =	vld.idx.msk [tilespmem:v42+s17+$0x0], $0xffff  }
0x1f2: {  	v42 =	vor.u32 $0xE, v35;
	v38 =	vld.idx.msk [tilespmem:v43+s15+$0x0], $0xffff  }
0x1f3: {  	v32 =	vadd.f32 v33, v32;
	v33 =	vmul.f32 v34, v24;
	v34 =	vmul.f32 v40, v39;
	v39 =	vld.idx.msk [tilespmem:v43+s17+$0x0], $0xffff  }
0x1f4: {  	v35 =	vor.u32 $0xF, v35;
	v40 =	vld.idx.msk [tilespmem:v45+s15+$0x0], $0xffff  }
0x1f5: {  	v32 =	vadd.f32 v33, v32;
	v33 =	vmul.f32 v34, v23;
	v34 =	vmul.f32 v36, v44;
	v36 =	vld.idx.msk [tilespmem:v45+s17+$0x0], $0xffff  }
0x1f6: {  	v43 =	vld.idx.msk [tilespmem:v46+s15+$0x0], $0xffff  }
0x1f7: {  	v32 =	vadd.f32 v33, v32;
	v33 =	vmul.f32 v34, v22;
	v34 =	vmul.f32 v37, v41;
	v37 =	vld.idx.msk [tilespmem:v46+s17+$0x0], $0xffff  }
0x1f8: {  	v41 =	vld.idx.msk [tilespmem:v42+s15+$0x0], $0xffff  }
0x1f9: {  	v32 =	vadd.f32 v33, v32;
	v33 =	vmul.f32 v34, v21;
	v34 =	vmul.f32 v39, v38;
	v38 =	vld.idx.msk [tilespmem:v42+s17+$0x0], $0xffff  }
0x1fa: {  	v39 =	vld.idx.msk [tilespmem:v35+s15+$0x0], $0xffff  }
0x1fb: {  	v32 =	vadd.f32 v33, v32;
	v33 =	vmul.f32 v34, v20;
	v34 =	vmul.f32 v36, v40;
	v35 =	vld.idx.msk [tilespmem:v35+s17+$0x0], $0xffff;
	_ =	sdelay $0x1  }
0x1fc: {  	v32 =	vadd.f32 v33, v32;
	v33 =	vmul.f32 v34, v19;
	v34 =	vmul.f32 v37, v43  }
.Ltmp1:
0x1fd: {  	(pc) =	sbr.rel @p0 .LBB2_4-.Ltmp1, $4  }
0x1fe: {  	v32 =	vadd.f32 v33, v32;
	v33 =	vmul.f32 v34, v18;
	v34 =	vmul.f32 v38, v41  }
0x1ff: {  	v36 =	vmov s11  }
0x200: {  	v32 =	vadd.f32 v33, v32;
	v33 =	vmul.f32 v34, v17;
	v34 =	vmul.f32 v35, v39  }
0x201: {  	s11 =	sadd.s32 $0x10, s11;
	v35 =	vshll.u32 v36, $0x4  }
0x202: {  	v35 =	vor.u32 v15, v35;
	v32 =	vadd.f32 v33, v32;
	v54 =	vmul.f32 v34, v16;
	_ =	sdelay $0x1  }
0x203: {  	v55 =	vor.u32 $0x1, v35;
	v32 =	vadd.f32 v54, v32  }
0x204: {  	s1 =	sadd.s32 $0x10, s1  }
0x205: {  	v56 =	vor.u32 $0x2, v35;
	[tilespmem:s1+$0x0] =	vst v32  }
0x206: {  	v32 =	vld.idx.msk [tilespmem:v35+s17+$0x0], $0xffff  }
0x207: {  	v37 =	vor.u32 $0x3, v35;
	v36 =	vld.idx.msk [tilespmem:v35+s15+$0x0], $0xffff  }
0x208: {  	v38 =	vld.idx.msk [tilespmem:v55+s15+$0x0], $0xffff  }
0x209: {  	v39 =	vor.u32 $0x4, v35;
	v34 =	vld.idx.msk [tilespmem:v55+s17+$0x0], $0xffff  }
0x20a: {  	v40 =	vld.idx.msk [tilespmem:v56+s15+$0x0], $0xffff  }
0x20b: {  	v41 =	vor.u32 $0x5, v35;
	v33 =	vld.idx.msk [tilespmem:v56+s17+$0x0], $0xffff  }
0x20c: {  	v42 =	vld.idx.msk [tilespmem:v37+s15+$0x0], $0xffff;
	v32 =	vmul.f32 v32, v36  }
0x20d: {  	v58 =	vor.u32 $0x6, v35;
	v57 =	vld.idx.msk [tilespmem:v37+s17+$0x0], $0xffff  }
0x20e: {  	v43 =	vld.idx.msk [tilespmem:v39+s15+$0x0], $0xffff;
	v34 =	vmul.f32 v34, v38;
	v32 =	vmul.f32 v32, v31  }
0x20f: {  	v60 =	vor.u32 $0x7, v35;
	v59 =	vld.idx.msk [tilespmem:v39+s17+$0x0], $0xffff  }
0x210: {  	v44 =	vld.idx.msk [tilespmem:v41+s15+$0x0], $0xffff;
	v33 =	vmul.f32 v33, v40;
	v34 =	vmul.f32 v34, v30;
	v32 =	vadd.f32 $0.0e+00, v32  }
0x211: {  	v61 =	vor.u32 $0x8, v35;
	v41 =	vld.idx.msk [tilespmem:v41+s17+$0x0], $0xffff  }
0x212: {  	v45 =	vld.idx.msk [tilespmem:v58+s15+$0x0], $0xffff;
	v62 =	vmul.f32 v57, v42;
	v33 =	vmul.f32 v33, v29;
	v32 =	vadd.f32 v34, v32  }
0x213: {  	v63 =	vor.u32 $0x9, v35;
	v37 =	vld.idx.msk [tilespmem:v58+s17+$0x0], $0xffff  }
0x214: {  	v48 =	vld.idx.msk [tilespmem:v60+s15+$0x0], $0xffff;
	v50 =	vmul.f32 v59, v43;
	v49 =	vmul.f32 v62, v28;
	v32 =	vadd.f32 v33, v32  }
0x215: {  	v51 =	vor.u32 $0xA, v35;
	v39 =	vld.idx.msk [tilespmem:v60+s17+$0x0], $0xffff  }
0x216: {  	v52 =	vld.idx.msk [tilespmem:v61+s15+$0x0], $0xffff;
	v54 =	vmul.f32 v41, v44;
	v53 =	vmul.f32 v50, v27;
	v32 =	vadd.f32 v49, v32  }
0x217: {  	v55 =	vor.u32 $0xB, v35;
	v40 =	vld.idx.msk [tilespmem:v61+s17+$0x0], $0xffff  }
0x218: {  	v56 =	vld.idx.msk [tilespmem:v63+s15+$0x0], $0xffff;
	v58 =	vmul.f32 v37, v45;
	v57 =	vmul.f32 v54, v26;
	v32 =	vadd.f32 v53, v32  }
0x219: {  	v36 =	vld.idx.msk [tilespmem:v63+s17+$0x0], $0xffff;
	v59 =	vor.u32 $0xC, v35  }
0x21a: {  	v60 =	vld.idx.msk [tilespmem:v51+s15+$0x0], $0xffff;
	v61 =	vmul.f32 v58, v25;
	v62 =	vmul.f32 v39, v48;
	v32 =	vadd.f32 v57, v32  }
0x21b: {  	v63 =	vor.u32 $0xD, v35;
	v38 =	vld.idx.msk [tilespmem:v51+s17+$0x0], $0xffff  }
0x21c: {  	v46 =	vld.idx.msk [tilespmem:v55+s15+$0x0], $0xffff;
	v47 =	vmul.f32 v62, v24;
	v48 =	vmul.f32 v40, v52;
	v32 =	vadd.f32 v61, v32  }
0x21d: {  	v41 =	vld.idx.msk [tilespmem:v55+s17+$0x0], $0xffff;
	v49 =	vor.u32 $0xE, v35  }
0x21e: {  	v50 =	vld.idx.msk [tilespmem:v59+s15+$0x0], $0xffff;
	v52 =	vmul.f32 v36, v56;
	v51 =	vmul.f32 v48, v23;
	v32 =	vadd.f32 v47, v32  }
0x21f: {  	v35 =	vor.u32 $0xF, v35;
	v53 =	vld.idx.msk [tilespmem:v59+s17+$0x0], $0xffff  }
0x220: {  	v54 =	vld.idx.msk [tilespmem:v63+s15+$0x0], $0xffff;
	v56 =	vmul.f32 v38, v60;
	v55 =	vmul.f32 v52, v22;
	v32 =	vadd.f32 v51, v32  }
0x221: {  	v57 =	vld.idx.msk [tilespmem:v63+s17+$0x0], $0xffff  }
0x222: {  	v60 =	vmul.f32 v41, v46;
	v59 =	vmul.f32 v56, v21;
	v58 =	vld.idx.msk [tilespmem:v49+s15+$0x0], $0xffff;
	v32 =	vadd.f32 v55, v32  }
0x223: {  	v40 =	vld.idx.msk [tilespmem:v49+s17+$0x0], $0xffff  }
0x224: {  	v62 =	vmul.f32 v60, v20;
	v61 =	vld.idx.msk [tilespmem:v35+s15+$0x0], $0xffff;
	v63 =	vmul.f32 v53, v50;
	v32 =	vadd.f32 v59, v32  }
0x225: {  	v35 =	vld.idx.msk [tilespmem:v35+s17+$0x0], $0xffff  }
0x226: {  	v36 =	vmul.f32 v63, v19;
	v37 =	vmul.f32 v57, v54;
	v32 =	vadd.f32 v62, v32;
	_ =	sdelay $0x1  }
0x227: {  	v42 =	vmul.f32 v40, v58;
	v38 =	vmul.f32 v37, v18;
	v32 =	vadd.f32 v36, v32;
	_ =	sdelay $0x1  }
0x228: {  	v44 =	vmul.f32 v35, v61;
	v43 =	vmul.f32 v42, v17;
	v32 =	vadd.f32 v38, v32;
	_ =	sdelay $0x1  }
0x229: {  	v45 =	vmul.f32 v44, v16;
	v32 =	vadd.f32 v43, v32;
	_ =	sdelay $0x1  }
0x22a: {  	v32 =	vadd.f32 v45, v32  }
0x22b: {  	s11 =	simm.s32 $0x100;
	s1 =	sadd.s32 $0x10, s1  }
0x22c: {  	v46 =	vmov s11;
	[tilespmem:s1+$0x0] =	vst v32  }
0x22d: {  	v32 =	vshll.u32 v46, $0x4;
	_ =	swait.ge [sflag:s31], $0x800  }
0x22e: {  	v32 =	vor.u32 v15, v32;
	[sflag:s31] =	ssyncset.done $0x0  }
0x22f: {  	[sflag:s31] =	ssyncadd.s32 $0xFFFFF800  }
0x230: {  	v47 =	vor.u32 $0x1, v32;
	_ =	swait.ge [sflag:s31], $0x800  }
0x231: {  	[sflag:s31] =	ssyncset.done $0x0  }
0x232: {  	v48 =	vor.u32 $0x2, v32;
	[sflag:s31] =	ssyncadd.s32 $0xFFFFF800  }
0x233: {  	v49 =	vld.idx.msk [tilespmem:v32+s17+$0x0], $0xffff  }
0x234: {  	v51 =	vor.u32 $0x3, v32;
	v50 =	vld.idx.msk [tilespmem:v32+s15+$0x0], $0xffff  }
0x235: {  	v52 =	vld.idx.msk [tilespmem:v47+s15+$0x0], $0xffff  }
0x236: {  	v53 =	vor.u32 $0x4, v32;
	v33 =	vld.idx.msk [tilespmem:v47+s17+$0x0], $0xffff  }
0x237: {  	v54 =	vld.idx.msk [tilespmem:v48+s15+$0x0], $0xffff  }
0x238: {  	v55 =	vor.u32 $0x5, v32;
	v34 =	vld.idx.msk [tilespmem:v48+s17+$0x0], $0xffff  }
0x239: {  	v56 =	vld.idx.msk [tilespmem:v51+s15+$0x0], $0xffff;
	v35 =	vmul.f32 v49, v50  }
0x23a: {  	v58 =	vor.u32 $0x6, v32;
	v57 =	vld.idx.msk [tilespmem:v51+s17+$0x0], $0xffff  }
0x23b: {  	v59 =	vld.idx.msk [tilespmem:v53+s15+$0x0], $0xffff;
	v33 =	vmul.f32 v33, v52;
	v35 =	vmul.f32 v35, v31  }
0x23c: {  	v61 =	vor.u32 $0x7, v32;
	v60 =	vld.idx.msk [tilespmem:v53+s17+$0x0], $0xffff  }
0x23d: {  	v62 =	vld.idx.msk [tilespmem:v55+s15+$0x0], $0xffff;
	v34 =	vmul.f32 v34, v54;
	v33 =	vmul.f32 v33, v30;
	v35 =	vadd.f32 $0.0e+00, v35  }
0x23e: {  	v63 =	vor.u32 $0x8, v32;
	v41 =	vld.idx.msk [tilespmem:v55+s17+$0x0], $0xffff  }
0x23f: {  	v48 =	vld.idx.msk [tilespmem:v58+s15+$0x0], $0xffff;
	v49 =	vmul.f32 v57, v56;
	v34 =	vmul.f32 v34, v29;
	v33 =	vadd.f32 v33, v35  }
0x240: {  	v37 =	vld.idx.msk [tilespmem:v58+s17+$0x0], $0xffff;
	v50 =	vor.u32 $0x9, v32  }
0x241: {  	v51 =	vld.idx.msk [tilespmem:v61+s15+$0x0], $0xffff;
	v53 =	vmul.f32 v60, v59;
	v52 =	vmul.f32 v49, v28;
	v33 =	vadd.f32 v34, v33  }
0x242: {  	v39 =	vld.idx.msk [tilespmem:v61+s17+$0x0], $0xffff;
	v54 =	vor.u32 $0xA, v32  }
0x243: {  	v55 =	vld.idx.msk [tilespmem:v63+s15+$0x0], $0xffff;
	v57 =	vmul.f32 v41, v62;
	v56 =	vmul.f32 v53, v27;
	v33 =	vadd.f32 v52, v33  }
0x244: {  	v58 =	vor.u32 $0xB, v32;
	v40 =	vld.idx.msk [tilespmem:v63+s17+$0x0], $0xffff  }
0x245: {  	v61 =	vmul.f32 v37, v48;
	v60 =	vmul.f32 v57, v26;
	v59 =	vld.idx.msk [tilespmem:v50+s15+$0x0], $0xffff;
	v33 =	vadd.f32 v56, v33  }
0x246: {  	v62 =	vor.u32 $0xC, v32;
	v36 =	vld.idx.msk [tilespmem:v50+s17+$0x0], $0xffff  }
0x247: {  	v48 =	vmul.f32 v61, v25;
	v49 =	vmul.f32 v39, v51;
	v63 =	vld.idx.msk [tilespmem:v54+s15+$0x0], $0xffff;
	v33 =	vadd.f32 v60, v33  }
0x248: {  	v50 =	vor.u32 $0xD, v32;
	v38 =	vld.idx.msk [tilespmem:v54+s17+$0x0], $0xffff  }
0x249: {  	v41 =	vld.idx.msk [tilespmem:v58+s17+$0x0], $0xffff;
	v53 =	vmul.f32 v40, v55;
	v52 =	vmul.f32 v49, v24;
	v33 =	vadd.f32 v48, v33  }
0x24a: {  	v51 =	vld.idx.msk [tilespmem:v58+s15+$0x0], $0xffff;
	v54 =	vor.u32 $0xE, v32  }
0x24b: {  	v55 =	vld.idx.msk [tilespmem:v62+s15+$0x0], $0xffff;
	v57 =	vmul.f32 v36, v59;
	v56 =	vmul.f32 v53, v23;
	v33 =	vadd.f32 v52, v33  }
0x24c: {  	v32 =	vor.u32 $0xF, v32;
	v58 =	vld.idx.msk [tilespmem:v62+s17+$0x0], $0xffff  }
0x24d: {  	v59 =	vld.idx.msk [tilespmem:v50+s15+$0x0], $0xffff;
	v61 =	vmul.f32 v38, v63;
	v60 =	vmul.f32 v57, v22;
	v33 =	vadd.f32 v56, v33  }
0x24e: {  	v62 =	vld.idx.msk [tilespmem:v50+s17+$0x0], $0xffff  }
0x24f: {  	v45 =	vmul.f32 v41, v51;
	v63 =	vld.idx.msk [tilespmem:v54+s15+$0x0], $0xffff;
	v44 =	vmul.f32 v61, v21;
	v33 =	vadd.f32 v60, v33  }
0x250: {  	v40 =	vld.idx.msk [tilespmem:v54+s17+$0x0], $0xffff  }
0x251: {  	v47 =	vmul.f32 v45, v20;
	v46 =	vld.idx.msk [tilespmem:v32+s15+$0x0], $0xffff;
	v48 =	vmul.f32 v58, v55;
	v33 =	vadd.f32 v44, v33  }
0x252: {  	v32 =	vld.idx.msk [tilespmem:v32+s17+$0x0], $0xffff  }
0x253: {  	v50 =	vmul.f32 v62, v59;
	v49 =	vmul.f32 v48, v19;
	v33 =	vadd.f32 v47, v33;
	_ =	sdelay $0x1  }
0x254: {  	s11 =	simm.s32 $0x110;
	v51 =	vmul.f32 v50, v18;
	v52 =	vmul.f32 v40, v63;
	v33 =	vadd.f32 v49, v33  }
0x255: {  	v53 =	vmov s11  }
0x256: {  	v32 =	vmul.f32 v32, v46;
	v54 =	vmul.f32 v52, v17;
	v33 =	vadd.f32 v51, v33  }
0x257: {  	v55 =	vshll.u32 v53, $0x4  }
0x258: {  	v35 =	vor.u32 v15, v55;
	v32 =	vmul.f32 v32, v16;
	v33 =	vadd.f32 v54, v33;
	_ =	sdelay $0x1  }
0x259: {  	v56 =	vor.u32 $0x1, v35;
	v32 =	vadd.f32 v32, v33  }
0x25a: {  	s1 =	simm.s32 $0x4920  }
0x25b: {  	v57 =	vor.u32 $0x2, v35;
	[tilespmem:s1+$0x0] =	vst v32  }
0x25c: {  	v32 =	vld.idx.msk [tilespmem:v35+s17+$0x0], $0xffff  }
0x25d: {  	v59 =	vor.u32 $0x3, v35;
	v58 =	vld.idx.msk [tilespmem:v35+s15+$0x0], $0xffff  }
0x25e: {  	v60 =	vld.idx.msk [tilespmem:v56+s15+$0x0], $0xffff  }
0x25f: {  	v61 =	vor.u32 $0x4, v35;
	v34 =	vld.idx.msk [tilespmem:v56+s17+$0x0], $0xffff  }
0x260: {  	v62 =	vld.idx.msk [tilespmem:v57+s15+$0x0], $0xffff  }
0x261: {  	v63 =	vor.u32 $0x5, v35;
	v33 =	vld.idx.msk [tilespmem:v57+s17+$0x0], $0xffff  }
0x262: {  	v48 =	vld.idx.msk [tilespmem:v59+s15+$0x0], $0xffff;
	v32 =	vmul.f32 v32, v58  }
0x263: {  	v50 =	vor.u32 $0x6, v35;
	v49 =	vld.idx.msk [tilespmem:v59+s17+$0x0], $0xffff  }
0x264: {  	v51 =	vld.idx.msk [tilespmem:v61+s15+$0x0], $0xffff;
	v34 =	vmul.f32 v34, v60;
	v32 =	vmul.f32 v32, v31  }
0x265: {  	v53 =	vor.u32 $0x7, v35;
	v52 =	vld.idx.msk [tilespmem:v61+s17+$0x0], $0xffff  }
0x266: {  	v54 =	vld.idx.msk [tilespmem:v63+s15+$0x0], $0xffff;
	v33 =	vmul.f32 v33, v62;
	v34 =	vmul.f32 v34, v30;
	v32 =	vadd.f32 $0.0e+00, v32  }
0x267: {  	v55 =	vor.u32 $0x8, v35;
	v41 =	vld.idx.msk [tilespmem:v63+s17+$0x0], $0xffff  }
0x268: {  	v56 =	vld.idx.msk [tilespmem:v50+s15+$0x0], $0xffff;
	v57 =	vmul.f32 v49, v48;
	v33 =	vmul.f32 v33, v29;
	v32 =	vadd.f32 v34, v32  }
0x269: {  	v37 =	vld.idx.msk [tilespmem:v50+s17+$0x0], $0xffff;
	v58 =	vor.u32 $0x9, v35  }
0x26a: {  	v59 =	vld.idx.msk [tilespmem:v53+s15+$0x0], $0xffff;
	v61 =	vmul.f32 v52, v51;
	v60 =	vmul.f32 v57, v28;
	v32 =	vadd.f32 v33, v32  }
0x26b: {  	v39 =	vld.idx.msk [tilespmem:v53+s17+$0x0], $0xffff;
	v62 =	vor.u32 $0xA, v35  }
0x26c: {  	v63 =	vld.idx.msk [tilespmem:v55+s15+$0x0], $0xffff;
	v49 =	vmul.f32 v41, v54;
	v48 =	vmul.f32 v61, v27;
	v32 =	vadd.f32 v60, v32  }
0x26d: {  	v50 =	vor.u32 $0xB, v35;
	v40 =	vld.idx.msk [tilespmem:v55+s17+$0x0], $0xffff  }
0x26e: {  	v53 =	vmul.f32 v37, v56;
	v52 =	vmul.f32 v49, v26;
	v51 =	vld.idx.msk [tilespmem:v58+s15+$0x0], $0xffff;
	v32 =	vadd.f32 v48, v32  }
0x26f: {  	v54 =	vor.u32 $0xC, v35;
	v36 =	vld.idx.msk [tilespmem:v58+s17+$0x0], $0xffff  }
0x270: {  	v56 =	vmul.f32 v53, v25;
	v57 =	vmul.f32 v39, v59;
	v55 =	vld.idx.msk [tilespmem:v62+s15+$0x0], $0xffff;
	v32 =	vadd.f32 v52, v32  }
0x271: {  	v58 =	vor.u32 $0xD, v35;
	v38 =	vld.idx.msk [tilespmem:v62+s17+$0x0], $0xffff  }
0x272: {  	v41 =	vld.idx.msk [tilespmem:v50+s17+$0x0], $0xffff;
	v61 =	vmul.f32 v40, v63;
	v60 =	vmul.f32 v57, v24;
	v32 =	vadd.f32 v56, v32  }
0x273: {  	v59 =	vld.idx.msk [tilespmem:v50+s15+$0x0], $0xffff;
	v62 =	vor.u32 $0xE, v35  }
0x274: {  	v46 =	vmul.f32 v61, v23;
	v63 =	vld.idx.msk [tilespmem:v54+s15+$0x0], $0xffff;
	v47 =	vmul.f32 v36, v51;
	v32 =	vadd.f32 v60, v32  }
0x275: {  	v35 =	vor.u32 $0xF, v35;
	v48 =	vld.idx.msk [tilespmem:v54+s17+$0x0], $0xffff  }
0x276: {  	v49 =	vld.idx.msk [tilespmem:v58+s15+$0x0], $0xffff;
	v51 =	vmul.f32 v38, v55;
	v50 =	vmul.f32 v47, v22;
	v32 =	vadd.f32 v46, v32  }
0x277: {  	v52 =	vld.idx.msk [tilespmem:v58+s17+$0x0], $0xffff  }
0x278: {  	v55 =	vld.idx.msk [tilespmem:v62+s15+$0x0], $0xffff;
	v53 =	vmul.f32 v51, v21;
	v54 =	vmul.f32 v41, v59;
	v32 =	vadd.f32 v50, v32  }
0x279: {  	v40 =	vld.idx.msk [tilespmem:v62+s17+$0x0], $0xffff  }
0x27a: {  	v58 =	vld.idx.msk [tilespmem:v35+s15+$0x0], $0xffff;
	v56 =	vmul.f32 v54, v20;
	v57 =	vmul.f32 v48, v63;
	v32 =	vadd.f32 v53, v32  }
0x27b: {  	v35 =	vld.idx.msk [tilespmem:v35+s17+$0x0], $0xffff  }
0x27c: {  	v59 =	vmul.f32 v57, v19;
	v60 =	vmul.f32 v52, v49;
	v32 =	vadd.f32 v56, v32;
	_ =	sdelay $0x1  }
0x27d: {  	s11 =	simm.s32 $0x120;
	v62 =	vmul.f32 v40, v55;
	v61 =	vmul.f32 v60, v18;
	v32 =	vadd.f32 v59, v32  }
0x27e: {  	v63 =	vmov s11  }
0x27f: {  	v33 =	vmul.f32 v62, v17;
	v34 =	vmul.f32 v35, v58;
	v32 =	vadd.f32 v61, v32  }
0x280: {  	s11 =	simm.s32 $0x130;
	v35 =	vshll.u32 v63, $0x4  }
.LBB2_6:
0x281: {  	p0 =	sne.s32 s11, $0x170;
	v35 =	vor.u32 v15, v35;
	v32 =	vadd.f32 v33, v32;
	v33 =	vmul.f32 v34, v16;
	_ =	sdelay $0x1  }
0x282: {  	v34 =	vor.u32 $0x1, v35;
	v32 =	vadd.f32 v33, v32  }
0x283: {  	s1 =	sadd.s32 $0x10, s1  }
0x284: {  	v33 =	vor.u32 $0x2, v35;
	[tilespmem:s1+$0x0] =	vst v32  }
0x285: {  	v32 =	vld.idx.msk [tilespmem:v35+s17+$0x0], $0xffff  }
0x286: {  	v37 =	vor.u32 $0x3, v35;
	v36 =	vld.idx.msk [tilespmem:v35+s15+$0x0], $0xffff  }
0x287: {  	v38 =	vld.idx.msk [tilespmem:v34+s15+$0x0], $0xffff  }
0x288: {  	v39 =	vor.u32 $0x4, v35;
	v34 =	vld.idx.msk [tilespmem:v34+s17+$0x0], $0xffff  }
0x289: {  	v40 =	vld.idx.msk [tilespmem:v33+s15+$0x0], $0xffff  }
0x28a: {  	v41 =	vor.u32 $0x5, v35;
	v33 =	vld.idx.msk [tilespmem:v33+s17+$0x0], $0xffff  }
0x28b: {  	v42 =	vld.idx.msk [tilespmem:v37+s15+$0x0], $0xffff  }
0x28c: {  	v32 =	vmul.f32 v32, v36;
	v36 =	vld.idx.msk [tilespmem:v37+s17+$0x0], $0xffff;
	v37 =	vor.u32 $0x6, v35  }
0x28d: {  	v43 =	vld.idx.msk [tilespmem:v39+s15+$0x0], $0xffff  }
0x28e: {  	v32 =	vmul.f32 v32, v31;
	v34 =	vmul.f32 v34, v38;
	v38 =	vld.idx.msk [tilespmem:v39+s17+$0x0], $0xffff;
	v39 =	vor.u32 $0x7, v35  }
0x28f: {  	v45 =	vor.u32 $0x8, v35;
	v44 =	vld.idx.msk [tilespmem:v41+s15+$0x0], $0xffff  }
0x290: {  	v32 =	vadd.f32 $0.0e+00, v32;
	v34 =	vmul.f32 v34, v30;
	v33 =	vmul.f32 v33, v40;
	v40 =	vld.idx.msk [tilespmem:v41+s17+$0x0], $0xffff  }
0x291: {  	v46 =	vor.u32 $0x9, v35;
	v41 =	vld.idx.msk [tilespmem:v37+s15+$0x0], $0xffff  }
0x292: {  	v32 =	vadd.f32 v34, v32;
	v33 =	vmul.f32 v33, v29;
	v34 =	vmul.f32 v36, v42;
	v36 =	vld.idx.msk [tilespmem:v37+s17+$0x0], $0xffff  }
0x293: {  	v42 =	vor.u32 $0xA, v35;
	v37 =	vld.idx.msk [tilespmem:v39+s15+$0x0], $0xffff  }
0x294: {  	v32 =	vadd.f32 v33, v32;
	v33 =	vmul.f32 v34, v28;
	v34 =	vmul.f32 v38, v43;
	v38 =	vld.idx.msk [tilespmem:v39+s17+$0x0], $0xffff  }
0x295: {  	v43 =	vor.u32 $0xB, v35;
	v39 =	vld.idx.msk [tilespmem:v45+s15+$0x0], $0xffff  }
0x296: {  	v32 =	vadd.f32 v33, v32;
	v33 =	vmul.f32 v34, v27;
	v34 =	vmul.f32 v40, v44;
	v40 =	vld.idx.msk [tilespmem:v45+s17+$0x0], $0xffff  }
0x297: {  	v45 =	vor.u32 $0xC, v35;
	v44 =	vld.idx.msk [tilespmem:v46+s15+$0x0], $0xffff  }
0x298: {  	v32 =	vadd.f32 v33, v32;
	v33 =	vmul.f32 v34, v26;
	v34 =	vmul.f32 v36, v41;
	v36 =	vld.idx.msk [tilespmem:v46+s17+$0x0], $0xffff  }
0x299: {  	v46 =	vor.u32 $0xD, v35;
	v41 =	vld.idx.msk [tilespmem:v42+s15+$0x0], $0xffff  }
0x29a: {  	v32 =	vadd.f32 v33, v32;
	v33 =	vmul.f32 v34, v25;
	v34 =	vmul.f32 v38, v37;
	v37 =	vld.idx.msk [tilespmem:v42+s17+$0x0], $0xffff  }
0x29b: {  	v42 =	vor.u32 $0xE, v35;
	v38 =	vld.idx.msk [tilespmem:v43+s15+$0x0], $0xffff  }
0x29c: {  	v32 =	vadd.f32 v33, v32;
	v33 =	vmul.f32 v34, v24;
	v34 =	vmul.f32 v40, v39;
	v39 =	vld.idx.msk [tilespmem:v43+s17+$0x0], $0xffff  }
0x29d: {  	v35 =	vor.u32 $0xF, v35;
	v40 =	vld.idx.msk [tilespmem:v45+s15+$0x0], $0xffff  }
0x29e: {  	v32 =	vadd.f32 v33, v32;
	v33 =	vmul.f32 v34, v23;
	v34 =	vmul.f32 v36, v44;
	v36 =	vld.idx.msk [tilespmem:v45+s17+$0x0], $0xffff  }
0x29f: {  	v43 =	vld.idx.msk [tilespmem:v46+s15+$0x0], $0xffff  }
0x2a0: {  	v32 =	vadd.f32 v33, v32;
	v33 =	vmul.f32 v34, v22;
	v34 =	vmul.f32 v37, v41;
	v37 =	vld.idx.msk [tilespmem:v46+s17+$0x0], $0xffff  }
0x2a1: {  	v41 =	vld.idx.msk [tilespmem:v42+s15+$0x0], $0xffff  }
0x2a2: {  	v32 =	vadd.f32 v33, v32;
	v33 =	vmul.f32 v34, v21;
	v34 =	vmul.f32 v39, v38;
	v38 =	vld.idx.msk [tilespmem:v42+s17+$0x0], $0xffff  }
0x2a3: {  	v39 =	vld.idx.msk [tilespmem:v35+s15+$0x0], $0xffff  }
0x2a4: {  	v32 =	vadd.f32 v33, v32;
	v33 =	vmul.f32 v34, v20;
	v34 =	vmul.f32 v36, v40;
	v35 =	vld.idx.msk [tilespmem:v35+s17+$0x0], $0xffff;
	_ =	sdelay $0x1  }
0x2a5: {  	v32 =	vadd.f32 v33, v32;
	v33 =	vmul.f32 v34, v19;
	v34 =	vmul.f32 v37, v43  }
.Ltmp2:
0x2a6: {  	(pc) =	sbr.rel @p0 .LBB2_6-.Ltmp2, $4  }
0x2a7: {  	v32 =	vadd.f32 v33, v32;
	v33 =	vmul.f32 v34, v18;
	v34 =	vmul.f32 v38, v41  }
0x2a8: {  	v36 =	vmov s11  }
0x2a9: {  	v32 =	vadd.f32 v33, v32;
	v33 =	vmul.f32 v34, v17;
	v34 =	vmul.f32 v35, v39  }
0x2aa: {  	s11 =	sadd.s32 $0x10, s11;
	v35 =	vshll.u32 v36, $0x4  }
0x2ab: {  	v35 =	vor.u32 v15, v35;
	v32 =	vadd.f32 v33, v32;
	v54 =	vmul.f32 v34, v16;
	_ =	sdelay $0x1  }
0x2ac: {  	v55 =	vor.u32 $0x1, v35;
	v32 =	vadd.f32 v54, v32  }
0x2ad: {  	s1 =	sadd.s32 $0x10, s1  }
0x2ae: {  	v56 =	vor.u32 $0x2, v35;
	[tilespmem:s1+$0x0] =	vst v32  }
0x2af: {  	v32 =	vld.idx.msk [tilespmem:v35+s17+$0x0], $0xffff  }
0x2b0: {  	v37 =	vor.u32 $0x3, v35;
	v36 =	vld.idx.msk [tilespmem:v35+s15+$0x0], $0xffff  }
0x2b1: {  	v38 =	vld.idx.msk [tilespmem:v55+s15+$0x0], $0xffff  }
0x2b2: {  	v39 =	vor.u32 $0x4, v35;
	v34 =	vld.idx.msk [tilespmem:v55+s17+$0x0], $0xffff  }
0x2b3: {  	v40 =	vld.idx.msk [tilespmem:v56+s15+$0x0], $0xffff  }
0x2b4: {  	v41 =	vor.u32 $0x5, v35;
	v33 =	vld.idx.msk [tilespmem:v56+s17+$0x0], $0xffff  }
0x2b5: {  	v42 =	vld.idx.msk [tilespmem:v37+s15+$0x0], $0xffff;
	v32 =	vmul.f32 v32, v36  }
0x2b6: {  	v58 =	vor.u32 $0x6, v35;
	v57 =	vld.idx.msk [tilespmem:v37+s17+$0x0], $0xffff  }
0x2b7: {  	v43 =	vld.idx.msk [tilespmem:v39+s15+$0x0], $0xffff;
	v34 =	vmul.f32 v34, v38;
	v32 =	vmul.f32 v32, v31  }
0x2b8: {  	v60 =	vor.u32 $0x7, v35;
	v59 =	vld.idx.msk [tilespmem:v39+s17+$0x0], $0xffff  }
0x2b9: {  	v44 =	vld.idx.msk [tilespmem:v41+s15+$0x0], $0xffff;
	v33 =	vmul.f32 v33, v40;
	v34 =	vmul.f32 v34, v30;
	v32 =	vadd.f32 $0.0e+00, v32  }
0x2ba: {  	v61 =	vor.u32 $0x8, v35;
	v41 =	vld.idx.msk [tilespmem:v41+s17+$0x0], $0xffff  }
0x2bb: {  	v45 =	vld.idx.msk [tilespmem:v58+s15+$0x0], $0xffff;
	v62 =	vmul.f32 v57, v42;
	v33 =	vmul.f32 v33, v29;
	v32 =	vadd.f32 v34, v32  }
0x2bc: {  	v63 =	vor.u32 $0x9, v35;
	v37 =	vld.idx.msk [tilespmem:v58+s17+$0x0], $0xffff  }
0x2bd: {  	v48 =	vld.idx.msk [tilespmem:v60+s15+$0x0], $0xffff;
	v50 =	vmul.f32 v59, v43;
	v49 =	vmul.f32 v62, v28;
	v32 =	vadd.f32 v33, v32  }
0x2be: {  	v51 =	vor.u32 $0xA, v35;
	v39 =	vld.idx.msk [tilespmem:v60+s17+$0x0], $0xffff  }
0x2bf: {  	v52 =	vld.idx.msk [tilespmem:v61+s15+$0x0], $0xffff;
	v54 =	vmul.f32 v41, v44;
	v53 =	vmul.f32 v50, v27;
	v32 =	vadd.f32 v49, v32  }
0x2c0: {  	v55 =	vor.u32 $0xB, v35;
	v40 =	vld.idx.msk [tilespmem:v61+s17+$0x0], $0xffff  }
0x2c1: {  	v56 =	vld.idx.msk [tilespmem:v63+s15+$0x0], $0xffff;
	v58 =	vmul.f32 v37, v45;
	v57 =	vmul.f32 v54, v26;
	v32 =	vadd.f32 v53, v32  }
0x2c2: {  	v36 =	vld.idx.msk [tilespmem:v63+s17+$0x0], $0xffff;
	v59 =	vor.u32 $0xC, v35  }
0x2c3: {  	v60 =	vld.idx.msk [tilespmem:v51+s15+$0x0], $0xffff;
	v61 =	vmul.f32 v58, v25;
	v62 =	vmul.f32 v39, v48;
	v32 =	vadd.f32 v57, v32  }
0x2c4: {  	v63 =	vor.u32 $0xD, v35;
	v38 =	vld.idx.msk [tilespmem:v51+s17+$0x0], $0xffff  }
0x2c5: {  	v46 =	vld.idx.msk [tilespmem:v55+s15+$0x0], $0xffff;
	v47 =	vmul.f32 v62, v24;
	v48 =	vmul.f32 v40, v52;
	v32 =	vadd.f32 v61, v32  }
0x2c6: {  	v41 =	vld.idx.msk [tilespmem:v55+s17+$0x0], $0xffff;
	v49 =	vor.u32 $0xE, v35  }
0x2c7: {  	v50 =	vld.idx.msk [tilespmem:v59+s15+$0x0], $0xffff;
	v52 =	vmul.f32 v36, v56;
	v51 =	vmul.f32 v48, v23;
	v32 =	vadd.f32 v47, v32  }
0x2c8: {  	v35 =	vor.u32 $0xF, v35;
	v53 =	vld.idx.msk [tilespmem:v59+s17+$0x0], $0xffff  }
0x2c9: {  	v54 =	vld.idx.msk [tilespmem:v63+s15+$0x0], $0xffff;
	v56 =	vmul.f32 v38, v60;
	v55 =	vmul.f32 v52, v22;
	v32 =	vadd.f32 v51, v32  }
0x2ca: {  	v57 =	vld.idx.msk [tilespmem:v63+s17+$0x0], $0xffff  }
0x2cb: {  	v60 =	vmul.f32 v41, v46;
	v59 =	vmul.f32 v56, v21;
	v58 =	vld.idx.msk [tilespmem:v49+s15+$0x0], $0xffff;
	v32 =	vadd.f32 v55, v32  }
0x2cc: {  	v40 =	vld.idx.msk [tilespmem:v49+s17+$0x0], $0xffff  }
0x2cd: {  	v62 =	vmul.f32 v60, v20;
	v61 =	vld.idx.msk [tilespmem:v35+s15+$0x0], $0xffff;
	v63 =	vmul.f32 v53, v50;
	v32 =	vadd.f32 v59, v32  }
0x2ce: {  	v35 =	vld.idx.msk [tilespmem:v35+s17+$0x0], $0xffff  }
0x2cf: {  	v36 =	vmul.f32 v63, v19;
	v37 =	vmul.f32 v57, v54;
	v32 =	vadd.f32 v62, v32;
	_ =	sdelay $0x1  }
0x2d0: {  	v42 =	vmul.f32 v40, v58;
	v38 =	vmul.f32 v37, v18;
	v32 =	vadd.f32 v36, v32;
	_ =	sdelay $0x1  }
0x2d1: {  	v44 =	vmul.f32 v35, v61;
	v43 =	vmul.f32 v42, v17;
	v32 =	vadd.f32 v38, v32;
	_ =	sdelay $0x1  }
0x2d2: {  	v45 =	vmul.f32 v44, v16;
	v32 =	vadd.f32 v43, v32;
	_ =	sdelay $0x1  }
0x2d3: {  	v32 =	vadd.f32 v45, v32  }
0x2d4: {  	s11 =	simm.s32 $0x180;
	s1 =	sadd.s32 $0x10, s1  }
0x2d5: {  	v46 =	vmov s11;
	[tilespmem:s1+$0x0] =	vst v32  }
0x2d6: {  	v32 =	vshll.u32 v46, $0x4;
	_ =	swait.ge [sflag:s31], $0x800  }
0x2d7: {  	v32 =	vor.u32 v15, v32;
	[sflag:s31] =	ssyncset.done $0x0  }
0x2d8: {  	[sflag:s31] =	ssyncadd.s32 $0xFFFFF800  }
0x2d9: {  	v47 =	vor.u32 $0x1, v32;
	_ =	swait.ge [sflag:s31], $0x800  }
0x2da: {  	[sflag:s31] =	ssyncset.done $0x0  }
0x2db: {  	v48 =	vor.u32 $0x2, v32;
	[sflag:s31] =	ssyncadd.s32 $0xFFFFF800  }
0x2dc: {  	v49 =	vld.idx.msk [tilespmem:v32+s17+$0x0], $0xffff  }
0x2dd: {  	v51 =	vor.u32 $0x3, v32;
	v50 =	vld.idx.msk [tilespmem:v32+s15+$0x0], $0xffff  }
0x2de: {  	v52 =	vld.idx.msk [tilespmem:v47+s15+$0x0], $0xffff  }
0x2df: {  	v53 =	vor.u32 $0x4, v32;
	v33 =	vld.idx.msk [tilespmem:v47+s17+$0x0], $0xffff  }
0x2e0: {  	v54 =	vld.idx.msk [tilespmem:v48+s15+$0x0], $0xffff  }
0x2e1: {  	v55 =	vor.u32 $0x5, v32;
	v34 =	vld.idx.msk [tilespmem:v48+s17+$0x0], $0xffff  }
0x2e2: {  	v56 =	vld.idx.msk [tilespmem:v51+s15+$0x0], $0xffff;
	v35 =	vmul.f32 v49, v50  }
0x2e3: {  	v58 =	vor.u32 $0x6, v32;
	v57 =	vld.idx.msk [tilespmem:v51+s17+$0x0], $0xffff  }
0x2e4: {  	v59 =	vld.idx.msk [tilespmem:v53+s15+$0x0], $0xffff;
	v33 =	vmul.f32 v33, v52;
	v35 =	vmul.f32 v35, v31  }
0x2e5: {  	v61 =	vor.u32 $0x7, v32;
	v60 =	vld.idx.msk [tilespmem:v53+s17+$0x0], $0xffff  }
0x2e6: {  	v62 =	vld.idx.msk [tilespmem:v55+s15+$0x0], $0xffff;
	v34 =	vmul.f32 v34, v54;
	v33 =	vmul.f32 v33, v30;
	v35 =	vadd.f32 $0.0e+00, v35  }
0x2e7: {  	v63 =	vor.u32 $0x8, v32;
	v41 =	vld.idx.msk [tilespmem:v55+s17+$0x0], $0xffff  }
0x2e8: {  	v48 =	vld.idx.msk [tilespmem:v58+s15+$0x0], $0xffff;
	v49 =	vmul.f32 v57, v56;
	v34 =	vmul.f32 v34, v29;
	v33 =	vadd.f32 v33, v35  }
0x2e9: {  	v37 =	vld.idx.msk [tilespmem:v58+s17+$0x0], $0xffff;
	v50 =	vor.u32 $0x9, v32  }
0x2ea: {  	v51 =	vld.idx.msk [tilespmem:v61+s15+$0x0], $0xffff;
	v53 =	vmul.f32 v60, v59;
	v52 =	vmul.f32 v49, v28;
	v33 =	vadd.f32 v34, v33  }
0x2eb: {  	v39 =	vld.idx.msk [tilespmem:v61+s17+$0x0], $0xffff;
	v54 =	vor.u32 $0xA, v32  }
0x2ec: {  	v55 =	vld.idx.msk [tilespmem:v63+s15+$0x0], $0xffff;
	v57 =	vmul.f32 v41, v62;
	v56 =	vmul.f32 v53, v27;
	v33 =	vadd.f32 v52, v33  }
0x2ed: {  	v58 =	vor.u32 $0xB, v32;
	v40 =	vld.idx.msk [tilespmem:v63+s17+$0x0], $0xffff  }
0x2ee: {  	v61 =	vmul.f32 v37, v48;
	v60 =	vmul.f32 v57, v26;
	v59 =	vld.idx.msk [tilespmem:v50+s15+$0x0], $0xffff;
	v33 =	vadd.f32 v56, v33  }
0x2ef: {  	v62 =	vor.u32 $0xC, v32;
	v36 =	vld.idx.msk [tilespmem:v50+s17+$0x0], $0xffff  }
0x2f0: {  	v48 =	vmul.f32 v61, v25;
	v49 =	vmul.f32 v39, v51;
	v63 =	vld.idx.msk [tilespmem:v54+s15+$0x0], $0xffff;
	v33 =	vadd.f32 v60, v33  }
0x2f1: {  	v50 =	vor.u32 $0xD, v32;
	v38 =	vld.idx.msk [tilespmem:v54+s17+$0x0], $0xffff  }
0x2f2: {  	v41 =	vld.idx.msk [tilespmem:v58+s17+$0x0], $0xffff;
	v53 =	vmul.f32 v40, v55;
	v52 =	vmul.f32 v49, v24;
	v33 =	vadd.f32 v48, v33  }
0x2f3: {  	v51 =	vld.idx.msk [tilespmem:v58+s15+$0x0], $0xffff;
	v54 =	vor.u32 $0xE, v32  }
0x2f4: {  	v55 =	vld.idx.msk [tilespmem:v62+s15+$0x0], $0xffff;
	v57 =	vmul.f32 v36, v59;
	v56 =	vmul.f32 v53, v23;
	v33 =	vadd.f32 v52, v33  }
0x2f5: {  	v32 =	vor.u32 $0xF, v32;
	v58 =	vld.idx.msk [tilespmem:v62+s17+$0x0], $0xffff  }
0x2f6: {  	v59 =	vld.idx.msk [tilespmem:v50+s15+$0x0], $0xffff;
	v61 =	vmul.f32 v38, v63;
	v60 =	vmul.f32 v57, v22;
	v33 =	vadd.f32 v56, v33  }
0x2f7: {  	v62 =	vld.idx.msk [tilespmem:v50+s17+$0x0], $0xffff  }
0x2f8: {  	v45 =	vmul.f32 v41, v51;
	v63 =	vld.idx.msk [tilespmem:v54+s15+$0x0], $0xffff;
	v44 =	vmul.f32 v61, v21;
	v33 =	vadd.f32 v60, v33  }
0x2f9: {  	v40 =	vld.idx.msk [tilespmem:v54+s17+$0x0], $0xffff  }
0x2fa: {  	v47 =	vmul.f32 v45, v20;
	v46 =	vld.idx.msk [tilespmem:v32+s15+$0x0], $0xffff;
	v48 =	vmul.f32 v58, v55;
	v33 =	vadd.f32 v44, v33  }
0x2fb: {  	v32 =	vld.idx.msk [tilespmem:v32+s17+$0x0], $0xffff  }
0x2fc: {  	v50 =	vmul.f32 v62, v59;
	v49 =	vmul.f32 v48, v19;
	v33 =	vadd.f32 v47, v33;
	_ =	sdelay $0x1  }
0x2fd: {  	s11 =	simm.s32 $0x190;
	v51 =	vmul.f32 v50, v18;
	v52 =	vmul.f32 v40, v63;
	v33 =	vadd.f32 v49, v33  }
0x2fe: {  	v53 =	vmov s11  }
0x2ff: {  	v32 =	vmul.f32 v32, v46;
	v54 =	vmul.f32 v52, v17;
	v33 =	vadd.f32 v51, v33  }
0x300: {  	v55 =	vshll.u32 v53, $0x4  }
0x301: {  	v35 =	vor.u32 v15, v55;
	v32 =	vmul.f32 v32, v16;
	v33 =	vadd.f32 v54, v33;
	_ =	sdelay $0x1  }
0x302: {  	v56 =	vor.u32 $0x1, v35;
	v32 =	vadd.f32 v32, v33  }
0x303: {  	s1 =	simm.s32 $0x49A0  }
0x304: {  	v57 =	vor.u32 $0x2, v35;
	[tilespmem:s1+$0x0] =	vst v32  }
0x305: {  	v32 =	vld.idx.msk [tilespmem:v35+s17+$0x0], $0xffff  }
0x306: {  	v59 =	vor.u32 $0x3, v35;
	v58 =	vld.idx.msk [tilespmem:v35+s15+$0x0], $0xffff  }
0x307: {  	v60 =	vld.idx.msk [tilespmem:v56+s15+$0x0], $0xffff  }
0x308: {  	v61 =	vor.u32 $0x4, v35;
	v34 =	vld.idx.msk [tilespmem:v56+s17+$0x0], $0xffff  }
0x309: {  	v62 =	vld.idx.msk [tilespmem:v57+s15+$0x0], $0xffff  }
0x30a: {  	v63 =	vor.u32 $0x5, v35;
	v33 =	vld.idx.msk [tilespmem:v57+s17+$0x0], $0xffff  }
0x30b: {  	v48 =	vld.idx.msk [tilespmem:v59+s15+$0x0], $0xffff;
	v32 =	vmul.f32 v32, v58  }
0x30c: {  	v50 =	vor.u32 $0x6, v35;
	v49 =	vld.idx.msk [tilespmem:v59+s17+$0x0], $0xffff  }
0x30d: {  	v51 =	vld.idx.msk [tilespmem:v61+s15+$0x0], $0xffff;
	v34 =	vmul.f32 v34, v60;
	v32 =	vmul.f32 v32, v31  }
0x30e: {  	v53 =	vor.u32 $0x7, v35;
	v52 =	vld.idx.msk [tilespmem:v61+s17+$0x0], $0xffff  }
0x30f: {  	v54 =	vld.idx.msk [tilespmem:v63+s15+$0x0], $0xffff;
	v33 =	vmul.f32 v33, v62;
	v34 =	vmul.f32 v34, v30;
	v32 =	vadd.f32 $0.0e+00, v32  }
0x310: {  	v55 =	vor.u32 $0x8, v35;
	v41 =	vld.idx.msk [tilespmem:v63+s17+$0x0], $0xffff  }
0x311: {  	v56 =	vld.idx.msk [tilespmem:v50+s15+$0x0], $0xffff;
	v57 =	vmul.f32 v49, v48;
	v33 =	vmul.f32 v33, v29;
	v32 =	vadd.f32 v34, v32  }
0x312: {  	v37 =	vld.idx.msk [tilespmem:v50+s17+$0x0], $0xffff;
	v58 =	vor.u32 $0x9, v35  }
0x313: {  	v59 =	vld.idx.msk [tilespmem:v53+s15+$0x0], $0xffff;
	v61 =	vmul.f32 v52, v51;
	v60 =	vmul.f32 v57, v28;
	v32 =	vadd.f32 v33, v32  }
0x314: {  	v39 =	vld.idx.msk [tilespmem:v53+s17+$0x0], $0xffff;
	v62 =	vor.u32 $0xA, v35  }
0x315: {  	v63 =	vld.idx.msk [tilespmem:v55+s15+$0x0], $0xffff;
	v49 =	vmul.f32 v41, v54;
	v48 =	vmul.f32 v61, v27;
	v32 =	vadd.f32 v60, v32  }
0x316: {  	v50 =	vor.u32 $0xB, v35;
	v40 =	vld.idx.msk [tilespmem:v55+s17+$0x0], $0xffff  }
0x317: {  	v53 =	vmul.f32 v37, v56;
	v52 =	vmul.f32 v49, v26;
	v51 =	vld.idx.msk [tilespmem:v58+s15+$0x0], $0xffff;
	v32 =	vadd.f32 v48, v32  }
0x318: {  	v54 =	vor.u32 $0xC, v35;
	v36 =	vld.idx.msk [tilespmem:v58+s17+$0x0], $0xffff  }
0x319: {  	v56 =	vmul.f32 v53, v25;
	v57 =	vmul.f32 v39, v59;
	v55 =	vld.idx.msk [tilespmem:v62+s15+$0x0], $0xffff;
	v32 =	vadd.f32 v52, v32  }
0x31a: {  	v58 =	vor.u32 $0xD, v35;
	v38 =	vld.idx.msk [tilespmem:v62+s17+$0x0], $0xffff  }
0x31b: {  	v41 =	vld.idx.msk [tilespmem:v50+s17+$0x0], $0xffff;
	v61 =	vmul.f32 v40, v63;
	v60 =	vmul.f32 v57, v24;
	v32 =	vadd.f32 v56, v32  }
0x31c: {  	v59 =	vld.idx.msk [tilespmem:v50+s15+$0x0], $0xffff;
	v62 =	vor.u32 $0xE, v35  }
0x31d: {  	v46 =	vmul.f32 v61, v23;
	v63 =	vld.idx.msk [tilespmem:v54+s15+$0x0], $0xffff;
	v47 =	vmul.f32 v36, v51;
	v32 =	vadd.f32 v60, v32  }
0x31e: {  	v35 =	vor.u32 $0xF, v35;
	v48 =	vld.idx.msk [tilespmem:v54+s17+$0x0], $0xffff  }
0x31f: {  	v49 =	vld.idx.msk [tilespmem:v58+s15+$0x0], $0xffff;
	v51 =	vmul.f32 v38, v55;
	v50 =	vmul.f32 v47, v22;
	v32 =	vadd.f32 v46, v32  }
0x320: {  	v52 =	vld.idx.msk [tilespmem:v58+s17+$0x0], $0xffff  }
0x321: {  	v55 =	vld.idx.msk [tilespmem:v62+s15+$0x0], $0xffff;
	v53 =	vmul.f32 v51, v21;
	v54 =	vmul.f32 v41, v59;
	v32 =	vadd.f32 v50, v32  }
0x322: {  	v40 =	vld.idx.msk [tilespmem:v62+s17+$0x0], $0xffff  }
0x323: {  	v58 =	vld.idx.msk [tilespmem:v35+s15+$0x0], $0xffff;
	v56 =	vmul.f32 v54, v20;
	v57 =	vmul.f32 v48, v63;
	v32 =	vadd.f32 v53, v32  }
0x324: {  	v35 =	vld.idx.msk [tilespmem:v35+s17+$0x0], $0xffff  }
0x325: {  	v59 =	vmul.f32 v57, v19;
	v60 =	vmul.f32 v52, v49;
	v32 =	vadd.f32 v56, v32;
	_ =	sdelay $0x1  }
0x326: {  	s11 =	simm.s32 $0x1A0;
	v62 =	vmul.f32 v40, v55;
	v61 =	vmul.f32 v60, v18;
	v32 =	vadd.f32 v59, v32  }
0x327: {  	v63 =	vmov s11  }
0x328: {  	v33 =	vmul.f32 v62, v17;
	v34 =	vmul.f32 v35, v58;
	v32 =	vadd.f32 v61, v32  }
0x329: {  	s11 =	simm.s32 $0x1B0;
	v35 =	vshll.u32 v63, $0x4  }
.LBB2_8:
0x32a: {  	p0 =	sne.s32 s11, $0x1F0;
	v35 =	vor.u32 v15, v35;
	v32 =	vadd.f32 v33, v32;
	v33 =	vmul.f32 v34, v16;
	_ =	sdelay $0x1  }
0x32b: {  	v34 =	vor.u32 $0x1, v35;
	v32 =	vadd.f32 v33, v32  }
0x32c: {  	s1 =	sadd.s32 $0x10, s1  }
0x32d: {  	v33 =	vor.u32 $0x2, v35;
	[tilespmem:s1+$0x0] =	vst v32  }
0x32e: {  	v32 =	vld.idx.msk [tilespmem:v35+s17+$0x0], $0xffff  }
0x32f: {  	v37 =	vor.u32 $0x3, v35;
	v36 =	vld.idx.msk [tilespmem:v35+s15+$0x0], $0xffff  }
0x330: {  	v38 =	vld.idx.msk [tilespmem:v34+s15+$0x0], $0xffff  }
0x331: {  	v39 =	vor.u32 $0x4, v35;
	v34 =	vld.idx.msk [tilespmem:v34+s17+$0x0], $0xffff  }
0x332: {  	v40 =	vld.idx.msk [tilespmem:v33+s15+$0x0], $0xffff  }
0x333: {  	v41 =	vor.u32 $0x5, v35;
	v33 =	vld.idx.msk [tilespmem:v33+s17+$0x0], $0xffff  }
0x334: {  	v42 =	vld.idx.msk [tilespmem:v37+s15+$0x0], $0xffff  }
0x335: {  	v32 =	vmul.f32 v32, v36;
	v36 =	vld.idx.msk [tilespmem:v37+s17+$0x0], $0xffff;
	v37 =	vor.u32 $0x6, v35  }
0x336: {  	v43 =	vld.idx.msk [tilespmem:v39+s15+$0x0], $0xffff  }
0x337: {  	v32 =	vmul.f32 v32, v31;
	v34 =	vmul.f32 v34, v38;
	v38 =	vld.idx.msk [tilespmem:v39+s17+$0x0], $0xffff;
	v39 =	vor.u32 $0x7, v35  }
0x338: {  	v45 =	vor.u32 $0x8, v35;
	v44 =	vld.idx.msk [tilespmem:v41+s15+$0x0], $0xffff  }
0x339: {  	v32 =	vadd.f32 $0.0e+00, v32;
	v34 =	vmul.f32 v34, v30;
	v33 =	vmul.f32 v33, v40;
	v40 =	vld.idx.msk [tilespmem:v41+s17+$0x0], $0xffff  }
0x33a: {  	v46 =	vor.u32 $0x9, v35;
	v41 =	vld.idx.msk [tilespmem:v37+s15+$0x0], $0xffff  }
0x33b: {  	v32 =	vadd.f32 v34, v32;
	v33 =	vmul.f32 v33, v29;
	v34 =	vmul.f32 v36, v42;
	v36 =	vld.idx.msk [tilespmem:v37+s17+$0x0], $0xffff  }
0x33c: {  	v42 =	vor.u32 $0xA, v35;
	v37 =	vld.idx.msk [tilespmem:v39+s15+$0x0], $0xffff  }
0x33d: {  	v32 =	vadd.f32 v33, v32;
	v33 =	vmul.f32 v34, v28;
	v34 =	vmul.f32 v38, v43;
	v38 =	vld.idx.msk [tilespmem:v39+s17+$0x0], $0xffff  }
0x33e: {  	v43 =	vor.u32 $0xB, v35;
	v39 =	vld.idx.msk [tilespmem:v45+s15+$0x0], $0xffff  }
0x33f: {  	v32 =	vadd.f32 v33, v32;
	v33 =	vmul.f32 v34, v27;
	v34 =	vmul.f32 v40, v44;
	v40 =	vld.idx.msk [tilespmem:v45+s17+$0x0], $0xffff  }
0x340: {  	v45 =	vor.u32 $0xC, v35;
	v44 =	vld.idx.msk [tilespmem:v46+s15+$0x0], $0xffff  }
0x341: {  	v32 =	vadd.f32 v33, v32;
	v33 =	vmul.f32 v34, v26;
	v34 =	vmul.f32 v36, v41;
	v36 =	vld.idx.msk [tilespmem:v46+s17+$0x0], $0xffff  }
0x342: {  	v46 =	vor.u32 $0xD, v35;
	v41 =	vld.idx.msk [tilespmem:v42+s15+$0x0], $0xffff  }
0x343: {  	v32 =	vadd.f32 v33, v32;
	v33 =	vmul.f32 v34, v25;
	v34 =	vmul.f32 v38, v37;
	v37 =	vld.idx.msk [tilespmem:v42+s17+$0x0], $0xffff  }
0x344: {  	v42 =	vor.u32 $0xE, v35;
	v38 =	vld.idx.msk [tilespmem:v43+s15+$0x0], $0xffff  }
0x345: {  	v32 =	vadd.f32 v33, v32;
	v33 =	vmul.f32 v34, v24;
	v34 =	vmul.f32 v40, v39;
	v39 =	vld.idx.msk [tilespmem:v43+s17+$0x0], $0xffff  }
0x346: {  	v35 =	vor.u32 $0xF, v35;
	v40 =	vld.idx.msk [tilespmem:v45+s15+$0x0], $0xffff  }
0x347: {  	v32 =	vadd.f32 v33, v32;
	v33 =	vmul.f32 v34, v23;
	v34 =	vmul.f32 v36, v44;
	v36 =	vld.idx.msk [tilespmem:v45+s17+$0x0], $0xffff  }
0x348: {  	v43 =	vld.idx.msk [tilespmem:v46+s15+$0x0], $0xffff  }
0x349: {  	v32 =	vadd.f32 v33, v32;
	v33 =	vmul.f32 v34, v22;
	v34 =	vmul.f32 v37, v41;
	v37 =	vld.idx.msk [tilespmem:v46+s17+$0x0], $0xffff  }
0x34a: {  	v41 =	vld.idx.msk [tilespmem:v42+s15+$0x0], $0xffff  }
0x34b: {  	v32 =	vadd.f32 v33, v32;
	v33 =	vmul.f32 v34, v21;
	v34 =	vmul.f32 v39, v38;
	v38 =	vld.idx.msk [tilespmem:v42+s17+$0x0], $0xffff  }
0x34c: {  	v39 =	vld.idx.msk [tilespmem:v35+s15+$0x0], $0xffff  }
0x34d: {  	v32 =	vadd.f32 v33, v32;
	v33 =	vmul.f32 v34, v20;
	v34 =	vmul.f32 v36, v40;
	v35 =	vld.idx.msk [tilespmem:v35+s17+$0x0], $0xffff;
	_ =	sdelay $0x1  }
0x34e: {  	v32 =	vadd.f32 v33, v32;
	v33 =	vmul.f32 v34, v19;
	v34 =	vmul.f32 v37, v43  }
.Ltmp3:
0x34f: {  	(pc) =	sbr.rel @p0 .LBB2_8-.Ltmp3, $4  }
0x350: {  	v32 =	vadd.f32 v33, v32;
	v33 =	vmul.f32 v34, v18;
	v34 =	vmul.f32 v38, v41  }
0x351: {  	v36 =	vmov s11  }
0x352: {  	v32 =	vadd.f32 v33, v32;
	v33 =	vmul.f32 v34, v17;
	v34 =	vmul.f32 v35, v39  }
0x353: {  	s11 =	sadd.s32 $0x10, s11;
	v35 =	vshll.u32 v36, $0x4  }
0x354: {  	v35 =	vor.u32 v15, v35;
	v32 =	vadd.f32 v33, v32;
	v59 =	vmul.f32 v34, v16;
	_ =	sdelay $0x1  }
0x355: {  	v60 =	vor.u32 $0x1, v35;
	v32 =	vadd.f32 v59, v32  }
0x356: {  	s1 =	sadd.s32 $0x10, s1  }
0x357: {  	v61 =	vor.u32 $0x2, v35;
	[tilespmem:s1+$0x0] =	vst v32  }
0x358: {  	v32 =	vld.idx.msk [tilespmem:v35+s17+$0x0], $0xffff  }
0x359: {  	v37 =	vor.u32 $0x3, v35;
	v36 =	vld.idx.msk [tilespmem:v35+s15+$0x0], $0xffff  }
0x35a: {  	v38 =	vld.idx.msk [tilespmem:v60+s15+$0x0], $0xffff  }
0x35b: {  	v39 =	vor.u32 $0x4, v35;
	v34 =	vld.idx.msk [tilespmem:v60+s17+$0x0], $0xffff  }
0x35c: {  	v40 =	vld.idx.msk [tilespmem:v61+s15+$0x0], $0xffff  }
0x35d: {  	v41 =	vor.u32 $0x5, v35;
	v33 =	vld.idx.msk [tilespmem:v61+s17+$0x0], $0xffff  }
0x35e: {  	v42 =	vld.idx.msk [tilespmem:v37+s15+$0x0], $0xffff;
	v32 =	vmul.f32 v32, v36  }
0x35f: {  	v63 =	vor.u32 $0x6, v35;
	v62 =	vld.idx.msk [tilespmem:v37+s17+$0x0], $0xffff  }
0x360: {  	v43 =	vld.idx.msk [tilespmem:v39+s15+$0x0], $0xffff;
	v45 =	vmul.f32 v34, v38;
	v31 =	vmul.f32 v32, v31  }
0x361: {  	v47 =	vor.u32 $0x7, v35;
	v46 =	vld.idx.msk [tilespmem:v39+s17+$0x0], $0xffff  }
0x362: {  	v48 =	vld.idx.msk [tilespmem:v41+s15+$0x0], $0xffff;
	v49 =	vmul.f32 v33, v40;
	v30 =	vmul.f32 v45, v30;
	v31 =	vadd.f32 $0.0e+00, v31  }
0x363: {  	v50 =	vor.u32 $0x8, v35;
	v51 =	vld.idx.msk [tilespmem:v41+s17+$0x0], $0xffff  }
0x364: {  	v52 =	vld.idx.msk [tilespmem:v63+s15+$0x0], $0xffff;
	v53 =	vmul.f32 v62, v42;
	v29 =	vmul.f32 v49, v29;
	v30 =	vadd.f32 v30, v31  }
0x365: {  	v54 =	vor.u32 $0x9, v35;
	v55 =	vld.idx.msk [tilespmem:v63+s17+$0x0], $0xffff  }
0x366: {  	v56 =	vld.idx.msk [tilespmem:v47+s15+$0x0], $0xffff;
	v57 =	vmul.f32 v46, v43;
	v28 =	vmul.f32 v53, v28;
	v29 =	vadd.f32 v29, v30  }
0x367: {  	v58 =	vor.u32 $0xA, v35;
	v59 =	vld.idx.msk [tilespmem:v47+s17+$0x0], $0xffff  }
0x368: {  	v60 =	vld.idx.msk [tilespmem:v50+s15+$0x0], $0xffff;
	v61 =	vmul.f32 v51, v48;
	v27 =	vmul.f32 v57, v27;
	v28 =	vadd.f32 v28, v29  }
0x369: {  	v62 =	vor.u32 $0xB, v35;
	v33 =	vld.idx.msk [tilespmem:v50+s17+$0x0], $0xffff  }
0x36a: {  	v63 =	vld.idx.msk [tilespmem:v54+s15+$0x0], $0xffff;
	v41 =	vmul.f32 v55, v52;
	v26 =	vmul.f32 v61, v26;
	v27 =	vadd.f32 v27, v28  }
0x36b: {  	v42 =	vor.u32 $0xC, v35;
	v32 =	vld.idx.msk [tilespmem:v54+s17+$0x0], $0xffff  }
0x36c: {  	v43 =	vld.idx.msk [tilespmem:v58+s15+$0x0], $0xffff;
	v44 =	vmul.f32 v59, v56;
	v25 =	vmul.f32 v41, v25;
	v26 =	vadd.f32 v26, v27  }
0x36d: {  	v45 =	vor.u32 $0xD, v35;
	v31 =	vld.idx.msk [tilespmem:v58+s17+$0x0], $0xffff  }
0x36e: {  	v24 =	vmul.f32 v44, v24;
	v46 =	vld.idx.msk [tilespmem:v62+s15+$0x0], $0xffff;
	v47 =	vmul.f32 v33, v60;
	v25 =	vadd.f32 v25, v26  }
0x36f: {  	v48 =	vor.u32 $0xE, v35;
	v30 =	vld.idx.msk [tilespmem:v62+s17+$0x0], $0xffff  }
0x370: {  	v49 =	vld.idx.msk [tilespmem:v42+s15+$0x0], $0xffff;
	v50 =	vmul.f32 v32, v63;
	v23 =	vmul.f32 v47, v23;
	v24 =	vadd.f32 v24, v25  }
0x371: {  	v51 =	vor.u32 $0xF, v35;
	v29 =	vld.idx.msk [tilespmem:v42+s17+$0x0], $0xffff  }
0x372: {  	v52 =	vld.idx.msk [tilespmem:v45+s15+$0x0], $0xffff;
	v22 =	vmul.f32 v50, v22;
	v53 =	vmul.f32 v31, v43;
	v23 =	vadd.f32 v23, v24  }
0x373: {  	v54 =	vld.idx.msk [tilespmem:v45+s17+$0x0], $0xffff  }
0x374: {  	v55 =	vld.idx.msk [tilespmem:v48+s15+$0x0], $0xffff;
	v21 =	vmul.f32 v53, v21;
	v56 =	vmul.f32 v30, v46;
	v22 =	vadd.f32 v22, v23  }
0x375: {  	v57 =	vld.idx.msk [tilespmem:v48+s17+$0x0], $0xffff  }
0x376: {  	v58 =	vld.idx.msk [tilespmem:v51+s15+$0x0], $0xffff;
	v20 =	vmul.f32 v56, v20;
	v59 =	vmul.f32 v29, v49;
	v21 =	vadd.f32 v21, v22  }
0x377: {  	v60 =	vld.idx.msk [tilespmem:v51+s17+$0x0], $0xffff  }
0x378: {  	v61 =	vmul.f32 v54, v52;
	v19 =	vmul.f32 v59, v19;
	v20 =	vadd.f32 v20, v21;
	_ =	sdelay $0x1  }
0x379: {  	v62 =	vmul.f32 v57, v55;
	v18 =	vmul.f32 v61, v18;
	v19 =	vadd.f32 v19, v20;
	_ =	sdelay $0x1  }
0x37a: {  	v63 =	vmul.f32 v60, v58;
	v17 =	vmul.f32 v62, v17;
	v18 =	vadd.f32 v18, v19;
	_ =	sdelay $0x1  }
0x37b: {  	v16 =	vmul.f32 v63, v16;
	v17 =	vadd.f32 v17, v18;
	_ =	sdelay $0x1  }
0x37c: {  	s3 =	sadd.s32 $0x1, s3;
	v16 =	vadd.f32 v16, v17  }
0x37d: {  	p0 =	sne.s32 s3, s9;
	s1 =	sadd.s32 $0x10, s1  }
.Ltmp4:
0x37e: {  	[tilespmem:s1+$0x0] =	vst v16;
	(pc) =	sbr.rel @p0 .LBB2_1-.Ltmp4, $4  }
0x37f: {  	[hbm4b:s8+s2] =	stream.linear.scatter [tilespmem:s0], [sflag:$0x2], $0x200, $0x38;
	[tilespmem:$0x4A20] =	vst v63  }
0x380: {  	_ =	swait.ge [sflag:s10], $0x200  }
0x381: {  	[sflag:s10] =	ssyncset.done $0x0  }
0x382: {  	[sflag:s10] =	ssyncadd.s32 $0xFFFFFE00  }
0x383: {  	_ =	sfence.sel $0x180000  }
0x384: {  	[bflag:$0x0] =	sbarrier.arrive $0xFFFF  }
0x385: {  	_ =	strace $0x9000004A  }
0x386: {  	s0 =	stileid.u32;
	[bflag:$0x2] =	sbarrier.arrive $0xFFFF  }
0x387: {  	p0 =	sne.s32 s0, $0x0;
	s0 =	rddreg [dreg:$0x5]  }
0x388: {  	s0 =	sadd.s32 @!p0 $0x100000, s0  }
0x389: {  	[sflag:s0] =	ssyncadd.tile.s32 @!p0 $0x1;
	_ =	shalt  }
.Lfunc_end2:
_tile_overlayer_lowered:
.L_overlay_start_2:
0x38a: {  	(tag) =	ssettag $0x2  }
0x38b: {  	s0 =	rddreg [dreg:$0x0];
	s2 =	stileid.u32  }
0x38c: {  	s1 =	rddreg [dreg:$0x1];
	p0 =	sne.s32 s2, $0x0  }
0x38d: {  	s3 =	rddreg [dreg:$0x2];
	[bflag:$0x3] =	sbarrier.arrive $0xFFFF;
	s2 =	simm.s32 @!p0 $0x1C02  }
0x38e: {  	[timem:s3], [sflag:s2] =	dma.local @!p0 [hbm:s0], s1  }
0x38f: {  	s0 =	simm.s32 @!p0 $0x2  }
0x390: {  	_ =	swait.ge @!p0 [sflag:s0], s1  }
0x391: {  	s1 =	ssub.s32 @!p0 $0x0, s1;
	[sflag:s0] =	ssyncset.done @!p0 $0x0  }
0x392: {  	[sflag:s0] =	ssyncadd.s32 @!p0 s1  }
0x393: {  	[bflag:$0x3] =	sbarrier.arrive $0xFFFF  }
0x394: {  	_ =	shalt  }

</sc_bundles>
